<compile_context>
chip_gen: v7x
topology: tpu7x:2x2x1
jax: 0.10.2.dev20260603
libtpu: 0.0.44.dev20260713+nightly
codegen_flags: <defaults>
</compile_context>

<pallas_src>
import functools
import math

import jax
import jax.numpy as jnp
from jax import lax
from jax.experimental import pallas as pl
from jax.experimental.pallas import tpu as pltpu
from jax.experimental.pallas import tpu_sc as plsc

EMBED_DIM = 128
SCALE = float(math.sqrt(EMBED_DIM))

NC = 2
NS = 16
NW = NC * NS
LANES = 16

N_ROWS = 4096
N_COLS = 50
ROWS_PER_TILE = N_ROWS // NW
LOOK_PER_TILE = ROWS_PER_TILE * N_COLS
RPC = 4
CLOOK = RPC * N_COLS
G1 = 104
G2 = CLOOK - G1
NCHUNK = ROWS_PER_TILE // RPC
NBUF = 4
N_OUTER = NCHUNK // NBUF
GAHEAD = 3


def _emb_body(idx_hbm, table_hbm, out_hbm, idx_v, rows, gsem, ssem):
    c = lax.axis_index("c")
    s = lax.axis_index("s")
    wid = s * NC + c
    base = wid * ROWS_PER_TILE

    pltpu.sync_copy(idx_hbm.at[pl.ds(wid * LOOK_PER_TILE, LOOK_PER_TILE)],
                    idx_v)

    def gather_start(g, buf):
        pltpu.async_copy(table_hbm.at[idx_v.at[pl.ds(g * CLOOK, G1)]],
                         rows[buf].at[pl.ds(0, G1)], gsem)
        pltpu.async_copy(table_hbm.at[idx_v.at[pl.ds(g * CLOOK + G1, G2)]],
                         rows[buf].at[pl.ds(G1, G2)], gsem)

    def gather_wait():
        pltpu.make_async_copy(table_hbm.at[idx_v.at[pl.ds(0, G1)]],
                              rows[0].at[pl.ds(0, G1)], gsem).wait()
        pltpu.make_async_copy(table_hbm.at[idx_v.at[pl.ds(G1, G2)]],
                              rows[0].at[pl.ds(G1, G2)], gsem).wait()

    def scatter_start(g, buf):
        for m in range(RPC):
            i = base + g * RPC + m
            pltpu.async_copy(rows[buf].at[pl.ds(N_COLS * m, N_COLS)],
                             out_hbm.at[i], ssem)

    def scatter_wait():
        for _ in range(RPC):
            pltpu.make_async_copy(rows[0].at[pl.ds(0, N_COLS)],
                                  out_hbm.at[0], ssem).wait()

    def scale(buf):
        @pl.loop(0, CLOOK, unroll=8)
        def _(j):
            for col in range(EMBED_DIM // LANES):
                sl = pl.ds(col * LANES, LANES)
                rows[buf][j, sl] = rows[buf][j, sl] * SCALE

    for g in range(GAHEAD):
        gather_start(g, g)

    @pl.loop(0, N_OUTER)
    def _(o):
        for b in range(NBUF):
            g = o * NBUF + b
            gather_wait()
            if b >= NBUF - GAHEAD:
                scatter_wait()
            else:
                @pl.when(o > 0)
                def _():
                    scatter_wait()
            if NBUF * (N_OUTER - 1) + b + GAHEAD < NCHUNK:
                gather_start(g + GAHEAD, (b + GAHEAD) % NBUF)
            else:
                @pl.when(o < N_OUTER - 1)
                def _():
                    gather_start(g + GAHEAD, (b + GAHEAD) % NBUF)
            scale(b)
            scatter_start(g, b)

    for _ in range(NBUF - GAHEAD):
        scatter_wait()


@jax.jit
def _emb_call(idx, table):
    mesh = plsc.VectorSubcoreMesh(core_axis_name="c", subcore_axis_name="s",
                                  num_cores=NC, num_subcores=NS)
    fn = pl.kernel(
        _emb_body,
        out_type=jax.ShapeDtypeStruct((N_ROWS, N_COLS, EMBED_DIM),
                                      jnp.float32),
        mesh=mesh,
        scratch_types=[
            pltpu.VMEM((LOOK_PER_TILE,), jnp.int32),
            [pltpu.VMEM((CLOOK, EMBED_DIM), jnp.float32)
             for _ in range(NBUF)],
            pltpu.SemaphoreType.DMA,
            pltpu.SemaphoreType.DMA,
        ],
        compiler_params=pltpu.CompilerParams(use_tc_tiling_on_sc=True,
                                             needs_layout_passes=True),
    )
    return fn(idx, table)


def kernel(input, table):
    idx = jnp.asarray(input, jnp.int32).reshape(-1)
    return _emb_call(idx, table)

# --- scband reference (transcript-rebuilt; emitter-appended) ---
"""Pipeline reference for scband-embeddings-42382737277238 (READ-ONLY COPY).

The authoritative reference and input builder live on the scoring server;
editing this copy changes nothing except your own understanding.
"""

import jax, jax.numpy as jnp
import numpy as np
import math

EMBED_DIM = 128
VOCAB = 100000
PADDING_ID = 0

def setup_inputs(seed: int = 0) -> dict:
    key = jax.random.key(seed)
    k1, k2 = jax.random.split(key)
    inp = jax.random.randint(k1, (4096, 50), 0, VOCAB).astype(jnp.int64)
    table = jax.random.normal(k2, (VOCAB, EMBED_DIM), dtype=jnp.float32)
    # nn.Embedding with padding_idx zeros the padding row at init
    table = table.at[PADDING_ID].set(0.0)
    return {"input": inp, "table": table}

def reference(input, table):
    # optional_sqrt_mul=True: embedding(input) * sqrt(embed_dim)
    emb = jnp.take(table, input, axis=0)
    return emb * math.sqrt(EMBED_DIM)

if __name__ == "__main__":
    import jax
    _d = setup_inputs()
    print(jax.jit(kernel)(*tuple(_d.values())))

</pallas_src>

<mosaic_0001>
#map = affine_map<(d0, d1) -> (0)>
#map1 = affine_map<(d0, d1) -> (0, 0)>
#map2 = affine_map<(d0, d1) -> (0, 0, 0)>
module attributes {stable_mosaic.version = 14 : i64} {
  func.func @_emb_body(%arg0: i32, %arg1: i32, %arg2: memref<204800xi32, #tpu.memory_space<hbm>>, %arg3: memref<100000x128xf32, #tpu.memory_space<hbm>>, %arg4: memref<4096x50x128xf32, #tpu.memory_space<hbm>>, %arg5: memref<6400xi32, #tpu.memory_space<vmem>>, %arg6: memref<200x128xf32, #tpu.memory_space<vmem>>, %arg7: memref<200x128xf32, #tpu.memory_space<vmem>>, %arg8: memref<200x128xf32, #tpu.memory_space<vmem>>, %arg9: memref<200x128xf32, #tpu.memory_space<vmem>>, %arg10: memref<!tpu.dma_semaphore, #tpu.memory_space<semaphore_mem>>, %arg11: memref<!tpu.dma_semaphore, #tpu.memory_space<semaphore_mem>>) attributes {dimension_semantics = [#tpu.dimension_semantics<core_parallel>, #tpu.dimension_semantics<subcore_parallel>], iteration_bounds = array<i64: 2, 16>, scalar_prefetch = 0 : i64, scratch_operands = 7 : i64, tpu.core_type = #tpu.core_type<sc_vector_subcore>, window_params = [{transform_indices = #map}, {transform_indices = #map1}, {transform_indices = #map2}]} {
    %mul3A = arith.constant 2 : i32
    %mul3A_0 = arith.muli %arg1, %mul3A : i32
    %add3A = arith.addi %mul3A_0, %arg0 : i32
    %mul3A_1 = arith.constant 128 : i32
    %mul3A_2 = arith.muli %add3A, %mul3A_1 : i32
    %mul3A_3 = arith.constant 6400 : i32
    %mul3A_4 = arith.muli %add3A, %mul3A_3 : i32
    "tpu.region"() ({
      %run_scoped3A = tpu.sem_alloc : memref<!tpu.dma_semaphore, #tpu.memory_space<semaphore_mem>>
      %dma_start3A_115 = tpu.memref_slice %arg2[%mul3A_4] : memref<204800xi32, #tpu.memory_space<hbm>> -> memref<6400xi32, #tpu.memory_space<hbm>>
      %dma_start3A_116 = tpu.memref_slice %arg2[%mul3A_4] : memref<204800xi32, #tpu.memory_space<hbm>> -> memref<6400xi32, #tpu.memory_space<hbm>>
      tpu.enqueue_dma source(%dma_start3A_116 : memref<6400xi32, #tpu.memory_space<hbm>>) target(%arg5 : memref<6400xi32, #tpu.memory_space<vmem>>) target_semaphore(%run_scoped3A : memref<!tpu.dma_semaphore, #tpu.memory_space<semaphore_mem>>)
      %dma_wait3A_117 = tpu.memref_slice %arg2[%mul3A_4] : memref<204800xi32, #tpu.memory_space<hbm>> -> memref<6400xi32, #tpu.memory_space<hbm>>
      %dma_wait3A_118 = tpu.memref_slice %arg2[%mul3A_4] : memref<204800xi32, #tpu.memory_space<hbm>> -> memref<6400xi32, #tpu.memory_space<hbm>>
      tpu.wait_dma2 semaphore(%run_scoped3A : memref<!tpu.dma_semaphore, #tpu.memory_space<semaphore_mem>>) src(%dma_wait3A_118 : memref<6400xi32, #tpu.memory_space<hbm>>) dst(%arg5 : memref<6400xi32, #tpu.memory_space<vmem>>)
      tpu.yield
    }) : () -> ()
    %dma_start3A = arith.constant 0 : i32
    %dma_start3A_5 = arith.constant 0 : i32
    %dma_start3A_6 = tpu.memref_slice %arg6[%dma_start3A, %dma_start3A_5] : memref<200x128xf32, #tpu.memory_space<vmem>> -> memref<104x128xf32, #tpu.memory_space<vmem>>
    %dma_start3A_7 = arith.constant 0 : i32
    %dma_start3A_8 = tpu.memref_slice %arg5[%dma_start3A_7] : memref<6400xi32, #tpu.memory_space<vmem>> -> memref<104xi32, #tpu.memory_space<vmem>>
    %dma_start3A_9 = arith.constant 0 : i32
    %dma_start3A_10 = arith.constant 0 : i32
    %dma_start3A_11 = tpu.memref_slice %arg3[%dma_start3A_9, %dma_start3A_10] : memref<100000x128xf32, #tpu.memory_space<hbm>> -> memref<100000x128xf32, #tpu.memory_space<hbm>>
    tpu.enqueue_indirect_dma source(%dma_start3A_11 : memref<100000x128xf32, #tpu.memory_space<hbm>>) target(%dma_start3A_6 : memref<104x128xf32, #tpu.memory_space<vmem>>) offsets(%dma_start3A_8 : memref<104xi32, #tpu.memory_space<vmem>>) semaphore(%arg10 : memref<!tpu.dma_semaphore, #tpu.memory_space<semaphore_mem>>)
    %dma_start3A_12 = arith.constant 104 : i32
    %dma_start3A_13 = arith.constant 0 : i32
    %dma_start3A_14 = tpu.memref_slice %arg6[%dma_start3A_12, %dma_start3A_13] : memref<200x128xf32, #tpu.memory_space<vmem>> -> memref<96x128xf32, #tpu.memory_space<vmem>>
    %dma_start3A_15 = arith.constant 104 : i32
    %dma_start3A_16 = tpu.memref_slice %arg5[%dma_start3A_15] : memref<6400xi32, #tpu.memory_space<vmem>> -> memref<96xi32, #tpu.memory_space<vmem>>
    %dma_start3A_17 = arith.constant 0 : i32
    %dma_start3A_18 = arith.constant 0 : i32
    %dma_start3A_19 = tpu.memref_slice %arg3[%dma_start3A_17, %dma_start3A_18] : memref<100000x128xf32, #tpu.memory_space<hbm>> -> memref<100000x128xf32, #tpu.memory_space<hbm>>
    tpu.enqueue_indirect_dma source(%dma_start3A_19 : memref<100000x128xf32, #tpu.memory_space<hbm>>) target(%dma_start3A_14 : memref<96x128xf32, #tpu.memory_space<vmem>>) offsets(%dma_start3A_16 : memref<96xi32, #tpu.memory_space<vmem>>) semaphore(%arg10 : memref<!tpu.dma_semaphore, #tpu.memory_space<semaphore_mem>>)
    %dma_start3A_20 = arith.constant 0 : i32
    %dma_start3A_21 = arith.constant 0 : i32
    %dma_start3A_22 = tpu.memref_slice %arg7[%dma_start3A_20, %dma_start3A_21] : memref<200x128xf32, #tpu.memory_space<vmem>> -> memref<104x128xf32, #tpu.memory_space<vmem>>
    %dma_start3A_23 = arith.constant 200 : i32
    %dma_start3A_24 = tpu.memref_slice %arg5[%dma_start3A_23] : memref<6400xi32, #tpu.memory_space<vmem>> -> memref<104xi32, #tpu.memory_space<vmem>>
    %dma_start3A_25 = arith.constant 0 : i32
    %dma_start3A_26 = arith.constant 0 : i32
    %dma_start3A_27 = tpu.memref_slice %arg3[%dma_start3A_25, %dma_start3A_26] : memref<100000x128xf32, #tpu.memory_space<hbm>> -> memref<100000x128xf32, #tpu.memory_space<hbm>>
    tpu.enqueue_indirect_dma source(%dma_start3A_27 : memref<100000x128xf32, #tpu.memory_space<hbm>>) target(%dma_start3A_22 : memref<104x128xf32, #tpu.memory_space<vmem>>) offsets(%dma_start3A_24 : memref<104xi32, #tpu.memory_space<vmem>>) semaphore(%arg10 : memref<!tpu.dma_semaphore, #tpu.memory_space<semaphore_mem>>)
    %dma_start3A_28 = arith.constant 104 : i32
    %dma_start3A_29 = arith.constant 0 : i32
    %dma_start3A_30 = tpu.memref_slice %arg7[%dma_start3A_28, %dma_start3A_29] : memref<200x128xf32, #tpu.memory_space<vmem>> -> memref<96x128xf32, #tpu.memory_space<vmem>>
    %dma_start3A_31 = arith.constant 304 : i32
    %dma_start3A_32 = tpu.memref_slice %arg5[%dma_start3A_31] : memref<6400xi32, #tpu.memory_space<vmem>> -> memref<96xi32, #tpu.memory_space<vmem>>
    %dma_start3A_33 = arith.constant 0 : i32
    %dma_start3A_34 = arith.constant 0 : i32
    %dma_start3A_35 = tpu.memref_slice %arg3[%dma_start3A_33, %dma_start3A_34] : memref<100000x128xf32, #tpu.memory_space<hbm>> -> memref<100000x128xf32, #tpu.memory_space<hbm>>
    tpu.enqueue_indirect_dma source(%dma_start3A_35 : memref<100000x128xf32, #tpu.memory_space<hbm>>) target(%dma_start3A_30 : memref<96x128xf32, #tpu.memory_space<vmem>>) offsets(%dma_start3A_32 : memref<96xi32, #tpu.memory_space<vmem>>) semaphore(%arg10 : memref<!tpu.dma_semaphore, #tpu.memory_space<semaphore_mem>>)
    %dma_start3A_36 = arith.constant 0 : i32
    %dma_start3A_37 = arith.constant 0 : i32
    %dma_start3A_38 = tpu.memref_slice %arg8[%dma_start3A_36, %dma_start3A_37] : memref<200x128xf32, #tpu.memory_space<vmem>> -> memref<104x128xf32, #tpu.memory_space<vmem>>
    %dma_start3A_39 = arith.constant 400 : i32
    %dma_start3A_40 = tpu.memref_slice %arg5[%dma_start3A_39] : memref<6400xi32, #tpu.memory_space<vmem>> -> memref<104xi32, #tpu.memory_space<vmem>>
    %dma_start3A_41 = arith.constant 0 : i32
    %dma_start3A_42 = arith.constant 0 : i32
    %dma_start3A_43 = tpu.memref_slice %arg3[%dma_start3A_41, %dma_start3A_42] : memref<100000x128xf32, #tpu.memory_space<hbm>> -> memref<100000x128xf32, #tpu.memory_space<hbm>>
    tpu.enqueue_indirect_dma source(%dma_start3A_43 : memref<100000x128xf32, #tpu.memory_space<hbm>>) target(%dma_start3A_38 : memref<104x128xf32, #tpu.memory_space<vmem>>) offsets(%dma_start3A_40 : memref<104xi32, #tpu.memory_space<vmem>>) semaphore(%arg10 : memref<!tpu.dma_semaphore, #tpu.memory_space<semaphore_mem>>)
    %dma_start3A_44 = arith.constant 104 : i32
    %dma_start3A_45 = arith.constant 0 : i32
    %dma_start3A_46 = tpu.memref_slice %arg8[%dma_start3A_44, %dma_start3A_45] : memref<200x128xf32, #tpu.memory_space<vmem>> -> memref<96x128xf32, #tpu.memory_space<vmem>>
    %dma_start3A_47 = arith.constant 504 : i32
    %dma_start3A_48 = tpu.memref_slice %arg5[%dma_start3A_47] : memref<6400xi32, #tpu.memory_space<vmem>> -> memref<96xi32, #tpu.memory_space<vmem>>
    %dma_start3A_49 = arith.constant 0 : i32
    %dma_start3A_50 = arith.constant 0 : i32
    %dma_start3A_51 = tpu.memref_slice %arg3[%dma_start3A_49, %dma_start3A_50] : memref<100000x128xf32, #tpu.memory_space<hbm>> -> memref<100000x128xf32, #tpu.memory_space<hbm>>
    tpu.enqueue_indirect_dma source(%dma_start3A_51 : memref<100000x128xf32, #tpu.memory_space<hbm>>) target(%dma_start3A_46 : memref<96x128xf32, #tpu.memory_space<vmem>>) offsets(%dma_start3A_48 : memref<96xi32, #tpu.memory_space<vmem>>) semaphore(%arg10 : memref<!tpu.dma_semaphore, #tpu.memory_space<semaphore_mem>>)
    %scan3A = arith.constant 0 : i32
    %scan3A_52 = arith.constant 8 : i32
    %scan3A_53 = arith.addi %scan3A, %scan3A_52 : i32
    %scan3A_54 = arith.constant 1 : i32
    scf.for %scan3A_115 = %scan3A to %scan3A_53 step %scan3A_54  : i32 {
      %mul3A_116 = arith.constant 1 : i32
      %mul3A_117 = arith.muli %scan3A_115, %mul3A_116 : i32
      %add3A_118 = arith.constant 0 : i32
      %add3A_119 = arith.addi %add3A_118, %mul3A_117 : i32
      %mul3A_120 = arith.constant 4 : i32
      %mul3A_121 = arith.muli %add3A_119, %mul3A_120 : i32
      %add3A_122 = arith.constant 0 : i32
      %add3A_123 = arith.addi %mul3A_121, %add3A_122 : i32
      %dma_wait3A_124 = arith.constant 0 : i32
      %dma_wait3A_125 = arith.constant 0 : i32
      %dma_wait3A_126 = tpu.memref_slice %arg6[%dma_wait3A_124, %dma_wait3A_125] : memref<200x128xf32, #tpu.memory_space<vmem>> -> memref<104x128xf32, #tpu.memory_space<vmem>>
      %dma_wait3A_127 = arith.constant 0 : i32
      %dma_wait3A_128 = tpu.memref_slice %arg5[%dma_wait3A_127] : memref<6400xi32, #tpu.memory_space<vmem>> -> memref<104xi32, #tpu.memory_space<vmem>>
      %dma_wait3A_129 = arith.constant 0 : i32
      %dma_wait3A_130 = arith.constant 0 : i32
      %dma_wait3A_131 = tpu.memref_slice %arg3[%dma_wait3A_129, %dma_wait3A_130] : memref<100000x128xf32, #tpu.memory_space<hbm>> -> memref<100000x128xf32, #tpu.memory_space<hbm>>
      tpu.wait_indirect_dma semaphore(%arg10 : memref<!tpu.dma_semaphore, #tpu.memory_space<semaphore_mem>>) src(%dma_wait3A_131 : memref<100000x128xf32, #tpu.memory_space<hbm>>) dst(%dma_wait3A_126 : memref<104x128xf32, #tpu.memory_space<vmem>>)
      %dma_wait3A_132 = arith.constant 104 : i32
      %dma_wait3A_133 = arith.constant 0 : i32
      %dma_wait3A_134 = tpu.memref_slice %arg6[%dma_wait3A_132, %dma_wait3A_133] : memref<200x128xf32, #tpu.memory_space<vmem>> -> memref<96x128xf32, #tpu.memory_space<vmem>>
      %dma_wait3A_135 = arith.constant 104 : i32
      %dma_wait3A_136 = tpu.memref_slice %arg5[%dma_wait3A_135] : memref<6400xi32, #tpu.memory_space<vmem>> -> memref<96xi32, #tpu.memory_space<vmem>>
      %dma_wait3A_137 = arith.constant 0 : i32
      %dma_wait3A_138 = arith.constant 0 : i32
      %dma_wait3A_139 = tpu.memref_slice %arg3[%dma_wait3A_137, %dma_wait3A_138] : memref<100000x128xf32, #tpu.memory_space<hbm>> -> memref<100000x128xf32, #tpu.memory_space<hbm>>
      tpu.wait_indirect_dma semaphore(%arg10 : memref<!tpu.dma_semaphore, #tpu.memory_space<semaphore_mem>>) src(%dma_wait3A_139 : memref<100000x128xf32, #tpu.memory_space<hbm>>) dst(%dma_wait3A_134 : memref<96x128xf32, #tpu.memory_space<vmem>>)
      %gt3A = arith.constant 0 : i32
      %gt3A_140 = arith.cmpi sgt, %add3A_119, %gt3A : i32
      %convert_element_type3A = arith.extui %gt3A_140 : i1 to i32
      %cond3A = arith.constant 0 : i32
      %cond3A_141 = arith.cmpi ne, %convert_element_type3A, %cond3A : i32
      scf.if %cond3A_141 {
        %dma_wait3A_742 = arith.constant 0 : i32
        %dma_wait3A_743 = arith.constant 0 : i32
        %dma_wait3A_744 = arith.constant 0 : i32
        %dma_wait3A_745 = tpu.memref_slice %arg6[%dma_wait3A_743, %dma_wait3A_744] : memref<200x128xf32, #tpu.memory_space<vmem>> -> memref<50x128xf32, #tpu.memory_space<vmem>>
        %dma_wait3A_746 = arith.constant 0 : i32
        %dma_wait3A_747 = arith.constant 0 : i32
        %dma_wait3A_748 = tpu.memref_slice %arg4[%dma_wait3A_742, %dma_wait3A_746, %dma_wait3A_747] : memref<4096x50x128xf32, #tpu.memory_space<hbm>> -> memref<1x50x128xf32, #tpu.memory_space<hbm>>
        %dma_wait3A_749 = tpu.memref_squeeze %dma_wait3A_748 : memref<1x50x128xf32, #tpu.memory_space<hbm>> -> memref<50x128xf32, #tpu.memory_space<hbm>>
        %dma_wait3A_750 = arith.constant 0 : i32
        %dma_wait3A_751 = arith.constant 0 : i32
        %dma_wait3A_752 = tpu.memref_slice %arg4[%dma_wait3A_742, %dma_wait3A_750, %dma_wait3A_751] : memref<4096x50x128xf32, #tpu.memory_space<hbm>> -> memref<1x50x128xf32, #tpu.memory_space<hbm>>
        %dma_wait3A_753 = tpu.memref_squeeze %dma_wait3A_752 : memref<1x50x128xf32, #tpu.memory_space<hbm>> -> memref<50x128xf32, #tpu.memory_space<hbm>>
        %dma_wait3A_754 = arith.constant 0 : i32
        %dma_wait3A_755 = arith.constant 0 : i32
        %dma_wait3A_756 = tpu.memref_slice %arg6[%dma_wait3A_754, %dma_wait3A_755] : memref<200x128xf32, #tpu.memory_space<vmem>> -> memref<50x128xf32, #tpu.memory_space<vmem>>
        tpu.wait_dma2 semaphore(%arg11 : memref<!tpu.dma_semaphore, #tpu.memory_space<semaphore_mem>>) src(%dma_wait3A_756 : memref<50x128xf32, #tpu.memory_space<vmem>>) dst(%dma_wait3A_753 : memref<50x128xf32, #tpu.memory_space<hbm>>)
        %dma_wait3A_757 = arith.constant 0 : i32
        %dma_wait3A_758 = arith.constant 0 : i32
        %dma_wait3A_759 = arith.constant 0 : i32
        %dma_wait3A_760 = tpu.memref_slice %arg6[%dma_wait3A_758, %dma_wait3A_759] : memref<200x128xf32, #tpu.memory_space<vmem>> -> memref<50x128xf32, #tpu.memory_space<vmem>>
        %dma_wait3A_761 = arith.constant 0 : i32
        %dma_wait3A_762 = arith.constant 0 : i32
        %dma_wait3A_763 = tpu.memref_slice %arg4[%dma_wait3A_757, %dma_wait3A_761, %dma_wait3A_762] : memref<4096x50x128xf32, #tpu.memory_space<hbm>> -> memref<1x50x128xf32, #tpu.memory_space<hbm>>
        %dma_wait3A_764 = tpu.memref_squeeze %dma_wait3A_763 : memref<1x50x128xf32, #tpu.memory_space<hbm>> -> memref<50x128xf32, #tpu.memory_space<hbm>>
        %dma_wait3A_765 = arith.constant 0 : i32
        %dma_wait3A_766 = arith.constant 0 : i32
        %dma_wait3A_767 = tpu.memref_slice %arg4[%dma_wait3A_757, %dma_wait3A_765, %dma_wait3A_766] : memref<4096x50x128xf32, #tpu.memory_space<hbm>> -> memref<1x50x128xf32, #tpu.memory_space<hbm>>
        %dma_wait3A_768 = tpu.memref_squeeze %dma_wait3A_767 : memref<1x50x128xf32, #tpu.memory_space<hbm>> -> memref<50x128xf32, #tpu.memory_space<hbm>>
        %dma_wait3A_769 = arith.constant 0 : i32
        %dma_wait3A_770 = arith.constant 0 : i32
        %dma_wait3A_771 = tpu.memref_slice %arg6[%dma_wait3A_769, %dma_wait3A_770] : memref<200x128xf32, #tpu.memory_space<vmem>> -> memref<50x128xf32, #tpu.memory_space<vmem>>
        tpu.wait_dma2 semaphore(%arg11 : memref<!tpu.dma_semaphore, #tpu.memory_space<semaphore_mem>>) src(%dma_wait3A_771 : memref<50x128xf32, #tpu.memory_space<vmem>>) dst(%dma_wait3A_768 : memref<50x128xf32, #tpu.memory_space<hbm>>)
        %dma_wait3A_772 = arith.constant 0 : i32
        %dma_wait3A_773 = arith.constant 0 : i32
        %dma_wait3A_774 = arith.constant 0 : i32
        %dma_wait3A_775 = tpu.memref_slice %arg6[%dma_wait3A_773, %dma_wait3A_774] : memref<200x128xf32, #tpu.memory_space<vmem>> -> memref<50x128xf32, #tpu.memory_space<vmem>>
        %dma_wait3A_776 = arith.constant 0 : i32
        %dma_wait3A_777 = arith.constant 0 : i32
        %dma_wait3A_778 = tpu.memref_slice %arg4[%dma_wait3A_772, %dma_wait3A_776, %dma_wait3A_777] : memref<4096x50x128xf32, #tpu.memory_space<hbm>> -> memref<1x50x128xf32, #tpu.memory_space<hbm>>
        %dma_wait3A_779 = tpu.memref_squeeze %dma_wait3A_778 : memref<1x50x128xf32, #tpu.memory_space<hbm>> -> memref<50x128xf32, #tpu.memory_space<hbm>>
        %dma_wait3A_780 = arith.constant 0 : i32
        %dma_wait3A_781 = arith.constant 0 : i32
        %dma_wait3A_782 = tpu.memref_slice %arg4[%dma_wait3A_772, %dma_wait3A_780, %dma_wait3A_781] : memref<4096x50x128xf32, #tpu.memory_space<hbm>> -> memref<1x50x128xf32, #tpu.memory_space<hbm>>
        %dma_wait3A_783 = tpu.memref_squeeze %dma_wait3A_782 : memref<1x50x128xf32, #tpu.memory_space<hbm>> -> memref<50x128xf32, #tpu.memory_space<hbm>>
        %dma_wait3A_784 = arith.constant 0 : i32
        %dma_wait3A_785 = arith.constant 0 : i32
        %dma_wait3A_786 = tpu.memref_slice %arg6[%dma_wait3A_784, %dma_wait3A_785] : memref<200x128xf32, #tpu.memory_space<vmem>> -> memref<50x128xf32, #tpu.memory_space<vmem>>
        tpu.wait_dma2 semaphore(%arg11 : memref<!tpu.dma_semaphore, #tpu.memory_space<semaphore_mem>>) src(%dma_wait3A_786 : memref<50x128xf32, #tpu.memory_space<vmem>>) dst(%dma_wait3A_783 : memref<50x128xf32, #tpu.memory_space<hbm>>)
        %dma_wait3A_787 = arith.constant 0 : i32
        %dma_wait3A_788 = arith.constant 0 : i32
        %dma_wait3A_789 = arith.constant 0 : i32
        %dma_wait3A_790 = tpu.memref_slice %arg6[%dma_wait3A_788, %dma_wait3A_789] : memref<200x128xf32, #tpu.memory_space<vmem>> -> memref<50x128xf32, #tpu.memory_space<vmem>>
        %dma_wait3A_791 = arith.constant 0 : i32
        %dma_wait3A_792 = arith.constant 0 : i32
        %dma_wait3A_793 = tpu.memref_slice %arg4[%dma_wait3A_787, %dma_wait3A_791, %dma_wait3A_792] : memref<4096x50x128xf32, #tpu.memory_space<hbm>> -> memref<1x50x128xf32, #tpu.memory_space<hbm>>
        %dma_wait3A_794 = tpu.memref_squeeze %dma_wait3A_793 : memref<1x50x128xf32, #tpu.memory_space<hbm>> -> memref<50x128xf32, #tpu.memory_space<hbm>>
        %dma_wait3A_795 = arith.constant 0 : i32
        %dma_wait3A_796 = arith.constant 0 : i32
        %dma_wait3A_797 = tpu.memref_slice %arg4[%dma_wait3A_787, %dma_wait3A_795, %dma_wait3A_796] : memref<4096x50x128xf32, #tpu.memory_space<hbm>> -> memref<1x50x128xf32, #tpu.memory_space<hbm>>
        %dma_wait3A_798 = tpu.memref_squeeze %dma_wait3A_797 : memref<1x50x128xf32, #tpu.memory_space<hbm>> -> memref<50x128xf32, #tpu.memory_space<hbm>>
        %dma_wait3A_799 = arith.constant 0 : i32
        %dma_wait3A_800 = arith.constant 0 : i32
        %dma_wait3A_801 = tpu.memref_slice %arg6[%dma_wait3A_799, %dma_wait3A_800] : memref<200x128xf32, #tpu.memory_space<vmem>> -> memref<50x128xf32, #tpu.memory_space<vmem>>
        tpu.wait_dma2 semaphore(%arg11 : memref<!tpu.dma_semaphore, #tpu.memory_space<semaphore_mem>>) src(%dma_wait3A_801 : memref<50x128xf32, #tpu.memory_space<vmem>>) dst(%dma_wait3A_798 : memref<50x128xf32, #tpu.memory_space<hbm>>)
      } else {
      }
      %add3A_142 = arith.constant 3 : i32
      %add3A_143 = arith.addi %add3A_123, %add3A_142 : i32
      %mul3A_144 = arith.constant 200 : i32
      %mul3A_145 = arith.muli %add3A_143, %mul3A_144 : i32
      %dma_start3A_146 = arith.constant 0 : i32
      %dma_start3A_147 = arith.constant 0 : i32
      %dma_start3A_148 = tpu.memref_slice %arg9[%dma_start3A_146, %dma_start3A_147] : memref<200x128xf32, #tpu.memory_space<vmem>> -> memref<104x128xf32, #tpu.memory_space<vmem>>
      %dma_start3A_149 = tpu.memref_slice %arg5[%mul3A_145] : memref<6400xi32, #tpu.memory_space<vmem>> -> memref<104xi32, #tpu.memory_space<vmem>>
      %dma_start3A_150 = arith.constant 0 : i32
      %dma_start3A_151 = arith.constant 0 : i32
      %dma_start3A_152 = tpu.memref_slice %arg3[%dma_start3A_150, %dma_start3A_151] : memref<100000x128xf32, #tpu.memory_space<hbm>> -> memref<100000x128xf32, #tpu.memory_space<hbm>>
      tpu.enqueue_indirect_dma source(%dma_start3A_152 : memref<100000x128xf32, #tpu.memory_space<hbm>>) target(%dma_start3A_148 : memref<104x128xf32, #tpu.memory_space<vmem>>) offsets(%dma_start3A_149 : memref<104xi32, #tpu.memory_space<vmem>>) semaphore(%arg10 : memref<!tpu.dma_semaphore, #tpu.memory_space<semaphore_mem>>)
      %mul3A_153 = arith.constant 200 : i32
      %mul3A_154 = arith.muli %add3A_143, %mul3A_153 : i32
      %add3A_155 = arith.constant 104 : i32
      %add3A_156 = arith.addi %mul3A_154, %add3A_155 : i32
      %dma_start3A_157 = arith.constant 104 : i32
      %dma_start3A_158 = arith.constant 0 : i32
      %dma_start3A_159 = tpu.memref_slice %arg9[%dma_start3A_157, %dma_start3A_158] : memref<200x128xf32, #tpu.memory_space<vmem>> -> memref<96x128xf32, #tpu.memory_space<vmem>>
      %dma_start3A_160 = tpu.memref_slice %arg5[%add3A_156] : memref<6400xi32, #tpu.memory_space<vmem>> -> memref<96xi32, #tpu.memory_space<vmem>>
      %dma_start3A_161 = arith.constant 0 : i32
      %dma_start3A_162 = arith.constant 0 : i32
      %dma_start3A_163 = tpu.memref_slice %arg3[%dma_start3A_161, %dma_start3A_162] : memref<100000x128xf32, #tpu.memory_space<hbm>> -> memref<100000x128xf32, #tpu.memory_space<hbm>>
      tpu.enqueue_indirect_dma source(%dma_start3A_163 : memref<100000x128xf32, #tpu.memory_space<hbm>>) target(%dma_start3A_159 : memref<96x128xf32, #tpu.memory_space<vmem>>) offsets(%dma_start3A_160 : memref<96xi32, #tpu.memory_space<vmem>>) semaphore(%arg10 : memref<!tpu.dma_semaphore, #tpu.memory_space<semaphore_mem>>)
      %scan3A_164 = arith.constant 0 : i32
      %scan3A_165 = arith.constant 200 : i32
      %scan3A_166 = arith.addi %scan3A_164, %scan3A_165 : i32
      %scan3A_167 = arith.constant 8 : i32
      scf.for %scan3A_742 = %scan3A_164 to %scan3A_166 step %scan3A_167  : i32 {
        %mul3A_743 = arith.constant 1 : i32
        %mul3A_744 = arith.muli %scan3A_742, %mul3A_743 : i32
        %add3A_745 = arith.constant 0 : i32
        %add3A_746 = arith.addi %add3A_745, %mul3A_744 : i32
        %get3A = arith.index_cast %add3A_746 : i32 to index
        %get3A_747 = arith.constant 0 : index
        %get3A_748 = tpu.vector_load %arg6[%get3A, %get3A_747] {strides = array<i32>} : memref<200x128xf32, #tpu.memory_space<vmem>>, vector<1x16xf32>,
        %get3A_749 = vector.shape_cast %get3A_748 : vector<1x16xf32> to vector<16xf32>
        %mul3A_750 = arith.constant 11.3137083 : f32
        %mul3A_751 = vector.broadcast %mul3A_750 : f32 to vector<16xf32>
        %mul3A_752 = arith.mulf %get3A_749, %mul3A_751 : vector<16xf32>
        %swap3A = arith.index_cast %add3A_746 : i32 to index
        %swap3A_753 = arith.constant 0 : index
        %swap3A_754 = tpu.vector_load %arg6[%swap3A, %swap3A_753] {strides = array<i32>} : memref<200x128xf32, #tpu.memory_space<vmem>>, vector<1x16xf32>,
        %swap3A_755 = vector.shape_cast %swap3A_754 : vector<1x16xf32> to vector<16xf32>
        %swap3A_756 = vector.shape_cast %mul3A_752 : vector<16xf32> to vector<1x16xf32>
        tpu.vector_store %arg6[%swap3A, %swap3A_753], %swap3A_756 {strides = array<i32>} : memref<200x128xf32, #tpu.memory_space<vmem>>, vector<1x16xf32>,
        %get3A_757 = arith.index_cast %add3A_746 : i32 to index
        %get3A_758 = arith.constant 16 : index
        %get3A_759 = tpu.vector_load %arg6[%get3A_757, %get3A_758] {strides = array<i32>} : memref<200x128xf32, #tpu.memory_space<vmem>>, vector<1x16xf32>,
        %get3A_760 = vector.shape_cast %get3A_759 : vector<1x16xf32> to vector<16xf32>
        %mul3A_761 = arith.constant 11.3137083 : f32
        %mul3A_762 = vector.broadcast %mul3A_761 : f32 to vector<16xf32>
        %mul3A_763 = arith.mulf %get3A_760, %mul3A_762 : vector<16xf32>
        %swap3A_764 = arith.index_cast %add3A_746 : i32 to index
        %swap3A_765 = arith.constant 16 : index
        %swap3A_766 = tpu.vector_load %arg6[%swap3A_764, %swap3A_765] {strides = array<i32>} : memref<200x128xf32, #tpu.memory_space<vmem>>, vector<1x16xf32>,
        %swap3A_767 = vector.shape_cast %swap3A_766 : vector<1x16xf32> to vector<16xf32>
        %swap3A_768 = vector.shape_cast %mul3A_763 : vector<16xf32> to vector<1x16xf32>
        tpu.vector_store %arg6[%swap3A_764, %swap3A_765], %swap3A_768 {strides = array<i32>} : memref<200x128xf32, #tpu.memory_space<vmem>>, vector<1x16xf32>,
        %get3A_769 = arith.index_cast %add3A_746 : i32 to index
        %get3A_770 = arith.constant 32 : index
        %get3A_771 = tpu.vector_load %arg6[%get3A_769, %get3A_770] {strides = array<i32>} : memref<200x128xf32, #tpu.memory_space<vmem>>, vector<1x16xf32>,
        %get3A_772 = vector.shape_cast %get3A_771 : vector<1x16xf32> to vector<16xf32>
        %mul3A_773 = arith.constant 11.3137083 : f32
        %mul3A_774 = vector.broadcast %mul3A_773 : f32 to vector<16xf32>
        %mul3A_775 = arith.mulf %get3A_772, %mul3A_774 : vector<16xf32>
        %swap3A_776 = arith.index_cast %add3A_746 : i32 to index
        %swap3A_777 = arith.constant 32 : index
        %swap3A_778 = tpu.vector_load %arg6[%swap3A_776, %swap3A_777] {strides = array<i32>} : memref<200x128xf32, #tpu.memory_space<vmem>>, vector<1x16xf32>,
        %swap3A_779 = vector.shape_cast %swap3A_778 : vector<1x16xf32> to vector<16xf32>
        %swap3A_780 = vector.shape_cast %mul3A_775 : vector<16xf32> to vector<1x16xf32>
        tpu.vector_store %arg6[%swap3A_776, %swap3A_777], %swap3A_780 {strides = array<i32>} : memref<200x128xf32, #tpu.memory_space<vmem>>, vector<1x16xf32>,
        %get3A_781 = arith.index_cast %add3A_746 : i32 to index
        %get3A_782 = arith.constant 48 : index
        %get3A_783 = tpu.vector_load %arg6[%get3A_781, %get3A_782] {strides = array<i32>} : memref<200x128xf32, #tpu.memory_space<vmem>>, vector<1x16xf32>,
        %get3A_784 = vector.shape_cast %get3A_783 : vector<1x16xf32> to vector<16xf32>
        %mul3A_785 = arith.constant 11.3137083 : f32
        %mul3A_786 = vector.broadcast %mul3A_785 : f32 to vector<16xf32>
        %mul3A_787 = arith.mulf %get3A_784, %mul3A_786 : vector<16xf32>
        %swap3A_788 = arith.index_cast %add3A_746 : i32 to index
        %swap3A_789 = arith.constant 48 : index
        %swap3A_790 = tpu.vector_load %arg6[%swap3A_788, %swap3A_789] {strides = array<i32>} : memref<200x128xf32, #tpu.memory_space<vmem>>, vector<1x16xf32>,
        %swap3A_791 = vector.shape_cast %swap3A_790 : vector<1x16xf32> to vector<16xf32>
        %swap3A_792 = vector.shape_cast %mul3A_787 : vector<16xf32> to vector<1x16xf32>
        tpu.vector_store %arg6[%swap3A_788, %swap3A_789], %swap3A_792 {strides = array<i32>} : memref<200x128xf32, #tpu.memory_space<vmem>>, vector<1x16xf32>,
        %get3A_793 = arith.index_cast %add3A_746 : i32 to index
        %get3A_794 = arith.constant 64 : index
        %get3A_795 = tpu.vector_load %arg6[%get3A_793, %get3A_794] {strides = array<i32>} : memref<200x128xf32, #tpu.memory_space<vmem>>, vector<1x16xf32>,
        %get3A_796 = vector.shape_cast %get3A_795 : vector<1x16xf32> to vector<16xf32>
        %mul3A_797 = arith.constant 11.3137083 : f32
        %mul3A_798 = vector.broadcast %mul3A_797 : f32 to vector<16xf32>
        %mul3A_799 = arith.mulf %get3A_796, %mul3A_798 : vector<16xf32>
        %swap3A_800 = arith.index_cast %add3A_746 : i32 to index
        %swap3A_801 = arith.constant 64 : index
        %swap3A_802 = tpu.vector_load %arg6[%swap3A_800, %swap3A_801] {strides = array<i32>} : memref<200x128xf32, #tpu.memory_space<vmem>>, vector<1x16xf32>,
        %swap3A_803 = vector.shape_cast %swap3A_802 : vector<1x16xf32> to vector<16xf32>
        %swap3A_804 = vector.shape_cast %mul3A_799 : vector<16xf32> to vector<1x16xf32>
        tpu.vector_store %arg6[%swap3A_800, %swap3A_801], %swap3A_804 {strides = array<i32>} : memref<200x128xf32, #tpu.memory_space<vmem>>, vector<1x16xf32>,
        %get3A_805 = arith.index_cast %add3A_746 : i32 to index
        %get3A_806 = arith.constant 80 : index
        %get3A_807 = tpu.vector_load %arg6[%get3A_805, %get3A_806] {strides = array<i32>} : memref<200x128xf32, #tpu.memory_space<vmem>>, vector<1x16xf32>,
        %get3A_808 = vector.shape_cast %get3A_807 : vector<1x16xf32> to vector<16xf32>
        %mul3A_809 = arith.constant 11.3137083 : f32
        %mul3A_810 = vector.broadcast %mul3A_809 : f32 to vector<16xf32>
        %mul3A_811 = arith.mulf %get3A_808, %mul3A_810 : vector<16xf32>
        %swap3A_812 = arith.index_cast %add3A_746 : i32 to index
        %swap3A_813 = arith.constant 80 : index
        %swap3A_814 = tpu.vector_load %arg6[%swap3A_812, %swap3A_813] {strides = array<i32>} : memref<200x128xf32, #tpu.memory_space<vmem>>, vector<1x16xf32>,
        %swap3A_815 = vector.shape_cast %swap3A_814 : vector<1x16xf32> to vector<16xf32>
        %swap3A_816 = vector.shape_cast %mul3A_811 : vector<16xf32> to vector<1x16xf32>
        tpu.vector_store %arg6[%swap3A_812, %swap3A_813], %swap3A_816 {strides = array<i32>} : memref<200x128xf32, #tpu.memory_space<vmem>>, vector<1x16xf32>,
        %get3A_817 = arith.index_cast %add3A_746 : i32 to index
        %get3A_818 = arith.constant 96 : index
        %get3A_819 = tpu.vector_load %arg6[%get3A_817, %get3A_818] {strides = array<i32>} : memref<200x128xf32, #tpu.memory_space<vmem>>, vector<1x16xf32>,
        %get3A_820 = vector.shape_cast %get3A_819 : vector<1x16xf32> to vector<16xf32>
        %mul3A_821 = arith.constant 11.3137083 : f32
        %mul3A_822 = vector.broadcast %mul3A_821 : f32 to vector<16xf32>
        %mul3A_823 = arith.mulf %get3A_820, %mul3A_822 : vector<16xf32>
        %swap3A_824 = arith.index_cast %add3A_746 : i32 to index
        %swap3A_825 = arith.constant 96 : index
        %swap3A_826 = tpu.vector_load %arg6[%swap3A_824, %swap3A_825] {strides = array<i32>} : memref<200x128xf32, #tpu.memory_space<vmem>>, vector<1x16xf32>,
        %swap3A_827 = vector.shape_cast %swap3A_826 : vector<1x16xf32> to vector<16xf32>
        %swap3A_828 = vector.shape_cast %mul3A_823 : vector<16xf32> to vector<1x16xf32>
        tpu.vector_store %arg6[%swap3A_824, %swap3A_825], %swap3A_828 {strides = array<i32>} : memref<200x128xf32, #tpu.memory_space<vmem>>, vector<1x16xf32>,
        %get3A_829 = arith.index_cast %add3A_746 : i32 to index
        %get3A_830 = arith.constant 112 : index
        %get3A_831 = tpu.vector_load %arg6[%get3A_829, %get3A_830] {strides = array<i32>} : memref<200x128xf32, #tpu.memory_space<vmem>>, vector<1x16xf32>,
        %get3A_832 = vector.shape_cast %get3A_831 : vector<1x16xf32> to vector<16xf32>
        %mul3A_833 = arith.constant 11.3137083 : f32
        %mul3A_834 = vector.broadcast %mul3A_833 : f32 to vector<16xf32>
        %mul3A_835 = arith.mulf %get3A_832, %mul3A_834 : vector<16xf32>
        %swap3A_836 = arith.index_cast %add3A_746 : i32 to index
        %swap3A_837 = arith.constant 112 : index
        %swap3A_838 = tpu.vector_load %arg6[%swap3A_836, %swap3A_837] {strides = array<i32>} : memref<200x128xf32, #tpu.memory_space<vmem>>, vector<1x16xf32>,
        %swap3A_839 = vector.shape_cast %swap3A_838 : vector<1x16xf32> to vector<16xf32>
        %swap3A_840 = vector.shape_cast %mul3A_835 : vector<16xf32> to vector<1x16xf32>
        tpu.vector_store %arg6[%swap3A_836, %swap3A_837], %swap3A_840 {strides = array<i32>} : memref<200x128xf32, #tpu.memory_space<vmem>>, vector<1x16xf32>,
        %scan3A_841 = arith.constant 1 : i32
        %scan3A_842 = arith.addi %scan3A_742, %scan3A_841 : i32
        %mul3A_843 = arith.constant 1 : i32
        %mul3A_844 = arith.muli %scan3A_842, %mul3A_843 : i32
        %add3A_845 = arith.constant 0 : i32
        %add3A_846 = arith.addi %add3A_845, %mul3A_844 : i32
        %get3A_847 = arith.index_cast %add3A_846 : i32 to index
        %get3A_848 = arith.constant 0 : index
        %get3A_849 = tpu.vector_load %arg6[%get3A_847, %get3A_848] {strides = array<i32>} : memref<200x128xf32, #tpu.memory_space<vmem>>, vector<1x16xf32>,
        %get3A_850 = vector.shape_cast %get3A_849 : vector<1x16xf32> to vector<16xf32>
        %mul3A_851 = arith.constant 11.3137083 : f32
        %mul3A_852 = vector.broadcast %mul3A_851 : f32 to vector<16xf32>
        %mul3A_853 = arith.mulf %get3A_850, %mul3A_852 : vector<16xf32>
        %swap3A_854 = arith.index_cast %add3A_846 : i32 to index
        %swap3A_855 = arith.constant 0 : index
        %swap3A_856 = tpu.vector_load %arg6[%swap3A_854, %swap3A_855] {strides = array<i32>} : memref<200x128xf32, #tpu.memory_space<vmem>>, vector<1x16xf32>,
        %swap3A_857 = vector.shape_cast %swap3A_856 : vector<1x16xf32> to vector<16xf32>
        %swap3A_858 = vector.shape_cast %mul3A_853 : vector<16xf32> to vector<1x16xf32>
        tpu.vector_store %arg6[%swap3A_854, %swap3A_855], %swap3A_858 {strides = array<i32>} : memref<200x128xf32, #tpu.memory_space<vmem>>, vector<1x16xf32>,
        %get3A_859 = arith.index_cast %add3A_846 : i32 to index
        %get3A_860 = arith.constant 16 : index
        %get3A_861 = tpu.vector_load %arg6[%get3A_859, %get3A_860] {strides = array<i32>} : memref<200x128xf32, #tpu.memory_space<vmem>>, vector<1x16xf32>,
        %get3A_862 = vector.shape_cast %get3A_861 : vector<1x16xf32> to vector<16xf32>
        %mul3A_863 = arith.constant 11.3137083 : f32
        %mul3A_864 = vector.broadcast %mul3A_863 : f32 to vector<16xf32>
        %mul3A_865 = arith.mulf %get3A_862, %mul3A_864 : vector<16xf32>
        %swap3A_866 = arith.index_cast %add3A_846 : i32 to index
        %swap3A_867 = arith.constant 16 : index
        %swap3A_868 = tpu.vector_load %arg6[%swap3A_866, %swap3A_867] {strides = array<i32>} : memref<200x128xf32, #tpu.memory_space<vmem>>, vector<1x16xf32>,
        %swap3A_869 = vector.shape_cast %swap3A_868 : vector<1x16xf32> to vector<16xf32>
        %swap3A_870 = vector.shape_cast %mul3A_865 : vector<16xf32> to vector<1x16xf32>
        tpu.vector_store %arg6[%swap3A_866, %swap3A_867], %swap3A_870 {strides = array<i32>} : memref<200x128xf32, #tpu.memory_space<vmem>>, vector<1x16xf32>,
        %get3A_871 = arith.index_cast %add3A_846 : i32 to index
        %get3A_872 = arith.constant 32 : index
        %get3A_873 = tpu.vector_load %arg6[%get3A_871, %get3A_872] {strides = array<i32>} : memref<200x128xf32, #tpu.memory_space<vmem>>, vector<1x16xf32>,
        %get3A_874 = vector.shape_cast %get3A_873 : vector<1x16xf32> to vector<16xf32>
        %mul3A_875 = arith.constant 11.3137083 : f32
        %mul3A_876 = vector.broadcast %mul3A_875 : f32 to vector<16xf32>
        %mul3A_877 = arith.mulf %get3A_874, %mul3A_876 : vector<16xf32>
        %swap3A_878 = arith.index_cast %add3A_846 : i32 to index
        %swap3A_879 = arith.constant 32 : index
        %swap3A_880 = tpu.vector_load %arg6[%swap3A_878, %swap3A_879] {strides = array<i32>} : memref<200x128xf32, #tpu.memory_space<vmem>>, vector<1x16xf32>,
        %swap3A_881 = vector.shape_cast %swap3A_880 : vector<1x16xf32> to vector<16xf32>
        %swap3A_882 = vector.shape_cast %mul3A_877 : vector<16xf32> to vector<1x16xf32>
        tpu.vector_store %arg6[%swap3A_878, %swap3A_879], %swap3A_882 {strides = array<i32>} : memref<200x128xf32, #tpu.memory_space<vmem>>, vector<1x16xf32>,
        %get3A_883 = arith.index_cast %add3A_846 : i32 to index
        %get3A_884 = arith.constant 48 : index
        %get3A_885 = tpu.vector_load %arg6[%get3A_883, %get3A_884] {strides = array<i32>} : memref<200x128xf32, #tpu.memory_space<vmem>>, vector<1x16xf32>,
        %get3A_886 = vector.shape_cast %get3A_885 : vector<1x16xf32> to vector<16xf32>
        %mul3A_887 = arith.constant 11.3137083 : f32
        %mul3A_888 = vector.broadcast %mul3A_887 : f32 to vector<16xf32>
        %mul3A_889 = arith.mulf %get3A_886, %mul3A_888 : vector<16xf32>
        %swap3A_890 = arith.index_cast %add3A_846 : i32 to index
        %swap3A_891 = arith.constant 48 : index
        %swap3A_892 = tpu.vector_load %arg6[%swap3A_890, %swap3A_891] {strides = array<i32>} : memref<200x128xf32, #tpu.memory_space<vmem>>, vector<1x16xf32>,
        %swap3A_893 = vector.shape_cast %swap3A_892 : vector<1x16xf32> to vector<16xf32>
        %swap3A_894 = vector.shape_cast %mul3A_889 : vector<16xf32> to vector<1x16xf32>
        tpu.vector_store %arg6[%swap3A_890, %swap3A_891], %swap3A_894 {strides = array<i32>} : memref<200x128xf32, #tpu.memory_space<vmem>>, vector<1x16xf32>,
        %get3A_895 = arith.index_cast %add3A_846 : i32 to index
        %get3A_896 = arith.constant 64 : index
        %get3A_897 = tpu.vector_load %arg6[%get3A_895, %get3A_896] {strides = array<i32>} : memref<200x128xf32, #tpu.memory_space<vmem>>, vector<1x16xf32>,
        %get3A_898 = vector.shape_cast %get3A_897 : vector<1x16xf32> to vector<16xf32>
        %mul3A_899 = arith.constant 11.3137083 : f32
        %mul3A_900 = vector.broadcast %mul3A_899 : f32 to vector<16xf32>
        %mul3A_901 = arith.mulf %get3A_898, %mul3A_900 : vector<16xf32>
        %swap3A_902 = arith.index_cast %add3A_846 : i32 to index
        %swap3A_903 = arith.constant 64 : index
        %swap3A_904 = tpu.vector_load %arg6[%swap3A_902, %swap3A_903] {strides = array<i32>} : memref<200x128xf32, #tpu.memory_space<vmem>>, vector<1x16xf32>,
        %swap3A_905 = vector.shape_cast %swap3A_904 : vector<1x16xf32> to vector<16xf32>
        %swap3A_906 = vector.shape_cast %mul3A_901 : vector<16xf32> to vector<1x16xf32>
        tpu.vector_store %arg6[%swap3A_902, %swap3A_903], %swap3A_906 {strides = array<i32>} : memref<200x128xf32, #tpu.memory_space<vmem>>, vector<1x16xf32>,
        %get3A_907 = arith.index_cast %add3A_846 : i32 to index
        %get3A_908 = arith.constant 80 : index
        %get3A_909 = tpu.vector_load %arg6[%get3A_907, %get3A_908] {strides = array<i32>} : memref<200x128xf32, #tpu.memory_space<vmem>>, vector<1x16xf32>,
        %get3A_910 = vector.shape_cast %get3A_909 : vector<1x16xf32> to vector<16xf32>
        %mul3A_911 = arith.constant 11.3137083 : f32
        %mul3A_912 = vector.broadcast %mul3A_911 : f32 to vector<16xf32>
        %mul3A_913 = arith.mulf %get3A_910, %mul3A_912 : vector<16xf32>
        %swap3A_914 = arith.index_cast %add3A_846 : i32 to index
        %swap3A_915 = arith.constant 80 : index
        %swap3A_916 = tpu.vector_load %arg6[%swap3A_914, %swap3A_915] {strides = array<i32>} : memref<200x128xf32, #tpu.memory_space<vmem>>, vector<1x16xf32>,
        %swap3A_917 = vector.shape_cast %swap3A_916 : vector<1x16xf32> to vector<16xf32>
        %swap3A_918 = vector.shape_cast %mul3A_913 : vector<16xf32> to vector<1x16xf32>
        tpu.vector_store %arg6[%swap3A_914, %swap3A_915], %swap3A_918 {strides = array<i32>} : memref<200x128xf32, #tpu.memory_space<vmem>>, vector<1x16xf32>,
        %get3A_919 = arith.index_cast %add3A_846 : i32 to index
        %get3A_920 = arith.constant 96 : index
        %get3A_921 = tpu.vector_load %arg6[%get3A_919, %get3A_920] {strides = array<i32>} : memref<200x128xf32, #tpu.memory_space<vmem>>, vector<1x16xf32>,
        %get3A_922 = vector.shape_cast %get3A_921 : vector<1x16xf32> to vector<16xf32>
        %mul3A_923 = arith.constant 11.3137083 : f32
        %mul3A_924 = vector.broadcast %mul3A_923 : f32 to vector<16xf32>
        %mul3A_925 = arith.mulf %get3A_922, %mul3A_924 : vector<16xf32>
        %swap3A_926 = arith.index_cast %add3A_846 : i32 to index
        %swap3A_927 = arith.constant 96 : index
        %swap3A_928 = tpu.vector_load %arg6[%swap3A_926, %swap3A_927] {strides = array<i32>} : memref<200x128xf32, #tpu.memory_space<vmem>>, vector<1x16xf32>,
        %swap3A_929 = vector.shape_cast %swap3A_928 : vector<1x16xf32> to vector<16xf32>
        %swap3A_930 = vector.shape_cast %mul3A_925 : vector<16xf32> to vector<1x16xf32>
        tpu.vector_store %arg6[%swap3A_926, %swap3A_927], %swap3A_930 {strides = array<i32>} : memref<200x128xf32, #tpu.memory_space<vmem>>, vector<1x16xf32>,
        %get3A_931 = arith.index_cast %add3A_846 : i32 to index
        %get3A_932 = arith.constant 112 : index
        %get3A_933 = tpu.vector_load %arg6[%get3A_931, %get3A_932] {strides = array<i32>} : memref<200x128xf32, #tpu.memory_space<vmem>>, vector<1x16xf32>,
        %get3A_934 = vector.shape_cast %get3A_933 : vector<1x16xf32> to vector<16xf32>
        %mul3A_935 = arith.constant 11.3137083 : f32
        %mul3A_936 = vector.broadcast %mul3A_935 : f32 to vector<16xf32>
        %mul3A_937 = arith.mulf %get3A_934, %mul3A_936 : vector<16xf32>
        %swap3A_938 = arith.index_cast %add3A_846 : i32 to index
        %swap3A_939 = arith.constant 112 : index
        %swap3A_940 = tpu.vector_load %arg6[%swap3A_938, %swap3A_939] {strides = array<i32>} : memref<200x128xf32, #tpu.memory_space<vmem>>, vector<1x16xf32>,
        %swap3A_941 = vector.shape_cast %swap3A_940 : vector<1x16xf32> to vector<16xf32>
        %swap3A_942 = vector.shape_cast %mul3A_937 : vector<16xf32> to vector<1x16xf32>
        tpu.vector_store %arg6[%swap3A_938, %swap3A_939], %swap3A_942 {strides = array<i32>} : memref<200x128xf32, #tpu.memory_space<vmem>>, vector<1x16xf32>,
        %scan3A_943 = arith.constant 2 : i32
        %scan3A_944 = arith.addi %scan3A_742, %scan3A_943 : i32
        %mul3A_945 = arith.constant 1 : i32
        %mul3A_946 = arith.muli %scan3A_944, %mul3A_945 : i32
        %add3A_947 = arith.constant 0 : i32
        %add3A_948 = arith.addi %add3A_947, %mul3A_946 : i32
        %get3A_949 = arith.index_cast %add3A_948 : i32 to index
        %get3A_950 = arith.constant 0 : index
        %get3A_951 = tpu.vector_load %arg6[%get3A_949, %get3A_950] {strides = array<i32>} : memref<200x128xf32, #tpu.memory_space<vmem>>, vector<1x16xf32>,
        %get3A_952 = vector.shape_cast %get3A_951 : vector<1x16xf32> to vector<16xf32>
        %mul3A_953 = arith.constant 11.3137083 : f32
        %mul3A_954 = vector.broadcast %mul3A_953 : f32 to vector<16xf32>
        %mul3A_955 = arith.mulf %get3A_952, %mul3A_954 : vector<16xf32>
        %swap3A_956 = arith.index_cast %add3A_948 : i32 to index
        %swap3A_957 = arith.constant 0 : index
        %swap3A_958 = tpu.vector_load %arg6[%swap3A_956, %swap3A_957] {strides = array<i32>} : memref<200x128xf32, #tpu.memory_space<vmem>>, vector<1x16xf32>,
        %swap3A_959 = vector.shape_cast %swap3A_958 : vector<1x16xf32> to vector<16xf32>
        %swap3A_960 = vector.shape_cast %mul3A_955 : vector<16xf32> to vector<1x16xf32>
        tpu.vector_store %arg6[%swap3A_956, %swap3A_957], %swap3A_960 {strides = array<i32>} : memref<200x128xf32, #tpu.memory_space<vmem>>, vector<1x16xf32>,
        %get3A_961 = arith.index_cast %add3A_948 : i32 to index
        %get3A_962 = arith.constant 16 : index
        %get3A_963 = tpu.vector_load %arg6[%get3A_961, %get3A_962] {strides = array<i32>} : memref<200x128xf32, #tpu.memory_space<vmem>>, vector<1x16xf32>,
        %get3A_964 = vector.shape_cast %get3A_963 : vector<1x16xf32> to vector<16xf32>
        %mul3A_965 = arith.constant 11.3137083 : f32
        %mul3A_966 = vector.broadcast %mul3A_965 : f32 to vector<16xf32>
        %mul3A_967 = arith.mulf %get3A_964, %mul3A_966 : vector<16xf32>
        %swap3A_968 = arith.index_cast %add3A_948 : i32 to index
        %swap3A_969 = arith.constant 16 : index
        %swap3A_970 = tpu.vector_load %arg6[%swap3A_968, %swap3A_969] {strides = array<i32>} : memref<200x128xf32, #tpu.memory_space<vmem>>, vector<1x16xf32>,
        %swap3A_971 = vector.shape_cast %swap3A_970 : vector<1x16xf32> to vector<16xf32>
        %swap3A_972 = vector.shape_cast %mul3A_967 : vector<16xf32> to vector<1x16xf32>
        tpu.vector_store %arg6[%swap3A_968, %swap3A_969], %swap3A_972 {strides = array<i32>} : memref<200x128xf32, #tpu.memory_space<vmem>>, vector<1x16xf32>,
        %get3A_973 = arith.index_cast %add3A_948 : i32 to index
        %get3A_974 = arith.constant 32 : index
        %get3A_975 = tpu.vector_load %arg6[%get3A_973, %get3A_974] {strides = array<i32>} : memref<200x128xf32, #tpu.memory_space<vmem>>, vector<1x16xf32>,
        %get3A_976 = vector.shape_cast %get3A_975 : vector<1x16xf32> to vector<16xf32>
        %mul3A_977 = arith.constant 11.3137083 : f32
        %mul3A_978 = vector.broadcast %mul3A_977 : f32 to vector<16xf32>
        %mul3A_979 = arith.mulf %get3A_976, %mul3A_978 : vector<16xf32>
        %swap3A_980 = arith.index_cast %add3A_948 : i32 to index
        %swap3A_981 = arith.constant 32 : index
        %swap3A_982 = tpu.vector_load %arg6[%swap3A_980, %swap3A_981] {strides = array<i32>} : memref<200x128xf32, #tpu.memory_space<vmem>>, vector<1x16xf32>,
        %swap3A_983 = vector.shape_cast %swap3A_982 : vector<1x16xf32> to vector<16xf32>
        %swap3A_984 = vector.shape_cast %mul3A_979 : vector<16xf32> to vector<1x16xf32>
        tpu.vector_store %arg6[%swap3A_980, %swap3A_981], %swap3A_984 {strides = array<i32>} : memref<200x128xf32, #tpu.memory_space<vmem>>, vector<1x16xf32>,
        %get3A_985 = arith.index_cast %add3A_948 : i32 to index
        %get3A_986 = arith.constant 48 : index
        %get3A_987 = tpu.vector_load %arg6[%get3A_985, %get3A_986] {strides = array<i32>} : memref<200x128xf32, #tpu.memory_space<vmem>>, vector<1x16xf32>,
        %get3A_988 = vector.shape_cast %get3A_987 : vector<1x16xf32> to vector<16xf32>
        %mul3A_989 = arith.constant 11.3137083 : f32
        %mul3A_990 = vector.broadcast %mul3A_989 : f32 to vector<16xf32>
        %mul3A_991 = arith.mulf %get3A_988, %mul3A_990 : vector<16xf32>
        %swap3A_992 = arith.index_cast %add3A_948 : i32 to index
        %swap3A_993 = arith.constant 48 : index
        %swap3A_994 = tpu.vector_load %arg6[%swap3A_992, %swap3A_993] {strides = array<i32>} : memref<200x128xf32, #tpu.memory_space<vmem>>, vector<1x16xf32>,
        %swap3A_995 = vector.shape_cast %swap3A_994 : vector<1x16xf32> to vector<16xf32>
        %swap3A_996 = vector.shape_cast %mul3A_991 : vector<16xf32> to vector<1x16xf32>
        tpu.vector_store %arg6[%swap3A_992, %swap3A_993], %swap3A_996 {strides = array<i32>} : memref<200x128xf32, #tpu.memory_space<vmem>>, vector<1x16xf32>,
        %get3A_997 = arith.index_cast %add3A_948 : i32 to index
        %get3A_998 = arith.constant 64 : index
        %get3A_999 = tpu.vector_load %arg6[%get3A_997, %get3A_998] {strides = array<i32>} : memref<200x128xf32, #tpu.memory_space<vmem>>, vector<1x16xf32>,
        %get3A_1000 = vector.shape_cast %get3A_999 : vector<1x16xf32> to vector<16xf32>
        %mul3A_1001 = arith.constant 11.3137083 : f32
        %mul3A_1002 = vector.broadcast %mul3A_1001 : f32 to vector<16xf32>
        %mul3A_1003 = arith.mulf %get3A_1000, %mul3A_1002 : vector<16xf32>
        %swap3A_1004 = arith.index_cast %add3A_948 : i32 to index
        %swap3A_1005 = arith.constant 64 : index
        %swap3A_1006 = tpu.vector_load %arg6[%swap3A_1004, %swap3A_1005] {strides = array<i32>} : memref<200x128xf32, #tpu.memory_space<vmem>>, vector<1x16xf32>,
        %swap3A_1007 = vector.shape_cast %swap3A_1006 : vector<1x16xf32> to vector<16xf32>
        %swap3A_1008 = vector.shape_cast %mul3A_1003 : vector<16xf32> to vector<1x16xf32>
        tpu.vector_store %arg6[%swap3A_1004, %swap3A_1005], %swap3A_1008 {strides = array<i32>} : memref<200x128xf32, #tpu.memory_space<vmem>>, vector<1x16xf32>,
        %get3A_1009 = arith.index_cast %add3A_948 : i32 to index
        %get3A_1010 = arith.constant 80 : index
        %get3A_1011 = tpu.vector_load %arg6[%get3A_1009, %get3A_1010] {strides = array<i32>} : memref<200x128xf32, #tpu.memory_space<vmem>>, vector<1x16xf32>,
        %get3A_1012 = vector.shape_cast %get3A_1011 : vector<1x16xf32> to vector<16xf32>
        %mul3A_1013 = arith.constant 11.3137083 : f32
        %mul3A_1014 = vector.broadcast %mul3A_1013 : f32 to vector<16xf32>
        %mul3A_1015 = arith.mulf %get3A_1012, %mul3A_1014 : vector<16xf32>
        %swap3A_1016 = arith.index_cast %add3A_948 : i32 to index
        %swap3A_1017 = arith.constant 80 : index
        %swap3A_1018 = tpu.vector_load %arg6[%swap3A_1016, %swap3A_1017] {strides = array<i32>} : memref<200x128xf32, #tpu.memory_space<vmem>>, vector<1x16xf32>,
        %swap3A_1019 = vector.shape_cast %swap3A_1018 : vector<1x16xf32> to vector<16xf32>
        %swap3A_1020 = vector.shape_cast %mul3A_1015 : vector<16xf32> to vector<1x16xf32>
        tpu.vector_store %arg6[%swap3A_1016, %swap3A_1017], %swap3A_1020 {strides = array<i32>} : memref<200x128xf32, #tpu.memory_space<vmem>>, vector<1x16xf32>,
        %get3A_1021 = arith.index_cast %add3A_948 : i32 to index
        %get3A_1022 = arith.constant 96 : index
        %get3A_1023 = tpu.vector_load %arg6[%get3A_1021, %get3A_1022] {strides = array<i32>} : memref<200x128xf32, #tpu.memory_space<vmem>>, vector<1x16xf32>,
        %get3A_1024 = vector.shape_cast %get3A_1023 : vector<1x16xf32> to vector<16xf32>
        %mul3A_1025 = arith.constant 11.3137083 : f32
        %mul3A_1026 = vector.broadcast %mul3A_1025 : f32 to vector<16xf32>
        %mul3A_1027 = arith.mulf %get3A_1024, %mul3A_1026 : vector<16xf32>
        %swap3A_1028 = arith.index_cast %add3A_948 : i32 to index
        %swap3A_1029 = arith.constant 96 : index
        %swap3A_1030 = tpu.vector_load %arg6[%swap3A_1028, %swap3A_1029] {strides = array<i32>} : memref<200x128xf32, #tpu.memory_space<vmem>>, vector<1x16xf32>,
        %swap3A_1031 = vector.shape_cast %swap3A_1030 : vector<1x16xf32> to vector<16xf32>
        %swap3A_1032 = vector.shape_cast %mul3A_1027 : vector<16xf32> to vector<1x16xf32>
        tpu.vector_store %arg6[%swap3A_1028, %swap3A_1029], %swap3A_1032 {strides = array<i32>} : memref<200x128xf32, #tpu.memory_space<vmem>>, vector<1x16xf32>,
        %get3A_1033 = arith.index_cast %add3A_948 : i32 to index
        %get3A_1034 = arith.constant 112 : index
        %get3A_1035 = tpu.vector_load %arg6[%get3A_1033, %get3A_1034] {strides = array<i32>} : memref<200x128xf32, #tpu.memory_space<vmem>>, vector<1x16xf32>,
        %get3A_1036 = vector.shape_cast %get3A_1035 : vector<1x16xf32> to vector<16xf32>
        %mul3A_1037 = arith.constant 11.3137083 : f32
        %mul3A_1038 = vector.broadcast %mul3A_1037 : f32 to vector<16xf32>
        %mul3A_1039 = arith.mulf %get3A_1036, %mul3A_1038 : vector<16xf32>
        %swap3A_1040 = arith.index_cast %add3A_948 : i32 to index
        %swap3A_1041 = arith.constant 112 : index
        %swap3A_1042 = tpu.vector_load %arg6[%swap3A_1040, %swap3A_1041] {strides = array<i32>} : memref<200x128xf32, #tpu.memory_space<vmem>>, vector<1x16xf32>,
        %swap3A_1043 = vector.shape_cast %swap3A_1042 : vector<1x16xf32> to vector<16xf32>
        %swap3A_1044 = vector.shape_cast %mul3A_1039 : vector<16xf32> to vector<1x16xf32>
        tpu.vector_store %arg6[%swap3A_1040, %swap3A_1041], %swap3A_1044 {strides = array<i32>} : memref<200x128xf32, #tpu.memory_space<vmem>>, vector<1x16xf32>,
        %scan3A_1045 = arith.constant 3 : i32
        %scan3A_1046 = arith.addi %scan3A_742, %scan3A_1045 : i32
        %mul3A_1047 = arith.constant 1 : i32
        %mul3A_1048 = arith.muli %scan3A_1046, %mul3A_1047 : i32
        %add3A_1049 = arith.constant 0 : i32
        %add3A_1050 = arith.addi %add3A_1049, %mul3A_1048 : i32
        %get3A_1051 = arith.index_cast %add3A_1050 : i32 to index
        %get3A_1052 = arith.constant 0 : index
        %get3A_1053 = tpu.vector_load %arg6[%get3A_1051, %get3A_1052] {strides = array<i32>} : memref<200x128xf32, #tpu.memory_space<vmem>>, vector<1x16xf32>,
        %get3A_1054 = vector.shape_cast %get3A_1053 : vector<1x16xf32> to vector<16xf32>
        %mul3A_1055 = arith.constant 11.3137083 : f32
        %mul3A_1056 = vector.broadcast %mul3A_1055 : f32 to vector<16xf32>
        %mul3A_1057 = arith.mulf %get3A_1054, %mul3A_1056 : vector<16xf32>
        %swap3A_1058 = arith.index_cast %add3A_1050 : i32 to index
        %swap3A_1059 = arith.constant 0 : index
        %swap3A_1060 = tpu.vector_load %arg6[%swap3A_1058, %swap3A_1059] {strides = array<i32>} : memref<200x128xf32, #tpu.memory_space<vmem>>, vector<1x16xf32>,
        %swap3A_1061 = vector.shape_cast %swap3A_1060 : vector<1x16xf32> to vector<16xf32>
        %swap3A_1062 = vector.shape_cast %mul3A_1057 : vector<16xf32> to vector<1x16xf32>
        tpu.vector_store %arg6[%swap3A_1058, %swap3A_1059], %swap3A_1062 {strides = array<i32>} : memref<200x128xf32, #tpu.memory_space<vmem>>, vector<1x16xf32>,
        %get3A_1063 = arith.index_cast %add3A_1050 : i32 to index
        %get3A_1064 = arith.constant 16 : index
        %get3A_1065 = tpu.vector_load %arg6[%get3A_1063, %get3A_1064] {strides = array<i32>} : memref<200x128xf32, #tpu.memory_space<vmem>>, vector<1x16xf32>,
        %get3A_1066 = vector.shape_cast %get3A_1065 : vector<1x16xf32> to vector<16xf32>
        %mul3A_1067 = arith.constant 11.3137083 : f32
        %mul3A_1068 = vector.broadcast %mul3A_1067 : f32 to vector<16xf32>
        %mul3A_1069 = arith.mulf %get3A_1066, %mul3A_1068 : vector<16xf32>
        %swap3A_1070 = arith.index_cast %add3A_1050 : i32 to index
        %swap3A_1071 = arith.constant 16 : index
        %swap3A_1072 = tpu.vector_load %arg6[%swap3A_1070, %swap3A_1071] {strides = array<i32>} : memref<200x128xf32, #tpu.memory_space<vmem>>, vector<1x16xf32>,
        %swap3A_1073 = vector.shape_cast %swap3A_1072 : vector<1x16xf32> to vector<16xf32>
        %swap3A_1074 = vector.shape_cast %mul3A_1069 : vector<16xf32> to vector<1x16xf32>
        tpu.vector_store %arg6[%swap3A_1070, %swap3A_1071], %swap3A_1074 {strides = array<i32>} : memref<200x128xf32, #tpu.memory_space<vmem>>, vector<1x16xf32>,
        %get3A_1075 = arith.index_cast %add3A_1050 : i32 to index
        %get3A_1076 = arith.constant 32 : index
        %get3A_1077 = tpu.vector_load %arg6[%get3A_1075, %get3A_1076] {strides = array<i32>} : memref<200x128xf32, #tpu.memory_space<vmem>>, vector<1x16xf32>,
        %get3A_1078 = vector.shape_cast %get3A_1077 : vector<1x16xf32> to vector<16xf32>
        %mul3A_1079 = arith.constant 11.3137083 : f32
        %mul3A_1080 = vector.broadcast %mul3A_1079 : f32 to vector<16xf32>
        %mul3A_1081 = arith.mulf %get3A_1078, %mul3A_1080 : vector<16xf32>
        %swap3A_1082 = arith.index_cast %add3A_1050 : i32 to index
        %swap3A_1083 = arith.constant 32 : index
        %swap3A_1084 = tpu.vector_load %arg6[%swap3A_1082, %swap3A_1083] {strides = array<i32>} : memref<200x128xf32, #tpu.memory_space<vmem>>, vector<1x16xf32>,
        %swap3A_1085 = vector.shape_cast %swap3A_1084 : vector<1x16xf32> to vector<16xf32>
        %swap3A_1086 = vector.shape_cast %mul3A_1081 : vector<16xf32> to vector<1x16xf32>
        tpu.vector_store %arg6[%swap3A_1082, %swap3A_1083], %swap3A_1086 {strides = array<i32>} : memref<200x128xf32, #tpu.memory_space<vmem>>, vector<1x16xf32>,
        %get3A_1087 = arith.index_cast %add3A_1050 : i32 to index
        %get3A_1088 = arith.constant 48 : index
        %get3A_1089 = tpu.vector_load %arg6[%get3A_1087, %get3A_1088] {strides = array<i32>} : memref<200x128xf32, #tpu.memory_space<vmem>>, vector<1x16xf32>,
        %get3A_1090 = vector.shape_cast %get3A_1089 : vector<1x16xf32> to vector<16xf32>
        %mul3A_1091 = arith.constant 11.3137083 : f32
        %mul3A_1092 = vector.broadcast %mul3A_1091 : f32 to vector<16xf32>
        %mul3A_1093 = arith.mulf %get3A_1090, %mul3A_1092 : vector<16xf32>
        %swap3A_1094 = arith.index_cast %add3A_1050 : i32 to index
        %swap3A_1095 = arith.constant 48 : index
        %swap3A_1096 = tpu.vector_load %arg6[%swap3A_1094, %swap3A_1095] {strides = array<i32>} : memref<200x128xf32, #tpu.memory_space<vmem>>, vector<1x16xf32>,
        %swap3A_1097 = vector.shape_cast %swap3A_1096 : vector<1x16xf32> to vector<16xf32>
        %swap3A_1098 = vector.shape_cast %mul3A_1093 : vector<16xf32> to vector<1x16xf32>
        tpu.vector_store %arg6[%swap3A_1094, %swap3A_1095], %swap3A_1098 {strides = array<i32>} : memref<200x128xf32, #tpu.memory_space<vmem>>, vector<1x16xf32>,
        %get3A_1099 = arith.index_cast %add3A_1050 : i32 to index
        %get3A_1100 = arith.constant 64 : index
        %get3A_1101 = tpu.vector_load %arg6[%get3A_1099, %get3A_1100] {strides = array<i32>} : memref<200x128xf32, #tpu.memory_space<vmem>>, vector<1x16xf32>,
        %get3A_1102 = vector.shape_cast %get3A_1101 : vector<1x16xf32> to vector<16xf32>
        %mul3A_1103 = arith.constant 11.3137083 : f32
        %mul3A_1104 = vector.broadcast %mul3A_1103 : f32 to vector<16xf32>
        %mul3A_1105 = arith.mulf %get3A_1102, %mul3A_1104 : vector<16xf32>
        %swap3A_1106 = arith.index_cast %add3A_1050 : i32 to index
        %swap3A_1107 = arith.constant 64 : index
        %swap3A_1108 = tpu.vector_load %arg6[%swap3A_1106, %swap3A_1107] {strides = array<i32>} : memref<200x128xf32, #tpu.memory_space<vmem>>, vector<1x16xf32>,
        %swap3A_1109 = vector.shape_cast %swap3A_1108 : vector<1x16xf32> to vector<16xf32>
        %swap3A_1110 = vector.shape_cast %mul3A_1105 : vector<16xf32> to vector<1x16xf32>
        tpu.vector_store %arg6[%swap3A_1106, %swap3A_1107], %swap3A_1110 {strides = array<i32>} : memref<200x128xf32, #tpu.memory_space<vmem>>, vector<1x16xf32>,
        %get3A_1111 = arith.index_cast %add3A_1050 : i32 to index
        %get3A_1112 = arith.constant 80 : index
        %get3A_1113 = tpu.vector_load %arg6[%get3A_1111, %get3A_1112] {strides = array<i32>} : memref<200x128xf32, #tpu.memory_space<vmem>>, vector<1x16xf32>,
        %get3A_1114 = vector.shape_cast %get3A_1113 : vector<1x16xf32> to vector<16xf32>
        %mul3A_1115 = arith.constant 11.3137083 : f32
        %mul3A_1116 = vector.broadcast %mul3A_1115 : f32 to vector<16xf32>
        %mul3A_1117 = arith.mulf %get3A_1114, %mul3A_1116 : vector<16xf32>
        %swap3A_1118 = arith.index_cast %add3A_1050 : i32 to index
        %swap3A_1119 = arith.constant 80 : index
        %swap3A_1120 = tpu.vector_load %arg6[%swap3A_1118, %swap3A_1119] {strides = array<i32>} : memref<200x128xf32, #tpu.memory_space<vmem>>, vector<1x16xf32>,
        %swap3A_1121 = vector.shape_cast %swap3A_1120 : vector<1x16xf32> to vector<16xf32>
        %swap3A_1122 = vector.shape_cast %mul3A_1117 : vector<16xf32> to vector<1x16xf32>
        tpu.vector_store %arg6[%swap3A_1118, %swap3A_1119], %swap3A_1122 {strides = array<i32>} : memref<200x128xf32, #tpu.memory_space<vmem>>, vector<1x16xf32>,
        %get3A_1123 = arith.index_cast %add3A_1050 : i32 to index
        %get3A_1124 = arith.constant 96 : index
        %get3A_1125 = tpu.vector_load %arg6[%get3A_1123, %get3A_1124] {strides = array<i32>} : memref<200x128xf32, #tpu.memory_space<vmem>>, vector<1x16xf32>,
        %get3A_1126 = vector.shape_cast %get3A_1125 : vector<1x16xf32> to vector<16xf32>
        %mul3A_1127 = arith.constant 11.3137083 : f32
        %mul3A_1128 = vector.broadcast %mul3A_1127 : f32 to vector<16xf32>
        %mul3A_1129 = arith.mulf %get3A_1126, %mul3A_1128 : vector<16xf32>
        %swap3A_1130 = arith.index_cast %add3A_1050 : i32 to index
        %swap3A_1131 = arith.constant 96 : index
        %swap3A_1132 = tpu.vector_load %arg6[%swap3A_1130, %swap3A_1131] {strides = array<i32>} : memref<200x128xf32, #tpu.memory_space<vmem>>, vector<1x16xf32>,
        %swap3A_1133 = vector.shape_cast %swap3A_1132 : vector<1x16xf32> to vector<16xf32>
        %swap3A_1134 = vector.shape_cast %mul3A_1129 : vector<16xf32> to vector<1x16xf32>
        tpu.vector_store %arg6[%swap3A_1130, %swap3A_1131], %swap3A_1134 {strides = array<i32>} : memref<200x128xf32, #tpu.memory_space<vmem>>, vector<1x16xf32>,
        %get3A_1135 = arith.index_cast %add3A_1050 : i32 to index
        %get3A_1136 = arith.constant 112 : index
        %get3A_1137 = tpu.vector_load %arg6[%get3A_1135, %get3A_1136] {strides = array<i32>} : memref<200x128xf32, #tpu.memory_space<vmem>>, vector<1x16xf32>,
        %get3A_1138 = vector.shape_cast %get3A_1137 : vector<1x16xf32> to vector<16xf32>
        %mul3A_1139 = arith.constant 11.3137083 : f32
        %mul3A_1140 = vector.broadcast %mul3A_1139 : f32 to vector<16xf32>
        %mul3A_1141 = arith.mulf %get3A_1138, %mul3A_1140 : vector<16xf32>
        %swap3A_1142 = arith.index_cast %add3A_1050 : i32 to index
        %swap3A_1143 = arith.constant 112 : index
        %swap3A_1144 = tpu.vector_load %arg6[%swap3A_1142, %swap3A_1143] {strides = array<i32>} : memref<200x128xf32, #tpu.memory_space<vmem>>, vector<1x16xf32>,
        %swap3A_1145 = vector.shape_cast %swap3A_1144 : vector<1x16xf32> to vector<16xf32>
        %swap3A_1146 = vector.shape_cast %mul3A_1141 : vector<16xf32> to vector<1x16xf32>
        tpu.vector_store %arg6[%swap3A_1142, %swap3A_1143], %swap3A_1146 {strides = array<i32>} : memref<200x128xf32, #tpu.memory_space<vmem>>, vector<1x16xf32>,
        %scan3A_1147 = arith.constant 4 : i32
        %scan3A_1148 = arith.addi %scan3A_742, %scan3A_1147 : i32
        %mul3A_1149 = arith.constant 1 : i32
        %mul3A_1150 = arith.muli %scan3A_1148, %mul3A_1149 : i32
        %add3A_1151 = arith.constant 0 : i32
        %add3A_1152 = arith.addi %add3A_1151, %mul3A_1150 : i32
        %get3A_1153 = arith.index_cast %add3A_1152 : i32 to index
        %get3A_1154 = arith.constant 0 : index
        %get3A_1155 = tpu.vector_load %arg6[%get3A_1153, %get3A_1154] {strides = array<i32>} : memref<200x128xf32, #tpu.memory_space<vmem>>, vector<1x16xf32>,
        %get3A_1156 = vector.shape_cast %get3A_1155 : vector<1x16xf32> to vector<16xf32>
        %mul3A_1157 = arith.constant 11.3137083 : f32
        %mul3A_1158 = vector.broadcast %mul3A_1157 : f32 to vector<16xf32>
        %mul3A_1159 = arith.mulf %get3A_1156, %mul3A_1158 : vector<16xf32>
        %swap3A_1160 = arith.index_cast %add3A_1152 : i32 to index
        %swap3A_1161 = arith.constant 0 : index
        %swap3A_1162 = tpu.vector_load %arg6[%swap3A_1160, %swap3A_1161] {strides = array<i32>} : memref<200x128xf32, #tpu.memory_space<vmem>>, vector<1x16xf32>,
        %swap3A_1163 = vector.shape_cast %swap3A_1162 : vector<1x16xf32> to vector<16xf32>
        %swap3A_1164 = vector.shape_cast %mul3A_1159 : vector<16xf32> to vector<1x16xf32>
        tpu.vector_store %arg6[%swap3A_1160, %swap3A_1161], %swap3A_1164 {strides = array<i32>} : memref<200x128xf32, #tpu.memory_space<vmem>>, vector<1x16xf32>,
        %get3A_1165 = arith.index_cast %add3A_1152 : i32 to index
        %get3A_1166 = arith.constant 16 : index
        %get3A_1167 = tpu.vector_load %arg6[%get3A_1165, %get3A_1166] {strides = array<i32>} : memref<200x128xf32, #tpu.memory_space<vmem>>, vector<1x16xf32>,
        %get3A_1168 = vector.shape_cast %get3A_1167 : vector<1x16xf32> to vector<16xf32>
        %mul3A_1169 = arith.constant 11.3137083 : f32
        %mul3A_1170 = vector.broadcast %mul3A_1169 : f32 to vector<16xf32>
        %mul3A_1171 = arith.mulf %get3A_1168, %mul3A_1170 : vector<16xf32>
        %swap3A_1172 = arith.index_cast %add3A_1152 : i32 to index
        %swap3A_1173 = arith.constant 16 : index
        %swap3A_1174 = tpu.vector_load %arg6[%swap3A_1172, %swap3A_1173] {strides = array<i32>} : memref<200x128xf32, #tpu.memory_space<vmem>>, vector<1x16xf32>,
        %swap3A_1175 = vector.shape_cast %swap3A_1174 : vector<1x16xf32> to vector<16xf32>
        %swap3A_1176 = vector.shape_cast %mul3A_1171 : vector<16xf32> to vector<1x16xf32>
        tpu.vector_store %arg6[%swap3A_1172, %swap3A_1173], %swap3A_1176 {strides = array<i32>} : memref<200x128xf32, #tpu.memory_space<vmem>>, vector<1x16xf32>,
        %get3A_1177 = arith.index_cast %add3A_1152 : i32 to index
        %get3A_1178 = arith.constant 32 : index
        %get3A_1179 = tpu.vector_load %arg6[%get3A_1177, %get3A_1178] {strides = array<i32>} : memref<200x128xf32, #tpu.memory_space<vmem>>, vector<1x16xf32>,
        %get3A_1180 = vector.shape_cast %get3A_1179 : vector<1x16xf32> to vector<16xf32>
        %mul3A_1181 = arith.constant 11.3137083 : f32
        %mul3A_1182 = vector.broadcast %mul3A_1181 : f32 to vector<16xf32>
        %mul3A_1183 = arith.mulf %get3A_1180, %mul3A_1182 : vector<16xf32>
        %swap3A_1184 = arith.index_cast %add3A_1152 : i32 to index
        %swap3A_1185 = arith.constant 32 : index
        %swap3A_1186 = tpu.vector_load %arg6[%swap3A_1184, %swap3A_1185] {strides = array<i32>} : memref<200x128xf32, #tpu.memory_space<vmem>>, vector<1x16xf32>,
        %swap3A_1187 = vector.shape_cast %swap3A_1186 : vector<1x16xf32> to vector<16xf32>
        %swap3A_1188 = vector.shape_cast %mul3A_1183 : vector<16xf32> to vector<1x16xf32>
        tpu.vector_store %arg6[%swap3A_1184, %swap3A_1185], %swap3A_1188 {strides = array<i32>} : memref<200x128xf32, #tpu.memory_space<vmem>>, vector<1x16xf32>,
        %get3A_1189 = arith.index_cast %add3A_1152 : i32 to index
        %get3A_1190 = arith.constant 48 : index
        %get3A_1191 = tpu.vector_load %arg6[%get3A_1189, %get3A_1190] {strides = array<i32>} : memref<200x128xf32, #tpu.memory_space<vmem>>, vector<1x16xf32>,
        %get3A_1192 = vector.shape_cast %get3A_1191 : vector<1x16xf32> to vector<16xf32>
        %mul3A_1193 = arith.constant 11.3137083 : f32
        %mul3A_1194 = vector.broadcast %mul3A_1193 : f32 to vector<16xf32>
        %mul3A_1195 = arith.mulf %get3A_1192, %mul3A_1194 : vector<16xf32>
        %swap3A_1196 = arith.index_cast %add3A_1152 : i32 to index
        %swap3A_1197 = arith.constant 48 : index
        %swap3A_1198 = tpu.vector_load %arg6[%swap3A_1196, %swap3A_1197] {strides = array<i32>} : memref<200x128xf32, #tpu.memory_space<vmem>>, vector<1x16xf32>,
        %swap3A_1199 = vector.shape_cast %swap3A_1198 : vector<1x16xf32> to vector<16xf32>
        %swap3A_1200 = vector.shape_cast %mul3A_1195 : vector<16xf32> to vector<1x16xf32>
        tpu.vector_store %arg6[%swap3A_1196, %swap3A_1197], %swap3A_1200 {strides = array<i32>} : memref<200x128xf32, #tpu.memory_space<vmem>>, vector<1x16xf32>,
        %get3A_1201 = arith.index_cast %add3A_1152 : i32 to index
        %get3A_1202 = arith.constant 64 : index
        %get3A_1203 = tpu.vector_load %arg6[%get3A_1201, %get3A_1202] {strides = array<i32>} : memref<200x128xf32, #tpu.memory_space<vmem>>, vector<1x16xf32>,
        %get3A_1204 = vector.shape_cast %get3A_1203 : vector<1x16xf32> to vector<16xf32>
        %mul3A_1205 = arith.constant 11.3137083 : f32
        %mul3A_1206 = vector.broadcast %mul3A_1205 : f32 to vector<16xf32>
        %mul3A_1207 = arith.mulf %get3A_1204, %mul3A_1206 : vector<16xf32>
        %swap3A_1208 = arith.index_cast %add3A_1152 : i32 to index
        %swap3A_1209 = arith.constant 64 : index
        %swap3A_1210 = tpu.vector_load %arg6[%swap3A_1208, %swap3A_1209] {strides = array<i32>} : memref<200x128xf32, #tpu.memory_space<vmem>>, vector<1x16xf32>,
        %swap3A_1211 = vector.shape_cast %swap3A_1210 : vector<1x16xf32> to vector<16xf32>
        %swap3A_1212 = vector.shape_cast %mul3A_1207 : vector<16xf32> to vector<1x16xf32>
        tpu.vector_store %arg6[%swap3A_1208, %swap3A_1209], %swap3A_1212 {strides = array<i32>} : memref<200x128xf32, #tpu.memory_space<vmem>>, vector<1x16xf32>,
        %get3A_1213 = arith.index_cast %add3A_1152 : i32 to index
        %get3A_1214 = arith.constant 80 : index
        %get3A_1215 = tpu.vector_load %arg6[%get3A_1213, %get3A_1214] {strides = array<i32>} : memref<200x128xf32, #tpu.memory_space<vmem>>, vector<1x16xf32>,
        %get3A_1216 = vector.shape_cast %get3A_1215 : vector<1x16xf32> to vector<16xf32>
        %mul3A_1217 = arith.constant 11.3137083 : f32
        %mul3A_1218 = vector.broadcast %mul3A_1217 : f32 to vector<16xf32>
        %mul3A_1219 = arith.mulf %get3A_1216, %mul3A_1218 : vector<16xf32>
        %swap3A_1220 = arith.index_cast %add3A_1152 : i32 to index
        %swap3A_1221 = arith.constant 80 : index
        %swap3A_1222 = tpu.vector_load %arg6[%swap3A_1220, %swap3A_1221] {strides = array<i32>} : memref<200x128xf32, #tpu.memory_space<vmem>>, vector<1x16xf32>,
        %swap3A_1223 = vector.shape_cast %swap3A_1222 : vector<1x16xf32> to vector<16xf32>
        %swap3A_1224 = vector.shape_cast %mul3A_1219 : vector<16xf32> to vector<1x16xf32>
        tpu.vector_store %arg6[%swap3A_1220, %swap3A_1221], %swap3A_1224 {strides = array<i32>} : memref<200x128xf32, #tpu.memory_space<vmem>>, vector<1x16xf32>,
        %get3A_1225 = arith.index_cast %add3A_1152 : i32 to index
        %get3A_1226 = arith.constant 96 : index
        %get3A_1227 = tpu.vector_load %arg6[%get3A_1225, %get3A_1226] {strides = array<i32>} : memref<200x128xf32, #tpu.memory_space<vmem>>, vector<1x16xf32>,
        %get3A_1228 = vector.shape_cast %get3A_1227 : vector<1x16xf32> to vector<16xf32>
        %mul3A_1229 = arith.constant 11.3137083 : f32
        %mul3A_1230 = vector.broadcast %mul3A_1229 : f32 to vector<16xf32>
        %mul3A_1231 = arith.mulf %get3A_1228, %mul3A_1230 : vector<16xf32>
        %swap3A_1232 = arith.index_cast %add3A_1152 : i32 to index
        %swap3A_1233 = arith.constant 96 : index
        %swap3A_1234 = tpu.vector_load %arg6[%swap3A_1232, %swap3A_1233] {strides = array<i32>} : memref<200x128xf32, #tpu.memory_space<vmem>>, vector<1x16xf32>,
        %swap3A_1235 = vector.shape_cast %swap3A_1234 : vector<1x16xf32> to vector<16xf32>
        %swap3A_1236 = vector.shape_cast %mul3A_1231 : vector<16xf32> to vector<1x16xf32>
        tpu.vector_store %arg6[%swap3A_1232, %swap3A_1233], %swap3A_1236 {strides = array<i32>} : memref<200x128xf32, #tpu.memory_space<vmem>>, vector<1x16xf32>,
        %get3A_1237 = arith.index_cast %add3A_1152 : i32 to index
        %get3A_1238 = arith.constant 112 : index
        %get3A_1239 = tpu.vector_load %arg6[%get3A_1237, %get3A_1238] {strides = array<i32>} : memref<200x128xf32, #tpu.memory_space<vmem>>, vector<1x16xf32>,
        %get3A_1240 = vector.shape_cast %get3A_1239 : vector<1x16xf32> to vector<16xf32>
        %mul3A_1241 = arith.constant 11.3137083 : f32
        %mul3A_1242 = vector.broadcast %mul3A_1241 : f32 to vector<16xf32>
        %mul3A_1243 = arith.mulf %get3A_1240, %mul3A_1242 : vector<16xf32>
        %swap3A_1244 = arith.index_cast %add3A_1152 : i32 to index
        %swap3A_1245 = arith.constant 112 : index
        %swap3A_1246 = tpu.vector_load %arg6[%swap3A_1244, %swap3A_1245] {strides = array<i32>} : memref<200x128xf32, #tpu.memory_space<vmem>>, vector<1x16xf32>,
        %swap3A_1247 = vector.shape_cast %swap3A_1246 : vector<1x16xf32> to vector<16xf32>
        %swap3A_1248 = vector.shape_cast %mul3A_1243 : vector<16xf32> to vector<1x16xf32>
        tpu.vector_store %arg6[%swap3A_1244, %swap3A_1245], %swap3A_1248 {strides = array<i32>} : memref<200x128xf32, #tpu.memory_space<vmem>>, vector<1x16xf32>,
        %scan3A_1249 = arith.constant 5 : i32
        %scan3A_1250 = arith.addi %scan3A_742, %scan3A_1249 : i32
        %mul3A_1251 = arith.constant 1 : i32
        %mul3A_1252 = arith.muli %scan3A_1250, %mul3A_1251 : i32
        %add3A_1253 = arith.constant 0 : i32
        %add3A_1254 = arith.addi %add3A_1253, %mul3A_1252 : i32
        %get3A_1255 = arith.index_cast %add3A_1254 : i32 to index
        %get3A_1256 = arith.constant 0 : index
        %get3A_1257 = tpu.vector_load %arg6[%get3A_1255, %get3A_1256] {strides = array<i32>} : memref<200x128xf32, #tpu.memory_space<vmem>>, vector<1x16xf32>,
        %get3A_1258 = vector.shape_cast %get3A_1257 : vector<1x16xf32> to vector<16xf32>
        %mul3A_1259 = arith.constant 11.3137083 : f32
        %mul3A_1260 = vector.broadcast %mul3A_1259 : f32 to vector<16xf32>
        %mul3A_1261 = arith.mulf %get3A_1258, %mul3A_1260 : vector<16xf32>
        %swap3A_1262 = arith.index_cast %add3A_1254 : i32 to index
        %swap3A_1263 = arith.constant 0 : index
        %swap3A_1264 = tpu.vector_load %arg6[%swap3A_1262, %swap3A_1263] {strides = array<i32>} : memref<200x128xf32, #tpu.memory_space<vmem>>, vector<1x16xf32>,
        %swap3A_1265 = vector.shape_cast %swap3A_1264 : vector<1x16xf32> to vector<16xf32>
        %swap3A_1266 = vector.shape_cast %mul3A_1261 : vector<16xf32> to vector<1x16xf32>
        tpu.vector_store %arg6[%swap3A_1262, %swap3A_1263], %swap3A_1266 {strides = array<i32>} : memref<200x128xf32, #tpu.memory_space<vmem>>, vector<1x16xf32>,
        %get3A_1267 = arith.index_cast %add3A_1254 : i32 to index
        %get3A_1268 = arith.constant 16 : index
        %get3A_1269 = tpu.vector_load %arg6[%get3A_1267, %get3A_1268] {strides = array<i32>} : memref<200x128xf32, #tpu.memory_space<vmem>>, vector<1x16xf32>,
        %get3A_1270 = vector.shape_cast %get3A_1269 : vector<1x16xf32> to vector<16xf32>
        %mul3A_1271 = arith.constant 11.3137083 : f32
        %mul3A_1272 = vector.broadcast %mul3A_1271 : f32 to vector<16xf32>
        %mul3A_1273 = arith.mulf %get3A_1270, %mul3A_1272 : vector<16xf32>
        %swap3A_1274 = arith.index_cast %add3A_1254 : i32 to index
        %swap3A_1275 = arith.constant 16 : index
        %swap3A_1276 = tpu.vector_load %arg6[%swap3A_1274, %swap3A_1275] {strides = array<i32>} : memref<200x128xf32, #tpu.memory_space<vmem>>, vector<1x16xf32>,
        %swap3A_1277 = vector.shape_cast %swap3A_1276 : vector<1x16xf32> to vector<16xf32>
        %swap3A_1278 = vector.shape_cast %mul3A_1273 : vector<16xf32> to vector<1x16xf32>
        tpu.vector_store %arg6[%swap3A_1274, %swap3A_1275], %swap3A_1278 {strides = array<i32>} : memref<200x128xf32, #tpu.memory_space<vmem>>, vector<1x16xf32>,
        %get3A_1279 = arith.index_cast %add3A_1254 : i32 to index
        %get3A_1280 = arith.constant 32 : index
        %get3A_1281 = tpu.vector_load %arg6[%get3A_1279, %get3A_1280] {strides = array<i32>} : memref<200x128xf32, #tpu.memory_space<vmem>>, vector<1x16xf32>,
        %get3A_1282 = vector.shape_cast %get3A_1281 : vector<1x16xf32> to vector<16xf32>
        %mul3A_1283 = arith.constant 11.3137083 : f32
        %mul3A_1284 = vector.broadcast %mul3A_1283 : f32 to vector<16xf32>
        %mul3A_1285 = arith.mulf %get3A_1282, %mul3A_1284 : vector<16xf32>
        %swap3A_1286 = arith.index_cast %add3A_1254 : i32 to index
        %swap3A_1287 = arith.constant 32 : index
        %swap3A_1288 = tpu.vector_load %arg6[%swap3A_1286, %swap3A_1287] {strides = array<i32>} : memref<200x128xf32, #tpu.memory_space<vmem>>, vector<1x16xf32>,
        %swap3A_1289 = vector.shape_cast %swap3A_1288 : vector<1x16xf32> to vector<16xf32>
        %swap3A_1290 = vector.shape_cast %mul3A_1285 : vector<16xf32> to vector<1x16xf32>
        tpu.vector_store %arg6[%swap3A_1286, %swap3A_1287], %swap3A_1290 {strides = array<i32>} : memref<200x128xf32, #tpu.memory_space<vmem>>, vector<1x16xf32>,
        %get3A_1291 = arith.index_cast %add3A_1254 : i32 to index
        %get3A_1292 = arith.constant 48 : index
        %get3A_1293 = tpu.vector_load %arg6[%get3A_1291, %get3A_1292] {strides = array<i32>} : memref<200x128xf32, #tpu.memory_space<vmem>>, vector<1x16xf32>,
        %get3A_1294 = vector.shape_cast %get3A_1293 : vector<1x16xf32> to vector<16xf32>
        %mul3A_1295 = arith.constant 11.3137083 : f32
        %mul3A_1296 = vector.broadcast %mul3A_1295 : f32 to vector<16xf32>
        %mul3A_1297 = arith.mulf %get3A_1294, %mul3A_1296 : vector<16xf32>
        %swap3A_1298 = arith.index_cast %add3A_1254 : i32 to index
        %swap3A_1299 = arith.constant 48 : index
        %swap3A_1300 = tpu.vector_load %arg6[%swap3A_1298, %swap3A_1299] {strides = array<i32>} : memref<200x128xf32, #tpu.memory_space<vmem>>, vector<1x16xf32>,
        %swap3A_1301 = vector.shape_cast %swap3A_1300 : vector<1x16xf32> to vector<16xf32>
        %swap3A_1302 = vector.shape_cast %mul3A_1297 : vector<16xf32> to vector<1x16xf32>
        tpu.vector_store %arg6[%swap3A_1298, %swap3A_1299], %swap3A_1302 {strides = array<i32>} : memref<200x128xf32, #tpu.memory_space<vmem>>, vector<1x16xf32>,
        %get3A_1303 = arith.index_cast %add3A_1254 : i32 to index
        %get3A_1304 = arith.constant 64 : index
        %get3A_1305 = tpu.vector_load %arg6[%get3A_1303, %get3A_1304] {strides = array<i32>} : memref<200x128xf32, #tpu.memory_space<vmem>>, vector<1x16xf32>,
        %get3A_1306 = vector.shape_cast %get3A_1305 : vector<1x16xf32> to vector<16xf32>
        %mul3A_1307 = arith.constant 11.3137083 : f32
        %mul3A_1308 = vector.broadcast %mul3A_1307 : f32 to vector<16xf32>
        %mul3A_1309 = arith.mulf %get3A_1306, %mul3A_1308 : vector<16xf32>
        %swap3A_1310 = arith.index_cast %add3A_1254 : i32 to index
        %swap3A_1311 = arith.constant 64 : index
        %swap3A_1312 = tpu.vector_load %arg6[%swap3A_1310, %swap3A_1311] {strides = array<i32>} : memref<200x128xf32, #tpu.memory_space<vmem>>, vector<1x16xf32>,
        %swap3A_1313 = vector.shape_cast %swap3A_1312 : vector<1x16xf32> to vector<16xf32>
        %swap3A_1314 = vector.shape_cast %mul3A_1309 : vector<16xf32> to vector<1x16xf32>
        tpu.vector_store %arg6[%swap3A_1310, %swap3A_1311], %swap3A_1314 {strides = array<i32>} : memref<200x128xf32, #tpu.memory_space<vmem>>, vector<1x16xf32>,
        %get3A_1315 = arith.index_cast %add3A_1254 : i32 to index
        %get3A_1316 = arith.constant 80 : index
        %get3A_1317 = tpu.vector_load %arg6[%get3A_1315, %get3A_1316] {strides = array<i32>} : memref<200x128xf32, #tpu.memory_space<vmem>>, vector<1x16xf32>,
        %get3A_1318 = vector.shape_cast %get3A_1317 : vector<1x16xf32> to vector<16xf32>
        %mul3A_1319 = arith.constant 11.3137083 : f32
        %mul3A_1320 = vector.broadcast %mul3A_1319 : f32 to vector<16xf32>
        %mul3A_1321 = arith.mulf %get3A_1318, %mul3A_1320 : vector<16xf32>
        %swap3A_1322 = arith.index_cast %add3A_1254 : i32 to index
        %swap3A_1323 = arith.constant 80 : index
        %swap3A_1324 = tpu.vector_load %arg6[%swap3A_1322, %swap3A_1323] {strides = array<i32>} : memref<200x128xf32, #tpu.memory_space<vmem>>, vector<1x16xf32>,
        %swap3A_1325 = vector.shape_cast %swap3A_1324 : vector<1x16xf32> to vector<16xf32>
        %swap3A_1326 = vector.shape_cast %mul3A_1321 : vector<16xf32> to vector<1x16xf32>
        tpu.vector_store %arg6[%swap3A_1322, %swap3A_1323], %swap3A_1326 {strides = array<i32>} : memref<200x128xf32, #tpu.memory_space<vmem>>, vector<1x16xf32>,
        %get3A_1327 = arith.index_cast %add3A_1254 : i32 to index
        %get3A_1328 = arith.constant 96 : index
        %get3A_1329 = tpu.vector_load %arg6[%get3A_1327, %get3A_1328] {strides = array<i32>} : memref<200x128xf32, #tpu.memory_space<vmem>>, vector<1x16xf32>,
        %get3A_1330 = vector.shape_cast %get3A_1329 : vector<1x16xf32> to vector<16xf32>
        %mul3A_1331 = arith.constant 11.3137083 : f32
        %mul3A_1332 = vector.broadcast %mul3A_1331 : f32 to vector<16xf32>
        %mul3A_1333 = arith.mulf %get3A_1330, %mul3A_1332 : vector<16xf32>
        %swap3A_1334 = arith.index_cast %add3A_1254 : i32 to index
        %swap3A_1335 = arith.constant 96 : index
        %swap3A_1336 = tpu.vector_load %arg6[%swap3A_1334, %swap3A_1335] {strides = array<i32>} : memref<200x128xf32, #tpu.memory_space<vmem>>, vector<1x16xf32>,
        %swap3A_1337 = vector.shape_cast %swap3A_1336 : vector<1x16xf32> to vector<16xf32>
        %swap3A_1338 = vector.shape_cast %mul3A_1333 : vector<16xf32> to vector<1x16xf32>
        tpu.vector_store %arg6[%swap3A_1334, %swap3A_1335], %swap3A_1338 {strides = array<i32>} : memref<200x128xf32, #tpu.memory_space<vmem>>, vector<1x16xf32>,
        %get3A_1339 = arith.index_cast %add3A_1254 : i32 to index
        %get3A_1340 = arith.constant 112 : index
        %get3A_1341 = tpu.vector_load %arg6[%get3A_1339, %get3A_1340] {strides = array<i32>} : memref<200x128xf32, #tpu.memory_space<vmem>>, vector<1x16xf32>,
        %get3A_1342 = vector.shape_cast %get3A_1341 : vector<1x16xf32> to vector<16xf32>
        %mul3A_1343 = arith.constant 11.3137083 : f32
        %mul3A_1344 = vector.broadcast %mul3A_1343 : f32 to vector<16xf32>
        %mul3A_1345 = arith.mulf %get3A_1342, %mul3A_1344 : vector<16xf32>
        %swap3A_1346 = arith.index_cast %add3A_1254 : i32 to index
        %swap3A_1347 = arith.constant 112 : index
        %swap3A_1348 = tpu.vector_load %arg6[%swap3A_1346, %swap3A_1347] {strides = array<i32>} : memref<200x128xf32, #tpu.memory_space<vmem>>, vector<1x16xf32>,
        %swap3A_1349 = vector.shape_cast %swap3A_1348 : vector<1x16xf32> to vector<16xf32>
        %swap3A_1350 = vector.shape_cast %mul3A_1345 : vector<16xf32> to vector<1x16xf32>
        tpu.vector_store %arg6[%swap3A_1346, %swap3A_1347], %swap3A_1350 {strides = array<i32>} : memref<200x128xf32, #tpu.memory_space<vmem>>, vector<1x16xf32>,
        %scan3A_1351 = arith.constant 6 : i32
        %scan3A_1352 = arith.addi %scan3A_742, %scan3A_1351 : i32
        %mul3A_1353 = arith.constant 1 : i32
        %mul3A_1354 = arith.muli %scan3A_1352, %mul3A_1353 : i32
        %add3A_1355 = arith.constant 0 : i32
        %add3A_1356 = arith.addi %add3A_1355, %mul3A_1354 : i32
        %get3A_1357 = arith.index_cast %add3A_1356 : i32 to index
        %get3A_1358 = arith.constant 0 : index
        %get3A_1359 = tpu.vector_load %arg6[%get3A_1357, %get3A_1358] {strides = array<i32>} : memref<200x128xf32, #tpu.memory_space<vmem>>, vector<1x16xf32>,
        %get3A_1360 = vector.shape_cast %get3A_1359 : vector<1x16xf32> to vector<16xf32>
        %mul3A_1361 = arith.constant 11.3137083 : f32
        %mul3A_1362 = vector.broadcast %mul3A_1361 : f32 to vector<16xf32>
        %mul3A_1363 = arith.mulf %get3A_1360, %mul3A_1362 : vector<16xf32>
        %swap3A_1364 = arith.index_cast %add3A_1356 : i32 to index
        %swap3A_1365 = arith.constant 0 : index
        %swap3A_1366 = tpu.vector_load %arg6[%swap3A_1364, %swap3A_1365] {strides = array<i32>} : memref<200x128xf32, #tpu.memory_space<vmem>>, vector<1x16xf32>,
        %swap3A_1367 = vector.shape_cast %swap3A_1366 : vector<1x16xf32> to vector<16xf32>
        %swap3A_1368 = vector.shape_cast %mul3A_1363 : vector<16xf32> to vector<1x16xf32>
        tpu.vector_store %arg6[%swap3A_1364, %swap3A_1365], %swap3A_1368 {strides = array<i32>} : memref<200x128xf32, #tpu.memory_space<vmem>>, vector<1x16xf32>,
        %get3A_1369 = arith.index_cast %add3A_1356 : i32 to index
        %get3A_1370 = arith.constant 16 : index
        %get3A_1371 = tpu.vector_load %arg6[%get3A_1369, %get3A_1370] {strides = array<i32>} : memref<200x128xf32, #tpu.memory_space<vmem>>, vector<1x16xf32>,
        %get3A_1372 = vector.shape_cast %get3A_1371 : vector<1x16xf32> to vector<16xf32>
        %mul3A_1373 = arith.constant 11.3137083 : f32
        %mul3A_1374 = vector.broadcast %mul3A_1373 : f32 to vector<16xf32>
        %mul3A_1375 = arith.mulf %get3A_1372, %mul3A_1374 : vector<16xf32>
        %swap3A_1376 = arith.index_cast %add3A_1356 : i32 to index
        %swap3A_1377 = arith.constant 16 : index
        %swap3A_1378 = tpu.vector_load %arg6[%swap3A_1376, %swap3A_1377] {strides = array<i32>} : memref<200x128xf32, #tpu.memory_space<vmem>>, vector<1x16xf32>,
        %swap3A_1379 = vector.shape_cast %swap3A_1378 : vector<1x16xf32> to vector<16xf32>
        %swap3A_1380 = vector.shape_cast %mul3A_1375 : vector<16xf32> to vector<1x16xf32>
        tpu.vector_store %arg6[%swap3A_1376, %swap3A_1377], %swap3A_1380 {strides = array<i32>} : memref<200x128xf32, #tpu.memory_space<vmem>>, vector<1x16xf32>,
        %get3A_1381 = arith.index_cast %add3A_1356 : i32 to index
        %get3A_1382 = arith.constant 32 : index
        %get3A_1383 = tpu.vector_load %arg6[%get3A_1381, %get3A_1382] {strides = array<i32>} : memref<200x128xf32, #tpu.memory_space<vmem>>, vector<1x16xf32>,
        %get3A_1384 = vector.shape_cast %get3A_1383 : vector<1x16xf32> to vector<16xf32>
        %mul3A_1385 = arith.constant 11.3137083 : f32
        %mul3A_1386 = vector.broadcast %mul3A_1385 : f32 to vector<16xf32>
        %mul3A_1387 = arith.mulf %get3A_1384, %mul3A_1386 : vector<16xf32>
        %swap3A_1388 = arith.index_cast %add3A_1356 : i32 to index
        %swap3A_1389 = arith.constant 32 : index
        %swap3A_1390 = tpu.vector_load %arg6[%swap3A_1388, %swap3A_1389] {strides = array<i32>} : memref<200x128xf32, #tpu.memory_space<vmem>>, vector<1x16xf32>,
        %swap3A_1391 = vector.shape_cast %swap3A_1390 : vector<1x16xf32> to vector<16xf32>
        %swap3A_1392 = vector.shape_cast %mul3A_1387 : vector<16xf32> to vector<1x16xf32>
        tpu.vector_store %arg6[%swap3A_1388, %swap3A_1389], %swap3A_1392 {strides = array<i32>} : memref<200x128xf32, #tpu.memory_space<vmem>>, vector<1x16xf32>,
        %get3A_1393 = arith.index_cast %add3A_1356 : i32 to index
        %get3A_1394 = arith.constant 48 : index
        %get3A_1395 = tpu.vector_load %arg6[%get3A_1393, %get3A_1394] {strides = array<i32>} : memref<200x128xf32, #tpu.memory_space<vmem>>, vector<1x16xf32>,
        %get3A_1396 = vector.shape_cast %get3A_1395 : vector<1x16xf32> to vector<16xf32>
        %mul3A_1397 = arith.constant 11.3137083 : f32
        %mul3A_1398 = vector.broadcast %mul3A_1397 : f32 to vector<16xf32>
        %mul3A_1399 = arith.mulf %get3A_1396, %mul3A_1398 : vector<16xf32>
        %swap3A_1400 = arith.index_cast %add3A_1356 : i32 to index
        %swap3A_1401 = arith.constant 48 : index
        %swap3A_1402 = tpu.vector_load %arg6[%swap3A_1400, %swap3A_1401] {strides = array<i32>} : memref<200x128xf32, #tpu.memory_space<vmem>>, vector<1x16xf32>,
        %swap3A_1403 = vector.shape_cast %swap3A_1402 : vector<1x16xf32> to vector<16xf32>
        %swap3A_1404 = vector.shape_cast %mul3A_1399 : vector<16xf32> to vector<1x16xf32>
        tpu.vector_store %arg6[%swap3A_1400, %swap3A_1401], %swap3A_1404 {strides = array<i32>} : memref<200x128xf32, #tpu.memory_space<vmem>>, vector<1x16xf32>,
        %get3A_1405 = arith.index_cast %add3A_1356 : i32 to index
        %get3A_1406 = arith.constant 64 : index
        %get3A_1407 = tpu.vector_load %arg6[%get3A_1405, %get3A_1406] {strides = array<i32>} : memref<200x128xf32, #tpu.memory_space<vmem>>, vector<1x16xf32>,
        %get3A_1408 = vector.shape_cast %get3A_1407 : vector<1x16xf32> to vector<16xf32>
        %mul3A_1409 = arith.constant 11.3137083 : f32
        %mul3A_1410 = vector.broadcast %mul3A_1409 : f32 to vector<16xf32>
        %mul3A_1411 = arith.mulf %get3A_1408, %mul3A_1410 : vector<16xf32>
        %swap3A_1412 = arith.index_cast %add3A_1356 : i32 to index
        %swap3A_1413 = arith.constant 64 : index
        %swap3A_1414 = tpu.vector_load %arg6[%swap3A_1412, %swap3A_1413] {strides = array<i32>} : memref<200x128xf32, #tpu.memory_space<vmem>>, vector<1x16xf32>,
        %swap3A_1415 = vector.shape_cast %swap3A_1414 : vector<1x16xf32> to vector<16xf32>
        %swap3A_1416 = vector.shape_cast %mul3A_1411 : vector<16xf32> to vector<1x16xf32>
        tpu.vector_store %arg6[%swap3A_1412, %swap3A_1413], %swap3A_1416 {strides = array<i32>} : memref<200x128xf32, #tpu.memory_space<vmem>>, vector<1x16xf32>,
        %get3A_1417 = arith.index_cast %add3A_1356 : i32 to index
        %get3A_1418 = arith.constant 80 : index
        %get3A_1419 = tpu.vector_load %arg6[%get3A_1417, %get3A_1418] {strides = array<i32>} : memref<200x128xf32, #tpu.memory_space<vmem>>, vector<1x16xf32>,
        %get3A_1420 = vector.shape_cast %get3A_1419 : vector<1x16xf32> to vector<16xf32>
        %mul3A_1421 = arith.constant 11.3137083 : f32
        %mul3A_1422 = vector.broadcast %mul3A_1421 : f32 to vector<16xf32>
        %mul3A_1423 = arith.mulf %get3A_1420, %mul3A_1422 : vector<16xf32>
        %swap3A_1424 = arith.index_cast %add3A_1356 : i32 to index
        %swap3A_1425 = arith.constant 80 : index
        %swap3A_1426 = tpu.vector_load %arg6[%swap3A_1424, %swap3A_1425] {strides = array<i32>} : memref<200x128xf32, #tpu.memory_space<vmem>>, vector<1x16xf32>,
        %swap3A_1427 = vector.shape_cast %swap3A_1426 : vector<1x16xf32> to vector<16xf32>
        %swap3A_1428 = vector.shape_cast %mul3A_1423 : vector<16xf32> to vector<1x16xf32>
        tpu.vector_store %arg6[%swap3A_1424, %swap3A_1425], %swap3A_1428 {strides = array<i32>} : memref<200x128xf32, #tpu.memory_space<vmem>>, vector<1x16xf32>,
        %get3A_1429 = arith.index_cast %add3A_1356 : i32 to index
        %get3A_1430 = arith.constant 96 : index
        %get3A_1431 = tpu.vector_load %arg6[%get3A_1429, %get3A_1430] {strides = array<i32>} : memref<200x128xf32, #tpu.memory_space<vmem>>, vector<1x16xf32>,
        %get3A_1432 = vector.shape_cast %get3A_1431 : vector<1x16xf32> to vector<16xf32>
        %mul3A_1433 = arith.constant 11.3137083 : f32
        %mul3A_1434 = vector.broadcast %mul3A_1433 : f32 to vector<16xf32>
        %mul3A_1435 = arith.mulf %get3A_1432, %mul3A_1434 : vector<16xf32>
        %swap3A_1436 = arith.index_cast %add3A_1356 : i32 to index
        %swap3A_1437 = arith.constant 96 : index
        %swap3A_1438 = tpu.vector_load %arg6[%swap3A_1436, %swap3A_1437] {strides = array<i32>} : memref<200x128xf32, #tpu.memory_space<vmem>>, vector<1x16xf32>,
        %swap3A_1439 = vector.shape_cast %swap3A_1438 : vector<1x16xf32> to vector<16xf32>
        %swap3A_1440 = vector.shape_cast %mul3A_1435 : vector<16xf32> to vector<1x16xf32>
        tpu.vector_store %arg6[%swap3A_1436, %swap3A_1437], %swap3A_1440 {strides = array<i32>} : memref<200x128xf32, #tpu.memory_space<vmem>>, vector<1x16xf32>,
        %get3A_1441 = arith.index_cast %add3A_1356 : i32 to index
        %get3A_1442 = arith.constant 112 : index
        %get3A_1443 = tpu.vector_load %arg6[%get3A_1441, %get3A_1442] {strides = array<i32>} : memref<200x128xf32, #tpu.memory_space<vmem>>, vector<1x16xf32>,
        %get3A_1444 = vector.shape_cast %get3A_1443 : vector<1x16xf32> to vector<16xf32>
        %mul3A_1445 = arith.constant 11.3137083 : f32
        %mul3A_1446 = vector.broadcast %mul3A_1445 : f32 to vector<16xf32>
        %mul3A_1447 = arith.mulf %get3A_1444, %mul3A_1446 : vector<16xf32>
        %swap3A_1448 = arith.index_cast %add3A_1356 : i32 to index
        %swap3A_1449 = arith.constant 112 : index
        %swap3A_1450 = tpu.vector_load %arg6[%swap3A_1448, %swap3A_1449] {strides = array<i32>} : memref<200x128xf32, #tpu.memory_space<vmem>>, vector<1x16xf32>,
        %swap3A_1451 = vector.shape_cast %swap3A_1450 : vector<1x16xf32> to vector<16xf32>
        %swap3A_1452 = vector.shape_cast %mul3A_1447 : vector<16xf32> to vector<1x16xf32>
        tpu.vector_store %arg6[%swap3A_1448, %swap3A_1449], %swap3A_1452 {strides = array<i32>} : memref<200x128xf32, #tpu.memory_space<vmem>>, vector<1x16xf32>,
        %scan3A_1453 = arith.constant 7 : i32
        %scan3A_1454 = arith.addi %scan3A_742, %scan3A_1453 : i32
        %mul3A_1455 = arith.constant 1 : i32
        %mul3A_1456 = arith.muli %scan3A_1454, %mul3A_1455 : i32
        %add3A_1457 = arith.constant 0 : i32
        %add3A_1458 = arith.addi %add3A_1457, %mul3A_1456 : i32
        %get3A_1459 = arith.index_cast %add3A_1458 : i32 to index
        %get3A_1460 = arith.constant 0 : index
        %get3A_1461 = tpu.vector_load %arg6[%get3A_1459, %get3A_1460] {strides = array<i32>} : memref<200x128xf32, #tpu.memory_space<vmem>>, vector<1x16xf32>,
        %get3A_1462 = vector.shape_cast %get3A_1461 : vector<1x16xf32> to vector<16xf32>
        %mul3A_1463 = arith.constant 11.3137083 : f32
        %mul3A_1464 = vector.broadcast %mul3A_1463 : f32 to vector<16xf32>
        %mul3A_1465 = arith.mulf %get3A_1462, %mul3A_1464 : vector<16xf32>
        %swap3A_1466 = arith.index_cast %add3A_1458 : i32 to index
        %swap3A_1467 = arith.constant 0 : index
        %swap3A_1468 = tpu.vector_load %arg6[%swap3A_1466, %swap3A_1467] {strides = array<i32>} : memref<200x128xf32, #tpu.memory_space<vmem>>, vector<1x16xf32>,
        %swap3A_1469 = vector.shape_cast %swap3A_1468 : vector<1x16xf32> to vector<16xf32>
        %swap3A_1470 = vector.shape_cast %mul3A_1465 : vector<16xf32> to vector<1x16xf32>
        tpu.vector_store %arg6[%swap3A_1466, %swap3A_1467], %swap3A_1470 {strides = array<i32>} : memref<200x128xf32, #tpu.memory_space<vmem>>, vector<1x16xf32>,
        %get3A_1471 = arith.index_cast %add3A_1458 : i32 to index
        %get3A_1472 = arith.constant 16 : index
        %get3A_1473 = tpu.vector_load %arg6[%get3A_1471, %get3A_1472] {strides = array<i32>} : memref<200x128xf32, #tpu.memory_space<vmem>>, vector<1x16xf32>,
        %get3A_1474 = vector.shape_cast %get3A_1473 : vector<1x16xf32> to vector<16xf32>
        %mul3A_1475 = arith.constant 11.3137083 : f32
        %mul3A_1476 = vector.broadcast %mul3A_1475 : f32 to vector<16xf32>
        %mul3A_1477 = arith.mulf %get3A_1474, %mul3A_1476 : vector<16xf32>
        %swap3A_1478 = arith.index_cast %add3A_1458 : i32 to index
        %swap3A_1479 = arith.constant 16 : index
        %swap3A_1480 = tpu.vector_load %arg6[%swap3A_1478, %swap3A_1479] {strides = array<i32>} : memref<200x128xf32, #tpu.memory_space<vmem>>, vector<1x16xf32>,
        %swap3A_1481 = vector.shape_cast %swap3A_1480 : vector<1x16xf32> to vector<16xf32>
        %swap3A_1482 = vector.shape_cast %mul3A_1477 : vector<16xf32> to vector<1x16xf32>
        tpu.vector_store %arg6[%swap3A_1478, %swap3A_1479], %swap3A_1482 {strides = array<i32>} : memref<200x128xf32, #tpu.memory_space<vmem>>, vector<1x16xf32>,
        %get3A_1483 = arith.index_cast %add3A_1458 : i32 to index
        %get3A_1484 = arith.constant 32 : index
        %get3A_1485 = tpu.vector_load %arg6[%get3A_1483, %get3A_1484] {strides = array<i32>} : memref<200x128xf32, #tpu.memory_space<vmem>>, vector<1x16xf32>,
        %get3A_1486 = vector.shape_cast %get3A_1485 : vector<1x16xf32> to vector<16xf32>
        %mul3A_1487 = arith.constant 11.3137083 : f32
        %mul3A_1488 = vector.broadcast %mul3A_1487 : f32 to vector<16xf32>
        %mul3A_1489 = arith.mulf %get3A_1486, %mul3A_1488 : vector<16xf32>
        %swap3A_1490 = arith.index_cast %add3A_1458 : i32 to index
        %swap3A_1491 = arith.constant 32 : index
        %swap3A_1492 = tpu.vector_load %arg6[%swap3A_1490, %swap3A_1491] {strides = array<i32>} : memref<200x128xf32, #tpu.memory_space<vmem>>, vector<1x16xf32>,
        %swap3A_1493 = vector.shape_cast %swap3A_1492 : vector<1x16xf32> to vector<16xf32>
        %swap3A_1494 = vector.shape_cast %mul3A_1489 : vector<16xf32> to vector<1x16xf32>
        tpu.vector_store %arg6[%swap3A_1490, %swap3A_1491], %swap3A_1494 {strides = array<i32>} : memref<200x128xf32, #tpu.memory_space<vmem>>, vector<1x16xf32>,
        %get3A_1495 = arith.index_cast %add3A_1458 : i32 to index
        %get3A_1496 = arith.constant 48 : index
        %get3A_1497 = tpu.vector_load %arg6[%get3A_1495, %get3A_1496] {strides = array<i32>} : memref<200x128xf32, #tpu.memory_space<vmem>>, vector<1x16xf32>,
        %get3A_1498 = vector.shape_cast %get3A_1497 : vector<1x16xf32> to vector<16xf32>
        %mul3A_1499 = arith.constant 11.3137083 : f32
        %mul3A_1500 = vector.broadcast %mul3A_1499 : f32 to vector<16xf32>
        %mul3A_1501 = arith.mulf %get3A_1498, %mul3A_1500 : vector<16xf32>
        %swap3A_1502 = arith.index_cast %add3A_1458 : i32 to index
        %swap3A_1503 = arith.constant 48 : index
        %swap3A_1504 = tpu.vector_load %arg6[%swap3A_1502, %swap3A_1503] {strides = array<i32>} : memref<200x128xf32, #tpu.memory_space<vmem>>, vector<1x16xf32>,
        %swap3A_1505 = vector.shape_cast %swap3A_1504 : vector<1x16xf32> to vector<16xf32>
        %swap3A_1506 = vector.shape_cast %mul3A_1501 : vector<16xf32> to vector<1x16xf32>
        tpu.vector_store %arg6[%swap3A_1502, %swap3A_1503], %swap3A_1506 {strides = array<i32>} : memref<200x128xf32, #tpu.memory_space<vmem>>, vector<1x16xf32>,
        %get3A_1507 = arith.index_cast %add3A_1458 : i32 to index
        %get3A_1508 = arith.constant 64 : index
        %get3A_1509 = tpu.vector_load %arg6[%get3A_1507, %get3A_1508] {strides = array<i32>} : memref<200x128xf32, #tpu.memory_space<vmem>>, vector<1x16xf32>,
        %get3A_1510 = vector.shape_cast %get3A_1509 : vector<1x16xf32> to vector<16xf32>
        %mul3A_1511 = arith.constant 11.3137083 : f32
        %mul3A_1512 = vector.broadcast %mul3A_1511 : f32 to vector<16xf32>
        %mul3A_1513 = arith.mulf %get3A_1510, %mul3A_1512 : vector<16xf32>
        %swap3A_1514 = arith.index_cast %add3A_1458 : i32 to index
        %swap3A_1515 = arith.constant 64 : index
        %swap3A_1516 = tpu.vector_load %arg6[%swap3A_1514, %swap3A_1515] {strides = array<i32>} : memref<200x128xf32, #tpu.memory_space<vmem>>, vector<1x16xf32>,
        %swap3A_1517 = vector.shape_cast %swap3A_1516 : vector<1x16xf32> to vector<16xf32>
        %swap3A_1518 = vector.shape_cast %mul3A_1513 : vector<16xf32> to vector<1x16xf32>
        tpu.vector_store %arg6[%swap3A_1514, %swap3A_1515], %swap3A_1518 {strides = array<i32>} : memref<200x128xf32, #tpu.memory_space<vmem>>, vector<1x16xf32>,
        %get3A_1519 = arith.index_cast %add3A_1458 : i32 to index
        %get3A_1520 = arith.constant 80 : index
        %get3A_1521 = tpu.vector_load %arg6[%get3A_1519, %get3A_1520] {strides = array<i32>} : memref<200x128xf32, #tpu.memory_space<vmem>>, vector<1x16xf32>,
        %get3A_1522 = vector.shape_cast %get3A_1521 : vector<1x16xf32> to vector<16xf32>
        %mul3A_1523 = arith.constant 11.3137083 : f32
        %mul3A_1524 = vector.broadcast %mul3A_1523 : f32 to vector<16xf32>
        %mul3A_1525 = arith.mulf %get3A_1522, %mul3A_1524 : vector<16xf32>
        %swap3A_1526 = arith.index_cast %add3A_1458 : i32 to index
        %swap3A_1527 = arith.constant 80 : index
        %swap3A_1528 = tpu.vector_load %arg6[%swap3A_1526, %swap3A_1527] {strides = array<i32>} : memref<200x128xf32, #tpu.memory_space<vmem>>, vector<1x16xf32>,
        %swap3A_1529 = vector.shape_cast %swap3A_1528 : vector<1x16xf32> to vector<16xf32>
        %swap3A_1530 = vector.shape_cast %mul3A_1525 : vector<16xf32> to vector<1x16xf32>
        tpu.vector_store %arg6[%swap3A_1526, %swap3A_1527], %swap3A_1530 {strides = array<i32>} : memref<200x128xf32, #tpu.memory_space<vmem>>, vector<1x16xf32>,
        %get3A_1531 = arith.index_cast %add3A_1458 : i32 to index
        %get3A_1532 = arith.constant 96 : index
        %get3A_1533 = tpu.vector_load %arg6[%get3A_1531, %get3A_1532] {strides = array<i32>} : memref<200x128xf32, #tpu.memory_space<vmem>>, vector<1x16xf32>,
        %get3A_1534 = vector.shape_cast %get3A_1533 : vector<1x16xf32> to vector<16xf32>
        %mul3A_1535 = arith.constant 11.3137083 : f32
        %mul3A_1536 = vector.broadcast %mul3A_1535 : f32 to vector<16xf32>
        %mul3A_1537 = arith.mulf %get3A_1534, %mul3A_1536 : vector<16xf32>
        %swap3A_1538 = arith.index_cast %add3A_1458 : i32 to index
        %swap3A_1539 = arith.constant 96 : index
        %swap3A_1540 = tpu.vector_load %arg6[%swap3A_1538, %swap3A_1539] {strides = array<i32>} : memref<200x128xf32, #tpu.memory_space<vmem>>, vector<1x16xf32>,
        %swap3A_1541 = vector.shape_cast %swap3A_1540 : vector<1x16xf32> to vector<16xf32>
        %swap3A_1542 = vector.shape_cast %mul3A_1537 : vector<16xf32> to vector<1x16xf32>
        tpu.vector_store %arg6[%swap3A_1538, %swap3A_1539], %swap3A_1542 {strides = array<i32>} : memref<200x128xf32, #tpu.memory_space<vmem>>, vector<1x16xf32>,
        %get3A_1543 = arith.index_cast %add3A_1458 : i32 to index
        %get3A_1544 = arith.constant 112 : index
        %get3A_1545 = tpu.vector_load %arg6[%get3A_1543, %get3A_1544] {strides = array<i32>} : memref<200x128xf32, #tpu.memory_space<vmem>>, vector<1x16xf32>,
        %get3A_1546 = vector.shape_cast %get3A_1545 : vector<1x16xf32> to vector<16xf32>
        %mul3A_1547 = arith.constant 11.3137083 : f32
        %mul3A_1548 = vector.broadcast %mul3A_1547 : f32 to vector<16xf32>
        %mul3A_1549 = arith.mulf %get3A_1546, %mul3A_1548 : vector<16xf32>
        %swap3A_1550 = arith.index_cast %add3A_1458 : i32 to index
        %swap3A_1551 = arith.constant 112 : index
        %swap3A_1552 = tpu.vector_load %arg6[%swap3A_1550, %swap3A_1551] {strides = array<i32>} : memref<200x128xf32, #tpu.memory_space<vmem>>, vector<1x16xf32>,
        %swap3A_1553 = vector.shape_cast %swap3A_1552 : vector<1x16xf32> to vector<16xf32>
        %swap3A_1554 = vector.shape_cast %mul3A_1549 : vector<16xf32> to vector<1x16xf32>
        tpu.vector_store %arg6[%swap3A_1550, %swap3A_1551], %swap3A_1554 {strides = array<i32>} : memref<200x128xf32, #tpu.memory_space<vmem>>, vector<1x16xf32>,
      }
      %scan3A_168 = arith.constant 200 : i32
      %mul3A_169 = arith.constant 4 : i32
      %mul3A_170 = arith.muli %add3A_123, %mul3A_169 : i32
      %add3A_171 = arith.addi %mul3A_2, %mul3A_170 : i32
      %add3A_172 = arith.constant 0 : i32
      %add3A_173 = arith.addi %add3A_171, %add3A_172 : i32
      %dma_start3A_174 = arith.constant 0 : i32
      %dma_start3A_175 = arith.constant 0 : i32
      %dma_start3A_176 = tpu.memref_slice %arg6[%dma_start3A_174, %dma_start3A_175] : memref<200x128xf32, #tpu.memory_space<vmem>> -> memref<50x128xf32, #tpu.memory_space<vmem>>
      %dma_start3A_177 = arith.constant 0 : i32
      %dma_start3A_178 = arith.constant 0 : i32
      %dma_start3A_179 = tpu.memref_slice %arg4[%add3A_173, %dma_start3A_177, %dma_start3A_178] : memref<4096x50x128xf32, #tpu.memory_space<hbm>> -> memref<1x50x128xf32, #tpu.memory_space<hbm>>
      %dma_start3A_180 = tpu.memref_squeeze %dma_start3A_179 : memref<1x50x128xf32, #tpu.memory_space<hbm>> -> memref<50x128xf32, #tpu.memory_space<hbm>>
      %dma_start3A_181 = arith.constant 0 : i32
      %dma_start3A_182 = arith.constant 0 : i32
      %dma_start3A_183 = tpu.memref_slice %arg4[%add3A_173, %dma_start3A_181, %dma_start3A_182] : memref<4096x50x128xf32, #tpu.memory_space<hbm>> -> memref<1x50x128xf32, #tpu.memory_space<hbm>>
      %dma_start3A_184 = tpu.memref_squeeze %dma_start3A_183 : memref<1x50x128xf32, #tpu.memory_space<hbm>> -> memref<50x128xf32, #tpu.memory_space<hbm>>
      %dma_start3A_185 = arith.constant 0 : i32
      %dma_start3A_186 = arith.constant 0 : i32
      %dma_start3A_187 = tpu.memref_slice %arg6[%dma_start3A_185, %dma_start3A_186] : memref<200x128xf32, #tpu.memory_space<vmem>> -> memref<50x128xf32, #tpu.memory_space<vmem>>
      tpu.enqueue_dma source(%dma_start3A_187 : memref<50x128xf32, #tpu.memory_space<vmem>>) target(%dma_start3A_184 : memref<50x128xf32, #tpu.memory_space<hbm>>) target_semaphore(%arg11 : memref<!tpu.dma_semaphore, #tpu.memory_space<semaphore_mem>>)
      %mul3A_188 = arith.constant 4 : i32
      %mul3A_189 = arith.muli %add3A_123, %mul3A_188 : i32
      %add3A_190 = arith.addi %mul3A_2, %mul3A_189 : i32
      %add3A_191 = arith.constant 1 : i32
      %add3A_192 = arith.addi %add3A_190, %add3A_191 : i32
      %dma_start3A_193 = arith.constant 50 : i32
      %dma_start3A_194 = arith.constant 0 : i32
      %dma_start3A_195 = tpu.memref_slice %arg6[%dma_start3A_193, %dma_start3A_194] : memref<200x128xf32, #tpu.memory_space<vmem>> -> memref<50x128xf32, #tpu.memory_space<vmem>>
      %dma_start3A_196 = arith.constant 0 : i32
      %dma_start3A_197 = arith.constant 0 : i32
      %dma_start3A_198 = tpu.memref_slice %arg4[%add3A_192, %dma_start3A_196, %dma_start3A_197] : memref<4096x50x128xf32, #tpu.memory_space<hbm>> -> memref<1x50x128xf32, #tpu.memory_space<hbm>>
      %dma_start3A_199 = tpu.memref_squeeze %dma_start3A_198 : memref<1x50x128xf32, #tpu.memory_space<hbm>> -> memref<50x128xf32, #tpu.memory_space<hbm>>
      %dma_start3A_200 = arith.constant 0 : i32
      %dma_start3A_201 = arith.constant 0 : i32
      %dma_start3A_202 = tpu.memref_slice %arg4[%add3A_192, %dma_start3A_200, %dma_start3A_201] : memref<4096x50x128xf32, #tpu.memory_space<hbm>> -> memref<1x50x128xf32, #tpu.memory_space<hbm>>
      %dma_start3A_203 = tpu.memref_squeeze %dma_start3A_202 : memref<1x50x128xf32, #tpu.memory_space<hbm>> -> memref<50x128xf32, #tpu.memory_space<hbm>>
      %dma_start3A_204 = arith.constant 50 : i32
      %dma_start3A_205 = arith.constant 0 : i32
      %dma_start3A_206 = tpu.memref_slice %arg6[%dma_start3A_204, %dma_start3A_205] : memref<200x128xf32, #tpu.memory_space<vmem>> -> memref<50x128xf32, #tpu.memory_space<vmem>>
      tpu.enqueue_dma source(%dma_start3A_206 : memref<50x128xf32, #tpu.memory_space<vmem>>) target(%dma_start3A_203 : memref<50x128xf32, #tpu.memory_space<hbm>>) target_semaphore(%arg11 : memref<!tpu.dma_semaphore, #tpu.memory_space<semaphore_mem>>)
      %mul3A_207 = arith.constant 4 : i32
      %mul3A_208 = arith.muli %add3A_123, %mul3A_207 : i32
      %add3A_209 = arith.addi %mul3A_2, %mul3A_208 : i32
      %add3A_210 = arith.constant 2 : i32
      %add3A_211 = arith.addi %add3A_209, %add3A_210 : i32
      %dma_start3A_212 = arith.constant 100 : i32
      %dma_start3A_213 = arith.constant 0 : i32
      %dma_start3A_214 = tpu.memref_slice %arg6[%dma_start3A_212, %dma_start3A_213] : memref<200x128xf32, #tpu.memory_space<vmem>> -> memref<50x128xf32, #tpu.memory_space<vmem>>
      %dma_start3A_215 = arith.constant 0 : i32
      %dma_start3A_216 = arith.constant 0 : i32
      %dma_start3A_217 = tpu.memref_slice %arg4[%add3A_211, %dma_start3A_215, %dma_start3A_216] : memref<4096x50x128xf32, #tpu.memory_space<hbm>> -> memref<1x50x128xf32, #tpu.memory_space<hbm>>
      %dma_start3A_218 = tpu.memref_squeeze %dma_start3A_217 : memref<1x50x128xf32, #tpu.memory_space<hbm>> -> memref<50x128xf32, #tpu.memory_space<hbm>>
      %dma_start3A_219 = arith.constant 0 : i32
      %dma_start3A_220 = arith.constant 0 : i32
      %dma_start3A_221 = tpu.memref_slice %arg4[%add3A_211, %dma_start3A_219, %dma_start3A_220] : memref<4096x50x128xf32, #tpu.memory_space<hbm>> -> memref<1x50x128xf32, #tpu.memory_space<hbm>>
      %dma_start3A_222 = tpu.memref_squeeze %dma_start3A_221 : memref<1x50x128xf32, #tpu.memory_space<hbm>> -> memref<50x128xf32, #tpu.memory_space<hbm>>
      %dma_start3A_223 = arith.constant 100 : i32
      %dma_start3A_224 = arith.constant 0 : i32
      %dma_start3A_225 = tpu.memref_slice %arg6[%dma_start3A_223, %dma_start3A_224] : memref<200x128xf32, #tpu.memory_space<vmem>> -> memref<50x128xf32, #tpu.memory_space<vmem>>
      tpu.enqueue_dma source(%dma_start3A_225 : memref<50x128xf32, #tpu.memory_space<vmem>>) target(%dma_start3A_222 : memref<50x128xf32, #tpu.memory_space<hbm>>) target_semaphore(%arg11 : memref<!tpu.dma_semaphore, #tpu.memory_space<semaphore_mem>>)
      %mul3A_226 = arith.constant 4 : i32
      %mul3A_227 = arith.muli %add3A_123, %mul3A_226 : i32
      %add3A_228 = arith.addi %mul3A_2, %mul3A_227 : i32
      %add3A_229 = arith.constant 3 : i32
      %add3A_230 = arith.addi %add3A_228, %add3A_229 : i32
      %dma_start3A_231 = arith.constant 150 : i32
      %dma_start3A_232 = arith.constant 0 : i32
      %dma_start3A_233 = tpu.memref_slice %arg6[%dma_start3A_231, %dma_start3A_232] : memref<200x128xf32, #tpu.memory_space<vmem>> -> memref<50x128xf32, #tpu.memory_space<vmem>>
      %dma_start3A_234 = arith.constant 0 : i32
      %dma_start3A_235 = arith.constant 0 : i32
      %dma_start3A_236 = tpu.memref_slice %arg4[%add3A_230, %dma_start3A_234, %dma_start3A_235] : memref<4096x50x128xf32, #tpu.memory_space<hbm>> -> memref<1x50x128xf32, #tpu.memory_space<hbm>>
      %dma_start3A_237 = tpu.memref_squeeze %dma_start3A_236 : memref<1x50x128xf32, #tpu.memory_space<hbm>> -> memref<50x128xf32, #tpu.memory_space<hbm>>
      %dma_start3A_238 = arith.constant 0 : i32
      %dma_start3A_239 = arith.constant 0 : i32
      %dma_start3A_240 = tpu.memref_slice %arg4[%add3A_230, %dma_start3A_238, %dma_start3A_239] : memref<4096x50x128xf32, #tpu.memory_space<hbm>> -> memref<1x50x128xf32, #tpu.memory_space<hbm>>
      %dma_start3A_241 = tpu.memref_squeeze %dma_start3A_240 : memref<1x50x128xf32, #tpu.memory_space<hbm>> -> memref<50x128xf32, #tpu.memory_space<hbm>>
      %dma_start3A_242 = arith.constant 150 : i32
      %dma_start3A_243 = arith.constant 0 : i32
      %dma_start3A_244 = tpu.memref_slice %arg6[%dma_start3A_242, %dma_start3A_243] : memref<200x128xf32, #tpu.memory_space<vmem>> -> memref<50x128xf32, #tpu.memory_space<vmem>>
      tpu.enqueue_dma source(%dma_start3A_244 : memref<50x128xf32, #tpu.memory_space<vmem>>) target(%dma_start3A_241 : memref<50x128xf32, #tpu.memory_space<hbm>>) target_semaphore(%arg11 : memref<!tpu.dma_semaphore, #tpu.memory_space<semaphore_mem>>)
      %mul3A_245 = arith.constant 4 : i32
      %mul3A_246 = arith.muli %add3A_119, %mul3A_245 : i32
      %add3A_247 = arith.constant 1 : i32
      %add3A_248 = arith.addi %mul3A_246, %add3A_247 : i32
      %dma_wait3A_249 = arith.constant 0 : i32
      %dma_wait3A_250 = arith.constant 0 : i32
      %dma_wait3A_251 = tpu.memref_slice %arg6[%dma_wait3A_249, %dma_wait3A_250] : memref<200x128xf32, #tpu.memory_space<vmem>> -> memref<104x128xf32, #tpu.memory_space<vmem>>
      %dma_wait3A_252 = arith.constant 0 : i32
      %dma_wait3A_253 = tpu.memref_slice %arg5[%dma_wait3A_252] : memref<6400xi32, #tpu.memory_space<vmem>> -> memref<104xi32, #tpu.memory_space<vmem>>
      %dma_wait3A_254 = arith.constant 0 : i32
      %dma_wait3A_255 = arith.constant 0 : i32
      %dma_wait3A_256 = tpu.memref_slice %arg3[%dma_wait3A_254, %dma_wait3A_255] : memref<100000x128xf32, #tpu.memory_space<hbm>> -> memref<100000x128xf32, #tpu.memory_space<hbm>>
      tpu.wait_indirect_dma semaphore(%arg10 : memref<!tpu.dma_semaphore, #tpu.memory_space<semaphore_mem>>) src(%dma_wait3A_256 : memref<100000x128xf32, #tpu.memory_space<hbm>>) dst(%dma_wait3A_251 : memref<104x128xf32, #tpu.memory_space<vmem>>)
      %dma_wait3A_257 = arith.constant 104 : i32
      %dma_wait3A_258 = arith.constant 0 : i32
      %dma_wait3A_259 = tpu.memref_slice %arg6[%dma_wait3A_257, %dma_wait3A_258] : memref<200x128xf32, #tpu.memory_space<vmem>> -> memref<96x128xf32, #tpu.memory_space<vmem>>
      %dma_wait3A_260 = arith.constant 104 : i32
      %dma_wait3A_261 = tpu.memref_slice %arg5[%dma_wait3A_260] : memref<6400xi32, #tpu.memory_space<vmem>> -> memref<96xi32, #tpu.memory_space<vmem>>
      %dma_wait3A_262 = arith.constant 0 : i32
      %dma_wait3A_263 = arith.constant 0 : i32
      %dma_wait3A_264 = tpu.memref_slice %arg3[%dma_wait3A_262, %dma_wait3A_263] : memref<100000x128xf32, #tpu.memory_space<hbm>> -> memref<100000x128xf32, #tpu.memory_space<hbm>>
      tpu.wait_indirect_dma semaphore(%arg10 : memref<!tpu.dma_semaphore, #tpu.memory_space<semaphore_mem>>) src(%dma_wait3A_264 : memref<100000x128xf32, #tpu.memory_space<hbm>>) dst(%dma_wait3A_259 : memref<96x128xf32, #tpu.memory_space<vmem>>)
      %dma_wait3A_265 = arith.constant 0 : i32
      %dma_wait3A_266 = arith.constant 0 : i32
      %dma_wait3A_267 = arith.constant 0 : i32
      %dma_wait3A_268 = tpu.memref_slice %arg6[%dma_wait3A_266, %dma_wait3A_267] : memref<200x128xf32, #tpu.memory_space<vmem>> -> memref<50x128xf32, #tpu.memory_space<vmem>>
      %dma_wait3A_269 = arith.constant 0 : i32
      %dma_wait3A_270 = arith.constant 0 : i32
      %dma_wait3A_271 = tpu.memref_slice %arg4[%dma_wait3A_265, %dma_wait3A_269, %dma_wait3A_270] : memref<4096x50x128xf32, #tpu.memory_space<hbm>> -> memref<1x50x128xf32, #tpu.memory_space<hbm>>
      %dma_wait3A_272 = tpu.memref_squeeze %dma_wait3A_271 : memref<1x50x128xf32, #tpu.memory_space<hbm>> -> memref<50x128xf32, #tpu.memory_space<hbm>>
      %dma_wait3A_273 = arith.constant 0 : i32
      %dma_wait3A_274 = arith.constant 0 : i32
      %dma_wait3A_275 = tpu.memref_slice %arg4[%dma_wait3A_265, %dma_wait3A_273, %dma_wait3A_274] : memref<4096x50x128xf32, #tpu.memory_space<hbm>> -> memref<1x50x128xf32, #tpu.memory_space<hbm>>
      %dma_wait3A_276 = tpu.memref_squeeze %dma_wait3A_275 : memref<1x50x128xf32, #tpu.memory_space<hbm>> -> memref<50x128xf32, #tpu.memory_space<hbm>>
      %dma_wait3A_277 = arith.constant 0 : i32
      %dma_wait3A_278 = arith.constant 0 : i32
      %dma_wait3A_279 = tpu.memref_slice %arg6[%dma_wait3A_277, %dma_wait3A_278] : memref<200x128xf32, #tpu.memory_space<vmem>> -> memref<50x128xf32, #tpu.memory_space<vmem>>
      tpu.wait_dma2 semaphore(%arg11 : memref<!tpu.dma_semaphore, #tpu.memory_space<semaphore_mem>>) src(%dma_wait3A_279 : memref<50x128xf32, #tpu.memory_space<vmem>>) dst(%dma_wait3A_276 : memref<50x128xf32, #tpu.memory_space<hbm>>)
      %dma_wait3A_280 = arith.constant 0 : i32
      %dma_wait3A_281 = arith.constant 0 : i32
      %dma_wait3A_282 = arith.constant 0 : i32
      %dma_wait3A_283 = tpu.memref_slice %arg6[%dma_wait3A_281, %dma_wait3A_282] : memref<200x128xf32, #tpu.memory_space<vmem>> -> memref<50x128xf32, #tpu.memory_space<vmem>>
      %dma_wait3A_284 = arith.constant 0 : i32
      %dma_wait3A_285 = arith.constant 0 : i32
      %dma_wait3A_286 = tpu.memref_slice %arg4[%dma_wait3A_280, %dma_wait3A_284, %dma_wait3A_285] : memref<4096x50x128xf32, #tpu.memory_space<hbm>> -> memref<1x50x128xf32, #tpu.memory_space<hbm>>
      %dma_wait3A_287 = tpu.memref_squeeze %dma_wait3A_286 : memref<1x50x128xf32, #tpu.memory_space<hbm>> -> memref<50x128xf32, #tpu.memory_space<hbm>>
      %dma_wait3A_288 = arith.constant 0 : i32
      %dma_wait3A_289 = arith.constant 0 : i32
      %dma_wait3A_290 = tpu.memref_slice %arg4[%dma_wait3A_280, %dma_wait3A_288, %dma_wait3A_289] : memref<4096x50x128xf32, #tpu.memory_space<hbm>> -> memref<1x50x128xf32, #tpu.memory_space<hbm>>
      %dma_wait3A_291 = tpu.memref_squeeze %dma_wait3A_290 : memref<1x50x128xf32, #tpu.memory_space<hbm>> -> memref<50x128xf32, #tpu.memory_space<hbm>>
      %dma_wait3A_292 = arith.constant 0 : i32
      %dma_wait3A_293 = arith.constant 0 : i32
      %dma_wait3A_294 = tpu.memref_slice %arg6[%dma_wait3A_292, %dma_wait3A_293] : memref<200x128xf32, #tpu.memory_space<vmem>> -> memref<50x128xf32, #tpu.memory_space<vmem>>
      tpu.wait_dma2 semaphore(%arg11 : memref<!tpu.dma_semaphore, #tpu.memory_space<semaphore_mem>>) src(%dma_wait3A_294 : memref<50x128xf32, #tpu.memory_space<vmem>>) dst(%dma_wait3A_291 : memref<50x128xf32, #tpu.memory_space<hbm>>)
      %dma_wait3A_295 = arith.constant 0 : i32
      %dma_wait3A_296 = arith.constant 0 : i32
      %dma_wait3A_297 = arith.constant 0 : i32
      %dma_wait3A_298 = tpu.memref_slice %arg6[%dma_wait3A_296, %dma_wait3A_297] : memref<200x128xf32, #tpu.memory_space<vmem>> -> memref<50x128xf32, #tpu.memory_space<vmem>>
      %dma_wait3A_299 = arith.constant 0 : i32
      %dma_wait3A_300 = arith.constant 0 : i32
      %dma_wait3A_301 = tpu.memref_slice %arg4[%dma_wait3A_295, %dma_wait3A_299, %dma_wait3A_300] : memref<4096x50x128xf32, #tpu.memory_space<hbm>> -> memref<1x50x128xf32, #tpu.memory_space<hbm>>
      %dma_wait3A_302 = tpu.memref_squeeze %dma_wait3A_301 : memref<1x50x128xf32, #tpu.memory_space<hbm>> -> memref<50x128xf32, #tpu.memory_space<hbm>>
      %dma_wait3A_303 = arith.constant 0 : i32
      %dma_wait3A_304 = arith.constant 0 : i32
      %dma_wait3A_305 = tpu.memref_slice %arg4[%dma_wait3A_295, %dma_wait3A_303, %dma_wait3A_304] : memref<4096x50x128xf32, #tpu.memory_space<hbm>> -> memref<1x50x128xf32, #tpu.memory_space<hbm>>
      %dma_wait3A_306 = tpu.memref_squeeze %dma_wait3A_305 : memref<1x50x128xf32, #tpu.memory_space<hbm>> -> memref<50x128xf32, #tpu.memory_space<hbm>>
      %dma_wait3A_307 = arith.constant 0 : i32
      %dma_wait3A_308 = arith.constant 0 : i32
      %dma_wait3A_309 = tpu.memref_slice %arg6[%dma_wait3A_307, %dma_wait3A_308] : memref<200x128xf32, #tpu.memory_space<vmem>> -> memref<50x128xf32, #tpu.memory_space<vmem>>
      tpu.wait_dma2 semaphore(%arg11 : memref<!tpu.dma_semaphore, #tpu.memory_space<semaphore_mem>>) src(%dma_wait3A_309 : memref<50x128xf32, #tpu.memory_space<vmem>>) dst(%dma_wait3A_306 : memref<50x128xf32, #tpu.memory_space<hbm>>)
      %dma_wait3A_310 = arith.constant 0 : i32
      %dma_wait3A_311 = arith.constant 0 : i32
      %dma_wait3A_312 = arith.constant 0 : i32
      %dma_wait3A_313 = tpu.memref_slice %arg6[%dma_wait3A_311, %dma_wait3A_312] : memref<200x128xf32, #tpu.memory_space<vmem>> -> memref<50x128xf32, #tpu.memory_space<vmem>>
      %dma_wait3A_314 = arith.constant 0 : i32
      %dma_wait3A_315 = arith.constant 0 : i32
      %dma_wait3A_316 = tpu.memref_slice %arg4[%dma_wait3A_310, %dma_wait3A_314, %dma_wait3A_315] : memref<4096x50x128xf32, #tpu.memory_space<hbm>> -> memref<1x50x128xf32, #tpu.memory_space<hbm>>
      %dma_wait3A_317 = tpu.memref_squeeze %dma_wait3A_316 : memref<1x50x128xf32, #tpu.memory_space<hbm>> -> memref<50x128xf32, #tpu.memory_space<hbm>>
      %dma_wait3A_318 = arith.constant 0 : i32
      %dma_wait3A_319 = arith.constant 0 : i32
      %dma_wait3A_320 = tpu.memref_slice %arg4[%dma_wait3A_310, %dma_wait3A_318, %dma_wait3A_319] : memref<4096x50x128xf32, #tpu.memory_space<hbm>> -> memref<1x50x128xf32, #tpu.memory_space<hbm>>
      %dma_wait3A_321 = tpu.memref_squeeze %dma_wait3A_320 : memref<1x50x128xf32, #tpu.memory_space<hbm>> -> memref<50x128xf32, #tpu.memory_space<hbm>>
      %dma_wait3A_322 = arith.constant 0 : i32
      %dma_wait3A_323 = arith.constant 0 : i32
      %dma_wait3A_324 = tpu.memref_slice %arg6[%dma_wait3A_322, %dma_wait3A_323] : memref<200x128xf32, #tpu.memory_space<vmem>> -> memref<50x128xf32, #tpu.memory_space<vmem>>
      tpu.wait_dma2 semaphore(%arg11 : memref<!tpu.dma_semaphore, #tpu.memory_space<semaphore_mem>>) src(%dma_wait3A_324 : memref<50x128xf32, #tpu.memory_space<vmem>>) dst(%dma_wait3A_321 : memref<50x128xf32, #tpu.memory_space<hbm>>)
      %lt3A = arith.constant 7 : i32
      %lt3A_325 = arith.cmpi slt, %add3A_119, %lt3A : i32
      %convert_element_type3A_326 = arith.extui %lt3A_325 : i1 to i32
      %cond3A_327 = arith.constant 0 : i32
      %cond3A_328 = arith.cmpi ne, %convert_element_type3A_326, %cond3A_327 : i32
      scf.if %cond3A_328 {
        %add3A_742 = arith.constant 3 : i32
        %add3A_743 = arith.addi %add3A_248, %add3A_742 : i32
        %mul3A_744 = arith.constant 200 : i32
        %mul3A_745 = arith.muli %add3A_743, %mul3A_744 : i32
        %dma_start3A_746 = arith.constant 0 : i32
        %dma_start3A_747 = arith.constant 0 : i32
        %dma_start3A_748 = tpu.memref_slice %arg6[%dma_start3A_746, %dma_start3A_747] : memref<200x128xf32, #tpu.memory_space<vmem>> -> memref<104x128xf32, #tpu.memory_space<vmem>>
        %dma_start3A_749 = tpu.memref_slice %arg5[%mul3A_745] : memref<6400xi32, #tpu.memory_space<vmem>> -> memref<104xi32, #tpu.memory_space<vmem>>
        %dma_start3A_750 = arith.constant 0 : i32
        %dma_start3A_751 = arith.constant 0 : i32
        %dma_start3A_752 = tpu.memref_slice %arg3[%dma_start3A_750, %dma_start3A_751] : memref<100000x128xf32, #tpu.memory_space<hbm>> -> memref<100000x128xf32, #tpu.memory_space<hbm>>
        tpu.enqueue_indirect_dma source(%dma_start3A_752 : memref<100000x128xf32, #tpu.memory_space<hbm>>) target(%dma_start3A_748 : memref<104x128xf32, #tpu.memory_space<vmem>>) offsets(%dma_start3A_749 : memref<104xi32, #tpu.memory_space<vmem>>) semaphore(%arg10 : memref<!tpu.dma_semaphore, #tpu.memory_space<semaphore_mem>>)
        %mul3A_753 = arith.constant 200 : i32
        %mul3A_754 = arith.muli %add3A_743, %mul3A_753 : i32
        %add3A_755 = arith.constant 104 : i32
        %add3A_756 = arith.addi %mul3A_754, %add3A_755 : i32
        %dma_start3A_757 = arith.constant 104 : i32
        %dma_start3A_758 = arith.constant 0 : i32
        %dma_start3A_759 = tpu.memref_slice %arg6[%dma_start3A_757, %dma_start3A_758] : memref<200x128xf32, #tpu.memory_space<vmem>> -> memref<96x128xf32, #tpu.memory_space<vmem>>
        %dma_start3A_760 = tpu.memref_slice %arg5[%add3A_756] : memref<6400xi32, #tpu.memory_space<vmem>> -> memref<96xi32, #tpu.memory_space<vmem>>
        %dma_start3A_761 = arith.constant 0 : i32
        %dma_start3A_762 = arith.constant 0 : i32
        %dma_start3A_763 = tpu.memref_slice %arg3[%dma_start3A_761, %dma_start3A_762] : memref<100000x128xf32, #tpu.memory_space<hbm>> -> memref<100000x128xf32, #tpu.memory_space<hbm>>
        tpu.enqueue_indirect_dma source(%dma_start3A_763 : memref<100000x128xf32, #tpu.memory_space<hbm>>) target(%dma_start3A_759 : memref<96x128xf32, #tpu.memory_space<vmem>>) offsets(%dma_start3A_760 : memref<96xi32, #tpu.memory_space<vmem>>) semaphore(%arg10 : memref<!tpu.dma_semaphore, #tpu.memory_space<semaphore_mem>>)
      } else {
      }
      %scan3A_329 = arith.constant 0 : i32
      %scan3A_330 = arith.constant 200 : i32
      %scan3A_331 = arith.addi %scan3A_329, %scan3A_330 : i32
      %scan3A_332 = arith.constant 8 : i32
      scf.for %scan3A_742 = %scan3A_329 to %scan3A_331 step %scan3A_332  : i32 {
        %mul3A_743 = arith.constant 1 : i32
        %mul3A_744 = arith.muli %scan3A_742, %mul3A_743 : i32
        %add3A_745 = arith.constant 0 : i32
        %add3A_746 = arith.addi %add3A_745, %mul3A_744 : i32
        %get3A = arith.index_cast %add3A_746 : i32 to index
        %get3A_747 = arith.constant 0 : index
        %get3A_748 = tpu.vector_load %arg7[%get3A, %get3A_747] {strides = array<i32>} : memref<200x128xf32, #tpu.memory_space<vmem>>, vector<1x16xf32>,
        %get3A_749 = vector.shape_cast %get3A_748 : vector<1x16xf32> to vector<16xf32>
        %mul3A_750 = arith.constant 11.3137083 : f32
        %mul3A_751 = vector.broadcast %mul3A_750 : f32 to vector<16xf32>
        %mul3A_752 = arith.mulf %get3A_749, %mul3A_751 : vector<16xf32>
        %swap3A = arith.index_cast %add3A_746 : i32 to index
        %swap3A_753 = arith.constant 0 : index
        %swap3A_754 = tpu.vector_load %arg7[%swap3A, %swap3A_753] {strides = array<i32>} : memref<200x128xf32, #tpu.memory_space<vmem>>, vector<1x16xf32>,
        %swap3A_755 = vector.shape_cast %swap3A_754 : vector<1x16xf32> to vector<16xf32>
        %swap3A_756 = vector.shape_cast %mul3A_752 : vector<16xf32> to vector<1x16xf32>
        tpu.vector_store %arg7[%swap3A, %swap3A_753], %swap3A_756 {strides = array<i32>} : memref<200x128xf32, #tpu.memory_space<vmem>>, vector<1x16xf32>,
        %get3A_757 = arith.index_cast %add3A_746 : i32 to index
        %get3A_758 = arith.constant 16 : index
        %get3A_759 = tpu.vector_load %arg7[%get3A_757, %get3A_758] {strides = array<i32>} : memref<200x128xf32, #tpu.memory_space<vmem>>, vector<1x16xf32>,
        %get3A_760 = vector.shape_cast %get3A_759 : vector<1x16xf32> to vector<16xf32>
        %mul3A_761 = arith.constant 11.3137083 : f32
        %mul3A_762 = vector.broadcast %mul3A_761 : f32 to vector<16xf32>
        %mul3A_763 = arith.mulf %get3A_760, %mul3A_762 : vector<16xf32>
        %swap3A_764 = arith.index_cast %add3A_746 : i32 to index
        %swap3A_765 = arith.constant 16 : index
        %swap3A_766 = tpu.vector_load %arg7[%swap3A_764, %swap3A_765] {strides = array<i32>} : memref<200x128xf32, #tpu.memory_space<vmem>>, vector<1x16xf32>,
        %swap3A_767 = vector.shape_cast %swap3A_766 : vector<1x16xf32> to vector<16xf32>
        %swap3A_768 = vector.shape_cast %mul3A_763 : vector<16xf32> to vector<1x16xf32>
        tpu.vector_store %arg7[%swap3A_764, %swap3A_765], %swap3A_768 {strides = array<i32>} : memref<200x128xf32, #tpu.memory_space<vmem>>, vector<1x16xf32>,
        %get3A_769 = arith.index_cast %add3A_746 : i32 to index
        %get3A_770 = arith.constant 32 : index
        %get3A_771 = tpu.vector_load %arg7[%get3A_769, %get3A_770] {strides = array<i32>} : memref<200x128xf32, #tpu.memory_space<vmem>>, vector<1x16xf32>,
        %get3A_772 = vector.shape_cast %get3A_771 : vector<1x16xf32> to vector<16xf32>
        %mul3A_773 = arith.constant 11.3137083 : f32
        %mul3A_774 = vector.broadcast %mul3A_773 : f32 to vector<16xf32>
        %mul3A_775 = arith.mulf %get3A_772, %mul3A_774 : vector<16xf32>
        %swap3A_776 = arith.index_cast %add3A_746 : i32 to index
        %swap3A_777 = arith.constant 32 : index
        %swap3A_778 = tpu.vector_load %arg7[%swap3A_776, %swap3A_777] {strides = array<i32>} : memref<200x128xf32, #tpu.memory_space<vmem>>, vector<1x16xf32>,
        %swap3A_779 = vector.shape_cast %swap3A_778 : vector<1x16xf32> to vector<16xf32>
        %swap3A_780 = vector.shape_cast %mul3A_775 : vector<16xf32> to vector<1x16xf32>
        tpu.vector_store %arg7[%swap3A_776, %swap3A_777], %swap3A_780 {strides = array<i32>} : memref<200x128xf32, #tpu.memory_space<vmem>>, vector<1x16xf32>,
        %get3A_781 = arith.index_cast %add3A_746 : i32 to index
        %get3A_782 = arith.constant 48 : index
        %get3A_783 = tpu.vector_load %arg7[%get3A_781, %get3A_782] {strides = array<i32>} : memref<200x128xf32, #tpu.memory_space<vmem>>, vector<1x16xf32>,
        %get3A_784 = vector.shape_cast %get3A_783 : vector<1x16xf32> to vector<16xf32>
        %mul3A_785 = arith.constant 11.3137083 : f32
        %mul3A_786 = vector.broadcast %mul3A_785 : f32 to vector<16xf32>
        %mul3A_787 = arith.mulf %get3A_784, %mul3A_786 : vector<16xf32>
        %swap3A_788 = arith.index_cast %add3A_746 : i32 to index
        %swap3A_789 = arith.constant 48 : index
        %swap3A_790 = tpu.vector_load %arg7[%swap3A_788, %swap3A_789] {strides = array<i32>} : memref<200x128xf32, #tpu.memory_space<vmem>>, vector<1x16xf32>,
        %swap3A_791 = vector.shape_cast %swap3A_790 : vector<1x16xf32> to vector<16xf32>
        %swap3A_792 = vector.shape_cast %mul3A_787 : vector<16xf32> to vector<1x16xf32>
        tpu.vector_store %arg7[%swap3A_788, %swap3A_789], %swap3A_792 {strides = array<i32>} : memref<200x128xf32, #tpu.memory_space<vmem>>, vector<1x16xf32>,
        %get3A_793 = arith.index_cast %add3A_746 : i32 to index
        %get3A_794 = arith.constant 64 : index
        %get3A_795 = tpu.vector_load %arg7[%get3A_793, %get3A_794] {strides = array<i32>} : memref<200x128xf32, #tpu.memory_space<vmem>>, vector<1x16xf32>,
        %get3A_796 = vector.shape_cast %get3A_795 : vector<1x16xf32> to vector<16xf32>
        %mul3A_797 = arith.constant 11.3137083 : f32
        %mul3A_798 = vector.broadcast %mul3A_797 : f32 to vector<16xf32>
        %mul3A_799 = arith.mulf %get3A_796, %mul3A_798 : vector<16xf32>
        %swap3A_800 = arith.index_cast %add3A_746 : i32 to index
        %swap3A_801 = arith.constant 64 : index
        %swap3A_802 = tpu.vector_load %arg7[%swap3A_800, %swap3A_801] {strides = array<i32>} : memref<200x128xf32, #tpu.memory_space<vmem>>, vector<1x16xf32>,
        %swap3A_803 = vector.shape_cast %swap3A_802 : vector<1x16xf32> to vector<16xf32>
        %swap3A_804 = vector.shape_cast %mul3A_799 : vector<16xf32> to vector<1x16xf32>
        tpu.vector_store %arg7[%swap3A_800, %swap3A_801], %swap3A_804 {strides = array<i32>} : memref<200x128xf32, #tpu.memory_space<vmem>>, vector<1x16xf32>,
        %get3A_805 = arith.index_cast %add3A_746 : i32 to index
        %get3A_806 = arith.constant 80 : index
        %get3A_807 = tpu.vector_load %arg7[%get3A_805, %get3A_806] {strides = array<i32>} : memref<200x128xf32, #tpu.memory_space<vmem>>, vector<1x16xf32>,
        %get3A_808 = vector.shape_cast %get3A_807 : vector<1x16xf32> to vector<16xf32>
        %mul3A_809 = arith.constant 11.3137083 : f32
        %mul3A_810 = vector.broadcast %mul3A_809 : f32 to vector<16xf32>
        %mul3A_811 = arith.mulf %get3A_808, %mul3A_810 : vector<16xf32>
        %swap3A_812 = arith.index_cast %add3A_746 : i32 to index
        %swap3A_813 = arith.constant 80 : index
        %swap3A_814 = tpu.vector_load %arg7[%swap3A_812, %swap3A_813] {strides = array<i32>} : memref<200x128xf32, #tpu.memory_space<vmem>>, vector<1x16xf32>,
        %swap3A_815 = vector.shape_cast %swap3A_814 : vector<1x16xf32> to vector<16xf32>
        %swap3A_816 = vector.shape_cast %mul3A_811 : vector<16xf32> to vector<1x16xf32>
        tpu.vector_store %arg7[%swap3A_812, %swap3A_813], %swap3A_816 {strides = array<i32>} : memref<200x128xf32, #tpu.memory_space<vmem>>, vector<1x16xf32>,
        %get3A_817 = arith.index_cast %add3A_746 : i32 to index
        %get3A_818 = arith.constant 96 : index
        %get3A_819 = tpu.vector_load %arg7[%get3A_817, %get3A_818] {strides = array<i32>} : memref<200x128xf32, #tpu.memory_space<vmem>>, vector<1x16xf32>,
        %get3A_820 = vector.shape_cast %get3A_819 : vector<1x16xf32> to vector<16xf32>
        %mul3A_821 = arith.constant 11.3137083 : f32
        %mul3A_822 = vector.broadcast %mul3A_821 : f32 to vector<16xf32>
        %mul3A_823 = arith.mulf %get3A_820, %mul3A_822 : vector<16xf32>
        %swap3A_824 = arith.index_cast %add3A_746 : i32 to index
        %swap3A_825 = arith.constant 96 : index
        %swap3A_826 = tpu.vector_load %arg7[%swap3A_824, %swap3A_825] {strides = array<i32>} : memref<200x128xf32, #tpu.memory_space<vmem>>, vector<1x16xf32>,
        %swap3A_827 = vector.shape_cast %swap3A_826 : vector<1x16xf32> to vector<16xf32>
        %swap3A_828 = vector.shape_cast %mul3A_823 : vector<16xf32> to vector<1x16xf32>
        tpu.vector_store %arg7[%swap3A_824, %swap3A_825], %swap3A_828 {strides = array<i32>} : memref<200x128xf32, #tpu.memory_space<vmem>>, vector<1x16xf32>,
        %get3A_829 = arith.index_cast %add3A_746 : i32 to index
        %get3A_830 = arith.constant 112 : index
        %get3A_831 = tpu.vector_load %arg7[%get3A_829, %get3A_830] {strides = array<i32>} : memref<200x128xf32, #tpu.memory_space<vmem>>, vector<1x16xf32>,
        %get3A_832 = vector.shape_cast %get3A_831 : vector<1x16xf32> to vector<16xf32>
        %mul3A_833 = arith.constant 11.3137083 : f32
        %mul3A_834 = vector.broadcast %mul3A_833 : f32 to vector<16xf32>
        %mul3A_835 = arith.mulf %get3A_832, %mul3A_834 : vector<16xf32>
        %swap3A_836 = arith.index_cast %add3A_746 : i32 to index
        %swap3A_837 = arith.constant 112 : index
        %swap3A_838 = tpu.vector_load %arg7[%swap3A_836, %swap3A_837] {strides = array<i32>} : memref<200x128xf32, #tpu.memory_space<vmem>>, vector<1x16xf32>,
        %swap3A_839 = vector.shape_cast %swap3A_838 : vector<1x16xf32> to vector<16xf32>
        %swap3A_840 = vector.shape_cast %mul3A_835 : vector<16xf32> to vector<1x16xf32>
        tpu.vector_store %arg7[%swap3A_836, %swap3A_837], %swap3A_840 {strides = array<i32>} : memref<200x128xf32, #tpu.memory_space<vmem>>, vector<1x16xf32>,
        %scan3A_841 = arith.constant 1 : i32
        %scan3A_842 = arith.addi %scan3A_742, %scan3A_841 : i32
        %mul3A_843 = arith.constant 1 : i32
        %mul3A_844 = arith.muli %scan3A_842, %mul3A_843 : i32
        %add3A_845 = arith.constant 0 : i32
        %add3A_846 = arith.addi %add3A_845, %mul3A_844 : i32
        %get3A_847 = arith.index_cast %add3A_846 : i32 to index
        %get3A_848 = arith.constant 0 : index
        %get3A_849 = tpu.vector_load %arg7[%get3A_847, %get3A_848] {strides = array<i32>} : memref<200x128xf32, #tpu.memory_space<vmem>>, vector<1x16xf32>,
        %get3A_850 = vector.shape_cast %get3A_849 : vector<1x16xf32> to vector<16xf32>
        %mul3A_851 = arith.constant 11.3137083 : f32
        %mul3A_852 = vector.broadcast %mul3A_851 : f32 to vector<16xf32>
        %mul3A_853 = arith.mulf %get3A_850, %mul3A_852 : vector<16xf32>
        %swap3A_854 = arith.index_cast %add3A_846 : i32 to index
        %swap3A_855 = arith.constant 0 : index
        %swap3A_856 = tpu.vector_load %arg7[%swap3A_854, %swap3A_855] {strides = array<i32>} : memref<200x128xf32, #tpu.memory_space<vmem>>, vector<1x16xf32>,
        %swap3A_857 = vector.shape_cast %swap3A_856 : vector<1x16xf32> to vector<16xf32>
        %swap3A_858 = vector.shape_cast %mul3A_853 : vector<16xf32> to vector<1x16xf32>
        tpu.vector_store %arg7[%swap3A_854, %swap3A_855], %swap3A_858 {strides = array<i32>} : memref<200x128xf32, #tpu.memory_space<vmem>>, vector<1x16xf32>,
        %get3A_859 = arith.index_cast %add3A_846 : i32 to index
        %get3A_860 = arith.constant 16 : index
        %get3A_861 = tpu.vector_load %arg7[%get3A_859, %get3A_860] {strides = array<i32>} : memref<200x128xf32, #tpu.memory_space<vmem>>, vector<1x16xf32>,
        %get3A_862 = vector.shape_cast %get3A_861 : vector<1x16xf32> to vector<16xf32>
        %mul3A_863 = arith.constant 11.3137083 : f32
        %mul3A_864 = vector.broadcast %mul3A_863 : f32 to vector<16xf32>
        %mul3A_865 = arith.mulf %get3A_862, %mul3A_864 : vector<16xf32>
        %swap3A_866 = arith.index_cast %add3A_846 : i32 to index
        %swap3A_867 = arith.constant 16 : index
        %swap3A_868 = tpu.vector_load %arg7[%swap3A_866, %swap3A_867] {strides = array<i32>} : memref<200x128xf32, #tpu.memory_space<vmem>>, vector<1x16xf32>,
        %swap3A_869 = vector.shape_cast %swap3A_868 : vector<1x16xf32> to vector<16xf32>
        %swap3A_870 = vector.shape_cast %mul3A_865 : vector<16xf32> to vector<1x16xf32>
        tpu.vector_store %arg7[%swap3A_866, %swap3A_867], %swap3A_870 {strides = array<i32>} : memref<200x128xf32, #tpu.memory_space<vmem>>, vector<1x16xf32>,
        %get3A_871 = arith.index_cast %add3A_846 : i32 to index
        %get3A_872 = arith.constant 32 : index
        %get3A_873 = tpu.vector_load %arg7[%get3A_871, %get3A_872] {strides = array<i32>} : memref<200x128xf32, #tpu.memory_space<vmem>>, vector<1x16xf32>,
        %get3A_874 = vector.shape_cast %get3A_873 : vector<1x16xf32> to vector<16xf32>
        %mul3A_875 = arith.constant 11.3137083 : f32
        %mul3A_876 = vector.broadcast %mul3A_875 : f32 to vector<16xf32>
        %mul3A_877 = arith.mulf %get3A_874, %mul3A_876 : vector<16xf32>
        %swap3A_878 = arith.index_cast %add3A_846 : i32 to index
        %swap3A_879 = arith.constant 32 : index
        %swap3A_880 = tpu.vector_load %arg7[%swap3A_878, %swap3A_879] {strides = array<i32>} : memref<200x128xf32, #tpu.memory_space<vmem>>, vector<1x16xf32>,
        %swap3A_881 = vector.shape_cast %swap3A_880 : vector<1x16xf32> to vector<16xf32>
        %swap3A_882 = vector.shape_cast %mul3A_877 : vector<16xf32> to vector<1x16xf32>
        tpu.vector_store %arg7[%swap3A_878, %swap3A_879], %swap3A_882 {strides = array<i32>} : memref<200x128xf32, #tpu.memory_space<vmem>>, vector<1x16xf32>,
        %get3A_883 = arith.index_cast %add3A_846 : i32 to index
        %get3A_884 = arith.constant 48 : index
        %get3A_885 = tpu.vector_load %arg7[%get3A_883, %get3A_884] {strides = array<i32>} : memref<200x128xf32, #tpu.memory_space<vmem>>, vector<1x16xf32>,
        %get3A_886 = vector.shape_cast %get3A_885 : vector<1x16xf32> to vector<16xf32>
        %mul3A_887 = arith.constant 11.3137083 : f32
        %mul3A_888 = vector.broadcast %mul3A_887 : f32 to vector<16xf32>
        %mul3A_889 = arith.mulf %get3A_886, %mul3A_888 : vector<16xf32>
        %swap3A_890 = arith.index_cast %add3A_846 : i32 to index
        %swap3A_891 = arith.constant 48 : index
        %swap3A_892 = tpu.vector_load %arg7[%swap3A_890, %swap3A_891] {strides = array<i32>} : memref<200x128xf32, #tpu.memory_space<vmem>>, vector<1x16xf32>,
        %swap3A_893 = vector.shape_cast %swap3A_892 : vector<1x16xf32> to vector<16xf32>
        %swap3A_894 = vector.shape_cast %mul3A_889 : vector<16xf32> to vector<1x16xf32>
        tpu.vector_store %arg7[%swap3A_890, %swap3A_891], %swap3A_894 {strides = array<i32>} : memref<200x128xf32, #tpu.memory_space<vmem>>, vector<1x16xf32>,
        %get3A_895 = arith.index_cast %add3A_846 : i32 to index
        %get3A_896 = arith.constant 64 : index
        %get3A_897 = tpu.vector_load %arg7[%get3A_895, %get3A_896] {strides = array<i32>} : memref<200x128xf32, #tpu.memory_space<vmem>>, vector<1x16xf32>,
        %get3A_898 = vector.shape_cast %get3A_897 : vector<1x16xf32> to vector<16xf32>
        %mul3A_899 = arith.constant 11.3137083 : f32
        %mul3A_900 = vector.broadcast %mul3A_899 : f32 to vector<16xf32>
        %mul3A_901 = arith.mulf %get3A_898, %mul3A_900 : vector<16xf32>
        %swap3A_902 = arith.index_cast %add3A_846 : i32 to index
        %swap3A_903 = arith.constant 64 : index
        %swap3A_904 = tpu.vector_load %arg7[%swap3A_902, %swap3A_903] {strides = array<i32>} : memref<200x128xf32, #tpu.memory_space<vmem>>, vector<1x16xf32>,
        %swap3A_905 = vector.shape_cast %swap3A_904 : vector<1x16xf32> to vector<16xf32>
        %swap3A_906 = vector.shape_cast %mul3A_901 : vector<16xf32> to vector<1x16xf32>
        tpu.vector_store %arg7[%swap3A_902, %swap3A_903], %swap3A_906 {strides = array<i32>} : memref<200x128xf32, #tpu.memory_space<vmem>>, vector<1x16xf32>,
        %get3A_907 = arith.index_cast %add3A_846 : i32 to index
        %get3A_908 = arith.constant 80 : index
        %get3A_909 = tpu.vector_load %arg7[%get3A_907, %get3A_908] {strides = array<i32>} : memref<200x128xf32, #tpu.memory_space<vmem>>, vector<1x16xf32>,
        %get3A_910 = vector.shape_cast %get3A_909 : vector<1x16xf32> to vector<16xf32>
        %mul3A_911 = arith.constant 11.3137083 : f32
        %mul3A_912 = vector.broadcast %mul3A_911 : f32 to vector<16xf32>
        %mul3A_913 = arith.mulf %get3A_910, %mul3A_912 : vector<16xf32>
        %swap3A_914 = arith.index_cast %add3A_846 : i32 to index
        %swap3A_915 = arith.constant 80 : index
        %swap3A_916 = tpu.vector_load %arg7[%swap3A_914, %swap3A_915] {strides = array<i32>} : memref<200x128xf32, #tpu.memory_space<vmem>>, vector<1x16xf32>,
        %swap3A_917 = vector.shape_cast %swap3A_916 : vector<1x16xf32> to vector<16xf32>
        %swap3A_918 = vector.shape_cast %mul3A_913 : vector<16xf32> to vector<1x16xf32>
        tpu.vector_store %arg7[%swap3A_914, %swap3A_915], %swap3A_918 {strides = array<i32>} : memref<200x128xf32, #tpu.memory_space<vmem>>, vector<1x16xf32>,
        %get3A_919 = arith.index_cast %add3A_846 : i32 to index
        %get3A_920 = arith.constant 96 : index
        %get3A_921 = tpu.vector_load %arg7[%get3A_919, %get3A_920] {strides = array<i32>} : memref<200x128xf32, #tpu.memory_space<vmem>>, vector<1x16xf32>,
        %get3A_922 = vector.shape_cast %get3A_921 : vector<1x16xf32> to vector<16xf32>
        %mul3A_923 = arith.constant 11.3137083 : f32
        %mul3A_924 = vector.broadcast %mul3A_923 : f32 to vector<16xf32>
        %mul3A_925 = arith.mulf %get3A_922, %mul3A_924 : vector<16xf32>
        %swap3A_926 = arith.index_cast %add3A_846 : i32 to index
        %swap3A_927 = arith.constant 96 : index
        %swap3A_928 = tpu.vector_load %arg7[%swap3A_926, %swap3A_927] {strides = array<i32>} : memref<200x128xf32, #tpu.memory_space<vmem>>, vector<1x16xf32>,
        %swap3A_929 = vector.shape_cast %swap3A_928 : vector<1x16xf32> to vector<16xf32>
        %swap3A_930 = vector.shape_cast %mul3A_925 : vector<16xf32> to vector<1x16xf32>
        tpu.vector_store %arg7[%swap3A_926, %swap3A_927], %swap3A_930 {strides = array<i32>} : memref<200x128xf32, #tpu.memory_space<vmem>>, vector<1x16xf32>,
        %get3A_931 = arith.index_cast %add3A_846 : i32 to index
        %get3A_932 = arith.constant 112 : index
        %get3A_933 = tpu.vector_load %arg7[%get3A_931, %get3A_932] {strides = array<i32>} : memref<200x128xf32, #tpu.memory_space<vmem>>, vector<1x16xf32>,
        %get3A_934 = vector.shape_cast %get3A_933 : vector<1x16xf32> to vector<16xf32>
        %mul3A_935 = arith.constant 11.3137083 : f32
        %mul3A_936 = vector.broadcast %mul3A_935 : f32 to vector<16xf32>
        %mul3A_937 = arith.mulf %get3A_934, %mul3A_936 : vector<16xf32>
        %swap3A_938 = arith.index_cast %add3A_846 : i32 to index
        %swap3A_939 = arith.constant 112 : index
        %swap3A_940 = tpu.vector_load %arg7[%swap3A_938, %swap3A_939] {strides = array<i32>} : memref<200x128xf32, #tpu.memory_space<vmem>>, vector<1x16xf32>,
        %swap3A_941 = vector.shape_cast %swap3A_940 : vector<1x16xf32> to vector<16xf32>
        %swap3A_942 = vector.shape_cast %mul3A_937 : vector<16xf32> to vector<1x16xf32>
        tpu.vector_store %arg7[%swap3A_938, %swap3A_939], %swap3A_942 {strides = array<i32>} : memref<200x128xf32, #tpu.memory_space<vmem>>, vector<1x16xf32>,
        %scan3A_943 = arith.constant 2 : i32
        %scan3A_944 = arith.addi %scan3A_742, %scan3A_943 : i32
        %mul3A_945 = arith.constant 1 : i32
        %mul3A_946 = arith.muli %scan3A_944, %mul3A_945 : i32
        %add3A_947 = arith.constant 0 : i32
        %add3A_948 = arith.addi %add3A_947, %mul3A_946 : i32
        %get3A_949 = arith.index_cast %add3A_948 : i32 to index
        %get3A_950 = arith.constant 0 : index
        %get3A_951 = tpu.vector_load %arg7[%get3A_949, %get3A_950] {strides = array<i32>} : memref<200x128xf32, #tpu.memory_space<vmem>>, vector<1x16xf32>,
        %get3A_952 = vector.shape_cast %get3A_951 : vector<1x16xf32> to vector<16xf32>
        %mul3A_953 = arith.constant 11.3137083 : f32
        %mul3A_954 = vector.broadcast %mul3A_953 : f32 to vector<16xf32>
        %mul3A_955 = arith.mulf %get3A_952, %mul3A_954 : vector<16xf32>
        %swap3A_956 = arith.index_cast %add3A_948 : i32 to index
        %swap3A_957 = arith.constant 0 : index
        %swap3A_958 = tpu.vector_load %arg7[%swap3A_956, %swap3A_957] {strides = array<i32>} : memref<200x128xf32, #tpu.memory_space<vmem>>, vector<1x16xf32>,
        %swap3A_959 = vector.shape_cast %swap3A_958 : vector<1x16xf32> to vector<16xf32>
        %swap3A_960 = vector.shape_cast %mul3A_955 : vector<16xf32> to vector<1x16xf32>
        tpu.vector_store %arg7[%swap3A_956, %swap3A_957], %swap3A_960 {strides = array<i32>} : memref<200x128xf32, #tpu.memory_space<vmem>>, vector<1x16xf32>,
        %get3A_961 = arith.index_cast %add3A_948 : i32 to index
        %get3A_962 = arith.constant 16 : index
        %get3A_963 = tpu.vector_load %arg7[%get3A_961, %get3A_962] {strides = array<i32>} : memref<200x128xf32, #tpu.memory_space<vmem>>, vector<1x16xf32>,
        %get3A_964 = vector.shape_cast %get3A_963 : vector<1x16xf32> to vector<16xf32>
        %mul3A_965 = arith.constant 11.3137083 : f32
        %mul3A_966 = vector.broadcast %mul3A_965 : f32 to vector<16xf32>
        %mul3A_967 = arith.mulf %get3A_964, %mul3A_966 : vector<16xf32>
        %swap3A_968 = arith.index_cast %add3A_948 : i32 to index
        %swap3A_969 = arith.constant 16 : index
        %swap3A_970 = tpu.vector_load %arg7[%swap3A_968, %swap3A_969] {strides = array<i32>} : memref<200x128xf32, #tpu.memory_space<vmem>>, vector<1x16xf32>,
        %swap3A_971 = vector.shape_cast %swap3A_970 : vector<1x16xf32> to vector<16xf32>
        %swap3A_972 = vector.shape_cast %mul3A_967 : vector<16xf32> to vector<1x16xf32>
        tpu.vector_store %arg7[%swap3A_968, %swap3A_969], %swap3A_972 {strides = array<i32>} : memref<200x128xf32, #tpu.memory_space<vmem>>, vector<1x16xf32>,
        %get3A_973 = arith.index_cast %add3A_948 : i32 to index
        %get3A_974 = arith.constant 32 : index
        %get3A_975 = tpu.vector_load %arg7[%get3A_973, %get3A_974] {strides = array<i32>} : memref<200x128xf32, #tpu.memory_space<vmem>>, vector<1x16xf32>,
        %get3A_976 = vector.shape_cast %get3A_975 : vector<1x16xf32> to vector<16xf32>
        %mul3A_977 = arith.constant 11.3137083 : f32
        %mul3A_978 = vector.broadcast %mul3A_977 : f32 to vector<16xf32>
        %mul3A_979 = arith.mulf %get3A_976, %mul3A_978 : vector<16xf32>
        %swap3A_980 = arith.index_cast %add3A_948 : i32 to index
        %swap3A_981 = arith.constant 32 : index
        %swap3A_982 = tpu.vector_load %arg7[%swap3A_980, %swap3A_981] {strides = array<i32>} : memref<200x128xf32, #tpu.memory_space<vmem>>, vector<1x16xf32>,
        %swap3A_983 = vector.shape_cast %swap3A_982 : vector<1x16xf32> to vector<16xf32>
        %swap3A_984 = vector.shape_cast %mul3A_979 : vector<16xf32> to vector<1x16xf32>
        tpu.vector_store %arg7[%swap3A_980, %swap3A_981], %swap3A_984 {strides = array<i32>} : memref<200x128xf32, #tpu.memory_space<vmem>>, vector<1x16xf32>,
        %get3A_985 = arith.index_cast %add3A_948 : i32 to index
        %get3A_986 = arith.constant 48 : index
        %get3A_987 = tpu.vector_load %arg7[%get3A_985, %get3A_986] {strides = array<i32>} : memref<200x128xf32, #tpu.memory_space<vmem>>, vector<1x16xf32>,
        %get3A_988 = vector.shape_cast %get3A_987 : vector<1x16xf32> to vector<16xf32>
        %mul3A_989 = arith.constant 11.3137083 : f32
        %mul3A_990 = vector.broadcast %mul3A_989 : f32 to vector<16xf32>
        %mul3A_991 = arith.mulf %get3A_988, %mul3A_990 : vector<16xf32>
        %swap3A_992 = arith.index_cast %add3A_948 : i32 to index
        %swap3A_993 = arith.constant 48 : index
        %swap3A_994 = tpu.vector_load %arg7[%swap3A_992, %swap3A_993] {strides = array<i32>} : memref<200x128xf32, #tpu.memory_space<vmem>>, vector<1x16xf32>,
        %swap3A_995 = vector.shape_cast %swap3A_994 : vector<1x16xf32> to vector<16xf32>
        %swap3A_996 = vector.shape_cast %mul3A_991 : vector<16xf32> to vector<1x16xf32>
        tpu.vector_store %arg7[%swap3A_992, %swap3A_993], %swap3A_996 {strides = array<i32>} : memref<200x128xf32, #tpu.memory_space<vmem>>, vector<1x16xf32>,
        %get3A_997 = arith.index_cast %add3A_948 : i32 to index
        %get3A_998 = arith.constant 64 : index
        %get3A_999 = tpu.vector_load %arg7[%get3A_997, %get3A_998] {strides = array<i32>} : memref<200x128xf32, #tpu.memory_space<vmem>>, vector<1x16xf32>,
        %get3A_1000 = vector.shape_cast %get3A_999 : vector<1x16xf32> to vector<16xf32>
        %mul3A_1001 = arith.constant 11.3137083 : f32
        %mul3A_1002 = vector.broadcast %mul3A_1001 : f32 to vector<16xf32>
        %mul3A_1003 = arith.mulf %get3A_1000, %mul3A_1002 : vector<16xf32>
        %swap3A_1004 = arith.index_cast %add3A_948 : i32 to index
        %swap3A_1005 = arith.constant 64 : index
        %swap3A_1006 = tpu.vector_load %arg7[%swap3A_1004, %swap3A_1005] {strides = array<i32>} : memref<200x128xf32, #tpu.memory_space<vmem>>, vector<1x16xf32>,
        %swap3A_1007 = vector.shape_cast %swap3A_1006 : vector<1x16xf32> to vector<16xf32>
        %swap3A_1008 = vector.shape_cast %mul3A_1003 : vector<16xf32> to vector<1x16xf32>
        tpu.vector_store %arg7[%swap3A_1004, %swap3A_1005], %swap3A_1008 {strides = array<i32>} : memref<200x128xf32, #tpu.memory_space<vmem>>, vector<1x16xf32>,
        %get3A_1009 = arith.index_cast %add3A_948 : i32 to index
        %get3A_1010 = arith.constant 80 : index
        %get3A_1011 = tpu.vector_load %arg7[%get3A_1009, %get3A_1010] {strides = array<i32>} : memref<200x128xf32, #tpu.memory_space<vmem>>, vector<1x16xf32>,
        %get3A_1012 = vector.shape_cast %get3A_1011 : vector<1x16xf32> to vector<16xf32>
        %mul3A_1013 = arith.constant 11.3137083 : f32
        %mul3A_1014 = vector.broadcast %mul3A_1013 : f32 to vector<16xf32>
        %mul3A_1015 = arith.mulf %get3A_1012, %mul3A_1014 : vector<16xf32>
        %swap3A_1016 = arith.index_cast %add3A_948 : i32 to index
        %swap3A_1017 = arith.constant 80 : index
        %swap3A_1018 = tpu.vector_load %arg7[%swap3A_1016, %swap3A_1017] {strides = array<i32>} : memref<200x128xf32, #tpu.memory_space<vmem>>, vector<1x16xf32>,
        %swap3A_1019 = vector.shape_cast %swap3A_1018 : vector<1x16xf32> to vector<16xf32>
        %swap3A_1020 = vector.shape_cast %mul3A_1015 : vector<16xf32> to vector<1x16xf32>
        tpu.vector_store %arg7[%swap3A_1016, %swap3A_1017], %swap3A_1020 {strides = array<i32>} : memref<200x128xf32, #tpu.memory_space<vmem>>, vector<1x16xf32>,
        %get3A_1021 = arith.index_cast %add3A_948 : i32 to index
        %get3A_1022 = arith.constant 96 : index
        %get3A_1023 = tpu.vector_load %arg7[%get3A_1021, %get3A_1022] {strides = array<i32>} : memref<200x128xf32, #tpu.memory_space<vmem>>, vector<1x16xf32>,
        %get3A_1024 = vector.shape_cast %get3A_1023 : vector<1x16xf32> to vector<16xf32>
        %mul3A_1025 = arith.constant 11.3137083 : f32
        %mul3A_1026 = vector.broadcast %mul3A_1025 : f32 to vector<16xf32>
        %mul3A_1027 = arith.mulf %get3A_1024, %mul3A_1026 : vector<16xf32>
        %swap3A_1028 = arith.index_cast %add3A_948 : i32 to index
        %swap3A_1029 = arith.constant 96 : index
        %swap3A_1030 = tpu.vector_load %arg7[%swap3A_1028, %swap3A_1029] {strides = array<i32>} : memref<200x128xf32, #tpu.memory_space<vmem>>, vector<1x16xf32>,
        %swap3A_1031 = vector.shape_cast %swap3A_1030 : vector<1x16xf32> to vector<16xf32>
        %swap3A_1032 = vector.shape_cast %mul3A_1027 : vector<16xf32> to vector<1x16xf32>
        tpu.vector_store %arg7[%swap3A_1028, %swap3A_1029], %swap3A_1032 {strides = array<i32>} : memref<200x128xf32, #tpu.memory_space<vmem>>, vector<1x16xf32>,
        %get3A_1033 = arith.index_cast %add3A_948 : i32 to index
        %get3A_1034 = arith.constant 112 : index
        %get3A_1035 = tpu.vector_load %arg7[%get3A_1033, %get3A_1034] {strides = array<i32>} : memref<200x128xf32, #tpu.memory_space<vmem>>, vector<1x16xf32>,
        %get3A_1036 = vector.shape_cast %get3A_1035 : vector<1x16xf32> to vector<16xf32>
        %mul3A_1037 = arith.constant 11.3137083 : f32
        %mul3A_1038 = vector.broadcast %mul3A_1037 : f32 to vector<16xf32>
        %mul3A_1039 = arith.mulf %get3A_1036, %mul3A_1038 : vector<16xf32>
        %swap3A_1040 = arith.index_cast %add3A_948 : i32 to index
        %swap3A_1041 = arith.constant 112 : index
        %swap3A_1042 = tpu.vector_load %arg7[%swap3A_1040, %swap3A_1041] {strides = array<i32>} : memref<200x128xf32, #tpu.memory_space<vmem>>, vector<1x16xf32>,
        %swap3A_1043 = vector.shape_cast %swap3A_1042 : vector<1x16xf32> to vector<16xf32>
        %swap3A_1044 = vector.shape_cast %mul3A_1039 : vector<16xf32> to vector<1x16xf32>
        tpu.vector_store %arg7[%swap3A_1040, %swap3A_1041], %swap3A_1044 {strides = array<i32>} : memref<200x128xf32, #tpu.memory_space<vmem>>, vector<1x16xf32>,
        %scan3A_1045 = arith.constant 3 : i32
        %scan3A_1046 = arith.addi %scan3A_742, %scan3A_1045 : i32
        %mul3A_1047 = arith.constant 1 : i32
        %mul3A_1048 = arith.muli %scan3A_1046, %mul3A_1047 : i32
        %add3A_1049 = arith.constant 0 : i32
        %add3A_1050 = arith.addi %add3A_1049, %mul3A_1048 : i32
        %get3A_1051 = arith.index_cast %add3A_1050 : i32 to index
        %get3A_1052 = arith.constant 0 : index
        %get3A_1053 = tpu.vector_load %arg7[%get3A_1051, %get3A_1052] {strides = array<i32>} : memref<200x128xf32, #tpu.memory_space<vmem>>, vector<1x16xf32>,
        %get3A_1054 = vector.shape_cast %get3A_1053 : vector<1x16xf32> to vector<16xf32>
        %mul3A_1055 = arith.constant 11.3137083 : f32
        %mul3A_1056 = vector.broadcast %mul3A_1055 : f32 to vector<16xf32>
        %mul3A_1057 = arith.mulf %get3A_1054, %mul3A_1056 : vector<16xf32>
        %swap3A_1058 = arith.index_cast %add3A_1050 : i32 to index
        %swap3A_1059 = arith.constant 0 : index
        %swap3A_1060 = tpu.vector_load %arg7[%swap3A_1058, %swap3A_1059] {strides = array<i32>} : memref<200x128xf32, #tpu.memory_space<vmem>>, vector<1x16xf32>,
        %swap3A_1061 = vector.shape_cast %swap3A_1060 : vector<1x16xf32> to vector<16xf32>
        %swap3A_1062 = vector.shape_cast %mul3A_1057 : vector<16xf32> to vector<1x16xf32>
        tpu.vector_store %arg7[%swap3A_1058, %swap3A_1059], %swap3A_1062 {strides = array<i32>} : memref<200x128xf32, #tpu.memory_space<vmem>>, vector<1x16xf32>,
        %get3A_1063 = arith.index_cast %add3A_1050 : i32 to index
        %get3A_1064 = arith.constant 16 : index
        %get3A_1065 = tpu.vector_load %arg7[%get3A_1063, %get3A_1064] {strides = array<i32>} : memref<200x128xf32, #tpu.memory_space<vmem>>, vector<1x16xf32>,
        %get3A_1066 = vector.shape_cast %get3A_1065 : vector<1x16xf32> to vector<16xf32>
        %mul3A_1067 = arith.constant 11.3137083 : f32
        %mul3A_1068 = vector.broadcast %mul3A_1067 : f32 to vector<16xf32>
        %mul3A_1069 = arith.mulf %get3A_1066, %mul3A_1068 : vector<16xf32>
        %swap3A_1070 = arith.index_cast %add3A_1050 : i32 to index
        %swap3A_1071 = arith.constant 16 : index
        %swap3A_1072 = tpu.vector_load %arg7[%swap3A_1070, %swap3A_1071] {strides = array<i32>} : memref<200x128xf32, #tpu.memory_space<vmem>>, vector<1x16xf32>,
        %swap3A_1073 = vector.shape_cast %swap3A_1072 : vector<1x16xf32> to vector<16xf32>
        %swap3A_1074 = vector.shape_cast %mul3A_1069 : vector<16xf32> to vector<1x16xf32>
        tpu.vector_store %arg7[%swap3A_1070, %swap3A_1071], %swap3A_1074 {strides = array<i32>} : memref<200x128xf32, #tpu.memory_space<vmem>>, vector<1x16xf32>,
        %get3A_1075 = arith.index_cast %add3A_1050 : i32 to index
        %get3A_1076 = arith.constant 32 : index
        %get3A_1077 = tpu.vector_load %arg7[%get3A_1075, %get3A_1076] {strides = array<i32>} : memref<200x128xf32, #tpu.memory_space<vmem>>, vector<1x16xf32>,
        %get3A_1078 = vector.shape_cast %get3A_1077 : vector<1x16xf32> to vector<16xf32>
        %mul3A_1079 = arith.constant 11.3137083 : f32
        %mul3A_1080 = vector.broadcast %mul3A_1079 : f32 to vector<16xf32>
        %mul3A_1081 = arith.mulf %get3A_1078, %mul3A_1080 : vector<16xf32>
        %swap3A_1082 = arith.index_cast %add3A_1050 : i32 to index
        %swap3A_1083 = arith.constant 32 : index
        %swap3A_1084 = tpu.vector_load %arg7[%swap3A_1082, %swap3A_1083] {strides = array<i32>} : memref<200x128xf32, #tpu.memory_space<vmem>>, vector<1x16xf32>,
        %swap3A_1085 = vector.shape_cast %swap3A_1084 : vector<1x16xf32> to vector<16xf32>
        %swap3A_1086 = vector.shape_cast %mul3A_1081 : vector<16xf32> to vector<1x16xf32>
        tpu.vector_store %arg7[%swap3A_1082, %swap3A_1083], %swap3A_1086 {strides = array<i32>} : memref<200x128xf32, #tpu.memory_space<vmem>>, vector<1x16xf32>,
        %get3A_1087 = arith.index_cast %add3A_1050 : i32 to index
        %get3A_1088 = arith.constant 48 : index
        %get3A_1089 = tpu.vector_load %arg7[%get3A_1087, %get3A_1088] {strides = array<i32>} : memref<200x128xf32, #tpu.memory_space<vmem>>, vector<1x16xf32>,
        %get3A_1090 = vector.shape_cast %get3A_1089 : vector<1x16xf32> to vector<16xf32>
        %mul3A_1091 = arith.constant 11.3137083 : f32
        %mul3A_1092 = vector.broadcast %mul3A_1091 : f32 to vector<16xf32>
        %mul3A_1093 = arith.mulf %get3A_1090, %mul3A_1092 : vector<16xf32>
        %swap3A_1094 = arith.index_cast %add3A_1050 : i32 to index
        %swap3A_1095 = arith.constant 48 : index
        %swap3A_1096 = tpu.vector_load %arg7[%swap3A_1094, %swap3A_1095] {strides = array<i32>} : memref<200x128xf32, #tpu.memory_space<vmem>>, vector<1x16xf32>,
        %swap3A_1097 = vector.shape_cast %swap3A_1096 : vector<1x16xf32> to vector<16xf32>
        %swap3A_1098 = vector.shape_cast %mul3A_1093 : vector<16xf32> to vector<1x16xf32>
        tpu.vector_store %arg7[%swap3A_1094, %swap3A_1095], %swap3A_1098 {strides = array<i32>} : memref<200x128xf32, #tpu.memory_space<vmem>>, vector<1x16xf32>,
        %get3A_1099 = arith.index_cast %add3A_1050 : i32 to index
        %get3A_1100 = arith.constant 64 : index
        %get3A_1101 = tpu.vector_load %arg7[%get3A_1099, %get3A_1100] {strides = array<i32>} : memref<200x128xf32, #tpu.memory_space<vmem>>, vector<1x16xf32>,
        %get3A_1102 = vector.shape_cast %get3A_1101 : vector<1x16xf32> to vector<16xf32>
        %mul3A_1103 = arith.constant 11.3137083 : f32
        %mul3A_1104 = vector.broadcast %mul3A_1103 : f32 to vector<16xf32>
        %mul3A_1105 = arith.mulf %get3A_1102, %mul3A_1104 : vector<16xf32>
        %swap3A_1106 = arith.index_cast %add3A_1050 : i32 to index
        %swap3A_1107 = arith.constant 64 : index
        %swap3A_1108 = tpu.vector_load %arg7[%swap3A_1106, %swap3A_1107] {strides = array<i32>} : memref<200x128xf32, #tpu.memory_space<vmem>>, vector<1x16xf32>,
        %swap3A_1109 = vector.shape_cast %swap3A_1108 : vector<1x16xf32> to vector<16xf32>
        %swap3A_1110 = vector.shape_cast %mul3A_1105 : vector<16xf32> to vector<1x16xf32>
        tpu.vector_store %arg7[%swap3A_1106, %swap3A_1107], %swap3A_1110 {strides = array<i32>} : memref<200x128xf32, #tpu.memory_space<vmem>>, vector<1x16xf32>,
        %get3A_1111 = arith.index_cast %add3A_1050 : i32 to index
        %get3A_1112 = arith.constant 80 : index
        %get3A_1113 = tpu.vector_load %arg7[%get3A_1111, %get3A_1112] {strides = array<i32>} : memref<200x128xf32, #tpu.memory_space<vmem>>, vector<1x16xf32>,
        %get3A_1114 = vector.shape_cast %get3A_1113 : vector<1x16xf32> to vector<16xf32>
        %mul3A_1115 = arith.constant 11.3137083 : f32
        %mul3A_1116 = vector.broadcast %mul3A_1115 : f32 to vector<16xf32>
        %mul3A_1117 = arith.mulf %get3A_1114, %mul3A_1116 : vector<16xf32>
        %swap3A_1118 = arith.index_cast %add3A_1050 : i32 to index
        %swap3A_1119 = arith.constant 80 : index
        %swap3A_1120 = tpu.vector_load %arg7[%swap3A_1118, %swap3A_1119] {strides = array<i32>} : memref<200x128xf32, #tpu.memory_space<vmem>>, vector<1x16xf32>,
        %swap3A_1121 = vector.shape_cast %swap3A_1120 : vector<1x16xf32> to vector<16xf32>
        %swap3A_1122 = vector.shape_cast %mul3A_1117 : vector<16xf32> to vector<1x16xf32>
        tpu.vector_store %arg7[%swap3A_1118, %swap3A_1119], %swap3A_1122 {strides = array<i32>} : memref<200x128xf32, #tpu.memory_space<vmem>>, vector<1x16xf32>,
        %get3A_1123 = arith.index_cast %add3A_1050 : i32 to index
        %get3A_1124 = arith.constant 96 : index
        %get3A_1125 = tpu.vector_load %arg7[%get3A_1123, %get3A_1124] {strides = array<i32>} : memref<200x128xf32, #tpu.memory_space<vmem>>, vector<1x16xf32>,
        %get3A_1126 = vector.shape_cast %get3A_1125 : vector<1x16xf32> to vector<16xf32>
        %mul3A_1127 = arith.constant 11.3137083 : f32
        %mul3A_1128 = vector.broadcast %mul3A_1127 : f32 to vector<16xf32>
        %mul3A_1129 = arith.mulf %get3A_1126, %mul3A_1128 : vector<16xf32>
        %swap3A_1130 = arith.index_cast %add3A_1050 : i32 to index
        %swap3A_1131 = arith.constant 96 : index
        %swap3A_1132 = tpu.vector_load %arg7[%swap3A_1130, %swap3A_1131] {strides = array<i32>} : memref<200x128xf32, #tpu.memory_space<vmem>>, vector<1x16xf32>,
        %swap3A_1133 = vector.shape_cast %swap3A_1132 : vector<1x16xf32> to vector<16xf32>
        %swap3A_1134 = vector.shape_cast %mul3A_1129 : vector<16xf32> to vector<1x16xf32>
        tpu.vector_store %arg7[%swap3A_1130, %swap3A_1131], %swap3A_1134 {strides = array<i32>} : memref<200x128xf32, #tpu.memory_space<vmem>>, vector<1x16xf32>,
        %get3A_1135 = arith.index_cast %add3A_1050 : i32 to index
        %get3A_1136 = arith.constant 112 : index
        %get3A_1137 = tpu.vector_load %arg7[%get3A_1135, %get3A_1136] {strides = array<i32>} : memref<200x128xf32, #tpu.memory_space<vmem>>, vector<1x16xf32>,
        %get3A_1138 = vector.shape_cast %get3A_1137 : vector<1x16xf32> to vector<16xf32>
        %mul3A_1139 = arith.constant 11.3137083 : f32
        %mul3A_1140 = vector.broadcast %mul3A_1139 : f32 to vector<16xf32>
        %mul3A_1141 = arith.mulf %get3A_1138, %mul3A_1140 : vector<16xf32>
        %swap3A_1142 = arith.index_cast %add3A_1050 : i32 to index
        %swap3A_1143 = arith.constant 112 : index
        %swap3A_1144 = tpu.vector_load %arg7[%swap3A_1142, %swap3A_1143] {strides = array<i32>} : memref<200x128xf32, #tpu.memory_space<vmem>>, vector<1x16xf32>,
        %swap3A_1145 = vector.shape_cast %swap3A_1144 : vector<1x16xf32> to vector<16xf32>
        %swap3A_1146 = vector.shape_cast %mul3A_1141 : vector<16xf32> to vector<1x16xf32>
        tpu.vector_store %arg7[%swap3A_1142, %swap3A_1143], %swap3A_1146 {strides = array<i32>} : memref<200x128xf32, #tpu.memory_space<vmem>>, vector<1x16xf32>,
        %scan3A_1147 = arith.constant 4 : i32
        %scan3A_1148 = arith.addi %scan3A_742, %scan3A_1147 : i32
        %mul3A_1149 = arith.constant 1 : i32
        %mul3A_1150 = arith.muli %scan3A_1148, %mul3A_1149 : i32
        %add3A_1151 = arith.constant 0 : i32
        %add3A_1152 = arith.addi %add3A_1151, %mul3A_1150 : i32
        %get3A_1153 = arith.index_cast %add3A_1152 : i32 to index
        %get3A_1154 = arith.constant 0 : index
        %get3A_1155 = tpu.vector_load %arg7[%get3A_1153, %get3A_1154] {strides = array<i32>} : memref<200x128xf32, #tpu.memory_space<vmem>>, vector<1x16xf32>,
        %get3A_1156 = vector.shape_cast %get3A_1155 : vector<1x16xf32> to vector<16xf32>
        %mul3A_1157 = arith.constant 11.3137083 : f32
        %mul3A_1158 = vector.broadcast %mul3A_1157 : f32 to vector<16xf32>
        %mul3A_1159 = arith.mulf %get3A_1156, %mul3A_1158 : vector<16xf32>
        %swap3A_1160 = arith.index_cast %add3A_1152 : i32 to index
        %swap3A_1161 = arith.constant 0 : index
        %swap3A_1162 = tpu.vector_load %arg7[%swap3A_1160, %swap3A_1161] {strides = array<i32>} : memref<200x128xf32, #tpu.memory_space<vmem>>, vector<1x16xf32>,
        %swap3A_1163 = vector.shape_cast %swap3A_1162 : vector<1x16xf32> to vector<16xf32>
        %swap3A_1164 = vector.shape_cast %mul3A_1159 : vector<16xf32> to vector<1x16xf32>
        tpu.vector_store %arg7[%swap3A_1160, %swap3A_1161], %swap3A_1164 {strides = array<i32>} : memref<200x128xf32, #tpu.memory_space<vmem>>, vector<1x16xf32>,
        %get3A_1165 = arith.index_cast %add3A_1152 : i32 to index
        %get3A_1166 = arith.constant 16 : index
        %get3A_1167 = tpu.vector_load %arg7[%get3A_1165, %get3A_1166] {strides = array<i32>} : memref<200x128xf32, #tpu.memory_space<vmem>>, vector<1x16xf32>,
        %get3A_1168 = vector.shape_cast %get3A_1167 : vector<1x16xf32> to vector<16xf32>
        %mul3A_1169 = arith.constant 11.3137083 : f32
        %mul3A_1170 = vector.broadcast %mul3A_1169 : f32 to vector<16xf32>
        %mul3A_1171 = arith.mulf %get3A_1168, %mul3A_1170 : vector<16xf32>
        %swap3A_1172 = arith.index_cast %add3A_1152 : i32 to index
        %swap3A_1173 = arith.constant 16 : index
        %swap3A_1174 = tpu.vector_load %arg7[%swap3A_1172, %swap3A_1173] {strides = array<i32>} : memref<200x128xf32, #tpu.memory_space<vmem>>, vector<1x16xf32>,
        %swap3A_1175 = vector.shape_cast %swap3A_1174 : vector<1x16xf32> to vector<16xf32>
        %swap3A_1176 = vector.shape_cast %mul3A_1171 : vector<16xf32> to vector<1x16xf32>
        tpu.vector_store %arg7[%swap3A_1172, %swap3A_1173], %swap3A_1176 {strides = array<i32>} : memref<200x128xf32, #tpu.memory_space<vmem>>, vector<1x16xf32>,
        %get3A_1177 = arith.index_cast %add3A_1152 : i32 to index
        %get3A_1178 = arith.constant 32 : index
        %get3A_1179 = tpu.vector_load %arg7[%get3A_1177, %get3A_1178] {strides = array<i32>} : memref<200x128xf32, #tpu.memory_space<vmem>>, vector<1x16xf32>,
        %get3A_1180 = vector.shape_cast %get3A_1179 : vector<1x16xf32> to vector<16xf32>
        %mul3A_1181 = arith.constant 11.3137083 : f32
        %mul3A_1182 = vector.broadcast %mul3A_1181 : f32 to vector<16xf32>
        %mul3A_1183 = arith.mulf %get3A_1180, %mul3A_1182 : vector<16xf32>
        %swap3A_1184 = arith.index_cast %add3A_1152 : i32 to index
        %swap3A_1185 = arith.constant 32 : index
        %swap3A_1186 = tpu.vector_load %arg7[%swap3A_1184, %swap3A_1185] {strides = array<i32>} : memref<200x128xf32, #tpu.memory_space<vmem>>, vector<1x16xf32>,
        %swap3A_1187 = vector.shape_cast %swap3A_1186 : vector<1x16xf32> to vector<16xf32>
        %swap3A_1188 = vector.shape_cast %mul3A_1183 : vector<16xf32> to vector<1x16xf32>
        tpu.vector_store %arg7[%swap3A_1184, %swap3A_1185], %swap3A_1188 {strides = array<i32>} : memref<200x128xf32, #tpu.memory_space<vmem>>, vector<1x16xf32>,
        %get3A_1189 = arith.index_cast %add3A_1152 : i32 to index
        %get3A_1190 = arith.constant 48 : index
        %get3A_1191 = tpu.vector_load %arg7[%get3A_1189, %get3A_1190] {strides = array<i32>} : memref<200x128xf32, #tpu.memory_space<vmem>>, vector<1x16xf32>,
        %get3A_1192 = vector.shape_cast %get3A_1191 : vector<1x16xf32> to vector<16xf32>
        %mul3A_1193 = arith.constant 11.3137083 : f32
        %mul3A_1194 = vector.broadcast %mul3A_1193 : f32 to vector<16xf32>
        %mul3A_1195 = arith.mulf %get3A_1192, %mul3A_1194 : vector<16xf32>
        %swap3A_1196 = arith.index_cast %add3A_1152 : i32 to index
        %swap3A_1197 = arith.constant 48 : index
        %swap3A_1198 = tpu.vector_load %arg7[%swap3A_1196, %swap3A_1197] {strides = array<i32>} : memref<200x128xf32, #tpu.memory_space<vmem>>, vector<1x16xf32>,
        %swap3A_1199 = vector.shape_cast %swap3A_1198 : vector<1x16xf32> to vector<16xf32>
        %swap3A_1200 = vector.shape_cast %mul3A_1195 : vector<16xf32> to vector<1x16xf32>
        tpu.vector_store %arg7[%swap3A_1196, %swap3A_1197], %swap3A_1200 {strides = array<i32>} : memref<200x128xf32, #tpu.memory_space<vmem>>, vector<1x16xf32>,
        %get3A_1201 = arith.index_cast %add3A_1152 : i32 to index
        %get3A_1202 = arith.constant 64 : index
        %get3A_1203 = tpu.vector_load %arg7[%get3A_1201, %get3A_1202] {strides = array<i32>} : memref<200x128xf32, #tpu.memory_space<vmem>>, vector<1x16xf32>,
        %get3A_1204 = vector.shape_cast %get3A_1203 : vector<1x16xf32> to vector<16xf32>
        %mul3A_1205 = arith.constant 11.3137083 : f32
        %mul3A_1206 = vector.broadcast %mul3A_1205 : f32 to vector<16xf32>
        %mul3A_1207 = arith.mulf %get3A_1204, %mul3A_1206 : vector<16xf32>
        %swap3A_1208 = arith.index_cast %add3A_1152 : i32 to index
        %swap3A_1209 = arith.constant 64 : index
        %swap3A_1210 = tpu.vector_load %arg7[%swap3A_1208, %swap3A_1209] {strides = array<i32>} : memref<200x128xf32, #tpu.memory_space<vmem>>, vector<1x16xf32>,
        %swap3A_1211 = vector.shape_cast %swap3A_1210 : vector<1x16xf32> to vector<16xf32>
        %swap3A_1212 = vector.shape_cast %mul3A_1207 : vector<16xf32> to vector<1x16xf32>
        tpu.vector_store %arg7[%swap3A_1208, %swap3A_1209], %swap3A_1212 {strides = array<i32>} : memref<200x128xf32, #tpu.memory_space<vmem>>, vector<1x16xf32>,
        %get3A_1213 = arith.index_cast %add3A_1152 : i32 to index
        %get3A_1214 = arith.constant 80 : index
        %get3A_1215 = tpu.vector_load %arg7[%get3A_1213, %get3A_1214] {strides = array<i32>} : memref<200x128xf32, #tpu.memory_space<vmem>>, vector<1x16xf32>,
        %get3A_1216 = vector.shape_cast %get3A_1215 : vector<1x16xf32> to vector<16xf32>
        %mul3A_1217 = arith.constant 11.3137083 : f32
        %mul3A_1218 = vector.broadcast %mul3A_1217 : f32 to vector<16xf32>
        %mul3A_1219 = arith.mulf %get3A_1216, %mul3A_1218 : vector<16xf32>
        %swap3A_1220 = arith.index_cast %add3A_1152 : i32 to index
        %swap3A_1221 = arith.constant 80 : index
        %swap3A_1222 = tpu.vector_load %arg7[%swap3A_1220, %swap3A_1221] {strides = array<i32>} : memref<200x128xf32, #tpu.memory_space<vmem>>, vector<1x16xf32>,
        %swap3A_1223 = vector.shape_cast %swap3A_1222 : vector<1x16xf32> to vector<16xf32>
        %swap3A_1224 = vector.shape_cast %mul3A_1219 : vector<16xf32> to vector<1x16xf32>
        tpu.vector_store %arg7[%swap3A_1220, %swap3A_1221], %swap3A_1224 {strides = array<i32>} : memref<200x128xf32, #tpu.memory_space<vmem>>, vector<1x16xf32>,
        %get3A_1225 = arith.index_cast %add3A_1152 : i32 to index
        %get3A_1226 = arith.constant 96 : index
        %get3A_1227 = tpu.vector_load %arg7[%get3A_1225, %get3A_1226] {strides = array<i32>} : memref<200x128xf32, #tpu.memory_space<vmem>>, vector<1x16xf32>,
        %get3A_1228 = vector.shape_cast %get3A_1227 : vector<1x16xf32> to vector<16xf32>
        %mul3A_1229 = arith.constant 11.3137083 : f32
        %mul3A_1230 = vector.broadcast %mul3A_1229 : f32 to vector<16xf32>
        %mul3A_1231 = arith.mulf %get3A_1228, %mul3A_1230 : vector<16xf32>
        %swap3A_1232 = arith.index_cast %add3A_1152 : i32 to index
        %swap3A_1233 = arith.constant 96 : index
        %swap3A_1234 = tpu.vector_load %arg7[%swap3A_1232, %swap3A_1233] {strides = array<i32>} : memref<200x128xf32, #tpu.memory_space<vmem>>, vector<1x16xf32>,
        %swap3A_1235 = vector.shape_cast %swap3A_1234 : vector<1x16xf32> to vector<16xf32>
        %swap3A_1236 = vector.shape_cast %mul3A_1231 : vector<16xf32> to vector<1x16xf32>
        tpu.vector_store %arg7[%swap3A_1232, %swap3A_1233], %swap3A_1236 {strides = array<i32>} : memref<200x128xf32, #tpu.memory_space<vmem>>, vector<1x16xf32>,
        %get3A_1237 = arith.index_cast %add3A_1152 : i32 to index
        %get3A_1238 = arith.constant 112 : index
        %get3A_1239 = tpu.vector_load %arg7[%get3A_1237, %get3A_1238] {strides = array<i32>} : memref<200x128xf32, #tpu.memory_space<vmem>>, vector<1x16xf32>,
        %get3A_1240 = vector.shape_cast %get3A_1239 : vector<1x16xf32> to vector<16xf32>
        %mul3A_1241 = arith.constant 11.3137083 : f32
        %mul3A_1242 = vector.broadcast %mul3A_1241 : f32 to vector<16xf32>
        %mul3A_1243 = arith.mulf %get3A_1240, %mul3A_1242 : vector<16xf32>
        %swap3A_1244 = arith.index_cast %add3A_1152 : i32 to index
        %swap3A_1245 = arith.constant 112 : index
        %swap3A_1246 = tpu.vector_load %arg7[%swap3A_1244, %swap3A_1245] {strides = array<i32>} : memref<200x128xf32, #tpu.memory_space<vmem>>, vector<1x16xf32>,
        %swap3A_1247 = vector.shape_cast %swap3A_1246 : vector<1x16xf32> to vector<16xf32>
        %swap3A_1248 = vector.shape_cast %mul3A_1243 : vector<16xf32> to vector<1x16xf32>
        tpu.vector_store %arg7[%swap3A_1244, %swap3A_1245], %swap3A_1248 {strides = array<i32>} : memref<200x128xf32, #tpu.memory_space<vmem>>, vector<1x16xf32>,
        %scan3A_1249 = arith.constant 5 : i32
        %scan3A_1250 = arith.addi %scan3A_742, %scan3A_1249 : i32
        %mul3A_1251 = arith.constant 1 : i32
        %mul3A_1252 = arith.muli %scan3A_1250, %mul3A_1251 : i32
        %add3A_1253 = arith.constant 0 : i32
        %add3A_1254 = arith.addi %add3A_1253, %mul3A_1252 : i32
        %get3A_1255 = arith.index_cast %add3A_1254 : i32 to index
        %get3A_1256 = arith.constant 0 : index
        %get3A_1257 = tpu.vector_load %arg7[%get3A_1255, %get3A_1256] {strides = array<i32>} : memref<200x128xf32, #tpu.memory_space<vmem>>, vector<1x16xf32>,
        %get3A_1258 = vector.shape_cast %get3A_1257 : vector<1x16xf32> to vector<16xf32>
        %mul3A_1259 = arith.constant 11.3137083 : f32
        %mul3A_1260 = vector.broadcast %mul3A_1259 : f32 to vector<16xf32>
        %mul3A_1261 = arith.mulf %get3A_1258, %mul3A_1260 : vector<16xf32>
        %swap3A_1262 = arith.index_cast %add3A_1254 : i32 to index
        %swap3A_1263 = arith.constant 0 : index
        %swap3A_1264 = tpu.vector_load %arg7[%swap3A_1262, %swap3A_1263] {strides = array<i32>} : memref<200x128xf32, #tpu.memory_space<vmem>>, vector<1x16xf32>,
        %swap3A_1265 = vector.shape_cast %swap3A_1264 : vector<1x16xf32> to vector<16xf32>
        %swap3A_1266 = vector.shape_cast %mul3A_1261 : vector<16xf32> to vector<1x16xf32>
        tpu.vector_store %arg7[%swap3A_1262, %swap3A_1263], %swap3A_1266 {strides = array<i32>} : memref<200x128xf32, #tpu.memory_space<vmem>>, vector<1x16xf32>,
        %get3A_1267 = arith.index_cast %add3A_1254 : i32 to index
        %get3A_1268 = arith.constant 16 : index
        %get3A_1269 = tpu.vector_load %arg7[%get3A_1267, %get3A_1268] {strides = array<i32>} : memref<200x128xf32, #tpu.memory_space<vmem>>, vector<1x16xf32>,
        %get3A_1270 = vector.shape_cast %get3A_1269 : vector<1x16xf32> to vector<16xf32>
        %mul3A_1271 = arith.constant 11.3137083 : f32
        %mul3A_1272 = vector.broadcast %mul3A_1271 : f32 to vector<16xf32>
        %mul3A_1273 = arith.mulf %get3A_1270, %mul3A_1272 : vector<16xf32>
        %swap3A_1274 = arith.index_cast %add3A_1254 : i32 to index
        %swap3A_1275 = arith.constant 16 : index
        %swap3A_1276 = tpu.vector_load %arg7[%swap3A_1274, %swap3A_1275] {strides = array<i32>} : memref<200x128xf32, #tpu.memory_space<vmem>>, vector<1x16xf32>,
        %swap3A_1277 = vector.shape_cast %swap3A_1276 : vector<1x16xf32> to vector<16xf32>
        %swap3A_1278 = vector.shape_cast %mul3A_1273 : vector<16xf32> to vector<1x16xf32>
        tpu.vector_store %arg7[%swap3A_1274, %swap3A_1275], %swap3A_1278 {strides = array<i32>} : memref<200x128xf32, #tpu.memory_space<vmem>>, vector<1x16xf32>,
        %get3A_1279 = arith.index_cast %add3A_1254 : i32 to index
        %get3A_1280 = arith.constant 32 : index
        %get3A_1281 = tpu.vector_load %arg7[%get3A_1279, %get3A_1280] {strides = array<i32>} : memref<200x128xf32, #tpu.memory_space<vmem>>, vector<1x16xf32>,
        %get3A_1282 = vector.shape_cast %get3A_1281 : vector<1x16xf32> to vector<16xf32>
        %mul3A_1283 = arith.constant 11.3137083 : f32
        %mul3A_1284 = vector.broadcast %mul3A_1283 : f32 to vector<16xf32>
        %mul3A_1285 = arith.mulf %get3A_1282, %mul3A_1284 : vector<16xf32>
        %swap3A_1286 = arith.index_cast %add3A_1254 : i32 to index
        %swap3A_1287 = arith.constant 32 : index
        %swap3A_1288 = tpu.vector_load %arg7[%swap3A_1286, %swap3A_1287] {strides = array<i32>} : memref<200x128xf32, #tpu.memory_space<vmem>>, vector<1x16xf32>,
        %swap3A_1289 = vector.shape_cast %swap3A_1288 : vector<1x16xf32> to vector<16xf32>
        %swap3A_1290 = vector.shape_cast %mul3A_1285 : vector<16xf32> to vector<1x16xf32>
        tpu.vector_store %arg7[%swap3A_1286, %swap3A_1287], %swap3A_1290 {strides = array<i32>} : memref<200x128xf32, #tpu.memory_space<vmem>>, vector<1x16xf32>,
        %get3A_1291 = arith.index_cast %add3A_1254 : i32 to index
        %get3A_1292 = arith.constant 48 : index
        %get3A_1293 = tpu.vector_load %arg7[%get3A_1291, %get3A_1292] {strides = array<i32>} : memref<200x128xf32, #tpu.memory_space<vmem>>, vector<1x16xf32>,
        %get3A_1294 = vector.shape_cast %get3A_1293 : vector<1x16xf32> to vector<16xf32>
        %mul3A_1295 = arith.constant 11.3137083 : f32
        %mul3A_1296 = vector.broadcast %mul3A_1295 : f32 to vector<16xf32>
        %mul3A_1297 = arith.mulf %get3A_1294, %mul3A_1296 : vector<16xf32>
        %swap3A_1298 = arith.index_cast %add3A_1254 : i32 to index
        %swap3A_1299 = arith.constant 48 : index
        %swap3A_1300 = tpu.vector_load %arg7[%swap3A_1298, %swap3A_1299] {strides = array<i32>} : memref<200x128xf32, #tpu.memory_space<vmem>>, vector<1x16xf32>,
        %swap3A_1301 = vector.shape_cast %swap3A_1300 : vector<1x16xf32> to vector<16xf32>
        %swap3A_1302 = vector.shape_cast %mul3A_1297 : vector<16xf32> to vector<1x16xf32>
        tpu.vector_store %arg7[%swap3A_1298, %swap3A_1299], %swap3A_1302 {strides = array<i32>} : memref<200x128xf32, #tpu.memory_space<vmem>>, vector<1x16xf32>,
        %get3A_1303 = arith.index_cast %add3A_1254 : i32 to index
        %get3A_1304 = arith.constant 64 : index
        %get3A_1305 = tpu.vector_load %arg7[%get3A_1303, %get3A_1304] {strides = array<i32>} : memref<200x128xf32, #tpu.memory_space<vmem>>, vector<1x16xf32>,
        %get3A_1306 = vector.shape_cast %get3A_1305 : vector<1x16xf32> to vector<16xf32>
        %mul3A_1307 = arith.constant 11.3137083 : f32
        %mul3A_1308 = vector.broadcast %mul3A_1307 : f32 to vector<16xf32>
        %mul3A_1309 = arith.mulf %get3A_1306, %mul3A_1308 : vector<16xf32>
        %swap3A_1310 = arith.index_cast %add3A_1254 : i32 to index
        %swap3A_1311 = arith.constant 64 : index
        %swap3A_1312 = tpu.vector_load %arg7[%swap3A_1310, %swap3A_1311] {strides = array<i32>} : memref<200x128xf32, #tpu.memory_space<vmem>>, vector<1x16xf32>,
        %swap3A_1313 = vector.shape_cast %swap3A_1312 : vector<1x16xf32> to vector<16xf32>
        %swap3A_1314 = vector.shape_cast %mul3A_1309 : vector<16xf32> to vector<1x16xf32>
        tpu.vector_store %arg7[%swap3A_1310, %swap3A_1311], %swap3A_1314 {strides = array<i32>} : memref<200x128xf32, #tpu.memory_space<vmem>>, vector<1x16xf32>,
        %get3A_1315 = arith.index_cast %add3A_1254 : i32 to index
        %get3A_1316 = arith.constant 80 : index
        %get3A_1317 = tpu.vector_load %arg7[%get3A_1315, %get3A_1316] {strides = array<i32>} : memref<200x128xf32, #tpu.memory_space<vmem>>, vector<1x16xf32>,
        %get3A_1318 = vector.shape_cast %get3A_1317 : vector<1x16xf32> to vector<16xf32>
        %mul3A_1319 = arith.constant 11.3137083 : f32
        %mul3A_1320 = vector.broadcast %mul3A_1319 : f32 to vector<16xf32>
        %mul3A_1321 = arith.mulf %get3A_1318, %mul3A_1320 : vector<16xf32>
        %swap3A_1322 = arith.index_cast %add3A_1254 : i32 to index
        %swap3A_1323 = arith.constant 80 : index
        %swap3A_1324 = tpu.vector_load %arg7[%swap3A_1322, %swap3A_1323] {strides = array<i32>} : memref<200x128xf32, #tpu.memory_space<vmem>>, vector<1x16xf32>,
        %swap3A_1325 = vector.shape_cast %swap3A_1324 : vector<1x16xf32> to vector<16xf32>
        %swap3A_1326 = vector.shape_cast %mul3A_1321 : vector<16xf32> to vector<1x16xf32>
        tpu.vector_store %arg7[%swap3A_1322, %swap3A_1323], %swap3A_1326 {strides = array<i32>} : memref<200x128xf32, #tpu.memory_space<vmem>>, vector<1x16xf32>,
        %get3A_1327 = arith.index_cast %add3A_1254 : i32 to index
        %get3A_1328 = arith.constant 96 : index
        %get3A_1329 = tpu.vector_load %arg7[%get3A_1327, %get3A_1328] {strides = array<i32>} : memref<200x128xf32, #tpu.memory_space<vmem>>, vector<1x16xf32>,
        %get3A_1330 = vector.shape_cast %get3A_1329 : vector<1x16xf32> to vector<16xf32>
        %mul3A_1331 = arith.constant 11.3137083 : f32
        %mul3A_1332 = vector.broadcast %mul3A_1331 : f32 to vector<16xf32>
        %mul3A_1333 = arith.mulf %get3A_1330, %mul3A_1332 : vector<16xf32>
        %swap3A_1334 = arith.index_cast %add3A_1254 : i32 to index
        %swap3A_1335 = arith.constant 96 : index
        %swap3A_1336 = tpu.vector_load %arg7[%swap3A_1334, %swap3A_1335] {strides = array<i32>} : memref<200x128xf32, #tpu.memory_space<vmem>>, vector<1x16xf32>,
        %swap3A_1337 = vector.shape_cast %swap3A_1336 : vector<1x16xf32> to vector<16xf32>
        %swap3A_1338 = vector.shape_cast %mul3A_1333 : vector<16xf32> to vector<1x16xf32>
        tpu.vector_store %arg7[%swap3A_1334, %swap3A_1335], %swap3A_1338 {strides = array<i32>} : memref<200x128xf32, #tpu.memory_space<vmem>>, vector<1x16xf32>,
        %get3A_1339 = arith.index_cast %add3A_1254 : i32 to index
        %get3A_1340 = arith.constant 112 : index
        %get3A_1341 = tpu.vector_load %arg7[%get3A_1339, %get3A_1340] {strides = array<i32>} : memref<200x128xf32, #tpu.memory_space<vmem>>, vector<1x16xf32>,
        %get3A_1342 = vector.shape_cast %get3A_1341 : vector<1x16xf32> to vector<16xf32>
        %mul3A_1343 = arith.constant 11.3137083 : f32
        %mul3A_1344 = vector.broadcast %mul3A_1343 : f32 to vector<16xf32>
        %mul3A_1345 = arith.mulf %get3A_1342, %mul3A_1344 : vector<16xf32>
        %swap3A_1346 = arith.index_cast %add3A_1254 : i32 to index
        %swap3A_1347 = arith.constant 112 : index
        %swap3A_1348 = tpu.vector_load %arg7[%swap3A_1346, %swap3A_1347] {strides = array<i32>} : memref<200x128xf32, #tpu.memory_space<vmem>>, vector<1x16xf32>,
        %swap3A_1349 = vector.shape_cast %swap3A_1348 : vector<1x16xf32> to vector<16xf32>
        %swap3A_1350 = vector.shape_cast %mul3A_1345 : vector<16xf32> to vector<1x16xf32>
        tpu.vector_store %arg7[%swap3A_1346, %swap3A_1347], %swap3A_1350 {strides = array<i32>} : memref<200x128xf32, #tpu.memory_space<vmem>>, vector<1x16xf32>,
        %scan3A_1351 = arith.constant 6 : i32
        %scan3A_1352 = arith.addi %scan3A_742, %scan3A_1351 : i32
        %mul3A_1353 = arith.constant 1 : i32
        %mul3A_1354 = arith.muli %scan3A_1352, %mul3A_1353 : i32
        %add3A_1355 = arith.constant 0 : i32
        %add3A_1356 = arith.addi %add3A_1355, %mul3A_1354 : i32
        %get3A_1357 = arith.index_cast %add3A_1356 : i32 to index
        %get3A_1358 = arith.constant 0 : index
        %get3A_1359 = tpu.vector_load %arg7[%get3A_1357, %get3A_1358] {strides = array<i32>} : memref<200x128xf32, #tpu.memory_space<vmem>>, vector<1x16xf32>,
        %get3A_1360 = vector.shape_cast %get3A_1359 : vector<1x16xf32> to vector<16xf32>
        %mul3A_1361 = arith.constant 11.3137083 : f32
        %mul3A_1362 = vector.broadcast %mul3A_1361 : f32 to vector<16xf32>
        %mul3A_1363 = arith.mulf %get3A_1360, %mul3A_1362 : vector<16xf32>
        %swap3A_1364 = arith.index_cast %add3A_1356 : i32 to index
        %swap3A_1365 = arith.constant 0 : index
        %swap3A_1366 = tpu.vector_load %arg7[%swap3A_1364, %swap3A_1365] {strides = array<i32>} : memref<200x128xf32, #tpu.memory_space<vmem>>, vector<1x16xf32>,
        %swap3A_1367 = vector.shape_cast %swap3A_1366 : vector<1x16xf32> to vector<16xf32>
        %swap3A_1368 = vector.shape_cast %mul3A_1363 : vector<16xf32> to vector<1x16xf32>
        tpu.vector_store %arg7[%swap3A_1364, %swap3A_1365], %swap3A_1368 {strides = array<i32>} : memref<200x128xf32, #tpu.memory_space<vmem>>, vector<1x16xf32>,
        %get3A_1369 = arith.index_cast %add3A_1356 : i32 to index
        %get3A_1370 = arith.constant 16 : index
        %get3A_1371 = tpu.vector_load %arg7[%get3A_1369, %get3A_1370] {strides = array<i32>} : memref<200x128xf32, #tpu.memory_space<vmem>>, vector<1x16xf32>,
        %get3A_1372 = vector.shape_cast %get3A_1371 : vector<1x16xf32> to vector<16xf32>
        %mul3A_1373 = arith.constant 11.3137083 : f32
        %mul3A_1374 = vector.broadcast %mul3A_1373 : f32 to vector<16xf32>
        %mul3A_1375 = arith.mulf %get3A_1372, %mul3A_1374 : vector<16xf32>
        %swap3A_1376 = arith.index_cast %add3A_1356 : i32 to index
        %swap3A_1377 = arith.constant 16 : index
        %swap3A_1378 = tpu.vector_load %arg7[%swap3A_1376, %swap3A_1377] {strides = array<i32>} : memref<200x128xf32, #tpu.memory_space<vmem>>, vector<1x16xf32>,
        %swap3A_1379 = vector.shape_cast %swap3A_1378 : vector<1x16xf32> to vector<16xf32>
        %swap3A_1380 = vector.shape_cast %mul3A_1375 : vector<16xf32> to vector<1x16xf32>
        tpu.vector_store %arg7[%swap3A_1376, %swap3A_1377], %swap3A_1380 {strides = array<i32>} : memref<200x128xf32, #tpu.memory_space<vmem>>, vector<1x16xf32>,
        %get3A_1381 = arith.index_cast %add3A_1356 : i32 to index
        %get3A_1382 = arith.constant 32 : index
        %get3A_1383 = tpu.vector_load %arg7[%get3A_1381, %get3A_1382] {strides = array<i32>} : memref<200x128xf32, #tpu.memory_space<vmem>>, vector<1x16xf32>,
        %get3A_1384 = vector.shape_cast %get3A_1383 : vector<1x16xf32> to vector<16xf32>
        %mul3A_1385 = arith.constant 11.3137083 : f32
        %mul3A_1386 = vector.broadcast %mul3A_1385 : f32 to vector<16xf32>
        %mul3A_1387 = arith.mulf %get3A_1384, %mul3A_1386 : vector<16xf32>
        %swap3A_1388 = arith.index_cast %add3A_1356 : i32 to index
        %swap3A_1389 = arith.constant 32 : index
        %swap3A_1390 = tpu.vector_load %arg7[%swap3A_1388, %swap3A_1389] {strides = array<i32>} : memref<200x128xf32, #tpu.memory_space<vmem>>, vector<1x16xf32>,
        %swap3A_1391 = vector.shape_cast %swap3A_1390 : vector<1x16xf32> to vector<16xf32>
        %swap3A_1392 = vector.shape_cast %mul3A_1387 : vector<16xf32> to vector<1x16xf32>
        tpu.vector_store %arg7[%swap3A_1388, %swap3A_1389], %swap3A_1392 {strides = array<i32>} : memref<200x128xf32, #tpu.memory_space<vmem>>, vector<1x16xf32>,
        %get3A_1393 = arith.index_cast %add3A_1356 : i32 to index
        %get3A_1394 = arith.constant 48 : index
        %get3A_1395 = tpu.vector_load %arg7[%get3A_1393, %get3A_1394] {strides = array<i32>} : memref<200x128xf32, #tpu.memory_space<vmem>>, vector<1x16xf32>,
        %get3A_1396 = vector.shape_cast %get3A_1395 : vector<1x16xf32> to vector<16xf32>
        %mul3A_1397 = arith.constant 11.3137083 : f32
        %mul3A_1398 = vector.broadcast %mul3A_1397 : f32 to vector<16xf32>
        %mul3A_1399 = arith.mulf %get3A_1396, %mul3A_1398 : vector<16xf32>
        %swap3A_1400 = arith.index_cast %add3A_1356 : i32 to index
        %swap3A_1401 = arith.constant 48 : index
        %swap3A_1402 = tpu.vector_load %arg7[%swap3A_1400, %swap3A_1401] {strides = array<i32>} : memref<200x128xf32, #tpu.memory_space<vmem>>, vector<1x16xf32>,
        %swap3A_1403 = vector.shape_cast %swap3A_1402 : vector<1x16xf32> to vector<16xf32>
        %swap3A_1404 = vector.shape_cast %mul3A_1399 : vector<16xf32> to vector<1x16xf32>
        tpu.vector_store %arg7[%swap3A_1400, %swap3A_1401], %swap3A_1404 {strides = array<i32>} : memref<200x128xf32, #tpu.memory_space<vmem>>, vector<1x16xf32>,
        %get3A_1405 = arith.index_cast %add3A_1356 : i32 to index
        %get3A_1406 = arith.constant 64 : index
        %get3A_1407 = tpu.vector_load %arg7[%get3A_1405, %get3A_1406] {strides = array<i32>} : memref<200x128xf32, #tpu.memory_space<vmem>>, vector<1x16xf32>,
        %get3A_1408 = vector.shape_cast %get3A_1407 : vector<1x16xf32> to vector<16xf32>
        %mul3A_1409 = arith.constant 11.3137083 : f32
        %mul3A_1410 = vector.broadcast %mul3A_1409 : f32 to vector<16xf32>
        %mul3A_1411 = arith.mulf %get3A_1408, %mul3A_1410 : vector<16xf32>
        %swap3A_1412 = arith.index_cast %add3A_1356 : i32 to index
        %swap3A_1413 = arith.constant 64 : index
        %swap3A_1414 = tpu.vector_load %arg7[%swap3A_1412, %swap3A_1413] {strides = array<i32>} : memref<200x128xf32, #tpu.memory_space<vmem>>, vector<1x16xf32>,
        %swap3A_1415 = vector.shape_cast %swap3A_1414 : vector<1x16xf32> to vector<16xf32>
        %swap3A_1416 = vector.shape_cast %mul3A_1411 : vector<16xf32> to vector<1x16xf32>
        tpu.vector_store %arg7[%swap3A_1412, %swap3A_1413], %swap3A_1416 {strides = array<i32>} : memref<200x128xf32, #tpu.memory_space<vmem>>, vector<1x16xf32>,
        %get3A_1417 = arith.index_cast %add3A_1356 : i32 to index
        %get3A_1418 = arith.constant 80 : index
        %get3A_1419 = tpu.vector_load %arg7[%get3A_1417, %get3A_1418] {strides = array<i32>} : memref<200x128xf32, #tpu.memory_space<vmem>>, vector<1x16xf32>,
        %get3A_1420 = vector.shape_cast %get3A_1419 : vector<1x16xf32> to vector<16xf32>
        %mul3A_1421 = arith.constant 11.3137083 : f32
        %mul3A_1422 = vector.broadcast %mul3A_1421 : f32 to vector<16xf32>
        %mul3A_1423 = arith.mulf %get3A_1420, %mul3A_1422 : vector<16xf32>
        %swap3A_1424 = arith.index_cast %add3A_1356 : i32 to index
        %swap3A_1425 = arith.constant 80 : index
        %swap3A_1426 = tpu.vector_load %arg7[%swap3A_1424, %swap3A_1425] {strides = array<i32>} : memref<200x128xf32, #tpu.memory_space<vmem>>, vector<1x16xf32>,
        %swap3A_1427 = vector.shape_cast %swap3A_1426 : vector<1x16xf32> to vector<16xf32>
        %swap3A_1428 = vector.shape_cast %mul3A_1423 : vector<16xf32> to vector<1x16xf32>
        tpu.vector_store %arg7[%swap3A_1424, %swap3A_1425], %swap3A_1428 {strides = array<i32>} : memref<200x128xf32, #tpu.memory_space<vmem>>, vector<1x16xf32>,
        %get3A_1429 = arith.index_cast %add3A_1356 : i32 to index
        %get3A_1430 = arith.constant 96 : index
        %get3A_1431 = tpu.vector_load %arg7[%get3A_1429, %get3A_1430] {strides = array<i32>} : memref<200x128xf32, #tpu.memory_space<vmem>>, vector<1x16xf32>,
        %get3A_1432 = vector.shape_cast %get3A_1431 : vector<1x16xf32> to vector<16xf32>
        %mul3A_1433 = arith.constant 11.3137083 : f32
        %mul3A_1434 = vector.broadcast %mul3A_1433 : f32 to vector<16xf32>
        %mul3A_1435 = arith.mulf %get3A_1432, %mul3A_1434 : vector<16xf32>
        %swap3A_1436 = arith.index_cast %add3A_1356 : i32 to index
        %swap3A_1437 = arith.constant 96 : index
        %swap3A_1438 = tpu.vector_load %arg7[%swap3A_1436, %swap3A_1437] {strides = array<i32>} : memref<200x128xf32, #tpu.memory_space<vmem>>, vector<1x16xf32>,
        %swap3A_1439 = vector.shape_cast %swap3A_1438 : vector<1x16xf32> to vector<16xf32>
        %swap3A_1440 = vector.shape_cast %mul3A_1435 : vector<16xf32> to vector<1x16xf32>
        tpu.vector_store %arg7[%swap3A_1436, %swap3A_1437], %swap3A_1440 {strides = array<i32>} : memref<200x128xf32, #tpu.memory_space<vmem>>, vector<1x16xf32>,
        %get3A_1441 = arith.index_cast %add3A_1356 : i32 to index
        %get3A_1442 = arith.constant 112 : index
        %get3A_1443 = tpu.vector_load %arg7[%get3A_1441, %get3A_1442] {strides = array<i32>} : memref<200x128xf32, #tpu.memory_space<vmem>>, vector<1x16xf32>,
        %get3A_1444 = vector.shape_cast %get3A_1443 : vector<1x16xf32> to vector<16xf32>
        %mul3A_1445 = arith.constant 11.3137083 : f32
        %mul3A_1446 = vector.broadcast %mul3A_1445 : f32 to vector<16xf32>
        %mul3A_1447 = arith.mulf %get3A_1444, %mul3A_1446 : vector<16xf32>
        %swap3A_1448 = arith.index_cast %add3A_1356 : i32 to index
        %swap3A_1449 = arith.constant 112 : index
        %swap3A_1450 = tpu.vector_load %arg7[%swap3A_1448, %swap3A_1449] {strides = array<i32>} : memref<200x128xf32, #tpu.memory_space<vmem>>, vector<1x16xf32>,
        %swap3A_1451 = vector.shape_cast %swap3A_1450 : vector<1x16xf32> to vector<16xf32>
        %swap3A_1452 = vector.shape_cast %mul3A_1447 : vector<16xf32> to vector<1x16xf32>
        tpu.vector_store %arg7[%swap3A_1448, %swap3A_1449], %swap3A_1452 {strides = array<i32>} : memref<200x128xf32, #tpu.memory_space<vmem>>, vector<1x16xf32>,
        %scan3A_1453 = arith.constant 7 : i32
        %scan3A_1454 = arith.addi %scan3A_742, %scan3A_1453 : i32
        %mul3A_1455 = arith.constant 1 : i32
        %mul3A_1456 = arith.muli %scan3A_1454, %mul3A_1455 : i32
        %add3A_1457 = arith.constant 0 : i32
        %add3A_1458 = arith.addi %add3A_1457, %mul3A_1456 : i32
        %get3A_1459 = arith.index_cast %add3A_1458 : i32 to index
        %get3A_1460 = arith.constant 0 : index
        %get3A_1461 = tpu.vector_load %arg7[%get3A_1459, %get3A_1460] {strides = array<i32>} : memref<200x128xf32, #tpu.memory_space<vmem>>, vector<1x16xf32>,
        %get3A_1462 = vector.shape_cast %get3A_1461 : vector<1x16xf32> to vector<16xf32>
        %mul3A_1463 = arith.constant 11.3137083 : f32
        %mul3A_1464 = vector.broadcast %mul3A_1463 : f32 to vector<16xf32>
        %mul3A_1465 = arith.mulf %get3A_1462, %mul3A_1464 : vector<16xf32>
        %swap3A_1466 = arith.index_cast %add3A_1458 : i32 to index
        %swap3A_1467 = arith.constant 0 : index
        %swap3A_1468 = tpu.vector_load %arg7[%swap3A_1466, %swap3A_1467] {strides = array<i32>} : memref<200x128xf32, #tpu.memory_space<vmem>>, vector<1x16xf32>,
        %swap3A_1469 = vector.shape_cast %swap3A_1468 : vector<1x16xf32> to vector<16xf32>
        %swap3A_1470 = vector.shape_cast %mul3A_1465 : vector<16xf32> to vector<1x16xf32>
        tpu.vector_store %arg7[%swap3A_1466, %swap3A_1467], %swap3A_1470 {strides = array<i32>} : memref<200x128xf32, #tpu.memory_space<vmem>>, vector<1x16xf32>,
        %get3A_1471 = arith.index_cast %add3A_1458 : i32 to index
        %get3A_1472 = arith.constant 16 : index
        %get3A_1473 = tpu.vector_load %arg7[%get3A_1471, %get3A_1472] {strides = array<i32>} : memref<200x128xf32, #tpu.memory_space<vmem>>, vector<1x16xf32>,
        %get3A_1474 = vector.shape_cast %get3A_1473 : vector<1x16xf32> to vector<16xf32>
        %mul3A_1475 = arith.constant 11.3137083 : f32
        %mul3A_1476 = vector.broadcast %mul3A_1475 : f32 to vector<16xf32>
        %mul3A_1477 = arith.mulf %get3A_1474, %mul3A_1476 : vector<16xf32>
        %swap3A_1478 = arith.index_cast %add3A_1458 : i32 to index
        %swap3A_1479 = arith.constant 16 : index
        %swap3A_1480 = tpu.vector_load %arg7[%swap3A_1478, %swap3A_1479] {strides = array<i32>} : memref<200x128xf32, #tpu.memory_space<vmem>>, vector<1x16xf32>,
        %swap3A_1481 = vector.shape_cast %swap3A_1480 : vector<1x16xf32> to vector<16xf32>
        %swap3A_1482 = vector.shape_cast %mul3A_1477 : vector<16xf32> to vector<1x16xf32>
        tpu.vector_store %arg7[%swap3A_1478, %swap3A_1479], %swap3A_1482 {strides = array<i32>} : memref<200x128xf32, #tpu.memory_space<vmem>>, vector<1x16xf32>,
        %get3A_1483 = arith.index_cast %add3A_1458 : i32 to index
        %get3A_1484 = arith.constant 32 : index
        %get3A_1485 = tpu.vector_load %arg7[%get3A_1483, %get3A_1484] {strides = array<i32>} : memref<200x128xf32, #tpu.memory_space<vmem>>, vector<1x16xf32>,
        %get3A_1486 = vector.shape_cast %get3A_1485 : vector<1x16xf32> to vector<16xf32>
        %mul3A_1487 = arith.constant 11.3137083 : f32
        %mul3A_1488 = vector.broadcast %mul3A_1487 : f32 to vector<16xf32>
        %mul3A_1489 = arith.mulf %get3A_1486, %mul3A_1488 : vector<16xf32>
        %swap3A_1490 = arith.index_cast %add3A_1458 : i32 to index
        %swap3A_1491 = arith.constant 32 : index
        %swap3A_1492 = tpu.vector_load %arg7[%swap3A_1490, %swap3A_1491] {strides = array<i32>} : memref<200x128xf32, #tpu.memory_space<vmem>>, vector<1x16xf32>,
        %swap3A_1493 = vector.shape_cast %swap3A_1492 : vector<1x16xf32> to vector<16xf32>
        %swap3A_1494 = vector.shape_cast %mul3A_1489 : vector<16xf32> to vector<1x16xf32>
        tpu.vector_store %arg7[%swap3A_1490, %swap3A_1491], %swap3A_1494 {strides = array<i32>} : memref<200x128xf32, #tpu.memory_space<vmem>>, vector<1x16xf32>,
        %get3A_1495 = arith.index_cast %add3A_1458 : i32 to index
        %get3A_1496 = arith.constant 48 : index
        %get3A_1497 = tpu.vector_load %arg7[%get3A_1495, %get3A_1496] {strides = array<i32>} : memref<200x128xf32, #tpu.memory_space<vmem>>, vector<1x16xf32>,
        %get3A_1498 = vector.shape_cast %get3A_1497 : vector<1x16xf32> to vector<16xf32>
        %mul3A_1499 = arith.constant 11.3137083 : f32
        %mul3A_1500 = vector.broadcast %mul3A_1499 : f32 to vector<16xf32>
        %mul3A_1501 = arith.mulf %get3A_1498, %mul3A_1500 : vector<16xf32>
        %swap3A_1502 = arith.index_cast %add3A_1458 : i32 to index
        %swap3A_1503 = arith.constant 48 : index
        %swap3A_1504 = tpu.vector_load %arg7[%swap3A_1502, %swap3A_1503] {strides = array<i32>} : memref<200x128xf32, #tpu.memory_space<vmem>>, vector<1x16xf32>,
        %swap3A_1505 = vector.shape_cast %swap3A_1504 : vector<1x16xf32> to vector<16xf32>
        %swap3A_1506 = vector.shape_cast %mul3A_1501 : vector<16xf32> to vector<1x16xf32>
        tpu.vector_store %arg7[%swap3A_1502, %swap3A_1503], %swap3A_1506 {strides = array<i32>} : memref<200x128xf32, #tpu.memory_space<vmem>>, vector<1x16xf32>,
        %get3A_1507 = arith.index_cast %add3A_1458 : i32 to index
        %get3A_1508 = arith.constant 64 : index
        %get3A_1509 = tpu.vector_load %arg7[%get3A_1507, %get3A_1508] {strides = array<i32>} : memref<200x128xf32, #tpu.memory_space<vmem>>, vector<1x16xf32>,
        %get3A_1510 = vector.shape_cast %get3A_1509 : vector<1x16xf32> to vector<16xf32>
        %mul3A_1511 = arith.constant 11.3137083 : f32
        %mul3A_1512 = vector.broadcast %mul3A_1511 : f32 to vector<16xf32>
        %mul3A_1513 = arith.mulf %get3A_1510, %mul3A_1512 : vector<16xf32>
        %swap3A_1514 = arith.index_cast %add3A_1458 : i32 to index
        %swap3A_1515 = arith.constant 64 : index
        %swap3A_1516 = tpu.vector_load %arg7[%swap3A_1514, %swap3A_1515] {strides = array<i32>} : memref<200x128xf32, #tpu.memory_space<vmem>>, vector<1x16xf32>,
        %swap3A_1517 = vector.shape_cast %swap3A_1516 : vector<1x16xf32> to vector<16xf32>
        %swap3A_1518 = vector.shape_cast %mul3A_1513 : vector<16xf32> to vector<1x16xf32>
        tpu.vector_store %arg7[%swap3A_1514, %swap3A_1515], %swap3A_1518 {strides = array<i32>} : memref<200x128xf32, #tpu.memory_space<vmem>>, vector<1x16xf32>,
        %get3A_1519 = arith.index_cast %add3A_1458 : i32 to index
        %get3A_1520 = arith.constant 80 : index
        %get3A_1521 = tpu.vector_load %arg7[%get3A_1519, %get3A_1520] {strides = array<i32>} : memref<200x128xf32, #tpu.memory_space<vmem>>, vector<1x16xf32>,
        %get3A_1522 = vector.shape_cast %get3A_1521 : vector<1x16xf32> to vector<16xf32>
        %mul3A_1523 = arith.constant 11.3137083 : f32
        %mul3A_1524 = vector.broadcast %mul3A_1523 : f32 to vector<16xf32>
        %mul3A_1525 = arith.mulf %get3A_1522, %mul3A_1524 : vector<16xf32>
        %swap3A_1526 = arith.index_cast %add3A_1458 : i32 to index
        %swap3A_1527 = arith.constant 80 : index
        %swap3A_1528 = tpu.vector_load %arg7[%swap3A_1526, %swap3A_1527] {strides = array<i32>} : memref<200x128xf32, #tpu.memory_space<vmem>>, vector<1x16xf32>,
        %swap3A_1529 = vector.shape_cast %swap3A_1528 : vector<1x16xf32> to vector<16xf32>
        %swap3A_1530 = vector.shape_cast %mul3A_1525 : vector<16xf32> to vector<1x16xf32>
        tpu.vector_store %arg7[%swap3A_1526, %swap3A_1527], %swap3A_1530 {strides = array<i32>} : memref<200x128xf32, #tpu.memory_space<vmem>>, vector<1x16xf32>,
        %get3A_1531 = arith.index_cast %add3A_1458 : i32 to index
        %get3A_1532 = arith.constant 96 : index
        %get3A_1533 = tpu.vector_load %arg7[%get3A_1531, %get3A_1532] {strides = array<i32>} : memref<200x128xf32, #tpu.memory_space<vmem>>, vector<1x16xf32>,
        %get3A_1534 = vector.shape_cast %get3A_1533 : vector<1x16xf32> to vector<16xf32>
        %mul3A_1535 = arith.constant 11.3137083 : f32
        %mul3A_1536 = vector.broadcast %mul3A_1535 : f32 to vector<16xf32>
        %mul3A_1537 = arith.mulf %get3A_1534, %mul3A_1536 : vector<16xf32>
        %swap3A_1538 = arith.index_cast %add3A_1458 : i32 to index
        %swap3A_1539 = arith.constant 96 : index
        %swap3A_1540 = tpu.vector_load %arg7[%swap3A_1538, %swap3A_1539] {strides = array<i32>} : memref<200x128xf32, #tpu.memory_space<vmem>>, vector<1x16xf32>,
        %swap3A_1541 = vector.shape_cast %swap3A_1540 : vector<1x16xf32> to vector<16xf32>
        %swap3A_1542 = vector.shape_cast %mul3A_1537 : vector<16xf32> to vector<1x16xf32>
        tpu.vector_store %arg7[%swap3A_1538, %swap3A_1539], %swap3A_1542 {strides = array<i32>} : memref<200x128xf32, #tpu.memory_space<vmem>>, vector<1x16xf32>,
        %get3A_1543 = arith.index_cast %add3A_1458 : i32 to index
        %get3A_1544 = arith.constant 112 : index
        %get3A_1545 = tpu.vector_load %arg7[%get3A_1543, %get3A_1544] {strides = array<i32>} : memref<200x128xf32, #tpu.memory_space<vmem>>, vector<1x16xf32>,
        %get3A_1546 = vector.shape_cast %get3A_1545 : vector<1x16xf32> to vector<16xf32>
        %mul3A_1547 = arith.constant 11.3137083 : f32
        %mul3A_1548 = vector.broadcast %mul3A_1547 : f32 to vector<16xf32>
        %mul3A_1549 = arith.mulf %get3A_1546, %mul3A_1548 : vector<16xf32>
        %swap3A_1550 = arith.index_cast %add3A_1458 : i32 to index
        %swap3A_1551 = arith.constant 112 : index
        %swap3A_1552 = tpu.vector_load %arg7[%swap3A_1550, %swap3A_1551] {strides = array<i32>} : memref<200x128xf32, #tpu.memory_space<vmem>>, vector<1x16xf32>,
        %swap3A_1553 = vector.shape_cast %swap3A_1552 : vector<1x16xf32> to vector<16xf32>
        %swap3A_1554 = vector.shape_cast %mul3A_1549 : vector<16xf32> to vector<1x16xf32>
        tpu.vector_store %arg7[%swap3A_1550, %swap3A_1551], %swap3A_1554 {strides = array<i32>} : memref<200x128xf32, #tpu.memory_space<vmem>>, vector<1x16xf32>,
      }
      %scan3A_333 = arith.constant 200 : i32
      %mul3A_334 = arith.constant 4 : i32
      %mul3A_335 = arith.muli %add3A_248, %mul3A_334 : i32
      %add3A_336 = arith.addi %mul3A_2, %mul3A_335 : i32
      %add3A_337 = arith.constant 0 : i32
      %add3A_338 = arith.addi %add3A_336, %add3A_337 : i32
      %dma_start3A_339 = arith.constant 0 : i32
      %dma_start3A_340 = arith.constant 0 : i32
      %dma_start3A_341 = tpu.memref_slice %arg7[%dma_start3A_339, %dma_start3A_340] : memref<200x128xf32, #tpu.memory_space<vmem>> -> memref<50x128xf32, #tpu.memory_space<vmem>>
      %dma_start3A_342 = arith.constant 0 : i32
      %dma_start3A_343 = arith.constant 0 : i32
      %dma_start3A_344 = tpu.memref_slice %arg4[%add3A_338, %dma_start3A_342, %dma_start3A_343] : memref<4096x50x128xf32, #tpu.memory_space<hbm>> -> memref<1x50x128xf32, #tpu.memory_space<hbm>>
      %dma_start3A_345 = tpu.memref_squeeze %dma_start3A_344 : memref<1x50x128xf32, #tpu.memory_space<hbm>> -> memref<50x128xf32, #tpu.memory_space<hbm>>
      %dma_start3A_346 = arith.constant 0 : i32
      %dma_start3A_347 = arith.constant 0 : i32
      %dma_start3A_348 = tpu.memref_slice %arg4[%add3A_338, %dma_start3A_346, %dma_start3A_347] : memref<4096x50x128xf32, #tpu.memory_space<hbm>> -> memref<1x50x128xf32, #tpu.memory_space<hbm>>
      %dma_start3A_349 = tpu.memref_squeeze %dma_start3A_348 : memref<1x50x128xf32, #tpu.memory_space<hbm>> -> memref<50x128xf32, #tpu.memory_space<hbm>>
      %dma_start3A_350 = arith.constant 0 : i32
      %dma_start3A_351 = arith.constant 0 : i32
      %dma_start3A_352 = tpu.memref_slice %arg7[%dma_start3A_350, %dma_start3A_351] : memref<200x128xf32, #tpu.memory_space<vmem>> -> memref<50x128xf32, #tpu.memory_space<vmem>>
      tpu.enqueue_dma source(%dma_start3A_352 : memref<50x128xf32, #tpu.memory_space<vmem>>) target(%dma_start3A_349 : memref<50x128xf32, #tpu.memory_space<hbm>>) target_semaphore(%arg11 : memref<!tpu.dma_semaphore, #tpu.memory_space<semaphore_mem>>)
      %mul3A_353 = arith.constant 4 : i32
      %mul3A_354 = arith.muli %add3A_248, %mul3A_353 : i32
      %add3A_355 = arith.addi %mul3A_2, %mul3A_354 : i32
      %add3A_356 = arith.constant 1 : i32
      %add3A_357 = arith.addi %add3A_355, %add3A_356 : i32
      %dma_start3A_358 = arith.constant 50 : i32
      %dma_start3A_359 = arith.constant 0 : i32
      %dma_start3A_360 = tpu.memref_slice %arg7[%dma_start3A_358, %dma_start3A_359] : memref<200x128xf32, #tpu.memory_space<vmem>> -> memref<50x128xf32, #tpu.memory_space<vmem>>
      %dma_start3A_361 = arith.constant 0 : i32
      %dma_start3A_362 = arith.constant 0 : i32
      %dma_start3A_363 = tpu.memref_slice %arg4[%add3A_357, %dma_start3A_361, %dma_start3A_362] : memref<4096x50x128xf32, #tpu.memory_space<hbm>> -> memref<1x50x128xf32, #tpu.memory_space<hbm>>
      %dma_start3A_364 = tpu.memref_squeeze %dma_start3A_363 : memref<1x50x128xf32, #tpu.memory_space<hbm>> -> memref<50x128xf32, #tpu.memory_space<hbm>>
      %dma_start3A_365 = arith.constant 0 : i32
      %dma_start3A_366 = arith.constant 0 : i32
      %dma_start3A_367 = tpu.memref_slice %arg4[%add3A_357, %dma_start3A_365, %dma_start3A_366] : memref<4096x50x128xf32, #tpu.memory_space<hbm>> -> memref<1x50x128xf32, #tpu.memory_space<hbm>>
      %dma_start3A_368 = tpu.memref_squeeze %dma_start3A_367 : memref<1x50x128xf32, #tpu.memory_space<hbm>> -> memref<50x128xf32, #tpu.memory_space<hbm>>
      %dma_start3A_369 = arith.constant 50 : i32
      %dma_start3A_370 = arith.constant 0 : i32
      %dma_start3A_371 = tpu.memref_slice %arg7[%dma_start3A_369, %dma_start3A_370] : memref<200x128xf32, #tpu.memory_space<vmem>> -> memref<50x128xf32, #tpu.memory_space<vmem>>
      tpu.enqueue_dma source(%dma_start3A_371 : memref<50x128xf32, #tpu.memory_space<vmem>>) target(%dma_start3A_368 : memref<50x128xf32, #tpu.memory_space<hbm>>) target_semaphore(%arg11 : memref<!tpu.dma_semaphore, #tpu.memory_space<semaphore_mem>>)
      %mul3A_372 = arith.constant 4 : i32
      %mul3A_373 = arith.muli %add3A_248, %mul3A_372 : i32
      %add3A_374 = arith.addi %mul3A_2, %mul3A_373 : i32
      %add3A_375 = arith.constant 2 : i32
      %add3A_376 = arith.addi %add3A_374, %add3A_375 : i32
      %dma_start3A_377 = arith.constant 100 : i32
      %dma_start3A_378 = arith.constant 0 : i32
      %dma_start3A_379 = tpu.memref_slice %arg7[%dma_start3A_377, %dma_start3A_378] : memref<200x128xf32, #tpu.memory_space<vmem>> -> memref<50x128xf32, #tpu.memory_space<vmem>>
      %dma_start3A_380 = arith.constant 0 : i32
      %dma_start3A_381 = arith.constant 0 : i32
      %dma_start3A_382 = tpu.memref_slice %arg4[%add3A_376, %dma_start3A_380, %dma_start3A_381] : memref<4096x50x128xf32, #tpu.memory_space<hbm>> -> memref<1x50x128xf32, #tpu.memory_space<hbm>>
      %dma_start3A_383 = tpu.memref_squeeze %dma_start3A_382 : memref<1x50x128xf32, #tpu.memory_space<hbm>> -> memref<50x128xf32, #tpu.memory_space<hbm>>
      %dma_start3A_384 = arith.constant 0 : i32
      %dma_start3A_385 = arith.constant 0 : i32
      %dma_start3A_386 = tpu.memref_slice %arg4[%add3A_376, %dma_start3A_384, %dma_start3A_385] : memref<4096x50x128xf32, #tpu.memory_space<hbm>> -> memref<1x50x128xf32, #tpu.memory_space<hbm>>
      %dma_start3A_387 = tpu.memref_squeeze %dma_start3A_386 : memref<1x50x128xf32, #tpu.memory_space<hbm>> -> memref<50x128xf32, #tpu.memory_space<hbm>>
      %dma_start3A_388 = arith.constant 100 : i32
      %dma_start3A_389 = arith.constant 0 : i32
      %dma_start3A_390 = tpu.memref_slice %arg7[%dma_start3A_388, %dma_start3A_389] : memref<200x128xf32, #tpu.memory_space<vmem>> -> memref<50x128xf32, #tpu.memory_space<vmem>>
      tpu.enqueue_dma source(%dma_start3A_390 : memref<50x128xf32, #tpu.memory_space<vmem>>) target(%dma_start3A_387 : memref<50x128xf32, #tpu.memory_space<hbm>>) target_semaphore(%arg11 : memref<!tpu.dma_semaphore, #tpu.memory_space<semaphore_mem>>)
      %mul3A_391 = arith.constant 4 : i32
      %mul3A_392 = arith.muli %add3A_248, %mul3A_391 : i32
      %add3A_393 = arith.addi %mul3A_2, %mul3A_392 : i32
      %add3A_394 = arith.constant 3 : i32
      %add3A_395 = arith.addi %add3A_393, %add3A_394 : i32
      %dma_start3A_396 = arith.constant 150 : i32
      %dma_start3A_397 = arith.constant 0 : i32
      %dma_start3A_398 = tpu.memref_slice %arg7[%dma_start3A_396, %dma_start3A_397] : memref<200x128xf32, #tpu.memory_space<vmem>> -> memref<50x128xf32, #tpu.memory_space<vmem>>
      %dma_start3A_399 = arith.constant 0 : i32
      %dma_start3A_400 = arith.constant 0 : i32
      %dma_start3A_401 = tpu.memref_slice %arg4[%add3A_395, %dma_start3A_399, %dma_start3A_400] : memref<4096x50x128xf32, #tpu.memory_space<hbm>> -> memref<1x50x128xf32, #tpu.memory_space<hbm>>
      %dma_start3A_402 = tpu.memref_squeeze %dma_start3A_401 : memref<1x50x128xf32, #tpu.memory_space<hbm>> -> memref<50x128xf32, #tpu.memory_space<hbm>>
      %dma_start3A_403 = arith.constant 0 : i32
      %dma_start3A_404 = arith.constant 0 : i32
      %dma_start3A_405 = tpu.memref_slice %arg4[%add3A_395, %dma_start3A_403, %dma_start3A_404] : memref<4096x50x128xf32, #tpu.memory_space<hbm>> -> memref<1x50x128xf32, #tpu.memory_space<hbm>>
      %dma_start3A_406 = tpu.memref_squeeze %dma_start3A_405 : memref<1x50x128xf32, #tpu.memory_space<hbm>> -> memref<50x128xf32, #tpu.memory_space<hbm>>
      %dma_start3A_407 = arith.constant 150 : i32
      %dma_start3A_408 = arith.constant 0 : i32
      %dma_start3A_409 = tpu.memref_slice %arg7[%dma_start3A_407, %dma_start3A_408] : memref<200x128xf32, #tpu.memory_space<vmem>> -> memref<50x128xf32, #tpu.memory_space<vmem>>
      tpu.enqueue_dma source(%dma_start3A_409 : memref<50x128xf32, #tpu.memory_space<vmem>>) target(%dma_start3A_406 : memref<50x128xf32, #tpu.memory_space<hbm>>) target_semaphore(%arg11 : memref<!tpu.dma_semaphore, #tpu.memory_space<semaphore_mem>>)
      %mul3A_410 = arith.constant 4 : i32
      %mul3A_411 = arith.muli %add3A_119, %mul3A_410 : i32
      %add3A_412 = arith.constant 2 : i32
      %add3A_413 = arith.addi %mul3A_411, %add3A_412 : i32
      %dma_wait3A_414 = arith.constant 0 : i32
      %dma_wait3A_415 = arith.constant 0 : i32
      %dma_wait3A_416 = tpu.memref_slice %arg6[%dma_wait3A_414, %dma_wait3A_415] : memref<200x128xf32, #tpu.memory_space<vmem>> -> memref<104x128xf32, #tpu.memory_space<vmem>>
      %dma_wait3A_417 = arith.constant 0 : i32
      %dma_wait3A_418 = tpu.memref_slice %arg5[%dma_wait3A_417] : memref<6400xi32, #tpu.memory_space<vmem>> -> memref<104xi32, #tpu.memory_space<vmem>>
      %dma_wait3A_419 = arith.constant 0 : i32
      %dma_wait3A_420 = arith.constant 0 : i32
      %dma_wait3A_421 = tpu.memref_slice %arg3[%dma_wait3A_419, %dma_wait3A_420] : memref<100000x128xf32, #tpu.memory_space<hbm>> -> memref<100000x128xf32, #tpu.memory_space<hbm>>
      tpu.wait_indirect_dma semaphore(%arg10 : memref<!tpu.dma_semaphore, #tpu.memory_space<semaphore_mem>>) src(%dma_wait3A_421 : memref<100000x128xf32, #tpu.memory_space<hbm>>) dst(%dma_wait3A_416 : memref<104x128xf32, #tpu.memory_space<vmem>>)
      %dma_wait3A_422 = arith.constant 104 : i32
      %dma_wait3A_423 = arith.constant 0 : i32
      %dma_wait3A_424 = tpu.memref_slice %arg6[%dma_wait3A_422, %dma_wait3A_423] : memref<200x128xf32, #tpu.memory_space<vmem>> -> memref<96x128xf32, #tpu.memory_space<vmem>>
      %dma_wait3A_425 = arith.constant 104 : i32
      %dma_wait3A_426 = tpu.memref_slice %arg5[%dma_wait3A_425] : memref<6400xi32, #tpu.memory_space<vmem>> -> memref<96xi32, #tpu.memory_space<vmem>>
      %dma_wait3A_427 = arith.constant 0 : i32
      %dma_wait3A_428 = arith.constant 0 : i32
      %dma_wait3A_429 = tpu.memref_slice %arg3[%dma_wait3A_427, %dma_wait3A_428] : memref<100000x128xf32, #tpu.memory_space<hbm>> -> memref<100000x128xf32, #tpu.memory_space<hbm>>
      tpu.wait_indirect_dma semaphore(%arg10 : memref<!tpu.dma_semaphore, #tpu.memory_space<semaphore_mem>>) src(%dma_wait3A_429 : memref<100000x128xf32, #tpu.memory_space<hbm>>) dst(%dma_wait3A_424 : memref<96x128xf32, #tpu.memory_space<vmem>>)
      %dma_wait3A_430 = arith.constant 0 : i32
      %dma_wait3A_431 = arith.constant 0 : i32
      %dma_wait3A_432 = arith.constant 0 : i32
      %dma_wait3A_433 = tpu.memref_slice %arg6[%dma_wait3A_431, %dma_wait3A_432] : memref<200x128xf32, #tpu.memory_space<vmem>> -> memref<50x128xf32, #tpu.memory_space<vmem>>
      %dma_wait3A_434 = arith.constant 0 : i32
      %dma_wait3A_435 = arith.constant 0 : i32
      %dma_wait3A_436 = tpu.memref_slice %arg4[%dma_wait3A_430, %dma_wait3A_434, %dma_wait3A_435] : memref<4096x50x128xf32, #tpu.memory_space<hbm>> -> memref<1x50x128xf32, #tpu.memory_space<hbm>>
      %dma_wait3A_437 = tpu.memref_squeeze %dma_wait3A_436 : memref<1x50x128xf32, #tpu.memory_space<hbm>> -> memref<50x128xf32, #tpu.memory_space<hbm>>
      %dma_wait3A_438 = arith.constant 0 : i32
      %dma_wait3A_439 = arith.constant 0 : i32
      %dma_wait3A_440 = tpu.memref_slice %arg4[%dma_wait3A_430, %dma_wait3A_438, %dma_wait3A_439] : memref<4096x50x128xf32, #tpu.memory_space<hbm>> -> memref<1x50x128xf32, #tpu.memory_space<hbm>>
      %dma_wait3A_441 = tpu.memref_squeeze %dma_wait3A_440 : memref<1x50x128xf32, #tpu.memory_space<hbm>> -> memref<50x128xf32, #tpu.memory_space<hbm>>
      %dma_wait3A_442 = arith.constant 0 : i32
      %dma_wait3A_443 = arith.constant 0 : i32
      %dma_wait3A_444 = tpu.memref_slice %arg6[%dma_wait3A_442, %dma_wait3A_443] : memref<200x128xf32, #tpu.memory_space<vmem>> -> memref<50x128xf32, #tpu.memory_space<vmem>>
      tpu.wait_dma2 semaphore(%arg11 : memref<!tpu.dma_semaphore, #tpu.memory_space<semaphore_mem>>) src(%dma_wait3A_444 : memref<50x128xf32, #tpu.memory_space<vmem>>) dst(%dma_wait3A_441 : memref<50x128xf32, #tpu.memory_space<hbm>>)
      %dma_wait3A_445 = arith.constant 0 : i32
      %dma_wait3A_446 = arith.constant 0 : i32
      %dma_wait3A_447 = arith.constant 0 : i32
      %dma_wait3A_448 = tpu.memref_slice %arg6[%dma_wait3A_446, %dma_wait3A_447] : memref<200x128xf32, #tpu.memory_space<vmem>> -> memref<50x128xf32, #tpu.memory_space<vmem>>
      %dma_wait3A_449 = arith.constant 0 : i32
      %dma_wait3A_450 = arith.constant 0 : i32
      %dma_wait3A_451 = tpu.memref_slice %arg4[%dma_wait3A_445, %dma_wait3A_449, %dma_wait3A_450] : memref<4096x50x128xf32, #tpu.memory_space<hbm>> -> memref<1x50x128xf32, #tpu.memory_space<hbm>>
      %dma_wait3A_452 = tpu.memref_squeeze %dma_wait3A_451 : memref<1x50x128xf32, #tpu.memory_space<hbm>> -> memref<50x128xf32, #tpu.memory_space<hbm>>
      %dma_wait3A_453 = arith.constant 0 : i32
      %dma_wait3A_454 = arith.constant 0 : i32
      %dma_wait3A_455 = tpu.memref_slice %arg4[%dma_wait3A_445, %dma_wait3A_453, %dma_wait3A_454] : memref<4096x50x128xf32, #tpu.memory_space<hbm>> -> memref<1x50x128xf32, #tpu.memory_space<hbm>>
      %dma_wait3A_456 = tpu.memref_squeeze %dma_wait3A_455 : memref<1x50x128xf32, #tpu.memory_space<hbm>> -> memref<50x128xf32, #tpu.memory_space<hbm>>
      %dma_wait3A_457 = arith.constant 0 : i32
      %dma_wait3A_458 = arith.constant 0 : i32
      %dma_wait3A_459 = tpu.memref_slice %arg6[%dma_wait3A_457, %dma_wait3A_458] : memref<200x128xf32, #tpu.memory_space<vmem>> -> memref<50x128xf32, #tpu.memory_space<vmem>>
      tpu.wait_dma2 semaphore(%arg11 : memref<!tpu.dma_semaphore, #tpu.memory_space<semaphore_mem>>) src(%dma_wait3A_459 : memref<50x128xf32, #tpu.memory_space<vmem>>) dst(%dma_wait3A_456 : memref<50x128xf32, #tpu.memory_space<hbm>>)
      %dma_wait3A_460 = arith.constant 0 : i32
      %dma_wait3A_461 = arith.constant 0 : i32
      %dma_wait3A_462 = arith.constant 0 : i32
      %dma_wait3A_463 = tpu.memref_slice %arg6[%dma_wait3A_461, %dma_wait3A_462] : memref<200x128xf32, #tpu.memory_space<vmem>> -> memref<50x128xf32, #tpu.memory_space<vmem>>
      %dma_wait3A_464 = arith.constant 0 : i32
      %dma_wait3A_465 = arith.constant 0 : i32
      %dma_wait3A_466 = tpu.memref_slice %arg4[%dma_wait3A_460, %dma_wait3A_464, %dma_wait3A_465] : memref<4096x50x128xf32, #tpu.memory_space<hbm>> -> memref<1x50x128xf32, #tpu.memory_space<hbm>>
      %dma_wait3A_467 = tpu.memref_squeeze %dma_wait3A_466 : memref<1x50x128xf32, #tpu.memory_space<hbm>> -> memref<50x128xf32, #tpu.memory_space<hbm>>
      %dma_wait3A_468 = arith.constant 0 : i32
      %dma_wait3A_469 = arith.constant 0 : i32
      %dma_wait3A_470 = tpu.memref_slice %arg4[%dma_wait3A_460, %dma_wait3A_468, %dma_wait3A_469] : memref<4096x50x128xf32, #tpu.memory_space<hbm>> -> memref<1x50x128xf32, #tpu.memory_space<hbm>>
      %dma_wait3A_471 = tpu.memref_squeeze %dma_wait3A_470 : memref<1x50x128xf32, #tpu.memory_space<hbm>> -> memref<50x128xf32, #tpu.memory_space<hbm>>
      %dma_wait3A_472 = arith.constant 0 : i32
      %dma_wait3A_473 = arith.constant 0 : i32
      %dma_wait3A_474 = tpu.memref_slice %arg6[%dma_wait3A_472, %dma_wait3A_473] : memref<200x128xf32, #tpu.memory_space<vmem>> -> memref<50x128xf32, #tpu.memory_space<vmem>>
      tpu.wait_dma2 semaphore(%arg11 : memref<!tpu.dma_semaphore, #tpu.memory_space<semaphore_mem>>) src(%dma_wait3A_474 : memref<50x128xf32, #tpu.memory_space<vmem>>) dst(%dma_wait3A_471 : memref<50x128xf32, #tpu.memory_space<hbm>>)
      %dma_wait3A_475 = arith.constant 0 : i32
      %dma_wait3A_476 = arith.constant 0 : i32
      %dma_wait3A_477 = arith.constant 0 : i32
      %dma_wait3A_478 = tpu.memref_slice %arg6[%dma_wait3A_476, %dma_wait3A_477] : memref<200x128xf32, #tpu.memory_space<vmem>> -> memref<50x128xf32, #tpu.memory_space<vmem>>
      %dma_wait3A_479 = arith.constant 0 : i32
      %dma_wait3A_480 = arith.constant 0 : i32
      %dma_wait3A_481 = tpu.memref_slice %arg4[%dma_wait3A_475, %dma_wait3A_479, %dma_wait3A_480] : memref<4096x50x128xf32, #tpu.memory_space<hbm>> -> memref<1x50x128xf32, #tpu.memory_space<hbm>>
      %dma_wait3A_482 = tpu.memref_squeeze %dma_wait3A_481 : memref<1x50x128xf32, #tpu.memory_space<hbm>> -> memref<50x128xf32, #tpu.memory_space<hbm>>
      %dma_wait3A_483 = arith.constant 0 : i32
      %dma_wait3A_484 = arith.constant 0 : i32
      %dma_wait3A_485 = tpu.memref_slice %arg4[%dma_wait3A_475, %dma_wait3A_483, %dma_wait3A_484] : memref<4096x50x128xf32, #tpu.memory_space<hbm>> -> memref<1x50x128xf32, #tpu.memory_space<hbm>>
      %dma_wait3A_486 = tpu.memref_squeeze %dma_wait3A_485 : memref<1x50x128xf32, #tpu.memory_space<hbm>> -> memref<50x128xf32, #tpu.memory_space<hbm>>
      %dma_wait3A_487 = arith.constant 0 : i32
      %dma_wait3A_488 = arith.constant 0 : i32
      %dma_wait3A_489 = tpu.memref_slice %arg6[%dma_wait3A_487, %dma_wait3A_488] : memref<200x128xf32, #tpu.memory_space<vmem>> -> memref<50x128xf32, #tpu.memory_space<vmem>>
      tpu.wait_dma2 semaphore(%arg11 : memref<!tpu.dma_semaphore, #tpu.memory_space<semaphore_mem>>) src(%dma_wait3A_489 : memref<50x128xf32, #tpu.memory_space<vmem>>) dst(%dma_wait3A_486 : memref<50x128xf32, #tpu.memory_space<hbm>>)
      %lt3A_490 = arith.constant 7 : i32
      %lt3A_491 = arith.cmpi slt, %add3A_119, %lt3A_490 : i32
      %convert_element_type3A_492 = arith.extui %lt3A_491 : i1 to i32
      %cond3A_493 = arith.constant 0 : i32
      %cond3A_494 = arith.cmpi ne, %convert_element_type3A_492, %cond3A_493 : i32
      scf.if %cond3A_494 {
        %add3A_742 = arith.constant 3 : i32
        %add3A_743 = arith.addi %add3A_413, %add3A_742 : i32
        %mul3A_744 = arith.constant 200 : i32
        %mul3A_745 = arith.muli %add3A_743, %mul3A_744 : i32
        %dma_start3A_746 = arith.constant 0 : i32
        %dma_start3A_747 = arith.constant 0 : i32
        %dma_start3A_748 = tpu.memref_slice %arg7[%dma_start3A_746, %dma_start3A_747] : memref<200x128xf32, #tpu.memory_space<vmem>> -> memref<104x128xf32, #tpu.memory_space<vmem>>
        %dma_start3A_749 = tpu.memref_slice %arg5[%mul3A_745] : memref<6400xi32, #tpu.memory_space<vmem>> -> memref<104xi32, #tpu.memory_space<vmem>>
        %dma_start3A_750 = arith.constant 0 : i32
        %dma_start3A_751 = arith.constant 0 : i32
        %dma_start3A_752 = tpu.memref_slice %arg3[%dma_start3A_750, %dma_start3A_751] : memref<100000x128xf32, #tpu.memory_space<hbm>> -> memref<100000x128xf32, #tpu.memory_space<hbm>>
        tpu.enqueue_indirect_dma source(%dma_start3A_752 : memref<100000x128xf32, #tpu.memory_space<hbm>>) target(%dma_start3A_748 : memref<104x128xf32, #tpu.memory_space<vmem>>) offsets(%dma_start3A_749 : memref<104xi32, #tpu.memory_space<vmem>>) semaphore(%arg10 : memref<!tpu.dma_semaphore, #tpu.memory_space<semaphore_mem>>)
        %mul3A_753 = arith.constant 200 : i32
        %mul3A_754 = arith.muli %add3A_743, %mul3A_753 : i32
        %add3A_755 = arith.constant 104 : i32
        %add3A_756 = arith.addi %mul3A_754, %add3A_755 : i32
        %dma_start3A_757 = arith.constant 104 : i32
        %dma_start3A_758 = arith.constant 0 : i32
        %dma_start3A_759 = tpu.memref_slice %arg7[%dma_start3A_757, %dma_start3A_758] : memref<200x128xf32, #tpu.memory_space<vmem>> -> memref<96x128xf32, #tpu.memory_space<vmem>>
        %dma_start3A_760 = tpu.memref_slice %arg5[%add3A_756] : memref<6400xi32, #tpu.memory_space<vmem>> -> memref<96xi32, #tpu.memory_space<vmem>>
        %dma_start3A_761 = arith.constant 0 : i32
        %dma_start3A_762 = arith.constant 0 : i32
        %dma_start3A_763 = tpu.memref_slice %arg3[%dma_start3A_761, %dma_start3A_762] : memref<100000x128xf32, #tpu.memory_space<hbm>> -> memref<100000x128xf32, #tpu.memory_space<hbm>>
        tpu.enqueue_indirect_dma source(%dma_start3A_763 : memref<100000x128xf32, #tpu.memory_space<hbm>>) target(%dma_start3A_759 : memref<96x128xf32, #tpu.memory_space<vmem>>) offsets(%dma_start3A_760 : memref<96xi32, #tpu.memory_space<vmem>>) semaphore(%arg10 : memref<!tpu.dma_semaphore, #tpu.memory_space<semaphore_mem>>)
      } else {
      }
      %scan3A_495 = arith.constant 0 : i32
      %scan3A_496 = arith.constant 200 : i32
      %scan3A_497 = arith.addi %scan3A_495, %scan3A_496 : i32
      %scan3A_498 = arith.constant 8 : i32
      scf.for %scan3A_742 = %scan3A_495 to %scan3A_497 step %scan3A_498  : i32 {
        %mul3A_743 = arith.constant 1 : i32
        %mul3A_744 = arith.muli %scan3A_742, %mul3A_743 : i32
        %add3A_745 = arith.constant 0 : i32
        %add3A_746 = arith.addi %add3A_745, %mul3A_744 : i32
        %get3A = arith.index_cast %add3A_746 : i32 to index
        %get3A_747 = arith.constant 0 : index
        %get3A_748 = tpu.vector_load %arg8[%get3A, %get3A_747] {strides = array<i32>} : memref<200x128xf32, #tpu.memory_space<vmem>>, vector<1x16xf32>,
        %get3A_749 = vector.shape_cast %get3A_748 : vector<1x16xf32> to vector<16xf32>
        %mul3A_750 = arith.constant 11.3137083 : f32
        %mul3A_751 = vector.broadcast %mul3A_750 : f32 to vector<16xf32>
        %mul3A_752 = arith.mulf %get3A_749, %mul3A_751 : vector<16xf32>
        %swap3A = arith.index_cast %add3A_746 : i32 to index
        %swap3A_753 = arith.constant 0 : index
        %swap3A_754 = tpu.vector_load %arg8[%swap3A, %swap3A_753] {strides = array<i32>} : memref<200x128xf32, #tpu.memory_space<vmem>>, vector<1x16xf32>,
        %swap3A_755 = vector.shape_cast %swap3A_754 : vector<1x16xf32> to vector<16xf32>
        %swap3A_756 = vector.shape_cast %mul3A_752 : vector<16xf32> to vector<1x16xf32>
        tpu.vector_store %arg8[%swap3A, %swap3A_753], %swap3A_756 {strides = array<i32>} : memref<200x128xf32, #tpu.memory_space<vmem>>, vector<1x16xf32>,
        %get3A_757 = arith.index_cast %add3A_746 : i32 to index
        %get3A_758 = arith.constant 16 : index
        %get3A_759 = tpu.vector_load %arg8[%get3A_757, %get3A_758] {strides = array<i32>} : memref<200x128xf32, #tpu.memory_space<vmem>>, vector<1x16xf32>,
        %get3A_760 = vector.shape_cast %get3A_759 : vector<1x16xf32> to vector<16xf32>
        %mul3A_761 = arith.constant 11.3137083 : f32
        %mul3A_762 = vector.broadcast %mul3A_761 : f32 to vector<16xf32>
        %mul3A_763 = arith.mulf %get3A_760, %mul3A_762 : vector<16xf32>
        %swap3A_764 = arith.index_cast %add3A_746 : i32 to index
        %swap3A_765 = arith.constant 16 : index
        %swap3A_766 = tpu.vector_load %arg8[%swap3A_764, %swap3A_765] {strides = array<i32>} : memref<200x128xf32, #tpu.memory_space<vmem>>, vector<1x16xf32>,
        %swap3A_767 = vector.shape_cast %swap3A_766 : vector<1x16xf32> to vector<16xf32>
        %swap3A_768 = vector.shape_cast %mul3A_763 : vector<16xf32> to vector<1x16xf32>
        tpu.vector_store %arg8[%swap3A_764, %swap3A_765], %swap3A_768 {strides = array<i32>} : memref<200x128xf32, #tpu.memory_space<vmem>>, vector<1x16xf32>,
        %get3A_769 = arith.index_cast %add3A_746 : i32 to index
        %get3A_770 = arith.constant 32 : index
        %get3A_771 = tpu.vector_load %arg8[%get3A_769, %get3A_770] {strides = array<i32>} : memref<200x128xf32, #tpu.memory_space<vmem>>, vector<1x16xf32>,
        %get3A_772 = vector.shape_cast %get3A_771 : vector<1x16xf32> to vector<16xf32>
        %mul3A_773 = arith.constant 11.3137083 : f32
        %mul3A_774 = vector.broadcast %mul3A_773 : f32 to vector<16xf32>
        %mul3A_775 = arith.mulf %get3A_772, %mul3A_774 : vector<16xf32>
        %swap3A_776 = arith.index_cast %add3A_746 : i32 to index
        %swap3A_777 = arith.constant 32 : index
        %swap3A_778 = tpu.vector_load %arg8[%swap3A_776, %swap3A_777] {strides = array<i32>} : memref<200x128xf32, #tpu.memory_space<vmem>>, vector<1x16xf32>,
        %swap3A_779 = vector.shape_cast %swap3A_778 : vector<1x16xf32> to vector<16xf32>
        %swap3A_780 = vector.shape_cast %mul3A_775 : vector<16xf32> to vector<1x16xf32>
        tpu.vector_store %arg8[%swap3A_776, %swap3A_777], %swap3A_780 {strides = array<i32>} : memref<200x128xf32, #tpu.memory_space<vmem>>, vector<1x16xf32>,
        %get3A_781 = arith.index_cast %add3A_746 : i32 to index
        %get3A_782 = arith.constant 48 : index
        %get3A_783 = tpu.vector_load %arg8[%get3A_781, %get3A_782] {strides = array<i32>} : memref<200x128xf32, #tpu.memory_space<vmem>>, vector<1x16xf32>,
        %get3A_784 = vector.shape_cast %get3A_783 : vector<1x16xf32> to vector<16xf32>
        %mul3A_785 = arith.constant 11.3137083 : f32
        %mul3A_786 = vector.broadcast %mul3A_785 : f32 to vector<16xf32>
        %mul3A_787 = arith.mulf %get3A_784, %mul3A_786 : vector<16xf32>
        %swap3A_788 = arith.index_cast %add3A_746 : i32 to index
        %swap3A_789 = arith.constant 48 : index
        %swap3A_790 = tpu.vector_load %arg8[%swap3A_788, %swap3A_789] {strides = array<i32>} : memref<200x128xf32, #tpu.memory_space<vmem>>, vector<1x16xf32>,
        %swap3A_791 = vector.shape_cast %swap3A_790 : vector<1x16xf32> to vector<16xf32>
        %swap3A_792 = vector.shape_cast %mul3A_787 : vector<16xf32> to vector<1x16xf32>
        tpu.vector_store %arg8[%swap3A_788, %swap3A_789], %swap3A_792 {strides = array<i32>} : memref<200x128xf32, #tpu.memory_space<vmem>>, vector<1x16xf32>,
        %get3A_793 = arith.index_cast %add3A_746 : i32 to index
        %get3A_794 = arith.constant 64 : index
        %get3A_795 = tpu.vector_load %arg8[%get3A_793, %get3A_794] {strides = array<i32>} : memref<200x128xf32, #tpu.memory_space<vmem>>, vector<1x16xf32>,
        %get3A_796 = vector.shape_cast %get3A_795 : vector<1x16xf32> to vector<16xf32>
        %mul3A_797 = arith.constant 11.3137083 : f32
        %mul3A_798 = vector.broadcast %mul3A_797 : f32 to vector<16xf32>
        %mul3A_799 = arith.mulf %get3A_796, %mul3A_798 : vector<16xf32>
        %swap3A_800 = arith.index_cast %add3A_746 : i32 to index
        %swap3A_801 = arith.constant 64 : index
        %swap3A_802 = tpu.vector_load %arg8[%swap3A_800, %swap3A_801] {strides = array<i32>} : memref<200x128xf32, #tpu.memory_space<vmem>>, vector<1x16xf32>,
        %swap3A_803 = vector.shape_cast %swap3A_802 : vector<1x16xf32> to vector<16xf32>
        %swap3A_804 = vector.shape_cast %mul3A_799 : vector<16xf32> to vector<1x16xf32>
        tpu.vector_store %arg8[%swap3A_800, %swap3A_801], %swap3A_804 {strides = array<i32>} : memref<200x128xf32, #tpu.memory_space<vmem>>, vector<1x16xf32>,
        %get3A_805 = arith.index_cast %add3A_746 : i32 to index
        %get3A_806 = arith.constant 80 : index
        %get3A_807 = tpu.vector_load %arg8[%get3A_805, %get3A_806] {strides = array<i32>} : memref<200x128xf32, #tpu.memory_space<vmem>>, vector<1x16xf32>,
        %get3A_808 = vector.shape_cast %get3A_807 : vector<1x16xf32> to vector<16xf32>
        %mul3A_809 = arith.constant 11.3137083 : f32
        %mul3A_810 = vector.broadcast %mul3A_809 : f32 to vector<16xf32>
        %mul3A_811 = arith.mulf %get3A_808, %mul3A_810 : vector<16xf32>
        %swap3A_812 = arith.index_cast %add3A_746 : i32 to index
        %swap3A_813 = arith.constant 80 : index
        %swap3A_814 = tpu.vector_load %arg8[%swap3A_812, %swap3A_813] {strides = array<i32>} : memref<200x128xf32, #tpu.memory_space<vmem>>, vector<1x16xf32>,
        %swap3A_815 = vector.shape_cast %swap3A_814 : vector<1x16xf32> to vector<16xf32>
        %swap3A_816 = vector.shape_cast %mul3A_811 : vector<16xf32> to vector<1x16xf32>
        tpu.vector_store %arg8[%swap3A_812, %swap3A_813], %swap3A_816 {strides = array<i32>} : memref<200x128xf32, #tpu.memory_space<vmem>>, vector<1x16xf32>,
        %get3A_817 = arith.index_cast %add3A_746 : i32 to index
        %get3A_818 = arith.constant 96 : index
        %get3A_819 = tpu.vector_load %arg8[%get3A_817, %get3A_818] {strides = array<i32>} : memref<200x128xf32, #tpu.memory_space<vmem>>, vector<1x16xf32>,
        %get3A_820 = vector.shape_cast %get3A_819 : vector<1x16xf32> to vector<16xf32>
        %mul3A_821 = arith.constant 11.3137083 : f32
        %mul3A_822 = vector.broadcast %mul3A_821 : f32 to vector<16xf32>
        %mul3A_823 = arith.mulf %get3A_820, %mul3A_822 : vector<16xf32>
        %swap3A_824 = arith.index_cast %add3A_746 : i32 to index
        %swap3A_825 = arith.constant 96 : index
        %swap3A_826 = tpu.vector_load %arg8[%swap3A_824, %swap3A_825] {strides = array<i32>} : memref<200x128xf32, #tpu.memory_space<vmem>>, vector<1x16xf32>,
        %swap3A_827 = vector.shape_cast %swap3A_826 : vector<1x16xf32> to vector<16xf32>
        %swap3A_828 = vector.shape_cast %mul3A_823 : vector<16xf32> to vector<1x16xf32>
        tpu.vector_store %arg8[%swap3A_824, %swap3A_825], %swap3A_828 {strides = array<i32>} : memref<200x128xf32, #tpu.memory_space<vmem>>, vector<1x16xf32>,
        %get3A_829 = arith.index_cast %add3A_746 : i32 to index
        %get3A_830 = arith.constant 112 : index
        %get3A_831 = tpu.vector_load %arg8[%get3A_829, %get3A_830] {strides = array<i32>} : memref<200x128xf32, #tpu.memory_space<vmem>>, vector<1x16xf32>,
        %get3A_832 = vector.shape_cast %get3A_831 : vector<1x16xf32> to vector<16xf32>
        %mul3A_833 = arith.constant 11.3137083 : f32
        %mul3A_834 = vector.broadcast %mul3A_833 : f32 to vector<16xf32>
        %mul3A_835 = arith.mulf %get3A_832, %mul3A_834 : vector<16xf32>
        %swap3A_836 = arith.index_cast %add3A_746 : i32 to index
        %swap3A_837 = arith.constant 112 : index
        %swap3A_838 = tpu.vector_load %arg8[%swap3A_836, %swap3A_837] {strides = array<i32>} : memref<200x128xf32, #tpu.memory_space<vmem>>, vector<1x16xf32>,
        %swap3A_839 = vector.shape_cast %swap3A_838 : vector<1x16xf32> to vector<16xf32>
        %swap3A_840 = vector.shape_cast %mul3A_835 : vector<16xf32> to vector<1x16xf32>
        tpu.vector_store %arg8[%swap3A_836, %swap3A_837], %swap3A_840 {strides = array<i32>} : memref<200x128xf32, #tpu.memory_space<vmem>>, vector<1x16xf32>,
        %scan3A_841 = arith.constant 1 : i32
        %scan3A_842 = arith.addi %scan3A_742, %scan3A_841 : i32
        %mul3A_843 = arith.constant 1 : i32
        %mul3A_844 = arith.muli %scan3A_842, %mul3A_843 : i32
        %add3A_845 = arith.constant 0 : i32
        %add3A_846 = arith.addi %add3A_845, %mul3A_844 : i32
        %get3A_847 = arith.index_cast %add3A_846 : i32 to index
        %get3A_848 = arith.constant 0 : index
        %get3A_849 = tpu.vector_load %arg8[%get3A_847, %get3A_848] {strides = array<i32>} : memref<200x128xf32, #tpu.memory_space<vmem>>, vector<1x16xf32>,
        %get3A_850 = vector.shape_cast %get3A_849 : vector<1x16xf32> to vector<16xf32>
        %mul3A_851 = arith.constant 11.3137083 : f32
        %mul3A_852 = vector.broadcast %mul3A_851 : f32 to vector<16xf32>
        %mul3A_853 = arith.mulf %get3A_850, %mul3A_852 : vector<16xf32>
        %swap3A_854 = arith.index_cast %add3A_846 : i32 to index
        %swap3A_855 = arith.constant 0 : index
        %swap3A_856 = tpu.vector_load %arg8[%swap3A_854, %swap3A_855] {strides = array<i32>} : memref<200x128xf32, #tpu.memory_space<vmem>>, vector<1x16xf32>,
        %swap3A_857 = vector.shape_cast %swap3A_856 : vector<1x16xf32> to vector<16xf32>
        %swap3A_858 = vector.shape_cast %mul3A_853 : vector<16xf32> to vector<1x16xf32>
        tpu.vector_store %arg8[%swap3A_854, %swap3A_855], %swap3A_858 {strides = array<i32>} : memref<200x128xf32, #tpu.memory_space<vmem>>, vector<1x16xf32>,
        %get3A_859 = arith.index_cast %add3A_846 : i32 to index
        %get3A_860 = arith.constant 16 : index
        %get3A_861 = tpu.vector_load %arg8[%get3A_859, %get3A_860] {strides = array<i32>} : memref<200x128xf32, #tpu.memory_space<vmem>>, vector<1x16xf32>,
        %get3A_862 = vector.shape_cast %get3A_861 : vector<1x16xf32> to vector<16xf32>
        %mul3A_863 = arith.constant 11.3137083 : f32
        %mul3A_864 = vector.broadcast %mul3A_863 : f32 to vector<16xf32>
        %mul3A_865 = arith.mulf %get3A_862, %mul3A_864 : vector<16xf32>
        %swap3A_866 = arith.index_cast %add3A_846 : i32 to index
        %swap3A_867 = arith.constant 16 : index
        %swap3A_868 = tpu.vector_load %arg8[%swap3A_866, %swap3A_867] {strides = array<i32>} : memref<200x128xf32, #tpu.memory_space<vmem>>, vector<1x16xf32>,
        %swap3A_869 = vector.shape_cast %swap3A_868 : vector<1x16xf32> to vector<16xf32>
        %swap3A_870 = vector.shape_cast %mul3A_865 : vector<16xf32> to vector<1x16xf32>
        tpu.vector_store %arg8[%swap3A_866, %swap3A_867], %swap3A_870 {strides = array<i32>} : memref<200x128xf32, #tpu.memory_space<vmem>>, vector<1x16xf32>,
        %get3A_871 = arith.index_cast %add3A_846 : i32 to index
        %get3A_872 = arith.constant 32 : index
        %get3A_873 = tpu.vector_load %arg8[%get3A_871, %get3A_872] {strides = array<i32>} : memref<200x128xf32, #tpu.memory_space<vmem>>, vector<1x16xf32>,
        %get3A_874 = vector.shape_cast %get3A_873 : vector<1x16xf32> to vector<16xf32>
        %mul3A_875 = arith.constant 11.3137083 : f32
        %mul3A_876 = vector.broadcast %mul3A_875 : f32 to vector<16xf32>
        %mul3A_877 = arith.mulf %get3A_874, %mul3A_876 : vector<16xf32>
        %swap3A_878 = arith.index_cast %add3A_846 : i32 to index
        %swap3A_879 = arith.constant 32 : index
        %swap3A_880 = tpu.vector_load %arg8[%swap3A_878, %swap3A_879] {strides = array<i32>} : memref<200x128xf32, #tpu.memory_space<vmem>>, vector<1x16xf32>,
        %swap3A_881 = vector.shape_cast %swap3A_880 : vector<1x16xf32> to vector<16xf32>
        %swap3A_882 = vector.shape_cast %mul3A_877 : vector<16xf32> to vector<1x16xf32>
        tpu.vector_store %arg8[%swap3A_878, %swap3A_879], %swap3A_882 {strides = array<i32>} : memref<200x128xf32, #tpu.memory_space<vmem>>, vector<1x16xf32>,
        %get3A_883 = arith.index_cast %add3A_846 : i32 to index
        %get3A_884 = arith.constant 48 : index
        %get3A_885 = tpu.vector_load %arg8[%get3A_883, %get3A_884] {strides = array<i32>} : memref<200x128xf32, #tpu.memory_space<vmem>>, vector<1x16xf32>,
        %get3A_886 = vector.shape_cast %get3A_885 : vector<1x16xf32> to vector<16xf32>
        %mul3A_887 = arith.constant 11.3137083 : f32
        %mul3A_888 = vector.broadcast %mul3A_887 : f32 to vector<16xf32>
        %mul3A_889 = arith.mulf %get3A_886, %mul3A_888 : vector<16xf32>
        %swap3A_890 = arith.index_cast %add3A_846 : i32 to index
        %swap3A_891 = arith.constant 48 : index
        %swap3A_892 = tpu.vector_load %arg8[%swap3A_890, %swap3A_891] {strides = array<i32>} : memref<200x128xf32, #tpu.memory_space<vmem>>, vector<1x16xf32>,
        %swap3A_893 = vector.shape_cast %swap3A_892 : vector<1x16xf32> to vector<16xf32>
        %swap3A_894 = vector.shape_cast %mul3A_889 : vector<16xf32> to vector<1x16xf32>
        tpu.vector_store %arg8[%swap3A_890, %swap3A_891], %swap3A_894 {strides = array<i32>} : memref<200x128xf32, #tpu.memory_space<vmem>>, vector<1x16xf32>,
        %get3A_895 = arith.index_cast %add3A_846 : i32 to index
        %get3A_896 = arith.constant 64 : index
        %get3A_897 = tpu.vector_load %arg8[%get3A_895, %get3A_896] {strides = array<i32>} : memref<200x128xf32, #tpu.memory_space<vmem>>, vector<1x16xf32>,
        %get3A_898 = vector.shape_cast %get3A_897 : vector<1x16xf32> to vector<16xf32>
        %mul3A_899 = arith.constant 11.3137083 : f32
        %mul3A_900 = vector.broadcast %mul3A_899 : f32 to vector<16xf32>
        %mul3A_901 = arith.mulf %get3A_898, %mul3A_900 : vector<16xf32>
        %swap3A_902 = arith.index_cast %add3A_846 : i32 to index
        %swap3A_903 = arith.constant 64 : index
        %swap3A_904 = tpu.vector_load %arg8[%swap3A_902, %swap3A_903] {strides = array<i32>} : memref<200x128xf32, #tpu.memory_space<vmem>>, vector<1x16xf32>,
        %swap3A_905 = vector.shape_cast %swap3A_904 : vector<1x16xf32> to vector<16xf32>
        %swap3A_906 = vector.shape_cast %mul3A_901 : vector<16xf32> to vector<1x16xf32>
        tpu.vector_store %arg8[%swap3A_902, %swap3A_903], %swap3A_906 {strides = array<i32>} : memref<200x128xf32, #tpu.memory_space<vmem>>, vector<1x16xf32>,
        %get3A_907 = arith.index_cast %add3A_846 : i32 to index
        %get3A_908 = arith.constant 80 : index
        %get3A_909 = tpu.vector_load %arg8[%get3A_907, %get3A_908] {strides = array<i32>} : memref<200x128xf32, #tpu.memory_space<vmem>>, vector<1x16xf32>,
        %get3A_910 = vector.shape_cast %get3A_909 : vector<1x16xf32> to vector<16xf32>
        %mul3A_911 = arith.constant 11.3137083 : f32
        %mul3A_912 = vector.broadcast %mul3A_911 : f32 to vector<16xf32>
        %mul3A_913 = arith.mulf %get3A_910, %mul3A_912 : vector<16xf32>
        %swap3A_914 = arith.index_cast %add3A_846 : i32 to index
        %swap3A_915 = arith.constant 80 : index
        %swap3A_916 = tpu.vector_load %arg8[%swap3A_914, %swap3A_915] {strides = array<i32>} : memref<200x128xf32, #tpu.memory_space<vmem>>, vector<1x16xf32>,
        %swap3A_917 = vector.shape_cast %swap3A_916 : vector<1x16xf32> to vector<16xf32>
        %swap3A_918 = vector.shape_cast %mul3A_913 : vector<16xf32> to vector<1x16xf32>
        tpu.vector_store %arg8[%swap3A_914, %swap3A_915], %swap3A_918 {strides = array<i32>} : memref<200x128xf32, #tpu.memory_space<vmem>>, vector<1x16xf32>,
        %get3A_919 = arith.index_cast %add3A_846 : i32 to index
        %get3A_920 = arith.constant 96 : index
        %get3A_921 = tpu.vector_load %arg8[%get3A_919, %get3A_920] {strides = array<i32>} : memref<200x128xf32, #tpu.memory_space<vmem>>, vector<1x16xf32>,
        %get3A_922 = vector.shape_cast %get3A_921 : vector<1x16xf32> to vector<16xf32>
        %mul3A_923 = arith.constant 11.3137083 : f32
        %mul3A_924 = vector.broadcast %mul3A_923 : f32 to vector<16xf32>
        %mul3A_925 = arith.mulf %get3A_922, %mul3A_924 : vector<16xf32>
        %swap3A_926 = arith.index_cast %add3A_846 : i32 to index
        %swap3A_927 = arith.constant 96 : index
        %swap3A_928 = tpu.vector_load %arg8[%swap3A_926, %swap3A_927] {strides = array<i32>} : memref<200x128xf32, #tpu.memory_space<vmem>>, vector<1x16xf32>,
        %swap3A_929 = vector.shape_cast %swap3A_928 : vector<1x16xf32> to vector<16xf32>
        %swap3A_930 = vector.shape_cast %mul3A_925 : vector<16xf32> to vector<1x16xf32>
        tpu.vector_store %arg8[%swap3A_926, %swap3A_927], %swap3A_930 {strides = array<i32>} : memref<200x128xf32, #tpu.memory_space<vmem>>, vector<1x16xf32>,
        %get3A_931 = arith.index_cast %add3A_846 : i32 to index
        %get3A_932 = arith.constant 112 : index
        %get3A_933 = tpu.vector_load %arg8[%get3A_931, %get3A_932] {strides = array<i32>} : memref<200x128xf32, #tpu.memory_space<vmem>>, vector<1x16xf32>,
        %get3A_934 = vector.shape_cast %get3A_933 : vector<1x16xf32> to vector<16xf32>
        %mul3A_935 = arith.constant 11.3137083 : f32
        %mul3A_936 = vector.broadcast %mul3A_935 : f32 to vector<16xf32>
        %mul3A_937 = arith.mulf %get3A_934, %mul3A_936 : vector<16xf32>
        %swap3A_938 = arith.index_cast %add3A_846 : i32 to index
        %swap3A_939 = arith.constant 112 : index
        %swap3A_940 = tpu.vector_load %arg8[%swap3A_938, %swap3A_939] {strides = array<i32>} : memref<200x128xf32, #tpu.memory_space<vmem>>, vector<1x16xf32>,
        %swap3A_941 = vector.shape_cast %swap3A_940 : vector<1x16xf32> to vector<16xf32>
        %swap3A_942 = vector.shape_cast %mul3A_937 : vector<16xf32> to vector<1x16xf32>
        tpu.vector_store %arg8[%swap3A_938, %swap3A_939], %swap3A_942 {strides = array<i32>} : memref<200x128xf32, #tpu.memory_space<vmem>>, vector<1x16xf32>,
        %scan3A_943 = arith.constant 2 : i32
        %scan3A_944 = arith.addi %scan3A_742, %scan3A_943 : i32
        %mul3A_945 = arith.constant 1 : i32
        %mul3A_946 = arith.muli %scan3A_944, %mul3A_945 : i32
        %add3A_947 = arith.constant 0 : i32
        %add3A_948 = arith.addi %add3A_947, %mul3A_946 : i32
        %get3A_949 = arith.index_cast %add3A_948 : i32 to index
        %get3A_950 = arith.constant 0 : index
        %get3A_951 = tpu.vector_load %arg8[%get3A_949, %get3A_950] {strides = array<i32>} : memref<200x128xf32, #tpu.memory_space<vmem>>, vector<1x16xf32>,
        %get3A_952 = vector.shape_cast %get3A_951 : vector<1x16xf32> to vector<16xf32>
        %mul3A_953 = arith.constant 11.3137083 : f32
        %mul3A_954 = vector.broadcast %mul3A_953 : f32 to vector<16xf32>
        %mul3A_955 = arith.mulf %get3A_952, %mul3A_954 : vector<16xf32>
        %swap3A_956 = arith.index_cast %add3A_948 : i32 to index
        %swap3A_957 = arith.constant 0 : index
        %swap3A_958 = tpu.vector_load %arg8[%swap3A_956, %swap3A_957] {strides = array<i32>} : memref<200x128xf32, #tpu.memory_space<vmem>>, vector<1x16xf32>,
        %swap3A_959 = vector.shape_cast %swap3A_958 : vector<1x16xf32> to vector<16xf32>
        %swap3A_960 = vector.shape_cast %mul3A_955 : vector<16xf32> to vector<1x16xf32>
        tpu.vector_store %arg8[%swap3A_956, %swap3A_957], %swap3A_960 {strides = array<i32>} : memref<200x128xf32, #tpu.memory_space<vmem>>, vector<1x16xf32>,
        %get3A_961 = arith.index_cast %add3A_948 : i32 to index
        %get3A_962 = arith.constant 16 : index
        %get3A_963 = tpu.vector_load %arg8[%get3A_961, %get3A_962] {strides = array<i32>} : memref<200x128xf32, #tpu.memory_space<vmem>>, vector<1x16xf32>,
        %get3A_964 = vector.shape_cast %get3A_963 : vector<1x16xf32> to vector<16xf32>
        %mul3A_965 = arith.constant 11.3137083 : f32
        %mul3A_966 = vector.broadcast %mul3A_965 : f32 to vector<16xf32>
        %mul3A_967 = arith.mulf %get3A_964, %mul3A_966 : vector<16xf32>
        %swap3A_968 = arith.index_cast %add3A_948 : i32 to index
        %swap3A_969 = arith.constant 16 : index
        %swap3A_970 = tpu.vector_load %arg8[%swap3A_968, %swap3A_969] {strides = array<i32>} : memref<200x128xf32, #tpu.memory_space<vmem>>, vector<1x16xf32>,
        %swap3A_971 = vector.shape_cast %swap3A_970 : vector<1x16xf32> to vector<16xf32>
        %swap3A_972 = vector.shape_cast %mul3A_967 : vector<16xf32> to vector<1x16xf32>
        tpu.vector_store %arg8[%swap3A_968, %swap3A_969], %swap3A_972 {strides = array<i32>} : memref<200x128xf32, #tpu.memory_space<vmem>>, vector<1x16xf32>,
        %get3A_973 = arith.index_cast %add3A_948 : i32 to index
        %get3A_974 = arith.constant 32 : index
        %get3A_975 = tpu.vector_load %arg8[%get3A_973, %get3A_974] {strides = array<i32>} : memref<200x128xf32, #tpu.memory_space<vmem>>, vector<1x16xf32>,
        %get3A_976 = vector.shape_cast %get3A_975 : vector<1x16xf32> to vector<16xf32>
        %mul3A_977 = arith.constant 11.3137083 : f32
        %mul3A_978 = vector.broadcast %mul3A_977 : f32 to vector<16xf32>
        %mul3A_979 = arith.mulf %get3A_976, %mul3A_978 : vector<16xf32>
        %swap3A_980 = arith.index_cast %add3A_948 : i32 to index
        %swap3A_981 = arith.constant 32 : index
        %swap3A_982 = tpu.vector_load %arg8[%swap3A_980, %swap3A_981] {strides = array<i32>} : memref<200x128xf32, #tpu.memory_space<vmem>>, vector<1x16xf32>,
        %swap3A_983 = vector.shape_cast %swap3A_982 : vector<1x16xf32> to vector<16xf32>
        %swap3A_984 = vector.shape_cast %mul3A_979 : vector<16xf32> to vector<1x16xf32>
        tpu.vector_store %arg8[%swap3A_980, %swap3A_981], %swap3A_984 {strides = array<i32>} : memref<200x128xf32, #tpu.memory_space<vmem>>, vector<1x16xf32>,
        %get3A_985 = arith.index_cast %add3A_948 : i32 to index
        %get3A_986 = arith.constant 48 : index
        %get3A_987 = tpu.vector_load %arg8[%get3A_985, %get3A_986] {strides = array<i32>} : memref<200x128xf32, #tpu.memory_space<vmem>>, vector<1x16xf32>,
        %get3A_988 = vector.shape_cast %get3A_987 : vector<1x16xf32> to vector<16xf32>
        %mul3A_989 = arith.constant 11.3137083 : f32
        %mul3A_990 = vector.broadcast %mul3A_989 : f32 to vector<16xf32>
        %mul3A_991 = arith.mulf %get3A_988, %mul3A_990 : vector<16xf32>
        %swap3A_992 = arith.index_cast %add3A_948 : i32 to index
        %swap3A_993 = arith.constant 48 : index
        %swap3A_994 = tpu.vector_load %arg8[%swap3A_992, %swap3A_993] {strides = array<i32>} : memref<200x128xf32, #tpu.memory_space<vmem>>, vector<1x16xf32>,
        %swap3A_995 = vector.shape_cast %swap3A_994 : vector<1x16xf32> to vector<16xf32>
        %swap3A_996 = vector.shape_cast %mul3A_991 : vector<16xf32> to vector<1x16xf32>
        tpu.vector_store %arg8[%swap3A_992, %swap3A_993], %swap3A_996 {strides = array<i32>} : memref<200x128xf32, #tpu.memory_space<vmem>>, vector<1x16xf32>,
        %get3A_997 = arith.index_cast %add3A_948 : i32 to index
        %get3A_998 = arith.constant 64 : index
        %get3A_999 = tpu.vector_load %arg8[%get3A_997, %get3A_998] {strides = array<i32>} : memref<200x128xf32, #tpu.memory_space<vmem>>, vector<1x16xf32>,
        %get3A_1000 = vector.shape_cast %get3A_999 : vector<1x16xf32> to vector<16xf32>
        %mul3A_1001 = arith.constant 11.3137083 : f32
        %mul3A_1002 = vector.broadcast %mul3A_1001 : f32 to vector<16xf32>
        %mul3A_1003 = arith.mulf %get3A_1000, %mul3A_1002 : vector<16xf32>
        %swap3A_1004 = arith.index_cast %add3A_948 : i32 to index
        %swap3A_1005 = arith.constant 64 : index
        %swap3A_1006 = tpu.vector_load %arg8[%swap3A_1004, %swap3A_1005] {strides = array<i32>} : memref<200x128xf32, #tpu.memory_space<vmem>>, vector<1x16xf32>,
        %swap3A_1007 = vector.shape_cast %swap3A_1006 : vector<1x16xf32> to vector<16xf32>
        %swap3A_1008 = vector.shape_cast %mul3A_1003 : vector<16xf32> to vector<1x16xf32>
        tpu.vector_store %arg8[%swap3A_1004, %swap3A_1005], %swap3A_1008 {strides = array<i32>} : memref<200x128xf32, #tpu.memory_space<vmem>>, vector<1x16xf32>,
        %get3A_1009 = arith.index_cast %add3A_948 : i32 to index
        %get3A_1010 = arith.constant 80 : index
        %get3A_1011 = tpu.vector_load %arg8[%get3A_1009, %get3A_1010] {strides = array<i32>} : memref<200x128xf32, #tpu.memory_space<vmem>>, vector<1x16xf32>,
        %get3A_1012 = vector.shape_cast %get3A_1011 : vector<1x16xf32> to vector<16xf32>
        %mul3A_1013 = arith.constant 11.3137083 : f32
        %mul3A_1014 = vector.broadcast %mul3A_1013 : f32 to vector<16xf32>
        %mul3A_1015 = arith.mulf %get3A_1012, %mul3A_1014 : vector<16xf32>
        %swap3A_1016 = arith.index_cast %add3A_948 : i32 to index
        %swap3A_1017 = arith.constant 80 : index
        %swap3A_1018 = tpu.vector_load %arg8[%swap3A_1016, %swap3A_1017] {strides = array<i32>} : memref<200x128xf32, #tpu.memory_space<vmem>>, vector<1x16xf32>,
        %swap3A_1019 = vector.shape_cast %swap3A_1018 : vector<1x16xf32> to vector<16xf32>
        %swap3A_1020 = vector.shape_cast %mul3A_1015 : vector<16xf32> to vector<1x16xf32>
        tpu.vector_store %arg8[%swap3A_1016, %swap3A_1017], %swap3A_1020 {strides = array<i32>} : memref<200x128xf32, #tpu.memory_space<vmem>>, vector<1x16xf32>,
        %get3A_1021 = arith.index_cast %add3A_948 : i32 to index
        %get3A_1022 = arith.constant 96 : index
        %get3A_1023 = tpu.vector_load %arg8[%get3A_1021, %get3A_1022] {strides = array<i32>} : memref<200x128xf32, #tpu.memory_space<vmem>>, vector<1x16xf32>,
        %get3A_1024 = vector.shape_cast %get3A_1023 : vector<1x16xf32> to vector<16xf32>
        %mul3A_1025 = arith.constant 11.3137083 : f32
        %mul3A_1026 = vector.broadcast %mul3A_1025 : f32 to vector<16xf32>
        %mul3A_1027 = arith.mulf %get3A_1024, %mul3A_1026 : vector<16xf32>
        %swap3A_1028 = arith.index_cast %add3A_948 : i32 to index
        %swap3A_1029 = arith.constant 96 : index
        %swap3A_1030 = tpu.vector_load %arg8[%swap3A_1028, %swap3A_1029] {strides = array<i32>} : memref<200x128xf32, #tpu.memory_space<vmem>>, vector<1x16xf32>,
        %swap3A_1031 = vector.shape_cast %swap3A_1030 : vector<1x16xf32> to vector<16xf32>
        %swap3A_1032 = vector.shape_cast %mul3A_1027 : vector<16xf32> to vector<1x16xf32>
        tpu.vector_store %arg8[%swap3A_1028, %swap3A_1029], %swap3A_1032 {strides = array<i32>} : memref<200x128xf32, #tpu.memory_space<vmem>>, vector<1x16xf32>,
        %get3A_1033 = arith.index_cast %add3A_948 : i32 to index
        %get3A_1034 = arith.constant 112 : index
        %get3A_1035 = tpu.vector_load %arg8[%get3A_1033, %get3A_1034] {strides = array<i32>} : memref<200x128xf32, #tpu.memory_space<vmem>>, vector<1x16xf32>,
        %get3A_1036 = vector.shape_cast %get3A_1035 : vector<1x16xf32> to vector<16xf32>
        %mul3A_1037 = arith.constant 11.3137083 : f32
        %mul3A_1038 = vector.broadcast %mul3A_1037 : f32 to vector<16xf32>
        %mul3A_1039 = arith.mulf %get3A_1036, %mul3A_1038 : vector<16xf32>
        %swap3A_1040 = arith.index_cast %add3A_948 : i32 to index
        %swap3A_1041 = arith.constant 112 : index
        %swap3A_1042 = tpu.vector_load %arg8[%swap3A_1040, %swap3A_1041] {strides = array<i32>} : memref<200x128xf32, #tpu.memory_space<vmem>>, vector<1x16xf32>,
        %swap3A_1043 = vector.shape_cast %swap3A_1042 : vector<1x16xf32> to vector<16xf32>
        %swap3A_1044 = vector.shape_cast %mul3A_1039 : vector<16xf32> to vector<1x16xf32>
        tpu.vector_store %arg8[%swap3A_1040, %swap3A_1041], %swap3A_1044 {strides = array<i32>} : memref<200x128xf32, #tpu.memory_space<vmem>>, vector<1x16xf32>,
        %scan3A_1045 = arith.constant 3 : i32
        %scan3A_1046 = arith.addi %scan3A_742, %scan3A_1045 : i32
        %mul3A_1047 = arith.constant 1 : i32
        %mul3A_1048 = arith.muli %scan3A_1046, %mul3A_1047 : i32
        %add3A_1049 = arith.constant 0 : i32
        %add3A_1050 = arith.addi %add3A_1049, %mul3A_1048 : i32
        %get3A_1051 = arith.index_cast %add3A_1050 : i32 to index
        %get3A_1052 = arith.constant 0 : index
        %get3A_1053 = tpu.vector_load %arg8[%get3A_1051, %get3A_1052] {strides = array<i32>} : memref<200x128xf32, #tpu.memory_space<vmem>>, vector<1x16xf32>,
        %get3A_1054 = vector.shape_cast %get3A_1053 : vector<1x16xf32> to vector<16xf32>
        %mul3A_1055 = arith.constant 11.3137083 : f32
        %mul3A_1056 = vector.broadcast %mul3A_1055 : f32 to vector<16xf32>
        %mul3A_1057 = arith.mulf %get3A_1054, %mul3A_1056 : vector<16xf32>
        %swap3A_1058 = arith.index_cast %add3A_1050 : i32 to index
        %swap3A_1059 = arith.constant 0 : index
        %swap3A_1060 = tpu.vector_load %arg8[%swap3A_1058, %swap3A_1059] {strides = array<i32>} : memref<200x128xf32, #tpu.memory_space<vmem>>, vector<1x16xf32>,
        %swap3A_1061 = vector.shape_cast %swap3A_1060 : vector<1x16xf32> to vector<16xf32>
        %swap3A_1062 = vector.shape_cast %mul3A_1057 : vector<16xf32> to vector<1x16xf32>
        tpu.vector_store %arg8[%swap3A_1058, %swap3A_1059], %swap3A_1062 {strides = array<i32>} : memref<200x128xf32, #tpu.memory_space<vmem>>, vector<1x16xf32>,
        %get3A_1063 = arith.index_cast %add3A_1050 : i32 to index
        %get3A_1064 = arith.constant 16 : index
        %get3A_1065 = tpu.vector_load %arg8[%get3A_1063, %get3A_1064] {strides = array<i32>} : memref<200x128xf32, #tpu.memory_space<vmem>>, vector<1x16xf32>,
        %get3A_1066 = vector.shape_cast %get3A_1065 : vector<1x16xf32> to vector<16xf32>
        %mul3A_1067 = arith.constant 11.3137083 : f32
        %mul3A_1068 = vector.broadcast %mul3A_1067 : f32 to vector<16xf32>
        %mul3A_1069 = arith.mulf %get3A_1066, %mul3A_1068 : vector<16xf32>
        %swap3A_1070 = arith.index_cast %add3A_1050 : i32 to index
        %swap3A_1071 = arith.constant 16 : index
        %swap3A_1072 = tpu.vector_load %arg8[%swap3A_1070, %swap3A_1071] {strides = array<i32>} : memref<200x128xf32, #tpu.memory_space<vmem>>, vector<1x16xf32>,
        %swap3A_1073 = vector.shape_cast %swap3A_1072 : vector<1x16xf32> to vector<16xf32>
        %swap3A_1074 = vector.shape_cast %mul3A_1069 : vector<16xf32> to vector<1x16xf32>
        tpu.vector_store %arg8[%swap3A_1070, %swap3A_1071], %swap3A_1074 {strides = array<i32>} : memref<200x128xf32, #tpu.memory_space<vmem>>, vector<1x16xf32>,
        %get3A_1075 = arith.index_cast %add3A_1050 : i32 to index
        %get3A_1076 = arith.constant 32 : index
        %get3A_1077 = tpu.vector_load %arg8[%get3A_1075, %get3A_1076] {strides = array<i32>} : memref<200x128xf32, #tpu.memory_space<vmem>>, vector<1x16xf32>,
        %get3A_1078 = vector.shape_cast %get3A_1077 : vector<1x16xf32> to vector<16xf32>
        %mul3A_1079 = arith.constant 11.3137083 : f32
        %mul3A_1080 = vector.broadcast %mul3A_1079 : f32 to vector<16xf32>
        %mul3A_1081 = arith.mulf %get3A_1078, %mul3A_1080 : vector<16xf32>
        %swap3A_1082 = arith.index_cast %add3A_1050 : i32 to index
        %swap3A_1083 = arith.constant 32 : index
        %swap3A_1084 = tpu.vector_load %arg8[%swap3A_1082, %swap3A_1083] {strides = array<i32>} : memref<200x128xf32, #tpu.memory_space<vmem>>, vector<1x16xf32>,
        %swap3A_1085 = vector.shape_cast %swap3A_1084 : vector<1x16xf32> to vector<16xf32>
        %swap3A_1086 = vector.shape_cast %mul3A_1081 : vector<16xf32> to vector<1x16xf32>
        tpu.vector_store %arg8[%swap3A_1082, %swap3A_1083], %swap3A_1086 {strides = array<i32>} : memref<200x128xf32, #tpu.memory_space<vmem>>, vector<1x16xf32>,
        %get3A_1087 = arith.index_cast %add3A_1050 : i32 to index
        %get3A_1088 = arith.constant 48 : index
        %get3A_1089 = tpu.vector_load %arg8[%get3A_1087, %get3A_1088] {strides = array<i32>} : memref<200x128xf32, #tpu.memory_space<vmem>>, vector<1x16xf32>,
        %get3A_1090 = vector.shape_cast %get3A_1089 : vector<1x16xf32> to vector<16xf32>
        %mul3A_1091 = arith.constant 11.3137083 : f32
        %mul3A_1092 = vector.broadcast %mul3A_1091 : f32 to vector<16xf32>
        %mul3A_1093 = arith.mulf %get3A_1090, %mul3A_1092 : vector<16xf32>
        %swap3A_1094 = arith.index_cast %add3A_1050 : i32 to index
        %swap3A_1095 = arith.constant 48 : index
        %swap3A_1096 = tpu.vector_load %arg8[%swap3A_1094, %swap3A_1095] {strides = array<i32>} : memref<200x128xf32, #tpu.memory_space<vmem>>, vector<1x16xf32>,
        %swap3A_1097 = vector.shape_cast %swap3A_1096 : vector<1x16xf32> to vector<16xf32>
        %swap3A_1098 = vector.shape_cast %mul3A_1093 : vector<16xf32> to vector<1x16xf32>
        tpu.vector_store %arg8[%swap3A_1094, %swap3A_1095], %swap3A_1098 {strides = array<i32>} : memref<200x128xf32, #tpu.memory_space<vmem>>, vector<1x16xf32>,
        %get3A_1099 = arith.index_cast %add3A_1050 : i32 to index
        %get3A_1100 = arith.constant 64 : index
        %get3A_1101 = tpu.vector_load %arg8[%get3A_1099, %get3A_1100] {strides = array<i32>} : memref<200x128xf32, #tpu.memory_space<vmem>>, vector<1x16xf32>,
        %get3A_1102 = vector.shape_cast %get3A_1101 : vector<1x16xf32> to vector<16xf32>
        %mul3A_1103 = arith.constant 11.3137083 : f32
        %mul3A_1104 = vector.broadcast %mul3A_1103 : f32 to vector<16xf32>
        %mul3A_1105 = arith.mulf %get3A_1102, %mul3A_1104 : vector<16xf32>
        %swap3A_1106 = arith.index_cast %add3A_1050 : i32 to index
        %swap3A_1107 = arith.constant 64 : index
        %swap3A_1108 = tpu.vector_load %arg8[%swap3A_1106, %swap3A_1107] {strides = array<i32>} : memref<200x128xf32, #tpu.memory_space<vmem>>, vector<1x16xf32>,
        %swap3A_1109 = vector.shape_cast %swap3A_1108 : vector<1x16xf32> to vector<16xf32>
        %swap3A_1110 = vector.shape_cast %mul3A_1105 : vector<16xf32> to vector<1x16xf32>
        tpu.vector_store %arg8[%swap3A_1106, %swap3A_1107], %swap3A_1110 {strides = array<i32>} : memref<200x128xf32, #tpu.memory_space<vmem>>, vector<1x16xf32>,
        %get3A_1111 = arith.index_cast %add3A_1050 : i32 to index
        %get3A_1112 = arith.constant 80 : index
        %get3A_1113 = tpu.vector_load %arg8[%get3A_1111, %get3A_1112] {strides = array<i32>} : memref<200x128xf32, #tpu.memory_space<vmem>>, vector<1x16xf32>,
        %get3A_1114 = vector.shape_cast %get3A_1113 : vector<1x16xf32> to vector<16xf32>
        %mul3A_1115 = arith.constant 11.3137083 : f32
        %mul3A_1116 = vector.broadcast %mul3A_1115 : f32 to vector<16xf32>
        %mul3A_1117 = arith.mulf %get3A_1114, %mul3A_1116 : vector<16xf32>
        %swap3A_1118 = arith.index_cast %add3A_1050 : i32 to index
        %swap3A_1119 = arith.constant 80 : index
        %swap3A_1120 = tpu.vector_load %arg8[%swap3A_1118, %swap3A_1119] {strides = array<i32>} : memref<200x128xf32, #tpu.memory_space<vmem>>, vector<1x16xf32>,
        %swap3A_1121 = vector.shape_cast %swap3A_1120 : vector<1x16xf32> to vector<16xf32>
        %swap3A_1122 = vector.shape_cast %mul3A_1117 : vector<16xf32> to vector<1x16xf32>
        tpu.vector_store %arg8[%swap3A_1118, %swap3A_1119], %swap3A_1122 {strides = array<i32>} : memref<200x128xf32, #tpu.memory_space<vmem>>, vector<1x16xf32>,
        %get3A_1123 = arith.index_cast %add3A_1050 : i32 to index
        %get3A_1124 = arith.constant 96 : index
        %get3A_1125 = tpu.vector_load %arg8[%get3A_1123, %get3A_1124] {strides = array<i32>} : memref<200x128xf32, #tpu.memory_space<vmem>>, vector<1x16xf32>,
        %get3A_1126 = vector.shape_cast %get3A_1125 : vector<1x16xf32> to vector<16xf32>
        %mul3A_1127 = arith.constant 11.3137083 : f32
        %mul3A_1128 = vector.broadcast %mul3A_1127 : f32 to vector<16xf32>
        %mul3A_1129 = arith.mulf %get3A_1126, %mul3A_1128 : vector<16xf32>
        %swap3A_1130 = arith.index_cast %add3A_1050 : i32 to index
        %swap3A_1131 = arith.constant 96 : index
        %swap3A_1132 = tpu.vector_load %arg8[%swap3A_1130, %swap3A_1131] {strides = array<i32>} : memref<200x128xf32, #tpu.memory_space<vmem>>, vector<1x16xf32>,
        %swap3A_1133 = vector.shape_cast %swap3A_1132 : vector<1x16xf32> to vector<16xf32>
        %swap3A_1134 = vector.shape_cast %mul3A_1129 : vector<16xf32> to vector<1x16xf32>
        tpu.vector_store %arg8[%swap3A_1130, %swap3A_1131], %swap3A_1134 {strides = array<i32>} : memref<200x128xf32, #tpu.memory_space<vmem>>, vector<1x16xf32>,
        %get3A_1135 = arith.index_cast %add3A_1050 : i32 to index
        %get3A_1136 = arith.constant 112 : index
        %get3A_1137 = tpu.vector_load %arg8[%get3A_1135, %get3A_1136] {strides = array<i32>} : memref<200x128xf32, #tpu.memory_space<vmem>>, vector<1x16xf32>,
        %get3A_1138 = vector.shape_cast %get3A_1137 : vector<1x16xf32> to vector<16xf32>
        %mul3A_1139 = arith.constant 11.3137083 : f32
        %mul3A_1140 = vector.broadcast %mul3A_1139 : f32 to vector<16xf32>
        %mul3A_1141 = arith.mulf %get3A_1138, %mul3A_1140 : vector<16xf32>
        %swap3A_1142 = arith.index_cast %add3A_1050 : i32 to index
        %swap3A_1143 = arith.constant 112 : index
        %swap3A_1144 = tpu.vector_load %arg8[%swap3A_1142, %swap3A_1143] {strides = array<i32>} : memref<200x128xf32, #tpu.memory_space<vmem>>, vector<1x16xf32>,
        %swap3A_1145 = vector.shape_cast %swap3A_1144 : vector<1x16xf32> to vector<16xf32>
        %swap3A_1146 = vector.shape_cast %mul3A_1141 : vector<16xf32> to vector<1x16xf32>
        tpu.vector_store %arg8[%swap3A_1142, %swap3A_1143], %swap3A_1146 {strides = array<i32>} : memref<200x128xf32, #tpu.memory_space<vmem>>, vector<1x16xf32>,
        %scan3A_1147 = arith.constant 4 : i32
        %scan3A_1148 = arith.addi %scan3A_742, %scan3A_1147 : i32
        %mul3A_1149 = arith.constant 1 : i32
        %mul3A_1150 = arith.muli %scan3A_1148, %mul3A_1149 : i32
        %add3A_1151 = arith.constant 0 : i32
        %add3A_1152 = arith.addi %add3A_1151, %mul3A_1150 : i32
        %get3A_1153 = arith.index_cast %add3A_1152 : i32 to index
        %get3A_1154 = arith.constant 0 : index
        %get3A_1155 = tpu.vector_load %arg8[%get3A_1153, %get3A_1154] {strides = array<i32>} : memref<200x128xf32, #tpu.memory_space<vmem>>, vector<1x16xf32>,
        %get3A_1156 = vector.shape_cast %get3A_1155 : vector<1x16xf32> to vector<16xf32>
        %mul3A_1157 = arith.constant 11.3137083 : f32
        %mul3A_1158 = vector.broadcast %mul3A_1157 : f32 to vector<16xf32>
        %mul3A_1159 = arith.mulf %get3A_1156, %mul3A_1158 : vector<16xf32>
        %swap3A_1160 = arith.index_cast %add3A_1152 : i32 to index
        %swap3A_1161 = arith.constant 0 : index
        %swap3A_1162 = tpu.vector_load %arg8[%swap3A_1160, %swap3A_1161] {strides = array<i32>} : memref<200x128xf32, #tpu.memory_space<vmem>>, vector<1x16xf32>,
        %swap3A_1163 = vector.shape_cast %swap3A_1162 : vector<1x16xf32> to vector<16xf32>
        %swap3A_1164 = vector.shape_cast %mul3A_1159 : vector<16xf32> to vector<1x16xf32>
        tpu.vector_store %arg8[%swap3A_1160, %swap3A_1161], %swap3A_1164 {strides = array<i32>} : memref<200x128xf32, #tpu.memory_space<vmem>>, vector<1x16xf32>,
        %get3A_1165 = arith.index_cast %add3A_1152 : i32 to index
        %get3A_1166 = arith.constant 16 : index
        %get3A_1167 = tpu.vector_load %arg8[%get3A_1165, %get3A_1166] {strides = array<i32>} : memref<200x128xf32, #tpu.memory_space<vmem>>, vector<1x16xf32>,
        %get3A_1168 = vector.shape_cast %get3A_1167 : vector<1x16xf32> to vector<16xf32>
        %mul3A_1169 = arith.constant 11.3137083 : f32
        %mul3A_1170 = vector.broadcast %mul3A_1169 : f32 to vector<16xf32>
        %mul3A_1171 = arith.mulf %get3A_1168, %mul3A_1170 : vector<16xf32>
        %swap3A_1172 = arith.index_cast %add3A_1152 : i32 to index
        %swap3A_1173 = arith.constant 16 : index
        %swap3A_1174 = tpu.vector_load %arg8[%swap3A_1172, %swap3A_1173] {strides = array<i32>} : memref<200x128xf32, #tpu.memory_space<vmem>>, vector<1x16xf32>,
        %swap3A_1175 = vector.shape_cast %swap3A_1174 : vector<1x16xf32> to vector<16xf32>
        %swap3A_1176 = vector.shape_cast %mul3A_1171 : vector<16xf32> to vector<1x16xf32>
        tpu.vector_store %arg8[%swap3A_1172, %swap3A_1173], %swap3A_1176 {strides = array<i32>} : memref<200x128xf32, #tpu.memory_space<vmem>>, vector<1x16xf32>,
        %get3A_1177 = arith.index_cast %add3A_1152 : i32 to index
        %get3A_1178 = arith.constant 32 : index
        %get3A_1179 = tpu.vector_load %arg8[%get3A_1177, %get3A_1178] {strides = array<i32>} : memref<200x128xf32, #tpu.memory_space<vmem>>, vector<1x16xf32>,
        %get3A_1180 = vector.shape_cast %get3A_1179 : vector<1x16xf32> to vector<16xf32>
        %mul3A_1181 = arith.constant 11.3137083 : f32
        %mul3A_1182 = vector.broadcast %mul3A_1181 : f32 to vector<16xf32>
        %mul3A_1183 = arith.mulf %get3A_1180, %mul3A_1182 : vector<16xf32>
        %swap3A_1184 = arith.index_cast %add3A_1152 : i32 to index
        %swap3A_1185 = arith.constant 32 : index
        %swap3A_1186 = tpu.vector_load %arg8[%swap3A_1184, %swap3A_1185] {strides = array<i32>} : memref<200x128xf32, #tpu.memory_space<vmem>>, vector<1x16xf32>,
        %swap3A_1187 = vector.shape_cast %swap3A_1186 : vector<1x16xf32> to vector<16xf32>
        %swap3A_1188 = vector.shape_cast %mul3A_1183 : vector<16xf32> to vector<1x16xf32>
        tpu.vector_store %arg8[%swap3A_1184, %swap3A_1185], %swap3A_1188 {strides = array<i32>} : memref<200x128xf32, #tpu.memory_space<vmem>>, vector<1x16xf32>,
        %get3A_1189 = arith.index_cast %add3A_1152 : i32 to index
        %get3A_1190 = arith.constant 48 : index
        %get3A_1191 = tpu.vector_load %arg8[%get3A_1189, %get3A_1190] {strides = array<i32>} : memref<200x128xf32, #tpu.memory_space<vmem>>, vector<1x16xf32>,
        %get3A_1192 = vector.shape_cast %get3A_1191 : vector<1x16xf32> to vector<16xf32>
        %mul3A_1193 = arith.constant 11.3137083 : f32
        %mul3A_1194 = vector.broadcast %mul3A_1193 : f32 to vector<16xf32>
        %mul3A_1195 = arith.mulf %get3A_1192, %mul3A_1194 : vector<16xf32>
        %swap3A_1196 = arith.index_cast %add3A_1152 : i32 to index
        %swap3A_1197 = arith.constant 48 : index
        %swap3A_1198 = tpu.vector_load %arg8[%swap3A_1196, %swap3A_1197] {strides = array<i32>} : memref<200x128xf32, #tpu.memory_space<vmem>>, vector<1x16xf32>,
        %swap3A_1199 = vector.shape_cast %swap3A_1198 : vector<1x16xf32> to vector<16xf32>
        %swap3A_1200 = vector.shape_cast %mul3A_1195 : vector<16xf32> to vector<1x16xf32>
        tpu.vector_store %arg8[%swap3A_1196, %swap3A_1197], %swap3A_1200 {strides = array<i32>} : memref<200x128xf32, #tpu.memory_space<vmem>>, vector<1x16xf32>,
        %get3A_1201 = arith.index_cast %add3A_1152 : i32 to index
        %get3A_1202 = arith.constant 64 : index
        %get3A_1203 = tpu.vector_load %arg8[%get3A_1201, %get3A_1202] {strides = array<i32>} : memref<200x128xf32, #tpu.memory_space<vmem>>, vector<1x16xf32>,
        %get3A_1204 = vector.shape_cast %get3A_1203 : vector<1x16xf32> to vector<16xf32>
        %mul3A_1205 = arith.constant 11.3137083 : f32
        %mul3A_1206 = vector.broadcast %mul3A_1205 : f32 to vector<16xf32>
        %mul3A_1207 = arith.mulf %get3A_1204, %mul3A_1206 : vector<16xf32>
        %swap3A_1208 = arith.index_cast %add3A_1152 : i32 to index
        %swap3A_1209 = arith.constant 64 : index
        %swap3A_1210 = tpu.vector_load %arg8[%swap3A_1208, %swap3A_1209] {strides = array<i32>} : memref<200x128xf32, #tpu.memory_space<vmem>>, vector<1x16xf32>,
        %swap3A_1211 = vector.shape_cast %swap3A_1210 : vector<1x16xf32> to vector<16xf32>
        %swap3A_1212 = vector.shape_cast %mul3A_1207 : vector<16xf32> to vector<1x16xf32>
        tpu.vector_store %arg8[%swap3A_1208, %swap3A_1209], %swap3A_1212 {strides = array<i32>} : memref<200x128xf32, #tpu.memory_space<vmem>>, vector<1x16xf32>,
        %get3A_1213 = arith.index_cast %add3A_1152 : i32 to index
        %get3A_1214 = arith.constant 80 : index
        %get3A_1215 = tpu.vector_load %arg8[%get3A_1213, %get3A_1214] {strides = array<i32>} : memref<200x128xf32, #tpu.memory_space<vmem>>, vector<1x16xf32>,
        %get3A_1216 = vector.shape_cast %get3A_1215 : vector<1x16xf32> to vector<16xf32>
        %mul3A_1217 = arith.constant 11.3137083 : f32
        %mul3A_1218 = vector.broadcast %mul3A_1217 : f32 to vector<16xf32>
        %mul3A_1219 = arith.mulf %get3A_1216, %mul3A_1218 : vector<16xf32>
        %swap3A_1220 = arith.index_cast %add3A_1152 : i32 to index
        %swap3A_1221 = arith.constant 80 : index
        %swap3A_1222 = tpu.vector_load %arg8[%swap3A_1220, %swap3A_1221] {strides = array<i32>} : memref<200x128xf32, #tpu.memory_space<vmem>>, vector<1x16xf32>,
        %swap3A_1223 = vector.shape_cast %swap3A_1222 : vector<1x16xf32> to vector<16xf32>
        %swap3A_1224 = vector.shape_cast %mul3A_1219 : vector<16xf32> to vector<1x16xf32>
        tpu.vector_store %arg8[%swap3A_1220, %swap3A_1221], %swap3A_1224 {strides = array<i32>} : memref<200x128xf32, #tpu.memory_space<vmem>>, vector<1x16xf32>,
        %get3A_1225 = arith.index_cast %add3A_1152 : i32 to index
        %get3A_1226 = arith.constant 96 : index
        %get3A_1227 = tpu.vector_load %arg8[%get3A_1225, %get3A_1226] {strides = array<i32>} : memref<200x128xf32, #tpu.memory_space<vmem>>, vector<1x16xf32>,
        %get3A_1228 = vector.shape_cast %get3A_1227 : vector<1x16xf32> to vector<16xf32>
        %mul3A_1229 = arith.constant 11.3137083 : f32
        %mul3A_1230 = vector.broadcast %mul3A_1229 : f32 to vector<16xf32>
        %mul3A_1231 = arith.mulf %get3A_1228, %mul3A_1230 : vector<16xf32>
        %swap3A_1232 = arith.index_cast %add3A_1152 : i32 to index
        %swap3A_1233 = arith.constant 96 : index
        %swap3A_1234 = tpu.vector_load %arg8[%swap3A_1232, %swap3A_1233] {strides = array<i32>} : memref<200x128xf32, #tpu.memory_space<vmem>>, vector<1x16xf32>,
        %swap3A_1235 = vector.shape_cast %swap3A_1234 : vector<1x16xf32> to vector<16xf32>
        %swap3A_1236 = vector.shape_cast %mul3A_1231 : vector<16xf32> to vector<1x16xf32>
        tpu.vector_store %arg8[%swap3A_1232, %swap3A_1233], %swap3A_1236 {strides = array<i32>} : memref<200x128xf32, #tpu.memory_space<vmem>>, vector<1x16xf32>,
        %get3A_1237 = arith.index_cast %add3A_1152 : i32 to index
        %get3A_1238 = arith.constant 112 : index
        %get3A_1239 = tpu.vector_load %arg8[%get3A_1237, %get3A_1238] {strides = array<i32>} : memref<200x128xf32, #tpu.memory_space<vmem>>, vector<1x16xf32>,
        %get3A_1240 = vector.shape_cast %get3A_1239 : vector<1x16xf32> to vector<16xf32>
        %mul3A_1241 = arith.constant 11.3137083 : f32
        %mul3A_1242 = vector.broadcast %mul3A_1241 : f32 to vector<16xf32>
        %mul3A_1243 = arith.mulf %get3A_1240, %mul3A_1242 : vector<16xf32>
        %swap3A_1244 = arith.index_cast %add3A_1152 : i32 to index
        %swap3A_1245 = arith.constant 112 : index
        %swap3A_1246 = tpu.vector_load %arg8[%swap3A_1244, %swap3A_1245] {strides = array<i32>} : memref<200x128xf32, #tpu.memory_space<vmem>>, vector<1x16xf32>,
        %swap3A_1247 = vector.shape_cast %swap3A_1246 : vector<1x16xf32> to vector<16xf32>
        %swap3A_1248 = vector.shape_cast %mul3A_1243 : vector<16xf32> to vector<1x16xf32>
        tpu.vector_store %arg8[%swap3A_1244, %swap3A_1245], %swap3A_1248 {strides = array<i32>} : memref<200x128xf32, #tpu.memory_space<vmem>>, vector<1x16xf32>,
        %scan3A_1249 = arith.constant 5 : i32
        %scan3A_1250 = arith.addi %scan3A_742, %scan3A_1249 : i32
        %mul3A_1251 = arith.constant 1 : i32
        %mul3A_1252 = arith.muli %scan3A_1250, %mul3A_1251 : i32
        %add3A_1253 = arith.constant 0 : i32
        %add3A_1254 = arith.addi %add3A_1253, %mul3A_1252 : i32
        %get3A_1255 = arith.index_cast %add3A_1254 : i32 to index
        %get3A_1256 = arith.constant 0 : index
        %get3A_1257 = tpu.vector_load %arg8[%get3A_1255, %get3A_1256] {strides = array<i32>} : memref<200x128xf32, #tpu.memory_space<vmem>>, vector<1x16xf32>,
        %get3A_1258 = vector.shape_cast %get3A_1257 : vector<1x16xf32> to vector<16xf32>
        %mul3A_1259 = arith.constant 11.3137083 : f32
        %mul3A_1260 = vector.broadcast %mul3A_1259 : f32 to vector<16xf32>
        %mul3A_1261 = arith.mulf %get3A_1258, %mul3A_1260 : vector<16xf32>
        %swap3A_1262 = arith.index_cast %add3A_1254 : i32 to index
        %swap3A_1263 = arith.constant 0 : index
        %swap3A_1264 = tpu.vector_load %arg8[%swap3A_1262, %swap3A_1263] {strides = array<i32>} : memref<200x128xf32, #tpu.memory_space<vmem>>, vector<1x16xf32>,
        %swap3A_1265 = vector.shape_cast %swap3A_1264 : vector<1x16xf32> to vector<16xf32>
        %swap3A_1266 = vector.shape_cast %mul3A_1261 : vector<16xf32> to vector<1x16xf32>
        tpu.vector_store %arg8[%swap3A_1262, %swap3A_1263], %swap3A_1266 {strides = array<i32>} : memref<200x128xf32, #tpu.memory_space<vmem>>, vector<1x16xf32>,
        %get3A_1267 = arith.index_cast %add3A_1254 : i32 to index
        %get3A_1268 = arith.constant 16 : index
        %get3A_1269 = tpu.vector_load %arg8[%get3A_1267, %get3A_1268] {strides = array<i32>} : memref<200x128xf32, #tpu.memory_space<vmem>>, vector<1x16xf32>,
        %get3A_1270 = vector.shape_cast %get3A_1269 : vector<1x16xf32> to vector<16xf32>
        %mul3A_1271 = arith.constant 11.3137083 : f32
        %mul3A_1272 = vector.broadcast %mul3A_1271 : f32 to vector<16xf32>
        %mul3A_1273 = arith.mulf %get3A_1270, %mul3A_1272 : vector<16xf32>
        %swap3A_1274 = arith.index_cast %add3A_1254 : i32 to index
        %swap3A_1275 = arith.constant 16 : index
        %swap3A_1276 = tpu.vector_load %arg8[%swap3A_1274, %swap3A_1275] {strides = array<i32>} : memref<200x128xf32, #tpu.memory_space<vmem>>, vector<1x16xf32>,
        %swap3A_1277 = vector.shape_cast %swap3A_1276 : vector<1x16xf32> to vector<16xf32>
        %swap3A_1278 = vector.shape_cast %mul3A_1273 : vector<16xf32> to vector<1x16xf32>
        tpu.vector_store %arg8[%swap3A_1274, %swap3A_1275], %swap3A_1278 {strides = array<i32>} : memref<200x128xf32, #tpu.memory_space<vmem>>, vector<1x16xf32>,
        %get3A_1279 = arith.index_cast %add3A_1254 : i32 to index
        %get3A_1280 = arith.constant 32 : index
        %get3A_1281 = tpu.vector_load %arg8[%get3A_1279, %get3A_1280] {strides = array<i32>} : memref<200x128xf32, #tpu.memory_space<vmem>>, vector<1x16xf32>,
        %get3A_1282 = vector.shape_cast %get3A_1281 : vector<1x16xf32> to vector<16xf32>
        %mul3A_1283 = arith.constant 11.3137083 : f32
        %mul3A_1284 = vector.broadcast %mul3A_1283 : f32 to vector<16xf32>
        %mul3A_1285 = arith.mulf %get3A_1282, %mul3A_1284 : vector<16xf32>
        %swap3A_1286 = arith.index_cast %add3A_1254 : i32 to index
        %swap3A_1287 = arith.constant 32 : index
        %swap3A_1288 = tpu.vector_load %arg8[%swap3A_1286, %swap3A_1287] {strides = array<i32>} : memref<200x128xf32, #tpu.memory_space<vmem>>, vector<1x16xf32>,
        %swap3A_1289 = vector.shape_cast %swap3A_1288 : vector<1x16xf32> to vector<16xf32>
        %swap3A_1290 = vector.shape_cast %mul3A_1285 : vector<16xf32> to vector<1x16xf32>
        tpu.vector_store %arg8[%swap3A_1286, %swap3A_1287], %swap3A_1290 {strides = array<i32>} : memref<200x128xf32, #tpu.memory_space<vmem>>, vector<1x16xf32>,
        %get3A_1291 = arith.index_cast %add3A_1254 : i32 to index
        %get3A_1292 = arith.constant 48 : index
        %get3A_1293 = tpu.vector_load %arg8[%get3A_1291, %get3A_1292] {strides = array<i32>} : memref<200x128xf32, #tpu.memory_space<vmem>>, vector<1x16xf32>,
        %get3A_1294 = vector.shape_cast %get3A_1293 : vector<1x16xf32> to vector<16xf32>
        %mul3A_1295 = arith.constant 11.3137083 : f32
        %mul3A_1296 = vector.broadcast %mul3A_1295 : f32 to vector<16xf32>
        %mul3A_1297 = arith.mulf %get3A_1294, %mul3A_1296 : vector<16xf32>
        %swap3A_1298 = arith.index_cast %add3A_1254 : i32 to index
        %swap3A_1299 = arith.constant 48 : index
        %swap3A_1300 = tpu.vector_load %arg8[%swap3A_1298, %swap3A_1299] {strides = array<i32>} : memref<200x128xf32, #tpu.memory_space<vmem>>, vector<1x16xf32>,
        %swap3A_1301 = vector.shape_cast %swap3A_1300 : vector<1x16xf32> to vector<16xf32>
        %swap3A_1302 = vector.shape_cast %mul3A_1297 : vector<16xf32> to vector<1x16xf32>
        tpu.vector_store %arg8[%swap3A_1298, %swap3A_1299], %swap3A_1302 {strides = array<i32>} : memref<200x128xf32, #tpu.memory_space<vmem>>, vector<1x16xf32>,
        %get3A_1303 = arith.index_cast %add3A_1254 : i32 to index
        %get3A_1304 = arith.constant 64 : index
        %get3A_1305 = tpu.vector_load %arg8[%get3A_1303, %get3A_1304] {strides = array<i32>} : memref<200x128xf32, #tpu.memory_space<vmem>>, vector<1x16xf32>,
        %get3A_1306 = vector.shape_cast %get3A_1305 : vector<1x16xf32> to vector<16xf32>
        %mul3A_1307 = arith.constant 11.3137083 : f32
        %mul3A_1308 = vector.broadcast %mul3A_1307 : f32 to vector<16xf32>
        %mul3A_1309 = arith.mulf %get3A_1306, %mul3A_1308 : vector<16xf32>
        %swap3A_1310 = arith.index_cast %add3A_1254 : i32 to index
        %swap3A_1311 = arith.constant 64 : index
        %swap3A_1312 = tpu.vector_load %arg8[%swap3A_1310, %swap3A_1311] {strides = array<i32>} : memref<200x128xf32, #tpu.memory_space<vmem>>, vector<1x16xf32>,
        %swap3A_1313 = vector.shape_cast %swap3A_1312 : vector<1x16xf32> to vector<16xf32>
        %swap3A_1314 = vector.shape_cast %mul3A_1309 : vector<16xf32> to vector<1x16xf32>
        tpu.vector_store %arg8[%swap3A_1310, %swap3A_1311], %swap3A_1314 {strides = array<i32>} : memref<200x128xf32, #tpu.memory_space<vmem>>, vector<1x16xf32>,
        %get3A_1315 = arith.index_cast %add3A_1254 : i32 to index
        %get3A_1316 = arith.constant 80 : index
        %get3A_1317 = tpu.vector_load %arg8[%get3A_1315, %get3A_1316] {strides = array<i32>} : memref<200x128xf32, #tpu.memory_space<vmem>>, vector<1x16xf32>,
        %get3A_1318 = vector.shape_cast %get3A_1317 : vector<1x16xf32> to vector<16xf32>
        %mul3A_1319 = arith.constant 11.3137083 : f32
        %mul3A_1320 = vector.broadcast %mul3A_1319 : f32 to vector<16xf32>
        %mul3A_1321 = arith.mulf %get3A_1318, %mul3A_1320 : vector<16xf32>
        %swap3A_1322 = arith.index_cast %add3A_1254 : i32 to index
        %swap3A_1323 = arith.constant 80 : index
        %swap3A_1324 = tpu.vector_load %arg8[%swap3A_1322, %swap3A_1323] {strides = array<i32>} : memref<200x128xf32, #tpu.memory_space<vmem>>, vector<1x16xf32>,
        %swap3A_1325 = vector.shape_cast %swap3A_1324 : vector<1x16xf32> to vector<16xf32>
        %swap3A_1326 = vector.shape_cast %mul3A_1321 : vector<16xf32> to vector<1x16xf32>
        tpu.vector_store %arg8[%swap3A_1322, %swap3A_1323], %swap3A_1326 {strides = array<i32>} : memref<200x128xf32, #tpu.memory_space<vmem>>, vector<1x16xf32>,
        %get3A_1327 = arith.index_cast %add3A_1254 : i32 to index
        %get3A_1328 = arith.constant 96 : index
        %get3A_1329 = tpu.vector_load %arg8[%get3A_1327, %get3A_1328] {strides = array<i32>} : memref<200x128xf32, #tpu.memory_space<vmem>>, vector<1x16xf32>,
        %get3A_1330 = vector.shape_cast %get3A_1329 : vector<1x16xf32> to vector<16xf32>
        %mul3A_1331 = arith.constant 11.3137083 : f32
        %mul3A_1332 = vector.broadcast %mul3A_1331 : f32 to vector<16xf32>
        %mul3A_1333 = arith.mulf %get3A_1330, %mul3A_1332 : vector<16xf32>
        %swap3A_1334 = arith.index_cast %add3A_1254 : i32 to index
        %swap3A_1335 = arith.constant 96 : index
        %swap3A_1336 = tpu.vector_load %arg8[%swap3A_1334, %swap3A_1335] {strides = array<i32>} : memref<200x128xf32, #tpu.memory_space<vmem>>, vector<1x16xf32>,
        %swap3A_1337 = vector.shape_cast %swap3A_1336 : vector<1x16xf32> to vector<16xf32>
        %swap3A_1338 = vector.shape_cast %mul3A_1333 : vector<16xf32> to vector<1x16xf32>
        tpu.vector_store %arg8[%swap3A_1334, %swap3A_1335], %swap3A_1338 {strides = array<i32>} : memref<200x128xf32, #tpu.memory_space<vmem>>, vector<1x16xf32>,
        %get3A_1339 = arith.index_cast %add3A_1254 : i32 to index
        %get3A_1340 = arith.constant 112 : index
        %get3A_1341 = tpu.vector_load %arg8[%get3A_1339, %get3A_1340] {strides = array<i32>} : memref<200x128xf32, #tpu.memory_space<vmem>>, vector<1x16xf32>,
        %get3A_1342 = vector.shape_cast %get3A_1341 : vector<1x16xf32> to vector<16xf32>
        %mul3A_1343 = arith.constant 11.3137083 : f32
        %mul3A_1344 = vector.broadcast %mul3A_1343 : f32 to vector<16xf32>
        %mul3A_1345 = arith.mulf %get3A_1342, %mul3A_1344 : vector<16xf32>
        %swap3A_1346 = arith.index_cast %add3A_1254 : i32 to index
        %swap3A_1347 = arith.constant 112 : index
        %swap3A_1348 = tpu.vector_load %arg8[%swap3A_1346, %swap3A_1347] {strides = array<i32>} : memref<200x128xf32, #tpu.memory_space<vmem>>, vector<1x16xf32>,
        %swap3A_1349 = vector.shape_cast %swap3A_1348 : vector<1x16xf32> to vector<16xf32>
        %swap3A_1350 = vector.shape_cast %mul3A_1345 : vector<16xf32> to vector<1x16xf32>
        tpu.vector_store %arg8[%swap3A_1346, %swap3A_1347], %swap3A_1350 {strides = array<i32>} : memref<200x128xf32, #tpu.memory_space<vmem>>, vector<1x16xf32>,
        %scan3A_1351 = arith.constant 6 : i32
        %scan3A_1352 = arith.addi %scan3A_742, %scan3A_1351 : i32
        %mul3A_1353 = arith.constant 1 : i32
        %mul3A_1354 = arith.muli %scan3A_1352, %mul3A_1353 : i32
        %add3A_1355 = arith.constant 0 : i32
        %add3A_1356 = arith.addi %add3A_1355, %mul3A_1354 : i32
        %get3A_1357 = arith.index_cast %add3A_1356 : i32 to index
        %get3A_1358 = arith.constant 0 : index
        %get3A_1359 = tpu.vector_load %arg8[%get3A_1357, %get3A_1358] {strides = array<i32>} : memref<200x128xf32, #tpu.memory_space<vmem>>, vector<1x16xf32>,
        %get3A_1360 = vector.shape_cast %get3A_1359 : vector<1x16xf32> to vector<16xf32>
        %mul3A_1361 = arith.constant 11.3137083 : f32
        %mul3A_1362 = vector.broadcast %mul3A_1361 : f32 to vector<16xf32>
        %mul3A_1363 = arith.mulf %get3A_1360, %mul3A_1362 : vector<16xf32>
        %swap3A_1364 = arith.index_cast %add3A_1356 : i32 to index
        %swap3A_1365 = arith.constant 0 : index
        %swap3A_1366 = tpu.vector_load %arg8[%swap3A_1364, %swap3A_1365] {strides = array<i32>} : memref<200x128xf32, #tpu.memory_space<vmem>>, vector<1x16xf32>,
        %swap3A_1367 = vector.shape_cast %swap3A_1366 : vector<1x16xf32> to vector<16xf32>
        %swap3A_1368 = vector.shape_cast %mul3A_1363 : vector<16xf32> to vector<1x16xf32>
        tpu.vector_store %arg8[%swap3A_1364, %swap3A_1365], %swap3A_1368 {strides = array<i32>} : memref<200x128xf32, #tpu.memory_space<vmem>>, vector<1x16xf32>,
        %get3A_1369 = arith.index_cast %add3A_1356 : i32 to index
        %get3A_1370 = arith.constant 16 : index
        %get3A_1371 = tpu.vector_load %arg8[%get3A_1369, %get3A_1370] {strides = array<i32>} : memref<200x128xf32, #tpu.memory_space<vmem>>, vector<1x16xf32>,
        %get3A_1372 = vector.shape_cast %get3A_1371 : vector<1x16xf32> to vector<16xf32>
        %mul3A_1373 = arith.constant 11.3137083 : f32
        %mul3A_1374 = vector.broadcast %mul3A_1373 : f32 to vector<16xf32>
        %mul3A_1375 = arith.mulf %get3A_1372, %mul3A_1374 : vector<16xf32>
        %swap3A_1376 = arith.index_cast %add3A_1356 : i32 to index
        %swap3A_1377 = arith.constant 16 : index
        %swap3A_1378 = tpu.vector_load %arg8[%swap3A_1376, %swap3A_1377] {strides = array<i32>} : memref<200x128xf32, #tpu.memory_space<vmem>>, vector<1x16xf32>,
        %swap3A_1379 = vector.shape_cast %swap3A_1378 : vector<1x16xf32> to vector<16xf32>
        %swap3A_1380 = vector.shape_cast %mul3A_1375 : vector<16xf32> to vector<1x16xf32>
        tpu.vector_store %arg8[%swap3A_1376, %swap3A_1377], %swap3A_1380 {strides = array<i32>} : memref<200x128xf32, #tpu.memory_space<vmem>>, vector<1x16xf32>,
        %get3A_1381 = arith.index_cast %add3A_1356 : i32 to index
        %get3A_1382 = arith.constant 32 : index
        %get3A_1383 = tpu.vector_load %arg8[%get3A_1381, %get3A_1382] {strides = array<i32>} : memref<200x128xf32, #tpu.memory_space<vmem>>, vector<1x16xf32>,
        %get3A_1384 = vector.shape_cast %get3A_1383 : vector<1x16xf32> to vector<16xf32>
        %mul3A_1385 = arith.constant 11.3137083 : f32
        %mul3A_1386 = vector.broadcast %mul3A_1385 : f32 to vector<16xf32>
        %mul3A_1387 = arith.mulf %get3A_1384, %mul3A_1386 : vector<16xf32>
        %swap3A_1388 = arith.index_cast %add3A_1356 : i32 to index
        %swap3A_1389 = arith.constant 32 : index
        %swap3A_1390 = tpu.vector_load %arg8[%swap3A_1388, %swap3A_1389] {strides = array<i32>} : memref<200x128xf32, #tpu.memory_space<vmem>>, vector<1x16xf32>,
        %swap3A_1391 = vector.shape_cast %swap3A_1390 : vector<1x16xf32> to vector<16xf32>
        %swap3A_1392 = vector.shape_cast %mul3A_1387 : vector<16xf32> to vector<1x16xf32>
        tpu.vector_store %arg8[%swap3A_1388, %swap3A_1389], %swap3A_1392 {strides = array<i32>} : memref<200x128xf32, #tpu.memory_space<vmem>>, vector<1x16xf32>,
        %get3A_1393 = arith.index_cast %add3A_1356 : i32 to index
        %get3A_1394 = arith.constant 48 : index
        %get3A_1395 = tpu.vector_load %arg8[%get3A_1393, %get3A_1394] {strides = array<i32>} : memref<200x128xf32, #tpu.memory_space<vmem>>, vector<1x16xf32>,
        %get3A_1396 = vector.shape_cast %get3A_1395 : vector<1x16xf32> to vector<16xf32>
        %mul3A_1397 = arith.constant 11.3137083 : f32
        %mul3A_1398 = vector.broadcast %mul3A_1397 : f32 to vector<16xf32>
        %mul3A_1399 = arith.mulf %get3A_1396, %mul3A_1398 : vector<16xf32>
        %swap3A_1400 = arith.index_cast %add3A_1356 : i32 to index
        %swap3A_1401 = arith.constant 48 : index
        %swap3A_1402 = tpu.vector_load %arg8[%swap3A_1400, %swap3A_1401] {strides = array<i32>} : memref<200x128xf32, #tpu.memory_space<vmem>>, vector<1x16xf32>,
        %swap3A_1403 = vector.shape_cast %swap3A_1402 : vector<1x16xf32> to vector<16xf32>
        %swap3A_1404 = vector.shape_cast %mul3A_1399 : vector<16xf32> to vector<1x16xf32>
        tpu.vector_store %arg8[%swap3A_1400, %swap3A_1401], %swap3A_1404 {strides = array<i32>} : memref<200x128xf32, #tpu.memory_space<vmem>>, vector<1x16xf32>,
        %get3A_1405 = arith.index_cast %add3A_1356 : i32 to index
        %get3A_1406 = arith.constant 64 : index
        %get3A_1407 = tpu.vector_load %arg8[%get3A_1405, %get3A_1406] {strides = array<i32>} : memref<200x128xf32, #tpu.memory_space<vmem>>, vector<1x16xf32>,
        %get3A_1408 = vector.shape_cast %get3A_1407 : vector<1x16xf32> to vector<16xf32>
        %mul3A_1409 = arith.constant 11.3137083 : f32
        %mul3A_1410 = vector.broadcast %mul3A_1409 : f32 to vector<16xf32>
        %mul3A_1411 = arith.mulf %get3A_1408, %mul3A_1410 : vector<16xf32>
        %swap3A_1412 = arith.index_cast %add3A_1356 : i32 to index
        %swap3A_1413 = arith.constant 64 : index
        %swap3A_1414 = tpu.vector_load %arg8[%swap3A_1412, %swap3A_1413] {strides = array<i32>} : memref<200x128xf32, #tpu.memory_space<vmem>>, vector<1x16xf32>,
        %swap3A_1415 = vector.shape_cast %swap3A_1414 : vector<1x16xf32> to vector<16xf32>
        %swap3A_1416 = vector.shape_cast %mul3A_1411 : vector<16xf32> to vector<1x16xf32>
        tpu.vector_store %arg8[%swap3A_1412, %swap3A_1413], %swap3A_1416 {strides = array<i32>} : memref<200x128xf32, #tpu.memory_space<vmem>>, vector<1x16xf32>,
        %get3A_1417 = arith.index_cast %add3A_1356 : i32 to index
        %get3A_1418 = arith.constant 80 : index
        %get3A_1419 = tpu.vector_load %arg8[%get3A_1417, %get3A_1418] {strides = array<i32>} : memref<200x128xf32, #tpu.memory_space<vmem>>, vector<1x16xf32>,
        %get3A_1420 = vector.shape_cast %get3A_1419 : vector<1x16xf32> to vector<16xf32>
        %mul3A_1421 = arith.constant 11.3137083 : f32
        %mul3A_1422 = vector.broadcast %mul3A_1421 : f32 to vector<16xf32>
        %mul3A_1423 = arith.mulf %get3A_1420, %mul3A_1422 : vector<16xf32>
        %swap3A_1424 = arith.index_cast %add3A_1356 : i32 to index
        %swap3A_1425 = arith.constant 80 : index
        %swap3A_1426 = tpu.vector_load %arg8[%swap3A_1424, %swap3A_1425] {strides = array<i32>} : memref<200x128xf32, #tpu.memory_space<vmem>>, vector<1x16xf32>,
        %swap3A_1427 = vector.shape_cast %swap3A_1426 : vector<1x16xf32> to vector<16xf32>
        %swap3A_1428 = vector.shape_cast %mul3A_1423 : vector<16xf32> to vector<1x16xf32>
        tpu.vector_store %arg8[%swap3A_1424, %swap3A_1425], %swap3A_1428 {strides = array<i32>} : memref<200x128xf32, #tpu.memory_space<vmem>>, vector<1x16xf32>,
        %get3A_1429 = arith.index_cast %add3A_1356 : i32 to index
        %get3A_1430 = arith.constant 96 : index
        %get3A_1431 = tpu.vector_load %arg8[%get3A_1429, %get3A_1430] {strides = array<i32>} : memref<200x128xf32, #tpu.memory_space<vmem>>, vector<1x16xf32>,
        %get3A_1432 = vector.shape_cast %get3A_1431 : vector<1x16xf32> to vector<16xf32>
        %mul3A_1433 = arith.constant 11.3137083 : f32
        %mul3A_1434 = vector.broadcast %mul3A_1433 : f32 to vector<16xf32>
        %mul3A_1435 = arith.mulf %get3A_1432, %mul3A_1434 : vector<16xf32>
        %swap3A_1436 = arith.index_cast %add3A_1356 : i32 to index
        %swap3A_1437 = arith.constant 96 : index
        %swap3A_1438 = tpu.vector_load %arg8[%swap3A_1436, %swap3A_1437] {strides = array<i32>} : memref<200x128xf32, #tpu.memory_space<vmem>>, vector<1x16xf32>,
        %swap3A_1439 = vector.shape_cast %swap3A_1438 : vector<1x16xf32> to vector<16xf32>
        %swap3A_1440 = vector.shape_cast %mul3A_1435 : vector<16xf32> to vector<1x16xf32>
        tpu.vector_store %arg8[%swap3A_1436, %swap3A_1437], %swap3A_1440 {strides = array<i32>} : memref<200x128xf32, #tpu.memory_space<vmem>>, vector<1x16xf32>,
        %get3A_1441 = arith.index_cast %add3A_1356 : i32 to index
        %get3A_1442 = arith.constant 112 : index
        %get3A_1443 = tpu.vector_load %arg8[%get3A_1441, %get3A_1442] {strides = array<i32>} : memref<200x128xf32, #tpu.memory_space<vmem>>, vector<1x16xf32>,
        %get3A_1444 = vector.shape_cast %get3A_1443 : vector<1x16xf32> to vector<16xf32>
        %mul3A_1445 = arith.constant 11.3137083 : f32
        %mul3A_1446 = vector.broadcast %mul3A_1445 : f32 to vector<16xf32>
        %mul3A_1447 = arith.mulf %get3A_1444, %mul3A_1446 : vector<16xf32>
        %swap3A_1448 = arith.index_cast %add3A_1356 : i32 to index
        %swap3A_1449 = arith.constant 112 : index
        %swap3A_1450 = tpu.vector_load %arg8[%swap3A_1448, %swap3A_1449] {strides = array<i32>} : memref<200x128xf32, #tpu.memory_space<vmem>>, vector<1x16xf32>,
        %swap3A_1451 = vector.shape_cast %swap3A_1450 : vector<1x16xf32> to vector<16xf32>
        %swap3A_1452 = vector.shape_cast %mul3A_1447 : vector<16xf32> to vector<1x16xf32>
        tpu.vector_store %arg8[%swap3A_1448, %swap3A_1449], %swap3A_1452 {strides = array<i32>} : memref<200x128xf32, #tpu.memory_space<vmem>>, vector<1x16xf32>,
        %scan3A_1453 = arith.constant 7 : i32
        %scan3A_1454 = arith.addi %scan3A_742, %scan3A_1453 : i32
        %mul3A_1455 = arith.constant 1 : i32
        %mul3A_1456 = arith.muli %scan3A_1454, %mul3A_1455 : i32
        %add3A_1457 = arith.constant 0 : i32
        %add3A_1458 = arith.addi %add3A_1457, %mul3A_1456 : i32
        %get3A_1459 = arith.index_cast %add3A_1458 : i32 to index
        %get3A_1460 = arith.constant 0 : index
        %get3A_1461 = tpu.vector_load %arg8[%get3A_1459, %get3A_1460] {strides = array<i32>} : memref<200x128xf32, #tpu.memory_space<vmem>>, vector<1x16xf32>,
        %get3A_1462 = vector.shape_cast %get3A_1461 : vector<1x16xf32> to vector<16xf32>
        %mul3A_1463 = arith.constant 11.3137083 : f32
        %mul3A_1464 = vector.broadcast %mul3A_1463 : f32 to vector<16xf32>
        %mul3A_1465 = arith.mulf %get3A_1462, %mul3A_1464 : vector<16xf32>
        %swap3A_1466 = arith.index_cast %add3A_1458 : i32 to index
        %swap3A_1467 = arith.constant 0 : index
        %swap3A_1468 = tpu.vector_load %arg8[%swap3A_1466, %swap3A_1467] {strides = array<i32>} : memref<200x128xf32, #tpu.memory_space<vmem>>, vector<1x16xf32>,
        %swap3A_1469 = vector.shape_cast %swap3A_1468 : vector<1x16xf32> to vector<16xf32>
        %swap3A_1470 = vector.shape_cast %mul3A_1465 : vector<16xf32> to vector<1x16xf32>
        tpu.vector_store %arg8[%swap3A_1466, %swap3A_1467], %swap3A_1470 {strides = array<i32>} : memref<200x128xf32, #tpu.memory_space<vmem>>, vector<1x16xf32>,
        %get3A_1471 = arith.index_cast %add3A_1458 : i32 to index
        %get3A_1472 = arith.constant 16 : index
        %get3A_1473 = tpu.vector_load %arg8[%get3A_1471, %get3A_1472] {strides = array<i32>} : memref<200x128xf32, #tpu.memory_space<vmem>>, vector<1x16xf32>,
        %get3A_1474 = vector.shape_cast %get3A_1473 : vector<1x16xf32> to vector<16xf32>
        %mul3A_1475 = arith.constant 11.3137083 : f32
        %mul3A_1476 = vector.broadcast %mul3A_1475 : f32 to vector<16xf32>
        %mul3A_1477 = arith.mulf %get3A_1474, %mul3A_1476 : vector<16xf32>
        %swap3A_1478 = arith.index_cast %add3A_1458 : i32 to index
        %swap3A_1479 = arith.constant 16 : index
        %swap3A_1480 = tpu.vector_load %arg8[%swap3A_1478, %swap3A_1479] {strides = array<i32>} : memref<200x128xf32, #tpu.memory_space<vmem>>, vector<1x16xf32>,
        %swap3A_1481 = vector.shape_cast %swap3A_1480 : vector<1x16xf32> to vector<16xf32>
        %swap3A_1482 = vector.shape_cast %mul3A_1477 : vector<16xf32> to vector<1x16xf32>
        tpu.vector_store %arg8[%swap3A_1478, %swap3A_1479], %swap3A_1482 {strides = array<i32>} : memref<200x128xf32, #tpu.memory_space<vmem>>, vector<1x16xf32>,
        %get3A_1483 = arith.index_cast %add3A_1458 : i32 to index
        %get3A_1484 = arith.constant 32 : index
        %get3A_1485 = tpu.vector_load %arg8[%get3A_1483, %get3A_1484] {strides = array<i32>} : memref<200x128xf32, #tpu.memory_space<vmem>>, vector<1x16xf32>,
        %get3A_1486 = vector.shape_cast %get3A_1485 : vector<1x16xf32> to vector<16xf32>
        %mul3A_1487 = arith.constant 11.3137083 : f32
        %mul3A_1488 = vector.broadcast %mul3A_1487 : f32 to vector<16xf32>
        %mul3A_1489 = arith.mulf %get3A_1486, %mul3A_1488 : vector<16xf32>
        %swap3A_1490 = arith.index_cast %add3A_1458 : i32 to index
        %swap3A_1491 = arith.constant 32 : index
        %swap3A_1492 = tpu.vector_load %arg8[%swap3A_1490, %swap3A_1491] {strides = array<i32>} : memref<200x128xf32, #tpu.memory_space<vmem>>, vector<1x16xf32>,
        %swap3A_1493 = vector.shape_cast %swap3A_1492 : vector<1x16xf32> to vector<16xf32>
        %swap3A_1494 = vector.shape_cast %mul3A_1489 : vector<16xf32> to vector<1x16xf32>
        tpu.vector_store %arg8[%swap3A_1490, %swap3A_1491], %swap3A_1494 {strides = array<i32>} : memref<200x128xf32, #tpu.memory_space<vmem>>, vector<1x16xf32>,
        %get3A_1495 = arith.index_cast %add3A_1458 : i32 to index
        %get3A_1496 = arith.constant 48 : index
        %get3A_1497 = tpu.vector_load %arg8[%get3A_1495, %get3A_1496] {strides = array<i32>} : memref<200x128xf32, #tpu.memory_space<vmem>>, vector<1x16xf32>,
        %get3A_1498 = vector.shape_cast %get3A_1497 : vector<1x16xf32> to vector<16xf32>
        %mul3A_1499 = arith.constant 11.3137083 : f32
        %mul3A_1500 = vector.broadcast %mul3A_1499 : f32 to vector<16xf32>
        %mul3A_1501 = arith.mulf %get3A_1498, %mul3A_1500 : vector<16xf32>
        %swap3A_1502 = arith.index_cast %add3A_1458 : i32 to index
        %swap3A_1503 = arith.constant 48 : index
        %swap3A_1504 = tpu.vector_load %arg8[%swap3A_1502, %swap3A_1503] {strides = array<i32>} : memref<200x128xf32, #tpu.memory_space<vmem>>, vector<1x16xf32>,
        %swap3A_1505 = vector.shape_cast %swap3A_1504 : vector<1x16xf32> to vector<16xf32>
        %swap3A_1506 = vector.shape_cast %mul3A_1501 : vector<16xf32> to vector<1x16xf32>
        tpu.vector_store %arg8[%swap3A_1502, %swap3A_1503], %swap3A_1506 {strides = array<i32>} : memref<200x128xf32, #tpu.memory_space<vmem>>, vector<1x16xf32>,
        %get3A_1507 = arith.index_cast %add3A_1458 : i32 to index
        %get3A_1508 = arith.constant 64 : index
        %get3A_1509 = tpu.vector_load %arg8[%get3A_1507, %get3A_1508] {strides = array<i32>} : memref<200x128xf32, #tpu.memory_space<vmem>>, vector<1x16xf32>,
        %get3A_1510 = vector.shape_cast %get3A_1509 : vector<1x16xf32> to vector<16xf32>
        %mul3A_1511 = arith.constant 11.3137083 : f32
        %mul3A_1512 = vector.broadcast %mul3A_1511 : f32 to vector<16xf32>
        %mul3A_1513 = arith.mulf %get3A_1510, %mul3A_1512 : vector<16xf32>
        %swap3A_1514 = arith.index_cast %add3A_1458 : i32 to index
        %swap3A_1515 = arith.constant 64 : index
        %swap3A_1516 = tpu.vector_load %arg8[%swap3A_1514, %swap3A_1515] {strides = array<i32>} : memref<200x128xf32, #tpu.memory_space<vmem>>, vector<1x16xf32>,
        %swap3A_1517 = vector.shape_cast %swap3A_1516 : vector<1x16xf32> to vector<16xf32>
        %swap3A_1518 = vector.shape_cast %mul3A_1513 : vector<16xf32> to vector<1x16xf32>
        tpu.vector_store %arg8[%swap3A_1514, %swap3A_1515], %swap3A_1518 {strides = array<i32>} : memref<200x128xf32, #tpu.memory_space<vmem>>, vector<1x16xf32>,
        %get3A_1519 = arith.index_cast %add3A_1458 : i32 to index
        %get3A_1520 = arith.constant 80 : index
        %get3A_1521 = tpu.vector_load %arg8[%get3A_1519, %get3A_1520] {strides = array<i32>} : memref<200x128xf32, #tpu.memory_space<vmem>>, vector<1x16xf32>,
        %get3A_1522 = vector.shape_cast %get3A_1521 : vector<1x16xf32> to vector<16xf32>
        %mul3A_1523 = arith.constant 11.3137083 : f32
        %mul3A_1524 = vector.broadcast %mul3A_1523 : f32 to vector<16xf32>
        %mul3A_1525 = arith.mulf %get3A_1522, %mul3A_1524 : vector<16xf32>
        %swap3A_1526 = arith.index_cast %add3A_1458 : i32 to index
        %swap3A_1527 = arith.constant 80 : index
        %swap3A_1528 = tpu.vector_load %arg8[%swap3A_1526, %swap3A_1527] {strides = array<i32>} : memref<200x128xf32, #tpu.memory_space<vmem>>, vector<1x16xf32>,
        %swap3A_1529 = vector.shape_cast %swap3A_1528 : vector<1x16xf32> to vector<16xf32>
        %swap3A_1530 = vector.shape_cast %mul3A_1525 : vector<16xf32> to vector<1x16xf32>
        tpu.vector_store %arg8[%swap3A_1526, %swap3A_1527], %swap3A_1530 {strides = array<i32>} : memref<200x128xf32, #tpu.memory_space<vmem>>, vector<1x16xf32>,
        %get3A_1531 = arith.index_cast %add3A_1458 : i32 to index
        %get3A_1532 = arith.constant 96 : index
        %get3A_1533 = tpu.vector_load %arg8[%get3A_1531, %get3A_1532] {strides = array<i32>} : memref<200x128xf32, #tpu.memory_space<vmem>>, vector<1x16xf32>,
        %get3A_1534 = vector.shape_cast %get3A_1533 : vector<1x16xf32> to vector<16xf32>
        %mul3A_1535 = arith.constant 11.3137083 : f32
        %mul3A_1536 = vector.broadcast %mul3A_1535 : f32 to vector<16xf32>
        %mul3A_1537 = arith.mulf %get3A_1534, %mul3A_1536 : vector<16xf32>
        %swap3A_1538 = arith.index_cast %add3A_1458 : i32 to index
        %swap3A_1539 = arith.constant 96 : index
        %swap3A_1540 = tpu.vector_load %arg8[%swap3A_1538, %swap3A_1539] {strides = array<i32>} : memref<200x128xf32, #tpu.memory_space<vmem>>, vector<1x16xf32>,
        %swap3A_1541 = vector.shape_cast %swap3A_1540 : vector<1x16xf32> to vector<16xf32>
        %swap3A_1542 = vector.shape_cast %mul3A_1537 : vector<16xf32> to vector<1x16xf32>
        tpu.vector_store %arg8[%swap3A_1538, %swap3A_1539], %swap3A_1542 {strides = array<i32>} : memref<200x128xf32, #tpu.memory_space<vmem>>, vector<1x16xf32>,
        %get3A_1543 = arith.index_cast %add3A_1458 : i32 to index
        %get3A_1544 = arith.constant 112 : index
        %get3A_1545 = tpu.vector_load %arg8[%get3A_1543, %get3A_1544] {strides = array<i32>} : memref<200x128xf32, #tpu.memory_space<vmem>>, vector<1x16xf32>,
        %get3A_1546 = vector.shape_cast %get3A_1545 : vector<1x16xf32> to vector<16xf32>
        %mul3A_1547 = arith.constant 11.3137083 : f32
        %mul3A_1548 = vector.broadcast %mul3A_1547 : f32 to vector<16xf32>
        %mul3A_1549 = arith.mulf %get3A_1546, %mul3A_1548 : vector<16xf32>
        %swap3A_1550 = arith.index_cast %add3A_1458 : i32 to index
        %swap3A_1551 = arith.constant 112 : index
        %swap3A_1552 = tpu.vector_load %arg8[%swap3A_1550, %swap3A_1551] {strides = array<i32>} : memref<200x128xf32, #tpu.memory_space<vmem>>, vector<1x16xf32>,
        %swap3A_1553 = vector.shape_cast %swap3A_1552 : vector<1x16xf32> to vector<16xf32>
        %swap3A_1554 = vector.shape_cast %mul3A_1549 : vector<16xf32> to vector<1x16xf32>
        tpu.vector_store %arg8[%swap3A_1550, %swap3A_1551], %swap3A_1554 {strides = array<i32>} : memref<200x128xf32, #tpu.memory_space<vmem>>, vector<1x16xf32>,
      }
      %scan3A_499 = arith.constant 200 : i32
      %mul3A_500 = arith.constant 4 : i32
      %mul3A_501 = arith.muli %add3A_413, %mul3A_500 : i32
      %add3A_502 = arith.addi %mul3A_2, %mul3A_501 : i32
      %add3A_503 = arith.constant 0 : i32
      %add3A_504 = arith.addi %add3A_502, %add3A_503 : i32
      %dma_start3A_505 = arith.constant 0 : i32
      %dma_start3A_506 = arith.constant 0 : i32
      %dma_start3A_507 = tpu.memref_slice %arg8[%dma_start3A_505, %dma_start3A_506] : memref<200x128xf32, #tpu.memory_space<vmem>> -> memref<50x128xf32, #tpu.memory_space<vmem>>
      %dma_start3A_508 = arith.constant 0 : i32
      %dma_start3A_509 = arith.constant 0 : i32
      %dma_start3A_510 = tpu.memref_slice %arg4[%add3A_504, %dma_start3A_508, %dma_start3A_509] : memref<4096x50x128xf32, #tpu.memory_space<hbm>> -> memref<1x50x128xf32, #tpu.memory_space<hbm>>
      %dma_start3A_511 = tpu.memref_squeeze %dma_start3A_510 : memref<1x50x128xf32, #tpu.memory_space<hbm>> -> memref<50x128xf32, #tpu.memory_space<hbm>>
      %dma_start3A_512 = arith.constant 0 : i32
      %dma_start3A_513 = arith.constant 0 : i32
      %dma_start3A_514 = tpu.memref_slice %arg4[%add3A_504, %dma_start3A_512, %dma_start3A_513] : memref<4096x50x128xf32, #tpu.memory_space<hbm>> -> memref<1x50x128xf32, #tpu.memory_space<hbm>>
      %dma_start3A_515 = tpu.memref_squeeze %dma_start3A_514 : memref<1x50x128xf32, #tpu.memory_space<hbm>> -> memref<50x128xf32, #tpu.memory_space<hbm>>
      %dma_start3A_516 = arith.constant 0 : i32
      %dma_start3A_517 = arith.constant 0 : i32
      %dma_start3A_518 = tpu.memref_slice %arg8[%dma_start3A_516, %dma_start3A_517] : memref<200x128xf32, #tpu.memory_space<vmem>> -> memref<50x128xf32, #tpu.memory_space<vmem>>
      tpu.enqueue_dma source(%dma_start3A_518 : memref<50x128xf32, #tpu.memory_space<vmem>>) target(%dma_start3A_515 : memref<50x128xf32, #tpu.memory_space<hbm>>) target_semaphore(%arg11 : memref<!tpu.dma_semaphore, #tpu.memory_space<semaphore_mem>>)
      %mul3A_519 = arith.constant 4 : i32
      %mul3A_520 = arith.muli %add3A_413, %mul3A_519 : i32
      %add3A_521 = arith.addi %mul3A_2, %mul3A_520 : i32
      %add3A_522 = arith.constant 1 : i32
      %add3A_523 = arith.addi %add3A_521, %add3A_522 : i32
      %dma_start3A_524 = arith.constant 50 : i32
      %dma_start3A_525 = arith.constant 0 : i32
      %dma_start3A_526 = tpu.memref_slice %arg8[%dma_start3A_524, %dma_start3A_525] : memref<200x128xf32, #tpu.memory_space<vmem>> -> memref<50x128xf32, #tpu.memory_space<vmem>>
      %dma_start3A_527 = arith.constant 0 : i32
      %dma_start3A_528 = arith.constant 0 : i32
      %dma_start3A_529 = tpu.memref_slice %arg4[%add3A_523, %dma_start3A_527, %dma_start3A_528] : memref<4096x50x128xf32, #tpu.memory_space<hbm>> -> memref<1x50x128xf32, #tpu.memory_space<hbm>>
      %dma_start3A_530 = tpu.memref_squeeze %dma_start3A_529 : memref<1x50x128xf32, #tpu.memory_space<hbm>> -> memref<50x128xf32, #tpu.memory_space<hbm>>
      %dma_start3A_531 = arith.constant 0 : i32
      %dma_start3A_532 = arith.constant 0 : i32
      %dma_start3A_533 = tpu.memref_slice %arg4[%add3A_523, %dma_start3A_531, %dma_start3A_532] : memref<4096x50x128xf32, #tpu.memory_space<hbm>> -> memref<1x50x128xf32, #tpu.memory_space<hbm>>
      %dma_start3A_534 = tpu.memref_squeeze %dma_start3A_533 : memref<1x50x128xf32, #tpu.memory_space<hbm>> -> memref<50x128xf32, #tpu.memory_space<hbm>>
      %dma_start3A_535 = arith.constant 50 : i32
      %dma_start3A_536 = arith.constant 0 : i32
      %dma_start3A_537 = tpu.memref_slice %arg8[%dma_start3A_535, %dma_start3A_536] : memref<200x128xf32, #tpu.memory_space<vmem>> -> memref<50x128xf32, #tpu.memory_space<vmem>>
      tpu.enqueue_dma source(%dma_start3A_537 : memref<50x128xf32, #tpu.memory_space<vmem>>) target(%dma_start3A_534 : memref<50x128xf32, #tpu.memory_space<hbm>>) target_semaphore(%arg11 : memref<!tpu.dma_semaphore, #tpu.memory_space<semaphore_mem>>)
      %mul3A_538 = arith.constant 4 : i32
      %mul3A_539 = arith.muli %add3A_413, %mul3A_538 : i32
      %add3A_540 = arith.addi %mul3A_2, %mul3A_539 : i32
      %add3A_541 = arith.constant 2 : i32
      %add3A_542 = arith.addi %add3A_540, %add3A_541 : i32
      %dma_start3A_543 = arith.constant 100 : i32
      %dma_start3A_544 = arith.constant 0 : i32
      %dma_start3A_545 = tpu.memref_slice %arg8[%dma_start3A_543, %dma_start3A_544] : memref<200x128xf32, #tpu.memory_space<vmem>> -> memref<50x128xf32, #tpu.memory_space<vmem>>
      %dma_start3A_546 = arith.constant 0 : i32
      %dma_start3A_547 = arith.constant 0 : i32
      %dma_start3A_548 = tpu.memref_slice %arg4[%add3A_542, %dma_start3A_546, %dma_start3A_547] : memref<4096x50x128xf32, #tpu.memory_space<hbm>> -> memref<1x50x128xf32, #tpu.memory_space<hbm>>
      %dma_start3A_549 = tpu.memref_squeeze %dma_start3A_548 : memref<1x50x128xf32, #tpu.memory_space<hbm>> -> memref<50x128xf32, #tpu.memory_space<hbm>>
      %dma_start3A_550 = arith.constant 0 : i32
      %dma_start3A_551 = arith.constant 0 : i32
      %dma_start3A_552 = tpu.memref_slice %arg4[%add3A_542, %dma_start3A_550, %dma_start3A_551] : memref<4096x50x128xf32, #tpu.memory_space<hbm>> -> memref<1x50x128xf32, #tpu.memory_space<hbm>>
      %dma_start3A_553 = tpu.memref_squeeze %dma_start3A_552 : memref<1x50x128xf32, #tpu.memory_space<hbm>> -> memref<50x128xf32, #tpu.memory_space<hbm>>
      %dma_start3A_554 = arith.constant 100 : i32
      %dma_start3A_555 = arith.constant 0 : i32
      %dma_start3A_556 = tpu.memref_slice %arg8[%dma_start3A_554, %dma_start3A_555] : memref<200x128xf32, #tpu.memory_space<vmem>> -> memref<50x128xf32, #tpu.memory_space<vmem>>
      tpu.enqueue_dma source(%dma_start3A_556 : memref<50x128xf32, #tpu.memory_space<vmem>>) target(%dma_start3A_553 : memref<50x128xf32, #tpu.memory_space<hbm>>) target_semaphore(%arg11 : memref<!tpu.dma_semaphore, #tpu.memory_space<semaphore_mem>>)
      %mul3A_557 = arith.constant 4 : i32
      %mul3A_558 = arith.muli %add3A_413, %mul3A_557 : i32
      %add3A_559 = arith.addi %mul3A_2, %mul3A_558 : i32
      %add3A_560 = arith.constant 3 : i32
      %add3A_561 = arith.addi %add3A_559, %add3A_560 : i32
      %dma_start3A_562 = arith.constant 150 : i32
      %dma_start3A_563 = arith.constant 0 : i32
      %dma_start3A_564 = tpu.memref_slice %arg8[%dma_start3A_562, %dma_start3A_563] : memref<200x128xf32, #tpu.memory_space<vmem>> -> memref<50x128xf32, #tpu.memory_space<vmem>>
      %dma_start3A_565 = arith.constant 0 : i32
      %dma_start3A_566 = arith.constant 0 : i32
      %dma_start3A_567 = tpu.memref_slice %arg4[%add3A_561, %dma_start3A_565, %dma_start3A_566] : memref<4096x50x128xf32, #tpu.memory_space<hbm>> -> memref<1x50x128xf32, #tpu.memory_space<hbm>>
      %dma_start3A_568 = tpu.memref_squeeze %dma_start3A_567 : memref<1x50x128xf32, #tpu.memory_space<hbm>> -> memref<50x128xf32, #tpu.memory_space<hbm>>
      %dma_start3A_569 = arith.constant 0 : i32
      %dma_start3A_570 = arith.constant 0 : i32
      %dma_start3A_571 = tpu.memref_slice %arg4[%add3A_561, %dma_start3A_569, %dma_start3A_570] : memref<4096x50x128xf32, #tpu.memory_space<hbm>> -> memref<1x50x128xf32, #tpu.memory_space<hbm>>
      %dma_start3A_572 = tpu.memref_squeeze %dma_start3A_571 : memref<1x50x128xf32, #tpu.memory_space<hbm>> -> memref<50x128xf32, #tpu.memory_space<hbm>>
      %dma_start3A_573 = arith.constant 150 : i32
      %dma_start3A_574 = arith.constant 0 : i32
      %dma_start3A_575 = tpu.memref_slice %arg8[%dma_start3A_573, %dma_start3A_574] : memref<200x128xf32, #tpu.memory_space<vmem>> -> memref<50x128xf32, #tpu.memory_space<vmem>>
      tpu.enqueue_dma source(%dma_start3A_575 : memref<50x128xf32, #tpu.memory_space<vmem>>) target(%dma_start3A_572 : memref<50x128xf32, #tpu.memory_space<hbm>>) target_semaphore(%arg11 : memref<!tpu.dma_semaphore, #tpu.memory_space<semaphore_mem>>)
      %mul3A_576 = arith.constant 4 : i32
      %mul3A_577 = arith.muli %add3A_119, %mul3A_576 : i32
      %add3A_578 = arith.constant 3 : i32
      %add3A_579 = arith.addi %mul3A_577, %add3A_578 : i32
      %dma_wait3A_580 = arith.constant 0 : i32
      %dma_wait3A_581 = arith.constant 0 : i32
      %dma_wait3A_582 = tpu.memref_slice %arg6[%dma_wait3A_580, %dma_wait3A_581] : memref<200x128xf32, #tpu.memory_space<vmem>> -> memref<104x128xf32, #tpu.memory_space<vmem>>
      %dma_wait3A_583 = arith.constant 0 : i32
      %dma_wait3A_584 = tpu.memref_slice %arg5[%dma_wait3A_583] : memref<6400xi32, #tpu.memory_space<vmem>> -> memref<104xi32, #tpu.memory_space<vmem>>
      %dma_wait3A_585 = arith.constant 0 : i32
      %dma_wait3A_586 = arith.constant 0 : i32
      %dma_wait3A_587 = tpu.memref_slice %arg3[%dma_wait3A_585, %dma_wait3A_586] : memref<100000x128xf32, #tpu.memory_space<hbm>> -> memref<100000x128xf32, #tpu.memory_space<hbm>>
      tpu.wait_indirect_dma semaphore(%arg10 : memref<!tpu.dma_semaphore, #tpu.memory_space<semaphore_mem>>) src(%dma_wait3A_587 : memref<100000x128xf32, #tpu.memory_space<hbm>>) dst(%dma_wait3A_582 : memref<104x128xf32, #tpu.memory_space<vmem>>)
      %dma_wait3A_588 = arith.constant 104 : i32
      %dma_wait3A_589 = arith.constant 0 : i32
      %dma_wait3A_590 = tpu.memref_slice %arg6[%dma_wait3A_588, %dma_wait3A_589] : memref<200x128xf32, #tpu.memory_space<vmem>> -> memref<96x128xf32, #tpu.memory_space<vmem>>
      %dma_wait3A_591 = arith.constant 104 : i32
      %dma_wait3A_592 = tpu.memref_slice %arg5[%dma_wait3A_591] : memref<6400xi32, #tpu.memory_space<vmem>> -> memref<96xi32, #tpu.memory_space<vmem>>
      %dma_wait3A_593 = arith.constant 0 : i32
      %dma_wait3A_594 = arith.constant 0 : i32
      %dma_wait3A_595 = tpu.memref_slice %arg3[%dma_wait3A_593, %dma_wait3A_594] : memref<100000x128xf32, #tpu.memory_space<hbm>> -> memref<100000x128xf32, #tpu.memory_space<hbm>>
      tpu.wait_indirect_dma semaphore(%arg10 : memref<!tpu.dma_semaphore, #tpu.memory_space<semaphore_mem>>) src(%dma_wait3A_595 : memref<100000x128xf32, #tpu.memory_space<hbm>>) dst(%dma_wait3A_590 : memref<96x128xf32, #tpu.memory_space<vmem>>)
      %dma_wait3A_596 = arith.constant 0 : i32
      %dma_wait3A_597 = arith.constant 0 : i32
      %dma_wait3A_598 = arith.constant 0 : i32
      %dma_wait3A_599 = tpu.memref_slice %arg6[%dma_wait3A_597, %dma_wait3A_598] : memref<200x128xf32, #tpu.memory_space<vmem>> -> memref<50x128xf32, #tpu.memory_space<vmem>>
      %dma_wait3A_600 = arith.constant 0 : i32
      %dma_wait3A_601 = arith.constant 0 : i32
      %dma_wait3A_602 = tpu.memref_slice %arg4[%dma_wait3A_596, %dma_wait3A_600, %dma_wait3A_601] : memref<4096x50x128xf32, #tpu.memory_space<hbm>> -> memref<1x50x128xf32, #tpu.memory_space<hbm>>
      %dma_wait3A_603 = tpu.memref_squeeze %dma_wait3A_602 : memref<1x50x128xf32, #tpu.memory_space<hbm>> -> memref<50x128xf32, #tpu.memory_space<hbm>>
      %dma_wait3A_604 = arith.constant 0 : i32
      %dma_wait3A_605 = arith.constant 0 : i32
      %dma_wait3A_606 = tpu.memref_slice %arg4[%dma_wait3A_596, %dma_wait3A_604, %dma_wait3A_605] : memref<4096x50x128xf32, #tpu.memory_space<hbm>> -> memref<1x50x128xf32, #tpu.memory_space<hbm>>
      %dma_wait3A_607 = tpu.memref_squeeze %dma_wait3A_606 : memref<1x50x128xf32, #tpu.memory_space<hbm>> -> memref<50x128xf32, #tpu.memory_space<hbm>>
      %dma_wait3A_608 = arith.constant 0 : i32
      %dma_wait3A_609 = arith.constant 0 : i32
      %dma_wait3A_610 = tpu.memref_slice %arg6[%dma_wait3A_608, %dma_wait3A_609] : memref<200x128xf32, #tpu.memory_space<vmem>> -> memref<50x128xf32, #tpu.memory_space<vmem>>
      tpu.wait_dma2 semaphore(%arg11 : memref<!tpu.dma_semaphore, #tpu.memory_space<semaphore_mem>>) src(%dma_wait3A_610 : memref<50x128xf32, #tpu.memory_space<vmem>>) dst(%dma_wait3A_607 : memref<50x128xf32, #tpu.memory_space<hbm>>)
      %dma_wait3A_611 = arith.constant 0 : i32
      %dma_wait3A_612 = arith.constant 0 : i32
      %dma_wait3A_613 = arith.constant 0 : i32
      %dma_wait3A_614 = tpu.memref_slice %arg6[%dma_wait3A_612, %dma_wait3A_613] : memref<200x128xf32, #tpu.memory_space<vmem>> -> memref<50x128xf32, #tpu.memory_space<vmem>>
      %dma_wait3A_615 = arith.constant 0 : i32
      %dma_wait3A_616 = arith.constant 0 : i32
      %dma_wait3A_617 = tpu.memref_slice %arg4[%dma_wait3A_611, %dma_wait3A_615, %dma_wait3A_616] : memref<4096x50x128xf32, #tpu.memory_space<hbm>> -> memref<1x50x128xf32, #tpu.memory_space<hbm>>
      %dma_wait3A_618 = tpu.memref_squeeze %dma_wait3A_617 : memref<1x50x128xf32, #tpu.memory_space<hbm>> -> memref<50x128xf32, #tpu.memory_space<hbm>>
      %dma_wait3A_619 = arith.constant 0 : i32
      %dma_wait3A_620 = arith.constant 0 : i32
      %dma_wait3A_621 = tpu.memref_slice %arg4[%dma_wait3A_611, %dma_wait3A_619, %dma_wait3A_620] : memref<4096x50x128xf32, #tpu.memory_space<hbm>> -> memref<1x50x128xf32, #tpu.memory_space<hbm>>
      %dma_wait3A_622 = tpu.memref_squeeze %dma_wait3A_621 : memref<1x50x128xf32, #tpu.memory_space<hbm>> -> memref<50x128xf32, #tpu.memory_space<hbm>>
      %dma_wait3A_623 = arith.constant 0 : i32
      %dma_wait3A_624 = arith.constant 0 : i32
      %dma_wait3A_625 = tpu.memref_slice %arg6[%dma_wait3A_623, %dma_wait3A_624] : memref<200x128xf32, #tpu.memory_space<vmem>> -> memref<50x128xf32, #tpu.memory_space<vmem>>
      tpu.wait_dma2 semaphore(%arg11 : memref<!tpu.dma_semaphore, #tpu.memory_space<semaphore_mem>>) src(%dma_wait3A_625 : memref<50x128xf32, #tpu.memory_space<vmem>>) dst(%dma_wait3A_622 : memref<50x128xf32, #tpu.memory_space<hbm>>)
      %dma_wait3A_626 = arith.constant 0 : i32
      %dma_wait3A_627 = arith.constant 0 : i32
      %dma_wait3A_628 = arith.constant 0 : i32
      %dma_wait3A_629 = tpu.memref_slice %arg6[%dma_wait3A_627, %dma_wait3A_628] : memref<200x128xf32, #tpu.memory_space<vmem>> -> memref<50x128xf32, #tpu.memory_space<vmem>>
      %dma_wait3A_630 = arith.constant 0 : i32
      %dma_wait3A_631 = arith.constant 0 : i32
      %dma_wait3A_632 = tpu.memref_slice %arg4[%dma_wait3A_626, %dma_wait3A_630, %dma_wait3A_631] : memref<4096x50x128xf32, #tpu.memory_space<hbm>> -> memref<1x50x128xf32, #tpu.memory_space<hbm>>
      %dma_wait3A_633 = tpu.memref_squeeze %dma_wait3A_632 : memref<1x50x128xf32, #tpu.memory_space<hbm>> -> memref<50x128xf32, #tpu.memory_space<hbm>>
      %dma_wait3A_634 = arith.constant 0 : i32
      %dma_wait3A_635 = arith.constant 0 : i32
      %dma_wait3A_636 = tpu.memref_slice %arg4[%dma_wait3A_626, %dma_wait3A_634, %dma_wait3A_635] : memref<4096x50x128xf32, #tpu.memory_space<hbm>> -> memref<1x50x128xf32, #tpu.memory_space<hbm>>
      %dma_wait3A_637 = tpu.memref_squeeze %dma_wait3A_636 : memref<1x50x128xf32, #tpu.memory_space<hbm>> -> memref<50x128xf32, #tpu.memory_space<hbm>>
      %dma_wait3A_638 = arith.constant 0 : i32
      %dma_wait3A_639 = arith.constant 0 : i32
      %dma_wait3A_640 = tpu.memref_slice %arg6[%dma_wait3A_638, %dma_wait3A_639] : memref<200x128xf32, #tpu.memory_space<vmem>> -> memref<50x128xf32, #tpu.memory_space<vmem>>
      tpu.wait_dma2 semaphore(%arg11 : memref<!tpu.dma_semaphore, #tpu.memory_space<semaphore_mem>>) src(%dma_wait3A_640 : memref<50x128xf32, #tpu.memory_space<vmem>>) dst(%dma_wait3A_637 : memref<50x128xf32, #tpu.memory_space<hbm>>)
      %dma_wait3A_641 = arith.constant 0 : i32
      %dma_wait3A_642 = arith.constant 0 : i32
      %dma_wait3A_643 = arith.constant 0 : i32
      %dma_wait3A_644 = tpu.memref_slice %arg6[%dma_wait3A_642, %dma_wait3A_643] : memref<200x128xf32, #tpu.memory_space<vmem>> -> memref<50x128xf32, #tpu.memory_space<vmem>>
      %dma_wait3A_645 = arith.constant 0 : i32
      %dma_wait3A_646 = arith.constant 0 : i32
      %dma_wait3A_647 = tpu.memref_slice %arg4[%dma_wait3A_641, %dma_wait3A_645, %dma_wait3A_646] : memref<4096x50x128xf32, #tpu.memory_space<hbm>> -> memref<1x50x128xf32, #tpu.memory_space<hbm>>
      %dma_wait3A_648 = tpu.memref_squeeze %dma_wait3A_647 : memref<1x50x128xf32, #tpu.memory_space<hbm>> -> memref<50x128xf32, #tpu.memory_space<hbm>>
      %dma_wait3A_649 = arith.constant 0 : i32
      %dma_wait3A_650 = arith.constant 0 : i32
      %dma_wait3A_651 = tpu.memref_slice %arg4[%dma_wait3A_641, %dma_wait3A_649, %dma_wait3A_650] : memref<4096x50x128xf32, #tpu.memory_space<hbm>> -> memref<1x50x128xf32, #tpu.memory_space<hbm>>
      %dma_wait3A_652 = tpu.memref_squeeze %dma_wait3A_651 : memref<1x50x128xf32, #tpu.memory_space<hbm>> -> memref<50x128xf32, #tpu.memory_space<hbm>>
      %dma_wait3A_653 = arith.constant 0 : i32
      %dma_wait3A_654 = arith.constant 0 : i32
      %dma_wait3A_655 = tpu.memref_slice %arg6[%dma_wait3A_653, %dma_wait3A_654] : memref<200x128xf32, #tpu.memory_space<vmem>> -> memref<50x128xf32, #tpu.memory_space<vmem>>
      tpu.wait_dma2 semaphore(%arg11 : memref<!tpu.dma_semaphore, #tpu.memory_space<semaphore_mem>>) src(%dma_wait3A_655 : memref<50x128xf32, #tpu.memory_space<vmem>>) dst(%dma_wait3A_652 : memref<50x128xf32, #tpu.memory_space<hbm>>)
      %lt3A_656 = arith.constant 7 : i32
      %lt3A_657 = arith.cmpi slt, %add3A_119, %lt3A_656 : i32
      %convert_element_type3A_658 = arith.extui %lt3A_657 : i1 to i32
      %cond3A_659 = arith.constant 0 : i32
      %cond3A_660 = arith.cmpi ne, %convert_element_type3A_658, %cond3A_659 : i32
      scf.if %cond3A_660 {
        %add3A_742 = arith.constant 3 : i32
        %add3A_743 = arith.addi %add3A_579, %add3A_742 : i32
        %mul3A_744 = arith.constant 200 : i32
        %mul3A_745 = arith.muli %add3A_743, %mul3A_744 : i32
        %dma_start3A_746 = arith.constant 0 : i32
        %dma_start3A_747 = arith.constant 0 : i32
        %dma_start3A_748 = tpu.memref_slice %arg8[%dma_start3A_746, %dma_start3A_747] : memref<200x128xf32, #tpu.memory_space<vmem>> -> memref<104x128xf32, #tpu.memory_space<vmem>>
        %dma_start3A_749 = tpu.memref_slice %arg5[%mul3A_745] : memref<6400xi32, #tpu.memory_space<vmem>> -> memref<104xi32, #tpu.memory_space<vmem>>
        %dma_start3A_750 = arith.constant 0 : i32
        %dma_start3A_751 = arith.constant 0 : i32
        %dma_start3A_752 = tpu.memref_slice %arg3[%dma_start3A_750, %dma_start3A_751] : memref<100000x128xf32, #tpu.memory_space<hbm>> -> memref<100000x128xf32, #tpu.memory_space<hbm>>
        tpu.enqueue_indirect_dma source(%dma_start3A_752 : memref<100000x128xf32, #tpu.memory_space<hbm>>) target(%dma_start3A_748 : memref<104x128xf32, #tpu.memory_space<vmem>>) offsets(%dma_start3A_749 : memref<104xi32, #tpu.memory_space<vmem>>) semaphore(%arg10 : memref<!tpu.dma_semaphore, #tpu.memory_space<semaphore_mem>>)
        %mul3A_753 = arith.constant 200 : i32
        %mul3A_754 = arith.muli %add3A_743, %mul3A_753 : i32
        %add3A_755 = arith.constant 104 : i32
        %add3A_756 = arith.addi %mul3A_754, %add3A_755 : i32
        %dma_start3A_757 = arith.constant 104 : i32
        %dma_start3A_758 = arith.constant 0 : i32
        %dma_start3A_759 = tpu.memref_slice %arg8[%dma_start3A_757, %dma_start3A_758] : memref<200x128xf32, #tpu.memory_space<vmem>> -> memref<96x128xf32, #tpu.memory_space<vmem>>
        %dma_start3A_760 = tpu.memref_slice %arg5[%add3A_756] : memref<6400xi32, #tpu.memory_space<vmem>> -> memref<96xi32, #tpu.memory_space<vmem>>
        %dma_start3A_761 = arith.constant 0 : i32
        %dma_start3A_762 = arith.constant 0 : i32
        %dma_start3A_763 = tpu.memref_slice %arg3[%dma_start3A_761, %dma_start3A_762] : memref<100000x128xf32, #tpu.memory_space<hbm>> -> memref<100000x128xf32, #tpu.memory_space<hbm>>
        tpu.enqueue_indirect_dma source(%dma_start3A_763 : memref<100000x128xf32, #tpu.memory_space<hbm>>) target(%dma_start3A_759 : memref<96x128xf32, #tpu.memory_space<vmem>>) offsets(%dma_start3A_760 : memref<96xi32, #tpu.memory_space<vmem>>) semaphore(%arg10 : memref<!tpu.dma_semaphore, #tpu.memory_space<semaphore_mem>>)
      } else {
      }
      %scan3A_661 = arith.constant 0 : i32
      %scan3A_662 = arith.constant 200 : i32
      %scan3A_663 = arith.addi %scan3A_661, %scan3A_662 : i32
      %scan3A_664 = arith.constant 8 : i32
      scf.for %scan3A_742 = %scan3A_661 to %scan3A_663 step %scan3A_664  : i32 {
        %mul3A_743 = arith.constant 1 : i32
        %mul3A_744 = arith.muli %scan3A_742, %mul3A_743 : i32
        %add3A_745 = arith.constant 0 : i32
        %add3A_746 = arith.addi %add3A_745, %mul3A_744 : i32
        %get3A = arith.index_cast %add3A_746 : i32 to index
        %get3A_747 = arith.constant 0 : index
        %get3A_748 = tpu.vector_load %arg9[%get3A, %get3A_747] {strides = array<i32>} : memref<200x128xf32, #tpu.memory_space<vmem>>, vector<1x16xf32>,
        %get3A_749 = vector.shape_cast %get3A_748 : vector<1x16xf32> to vector<16xf32>
        %mul3A_750 = arith.constant 11.3137083 : f32
        %mul3A_751 = vector.broadcast %mul3A_750 : f32 to vector<16xf32>
        %mul3A_752 = arith.mulf %get3A_749, %mul3A_751 : vector<16xf32>
        %swap3A = arith.index_cast %add3A_746 : i32 to index
        %swap3A_753 = arith.constant 0 : index
        %swap3A_754 = tpu.vector_load %arg9[%swap3A, %swap3A_753] {strides = array<i32>} : memref<200x128xf32, #tpu.memory_space<vmem>>, vector<1x16xf32>,
        %swap3A_755 = vector.shape_cast %swap3A_754 : vector<1x16xf32> to vector<16xf32>
        %swap3A_756 = vector.shape_cast %mul3A_752 : vector<16xf32> to vector<1x16xf32>
        tpu.vector_store %arg9[%swap3A, %swap3A_753], %swap3A_756 {strides = array<i32>} : memref<200x128xf32, #tpu.memory_space<vmem>>, vector<1x16xf32>,
        %get3A_757 = arith.index_cast %add3A_746 : i32 to index
        %get3A_758 = arith.constant 16 : index
        %get3A_759 = tpu.vector_load %arg9[%get3A_757, %get3A_758] {strides = array<i32>} : memref<200x128xf32, #tpu.memory_space<vmem>>, vector<1x16xf32>,
        %get3A_760 = vector.shape_cast %get3A_759 : vector<1x16xf32> to vector<16xf32>
        %mul3A_761 = arith.constant 11.3137083 : f32
        %mul3A_762 = vector.broadcast %mul3A_761 : f32 to vector<16xf32>
        %mul3A_763 = arith.mulf %get3A_760, %mul3A_762 : vector<16xf32>
        %swap3A_764 = arith.index_cast %add3A_746 : i32 to index
        %swap3A_765 = arith.constant 16 : index
        %swap3A_766 = tpu.vector_load %arg9[%swap3A_764, %swap3A_765] {strides = array<i32>} : memref<200x128xf32, #tpu.memory_space<vmem>>, vector<1x16xf32>,
        %swap3A_767 = vector.shape_cast %swap3A_766 : vector<1x16xf32> to vector<16xf32>
        %swap3A_768 = vector.shape_cast %mul3A_763 : vector<16xf32> to vector<1x16xf32>
        tpu.vector_store %arg9[%swap3A_764, %swap3A_765], %swap3A_768 {strides = array<i32>} : memref<200x128xf32, #tpu.memory_space<vmem>>, vector<1x16xf32>,
        %get3A_769 = arith.index_cast %add3A_746 : i32 to index
        %get3A_770 = arith.constant 32 : index
        %get3A_771 = tpu.vector_load %arg9[%get3A_769, %get3A_770] {strides = array<i32>} : memref<200x128xf32, #tpu.memory_space<vmem>>, vector<1x16xf32>,
        %get3A_772 = vector.shape_cast %get3A_771 : vector<1x16xf32> to vector<16xf32>
        %mul3A_773 = arith.constant 11.3137083 : f32
        %mul3A_774 = vector.broadcast %mul3A_773 : f32 to vector<16xf32>
        %mul3A_775 = arith.mulf %get3A_772, %mul3A_774 : vector<16xf32>
        %swap3A_776 = arith.index_cast %add3A_746 : i32 to index
        %swap3A_777 = arith.constant 32 : index
        %swap3A_778 = tpu.vector_load %arg9[%swap3A_776, %swap3A_777] {strides = array<i32>} : memref<200x128xf32, #tpu.memory_space<vmem>>, vector<1x16xf32>,
        %swap3A_779 = vector.shape_cast %swap3A_778 : vector<1x16xf32> to vector<16xf32>
        %swap3A_780 = vector.shape_cast %mul3A_775 : vector<16xf32> to vector<1x16xf32>
        tpu.vector_store %arg9[%swap3A_776, %swap3A_777], %swap3A_780 {strides = array<i32>} : memref<200x128xf32, #tpu.memory_space<vmem>>, vector<1x16xf32>,
        %get3A_781 = arith.index_cast %add3A_746 : i32 to index
        %get3A_782 = arith.constant 48 : index
        %get3A_783 = tpu.vector_load %arg9[%get3A_781, %get3A_782] {strides = array<i32>} : memref<200x128xf32, #tpu.memory_space<vmem>>, vector<1x16xf32>,
        %get3A_784 = vector.shape_cast %get3A_783 : vector<1x16xf32> to vector<16xf32>
        %mul3A_785 = arith.constant 11.3137083 : f32
        %mul3A_786 = vector.broadcast %mul3A_785 : f32 to vector<16xf32>
        %mul3A_787 = arith.mulf %get3A_784, %mul3A_786 : vector<16xf32>
        %swap3A_788 = arith.index_cast %add3A_746 : i32 to index
        %swap3A_789 = arith.constant 48 : index
        %swap3A_790 = tpu.vector_load %arg9[%swap3A_788, %swap3A_789] {strides = array<i32>} : memref<200x128xf32, #tpu.memory_space<vmem>>, vector<1x16xf32>,
        %swap3A_791 = vector.shape_cast %swap3A_790 : vector<1x16xf32> to vector<16xf32>
        %swap3A_792 = vector.shape_cast %mul3A_787 : vector<16xf32> to vector<1x16xf32>
        tpu.vector_store %arg9[%swap3A_788, %swap3A_789], %swap3A_792 {strides = array<i32>} : memref<200x128xf32, #tpu.memory_space<vmem>>, vector<1x16xf32>,
        %get3A_793 = arith.index_cast %add3A_746 : i32 to index
        %get3A_794 = arith.constant 64 : index
        %get3A_795 = tpu.vector_load %arg9[%get3A_793, %get3A_794] {strides = array<i32>} : memref<200x128xf32, #tpu.memory_space<vmem>>, vector<1x16xf32>,
        %get3A_796 = vector.shape_cast %get3A_795 : vector<1x16xf32> to vector<16xf32>
        %mul3A_797 = arith.constant 11.3137083 : f32
        %mul3A_798 = vector.broadcast %mul3A_797 : f32 to vector<16xf32>
        %mul3A_799 = arith.mulf %get3A_796, %mul3A_798 : vector<16xf32>
        %swap3A_800 = arith.index_cast %add3A_746 : i32 to index
        %swap3A_801 = arith.constant 64 : index
        %swap3A_802 = tpu.vector_load %arg9[%swap3A_800, %swap3A_801] {strides = array<i32>} : memref<200x128xf32, #tpu.memory_space<vmem>>, vector<1x16xf32>,
        %swap3A_803 = vector.shape_cast %swap3A_802 : vector<1x16xf32> to vector<16xf32>
        %swap3A_804 = vector.shape_cast %mul3A_799 : vector<16xf32> to vector<1x16xf32>
        tpu.vector_store %arg9[%swap3A_800, %swap3A_801], %swap3A_804 {strides = array<i32>} : memref<200x128xf32, #tpu.memory_space<vmem>>, vector<1x16xf32>,
        %get3A_805 = arith.index_cast %add3A_746 : i32 to index
        %get3A_806 = arith.constant 80 : index
        %get3A_807 = tpu.vector_load %arg9[%get3A_805, %get3A_806] {strides = array<i32>} : memref<200x128xf32, #tpu.memory_space<vmem>>, vector<1x16xf32>,
        %get3A_808 = vector.shape_cast %get3A_807 : vector<1x16xf32> to vector<16xf32>
        %mul3A_809 = arith.constant 11.3137083 : f32
        %mul3A_810 = vector.broadcast %mul3A_809 : f32 to vector<16xf32>
        %mul3A_811 = arith.mulf %get3A_808, %mul3A_810 : vector<16xf32>
        %swap3A_812 = arith.index_cast %add3A_746 : i32 to index
        %swap3A_813 = arith.constant 80 : index
        %swap3A_814 = tpu.vector_load %arg9[%swap3A_812, %swap3A_813] {strides = array<i32>} : memref<200x128xf32, #tpu.memory_space<vmem>>, vector<1x16xf32>,
        %swap3A_815 = vector.shape_cast %swap3A_814 : vector<1x16xf32> to vector<16xf32>
        %swap3A_816 = vector.shape_cast %mul3A_811 : vector<16xf32> to vector<1x16xf32>
        tpu.vector_store %arg9[%swap3A_812, %swap3A_813], %swap3A_816 {strides = array<i32>} : memref<200x128xf32, #tpu.memory_space<vmem>>, vector<1x16xf32>,
        %get3A_817 = arith.index_cast %add3A_746 : i32 to index
        %get3A_818 = arith.constant 96 : index
        %get3A_819 = tpu.vector_load %arg9[%get3A_817, %get3A_818] {strides = array<i32>} : memref<200x128xf32, #tpu.memory_space<vmem>>, vector<1x16xf32>,
        %get3A_820 = vector.shape_cast %get3A_819 : vector<1x16xf32> to vector<16xf32>
        %mul3A_821 = arith.constant 11.3137083 : f32
        %mul3A_822 = vector.broadcast %mul3A_821 : f32 to vector<16xf32>
        %mul3A_823 = arith.mulf %get3A_820, %mul3A_822 : vector<16xf32>
        %swap3A_824 = arith.index_cast %add3A_746 : i32 to index
        %swap3A_825 = arith.constant 96 : index
        %swap3A_826 = tpu.vector_load %arg9[%swap3A_824, %swap3A_825] {strides = array<i32>} : memref<200x128xf32, #tpu.memory_space<vmem>>, vector<1x16xf32>,
        %swap3A_827 = vector.shape_cast %swap3A_826 : vector<1x16xf32> to vector<16xf32>
        %swap3A_828 = vector.shape_cast %mul3A_823 : vector<16xf32> to vector<1x16xf32>
        tpu.vector_store %arg9[%swap3A_824, %swap3A_825], %swap3A_828 {strides = array<i32>} : memref<200x128xf32, #tpu.memory_space<vmem>>, vector<1x16xf32>,
        %get3A_829 = arith.index_cast %add3A_746 : i32 to index
        %get3A_830 = arith.constant 112 : index
        %get3A_831 = tpu.vector_load %arg9[%get3A_829, %get3A_830] {strides = array<i32>} : memref<200x128xf32, #tpu.memory_space<vmem>>, vector<1x16xf32>,
        %get3A_832 = vector.shape_cast %get3A_831 : vector<1x16xf32> to vector<16xf32>
        %mul3A_833 = arith.constant 11.3137083 : f32
        %mul3A_834 = vector.broadcast %mul3A_833 : f32 to vector<16xf32>
        %mul3A_835 = arith.mulf %get3A_832, %mul3A_834 : vector<16xf32>
        %swap3A_836 = arith.index_cast %add3A_746 : i32 to index
        %swap3A_837 = arith.constant 112 : index
        %swap3A_838 = tpu.vector_load %arg9[%swap3A_836, %swap3A_837] {strides = array<i32>} : memref<200x128xf32, #tpu.memory_space<vmem>>, vector<1x16xf32>,
        %swap3A_839 = vector.shape_cast %swap3A_838 : vector<1x16xf32> to vector<16xf32>
        %swap3A_840 = vector.shape_cast %mul3A_835 : vector<16xf32> to vector<1x16xf32>
        tpu.vector_store %arg9[%swap3A_836, %swap3A_837], %swap3A_840 {strides = array<i32>} : memref<200x128xf32, #tpu.memory_space<vmem>>, vector<1x16xf32>,
        %scan3A_841 = arith.constant 1 : i32
        %scan3A_842 = arith.addi %scan3A_742, %scan3A_841 : i32
        %mul3A_843 = arith.constant 1 : i32
        %mul3A_844 = arith.muli %scan3A_842, %mul3A_843 : i32
        %add3A_845 = arith.constant 0 : i32
        %add3A_846 = arith.addi %add3A_845, %mul3A_844 : i32
        %get3A_847 = arith.index_cast %add3A_846 : i32 to index
        %get3A_848 = arith.constant 0 : index
        %get3A_849 = tpu.vector_load %arg9[%get3A_847, %get3A_848] {strides = array<i32>} : memref<200x128xf32, #tpu.memory_space<vmem>>, vector<1x16xf32>,
        %get3A_850 = vector.shape_cast %get3A_849 : vector<1x16xf32> to vector<16xf32>
        %mul3A_851 = arith.constant 11.3137083 : f32
        %mul3A_852 = vector.broadcast %mul3A_851 : f32 to vector<16xf32>
        %mul3A_853 = arith.mulf %get3A_850, %mul3A_852 : vector<16xf32>
        %swap3A_854 = arith.index_cast %add3A_846 : i32 to index
        %swap3A_855 = arith.constant 0 : index
        %swap3A_856 = tpu.vector_load %arg9[%swap3A_854, %swap3A_855] {strides = array<i32>} : memref<200x128xf32, #tpu.memory_space<vmem>>, vector<1x16xf32>,
        %swap3A_857 = vector.shape_cast %swap3A_856 : vector<1x16xf32> to vector<16xf32>
        %swap3A_858 = vector.shape_cast %mul3A_853 : vector<16xf32> to vector<1x16xf32>
        tpu.vector_store %arg9[%swap3A_854, %swap3A_855], %swap3A_858 {strides = array<i32>} : memref<200x128xf32, #tpu.memory_space<vmem>>, vector<1x16xf32>,
        %get3A_859 = arith.index_cast %add3A_846 : i32 to index
        %get3A_860 = arith.constant 16 : index
        %get3A_861 = tpu.vector_load %arg9[%get3A_859, %get3A_860] {strides = array<i32>} : memref<200x128xf32, #tpu.memory_space<vmem>>, vector<1x16xf32>,
        %get3A_862 = vector.shape_cast %get3A_861 : vector<1x16xf32> to vector<16xf32>
        %mul3A_863 = arith.constant 11.3137083 : f32
        %mul3A_864 = vector.broadcast %mul3A_863 : f32 to vector<16xf32>
        %mul3A_865 = arith.mulf %get3A_862, %mul3A_864 : vector<16xf32>
        %swap3A_866 = arith.index_cast %add3A_846 : i32 to index
        %swap3A_867 = arith.constant 16 : index
        %swap3A_868 = tpu.vector_load %arg9[%swap3A_866, %swap3A_867] {strides = array<i32>} : memref<200x128xf32, #tpu.memory_space<vmem>>, vector<1x16xf32>,
        %swap3A_869 = vector.shape_cast %swap3A_868 : vector<1x16xf32> to vector<16xf32>
        %swap3A_870 = vector.shape_cast %mul3A_865 : vector<16xf32> to vector<1x16xf32>
        tpu.vector_store %arg9[%swap3A_866, %swap3A_867], %swap3A_870 {strides = array<i32>} : memref<200x128xf32, #tpu.memory_space<vmem>>, vector<1x16xf32>,
        %get3A_871 = arith.index_cast %add3A_846 : i32 to index
        %get3A_872 = arith.constant 32 : index
        %get3A_873 = tpu.vector_load %arg9[%get3A_871, %get3A_872] {strides = array<i32>} : memref<200x128xf32, #tpu.memory_space<vmem>>, vector<1x16xf32>,
        %get3A_874 = vector.shape_cast %get3A_873 : vector<1x16xf32> to vector<16xf32>
        %mul3A_875 = arith.constant 11.3137083 : f32
        %mul3A_876 = vector.broadcast %mul3A_875 : f32 to vector<16xf32>
        %mul3A_877 = arith.mulf %get3A_874, %mul3A_876 : vector<16xf32>
        %swap3A_878 = arith.index_cast %add3A_846 : i32 to index
        %swap3A_879 = arith.constant 32 : index
        %swap3A_880 = tpu.vector_load %arg9[%swap3A_878, %swap3A_879] {strides = array<i32>} : memref<200x128xf32, #tpu.memory_space<vmem>>, vector<1x16xf32>,
        %swap3A_881 = vector.shape_cast %swap3A_880 : vector<1x16xf32> to vector<16xf32>
        %swap3A_882 = vector.shape_cast %mul3A_877 : vector<16xf32> to vector<1x16xf32>
        tpu.vector_store %arg9[%swap3A_878, %swap3A_879], %swap3A_882 {strides = array<i32>} : memref<200x128xf32, #tpu.memory_space<vmem>>, vector<1x16xf32>,
        %get3A_883 = arith.index_cast %add3A_846 : i32 to index
        %get3A_884 = arith.constant 48 : index
        %get3A_885 = tpu.vector_load %arg9[%get3A_883, %get3A_884] {strides = array<i32>} : memref<200x128xf32, #tpu.memory_space<vmem>>, vector<1x16xf32>,
        %get3A_886 = vector.shape_cast %get3A_885 : vector<1x16xf32> to vector<16xf32>
        %mul3A_887 = arith.constant 11.3137083 : f32
        %mul3A_888 = vector.broadcast %mul3A_887 : f32 to vector<16xf32>
        %mul3A_889 = arith.mulf %get3A_886, %mul3A_888 : vector<16xf32>
        %swap3A_890 = arith.index_cast %add3A_846 : i32 to index
        %swap3A_891 = arith.constant 48 : index
        %swap3A_892 = tpu.vector_load %arg9[%swap3A_890, %swap3A_891] {strides = array<i32>} : memref<200x128xf32, #tpu.memory_space<vmem>>, vector<1x16xf32>,
        %swap3A_893 = vector.shape_cast %swap3A_892 : vector<1x16xf32> to vector<16xf32>
        %swap3A_894 = vector.shape_cast %mul3A_889 : vector<16xf32> to vector<1x16xf32>
        tpu.vector_store %arg9[%swap3A_890, %swap3A_891], %swap3A_894 {strides = array<i32>} : memref<200x128xf32, #tpu.memory_space<vmem>>, vector<1x16xf32>,
        %get3A_895 = arith.index_cast %add3A_846 : i32 to index
        %get3A_896 = arith.constant 64 : index
        %get3A_897 = tpu.vector_load %arg9[%get3A_895, %get3A_896] {strides = array<i32>} : memref<200x128xf32, #tpu.memory_space<vmem>>, vector<1x16xf32>,
        %get3A_898 = vector.shape_cast %get3A_897 : vector<1x16xf32> to vector<16xf32>
        %mul3A_899 = arith.constant 11.3137083 : f32
        %mul3A_900 = vector.broadcast %mul3A_899 : f32 to vector<16xf32>
        %mul3A_901 = arith.mulf %get3A_898, %mul3A_900 : vector<16xf32>
        %swap3A_902 = arith.index_cast %add3A_846 : i32 to index
        %swap3A_903 = arith.constant 64 : index
        %swap3A_904 = tpu.vector_load %arg9[%swap3A_902, %swap3A_903] {strides = array<i32>} : memref<200x128xf32, #tpu.memory_space<vmem>>, vector<1x16xf32>,
        %swap3A_905 = vector.shape_cast %swap3A_904 : vector<1x16xf32> to vector<16xf32>
        %swap3A_906 = vector.shape_cast %mul3A_901 : vector<16xf32> to vector<1x16xf32>
        tpu.vector_store %arg9[%swap3A_902, %swap3A_903], %swap3A_906 {strides = array<i32>} : memref<200x128xf32, #tpu.memory_space<vmem>>, vector<1x16xf32>,
        %get3A_907 = arith.index_cast %add3A_846 : i32 to index
        %get3A_908 = arith.constant 80 : index
        %get3A_909 = tpu.vector_load %arg9[%get3A_907, %get3A_908] {strides = array<i32>} : memref<200x128xf32, #tpu.memory_space<vmem>>, vector<1x16xf32>,
        %get3A_910 = vector.shape_cast %get3A_909 : vector<1x16xf32> to vector<16xf32>
        %mul3A_911 = arith.constant 11.3137083 : f32
        %mul3A_912 = vector.broadcast %mul3A_911 : f32 to vector<16xf32>
        %mul3A_913 = arith.mulf %get3A_910, %mul3A_912 : vector<16xf32>
        %swap3A_914 = arith.index_cast %add3A_846 : i32 to index
        %swap3A_915 = arith.constant 80 : index
        %swap3A_916 = tpu.vector_load %arg9[%swap3A_914, %swap3A_915] {strides = array<i32>} : memref<200x128xf32, #tpu.memory_space<vmem>>, vector<1x16xf32>,
        %swap3A_917 = vector.shape_cast %swap3A_916 : vector<1x16xf32> to vector<16xf32>
        %swap3A_918 = vector.shape_cast %mul3A_913 : vector<16xf32> to vector<1x16xf32>
        tpu.vector_store %arg9[%swap3A_914, %swap3A_915], %swap3A_918 {strides = array<i32>} : memref<200x128xf32, #tpu.memory_space<vmem>>, vector<1x16xf32>,
        %get3A_919 = arith.index_cast %add3A_846 : i32 to index
        %get3A_920 = arith.constant 96 : index
        %get3A_921 = tpu.vector_load %arg9[%get3A_919, %get3A_920] {strides = array<i32>} : memref<200x128xf32, #tpu.memory_space<vmem>>, vector<1x16xf32>,
        %get3A_922 = vector.shape_cast %get3A_921 : vector<1x16xf32> to vector<16xf32>
        %mul3A_923 = arith.constant 11.3137083 : f32
        %mul3A_924 = vector.broadcast %mul3A_923 : f32 to vector<16xf32>
        %mul3A_925 = arith.mulf %get3A_922, %mul3A_924 : vector<16xf32>
        %swap3A_926 = arith.index_cast %add3A_846 : i32 to index
        %swap3A_927 = arith.constant 96 : index
        %swap3A_928 = tpu.vector_load %arg9[%swap3A_926, %swap3A_927] {strides = array<i32>} : memref<200x128xf32, #tpu.memory_space<vmem>>, vector<1x16xf32>,
        %swap3A_929 = vector.shape_cast %swap3A_928 : vector<1x16xf32> to vector<16xf32>
        %swap3A_930 = vector.shape_cast %mul3A_925 : vector<16xf32> to vector<1x16xf32>
        tpu.vector_store %arg9[%swap3A_926, %swap3A_927], %swap3A_930 {strides = array<i32>} : memref<200x128xf32, #tpu.memory_space<vmem>>, vector<1x16xf32>,
        %get3A_931 = arith.index_cast %add3A_846 : i32 to index
        %get3A_932 = arith.constant 112 : index
        %get3A_933 = tpu.vector_load %arg9[%get3A_931, %get3A_932] {strides = array<i32>} : memref<200x128xf32, #tpu.memory_space<vmem>>, vector<1x16xf32>,
        %get3A_934 = vector.shape_cast %get3A_933 : vector<1x16xf32> to vector<16xf32>
        %mul3A_935 = arith.constant 11.3137083 : f32
        %mul3A_936 = vector.broadcast %mul3A_935 : f32 to vector<16xf32>
        %mul3A_937 = arith.mulf %get3A_934, %mul3A_936 : vector<16xf32>
        %swap3A_938 = arith.index_cast %add3A_846 : i32 to index
        %swap3A_939 = arith.constant 112 : index
        %swap3A_940 = tpu.vector_load %arg9[%swap3A_938, %swap3A_939] {strides = array<i32>} : memref<200x128xf32, #tpu.memory_space<vmem>>, vector<1x16xf32>,
        %swap3A_941 = vector.shape_cast %swap3A_940 : vector<1x16xf32> to vector<16xf32>
        %swap3A_942 = vector.shape_cast %mul3A_937 : vector<16xf32> to vector<1x16xf32>
        tpu.vector_store %arg9[%swap3A_938, %swap3A_939], %swap3A_942 {strides = array<i32>} : memref<200x128xf32, #tpu.memory_space<vmem>>, vector<1x16xf32>,
        %scan3A_943 = arith.constant 2 : i32
        %scan3A_944 = arith.addi %scan3A_742, %scan3A_943 : i32
        %mul3A_945 = arith.constant 1 : i32
        %mul3A_946 = arith.muli %scan3A_944, %mul3A_945 : i32
        %add3A_947 = arith.constant 0 : i32
        %add3A_948 = arith.addi %add3A_947, %mul3A_946 : i32
        %get3A_949 = arith.index_cast %add3A_948 : i32 to index
        %get3A_950 = arith.constant 0 : index
        %get3A_951 = tpu.vector_load %arg9[%get3A_949, %get3A_950] {strides = array<i32>} : memref<200x128xf32, #tpu.memory_space<vmem>>, vector<1x16xf32>,
        %get3A_952 = vector.shape_cast %get3A_951 : vector<1x16xf32> to vector<16xf32>
        %mul3A_953 = arith.constant 11.3137083 : f32
        %mul3A_954 = vector.broadcast %mul3A_953 : f32 to vector<16xf32>
        %mul3A_955 = arith.mulf %get3A_952, %mul3A_954 : vector<16xf32>
        %swap3A_956 = arith.index_cast %add3A_948 : i32 to index
        %swap3A_957 = arith.constant 0 : index
        %swap3A_958 = tpu.vector_load %arg9[%swap3A_956, %swap3A_957] {strides = array<i32>} : memref<200x128xf32, #tpu.memory_space<vmem>>, vector<1x16xf32>,
        %swap3A_959 = vector.shape_cast %swap3A_958 : vector<1x16xf32> to vector<16xf32>
        %swap3A_960 = vector.shape_cast %mul3A_955 : vector<16xf32> to vector<1x16xf32>
        tpu.vector_store %arg9[%swap3A_956, %swap3A_957], %swap3A_960 {strides = array<i32>} : memref<200x128xf32, #tpu.memory_space<vmem>>, vector<1x16xf32>,
        %get3A_961 = arith.index_cast %add3A_948 : i32 to index
        %get3A_962 = arith.constant 16 : index
        %get3A_963 = tpu.vector_load %arg9[%get3A_961, %get3A_962] {strides = array<i32>} : memref<200x128xf32, #tpu.memory_space<vmem>>, vector<1x16xf32>,
        %get3A_964 = vector.shape_cast %get3A_963 : vector<1x16xf32> to vector<16xf32>
        %mul3A_965 = arith.constant 11.3137083 : f32
        %mul3A_966 = vector.broadcast %mul3A_965 : f32 to vector<16xf32>
        %mul3A_967 = arith.mulf %get3A_964, %mul3A_966 : vector<16xf32>
        %swap3A_968 = arith.index_cast %add3A_948 : i32 to index
        %swap3A_969 = arith.constant 16 : index
        %swap3A_970 = tpu.vector_load %arg9[%swap3A_968, %swap3A_969] {strides = array<i32>} : memref<200x128xf32, #tpu.memory_space<vmem>>, vector<1x16xf32>,
        %swap3A_971 = vector.shape_cast %swap3A_970 : vector<1x16xf32> to vector<16xf32>
        %swap3A_972 = vector.shape_cast %mul3A_967 : vector<16xf32> to vector<1x16xf32>
        tpu.vector_store %arg9[%swap3A_968, %swap3A_969], %swap3A_972 {strides = array<i32>} : memref<200x128xf32, #tpu.memory_space<vmem>>, vector<1x16xf32>,
        %get3A_973 = arith.index_cast %add3A_948 : i32 to index
        %get3A_974 = arith.constant 32 : index
        %get3A_975 = tpu.vector_load %arg9[%get3A_973, %get3A_974] {strides = array<i32>} : memref<200x128xf32, #tpu.memory_space<vmem>>, vector<1x16xf32>,
        %get3A_976 = vector.shape_cast %get3A_975 : vector<1x16xf32> to vector<16xf32>
        %mul3A_977 = arith.constant 11.3137083 : f32
        %mul3A_978 = vector.broadcast %mul3A_977 : f32 to vector<16xf32>
        %mul3A_979 = arith.mulf %get3A_976, %mul3A_978 : vector<16xf32>
        %swap3A_980 = arith.index_cast %add3A_948 : i32 to index
        %swap3A_981 = arith.constant 32 : index
        %swap3A_982 = tpu.vector_load %arg9[%swap3A_980, %swap3A_981] {strides = array<i32>} : memref<200x128xf32, #tpu.memory_space<vmem>>, vector<1x16xf32>,
        %swap3A_983 = vector.shape_cast %swap3A_982 : vector<1x16xf32> to vector<16xf32>
        %swap3A_984 = vector.shape_cast %mul3A_979 : vector<16xf32> to vector<1x16xf32>
        tpu.vector_store %arg9[%swap3A_980, %swap3A_981], %swap3A_984 {strides = array<i32>} : memref<200x128xf32, #tpu.memory_space<vmem>>, vector<1x16xf32>,
        %get3A_985 = arith.index_cast %add3A_948 : i32 to index
        %get3A_986 = arith.constant 48 : index
        %get3A_987 = tpu.vector_load %arg9[%get3A_985, %get3A_986] {strides = array<i32>} : memref<200x128xf32, #tpu.memory_space<vmem>>, vector<1x16xf32>,
        %get3A_988 = vector.shape_cast %get3A_987 : vector<1x16xf32> to vector<16xf32>
        %mul3A_989 = arith.constant 11.3137083 : f32
        %mul3A_990 = vector.broadcast %mul3A_989 : f32 to vector<16xf32>
        %mul3A_991 = arith.mulf %get3A_988, %mul3A_990 : vector<16xf32>
        %swap3A_992 = arith.index_cast %add3A_948 : i32 to index
        %swap3A_993 = arith.constant 48 : index
        %swap3A_994 = tpu.vector_load %arg9[%swap3A_992, %swap3A_993] {strides = array<i32>} : memref<200x128xf32, #tpu.memory_space<vmem>>, vector<1x16xf32>,
        %swap3A_995 = vector.shape_cast %swap3A_994 : vector<1x16xf32> to vector<16xf32>
        %swap3A_996 = vector.shape_cast %mul3A_991 : vector<16xf32> to vector<1x16xf32>
        tpu.vector_store %arg9[%swap3A_992, %swap3A_993], %swap3A_996 {strides = array<i32>} : memref<200x128xf32, #tpu.memory_space<vmem>>, vector<1x16xf32>,
        %get3A_997 = arith.index_cast %add3A_948 : i32 to index
        %get3A_998 = arith.constant 64 : index
        %get3A_999 = tpu.vector_load %arg9[%get3A_997, %get3A_998] {strides = array<i32>} : memref<200x128xf32, #tpu.memory_space<vmem>>, vector<1x16xf32>,
        %get3A_1000 = vector.shape_cast %get3A_999 : vector<1x16xf32> to vector<16xf32>
        %mul3A_1001 = arith.constant 11.3137083 : f32
        %mul3A_1002 = vector.broadcast %mul3A_1001 : f32 to vector<16xf32>
        %mul3A_1003 = arith.mulf %get3A_1000, %mul3A_1002 : vector<16xf32>
        %swap3A_1004 = arith.index_cast %add3A_948 : i32 to index
        %swap3A_1005 = arith.constant 64 : index
        %swap3A_1006 = tpu.vector_load %arg9[%swap3A_1004, %swap3A_1005] {strides = array<i32>} : memref<200x128xf32, #tpu.memory_space<vmem>>, vector<1x16xf32>,
        %swap3A_1007 = vector.shape_cast %swap3A_1006 : vector<1x16xf32> to vector<16xf32>
        %swap3A_1008 = vector.shape_cast %mul3A_1003 : vector<16xf32> to vector<1x16xf32>
        tpu.vector_store %arg9[%swap3A_1004, %swap3A_1005], %swap3A_1008 {strides = array<i32>} : memref<200x128xf32, #tpu.memory_space<vmem>>, vector<1x16xf32>,
        %get3A_1009 = arith.index_cast %add3A_948 : i32 to index
        %get3A_1010 = arith.constant 80 : index
        %get3A_1011 = tpu.vector_load %arg9[%get3A_1009, %get3A_1010] {strides = array<i32>} : memref<200x128xf32, #tpu.memory_space<vmem>>, vector<1x16xf32>,
        %get3A_1012 = vector.shape_cast %get3A_1011 : vector<1x16xf32> to vector<16xf32>
        %mul3A_1013 = arith.constant 11.3137083 : f32
        %mul3A_1014 = vector.broadcast %mul3A_1013 : f32 to vector<16xf32>
        %mul3A_1015 = arith.mulf %get3A_1012, %mul3A_1014 : vector<16xf32>
        %swap3A_1016 = arith.index_cast %add3A_948 : i32 to index
        %swap3A_1017 = arith.constant 80 : index
        %swap3A_1018 = tpu.vector_load %arg9[%swap3A_1016, %swap3A_1017] {strides = array<i32>} : memref<200x128xf32, #tpu.memory_space<vmem>>, vector<1x16xf32>,
        %swap3A_1019 = vector.shape_cast %swap3A_1018 : vector<1x16xf32> to vector<16xf32>
        %swap3A_1020 = vector.shape_cast %mul3A_1015 : vector<16xf32> to vector<1x16xf32>
        tpu.vector_store %arg9[%swap3A_1016, %swap3A_1017], %swap3A_1020 {strides = array<i32>} : memref<200x128xf32, #tpu.memory_space<vmem>>, vector<1x16xf32>,
        %get3A_1021 = arith.index_cast %add3A_948 : i32 to index
        %get3A_1022 = arith.constant 96 : index
        %get3A_1023 = tpu.vector_load %arg9[%get3A_1021, %get3A_1022] {strides = array<i32>} : memref<200x128xf32, #tpu.memory_space<vmem>>, vector<1x16xf32>,
        %get3A_1024 = vector.shape_cast %get3A_1023 : vector<1x16xf32> to vector<16xf32>
        %mul3A_1025 = arith.constant 11.3137083 : f32
        %mul3A_1026 = vector.broadcast %mul3A_1025 : f32 to vector<16xf32>
        %mul3A_1027 = arith.mulf %get3A_1024, %mul3A_1026 : vector<16xf32>
        %swap3A_1028 = arith.index_cast %add3A_948 : i32 to index
        %swap3A_1029 = arith.constant 96 : index
        %swap3A_1030 = tpu.vector_load %arg9[%swap3A_1028, %swap3A_1029] {strides = array<i32>} : memref<200x128xf32, #tpu.memory_space<vmem>>, vector<1x16xf32>,
        %swap3A_1031 = vector.shape_cast %swap3A_1030 : vector<1x16xf32> to vector<16xf32>
        %swap3A_1032 = vector.shape_cast %mul3A_1027 : vector<16xf32> to vector<1x16xf32>
        tpu.vector_store %arg9[%swap3A_1028, %swap3A_1029], %swap3A_1032 {strides = array<i32>} : memref<200x128xf32, #tpu.memory_space<vmem>>, vector<1x16xf32>,
        %get3A_1033 = arith.index_cast %add3A_948 : i32 to index
        %get3A_1034 = arith.constant 112 : index
        %get3A_1035 = tpu.vector_load %arg9[%get3A_1033, %get3A_1034] {strides = array<i32>} : memref<200x128xf32, #tpu.memory_space<vmem>>, vector<1x16xf32>,
        %get3A_1036 = vector.shape_cast %get3A_1035 : vector<1x16xf32> to vector<16xf32>
        %mul3A_1037 = arith.constant 11.3137083 : f32
        %mul3A_1038 = vector.broadcast %mul3A_1037 : f32 to vector<16xf32>
        %mul3A_1039 = arith.mulf %get3A_1036, %mul3A_1038 : vector<16xf32>
        %swap3A_1040 = arith.index_cast %add3A_948 : i32 to index
        %swap3A_1041 = arith.constant 112 : index
        %swap3A_1042 = tpu.vector_load %arg9[%swap3A_1040, %swap3A_1041] {strides = array<i32>} : memref<200x128xf32, #tpu.memory_space<vmem>>, vector<1x16xf32>,
        %swap3A_1043 = vector.shape_cast %swap3A_1042 : vector<1x16xf32> to vector<16xf32>
        %swap3A_1044 = vector.shape_cast %mul3A_1039 : vector<16xf32> to vector<1x16xf32>
        tpu.vector_store %arg9[%swap3A_1040, %swap3A_1041], %swap3A_1044 {strides = array<i32>} : memref<200x128xf32, #tpu.memory_space<vmem>>, vector<1x16xf32>,
        %scan3A_1045 = arith.constant 3 : i32
        %scan3A_1046 = arith.addi %scan3A_742, %scan3A_1045 : i32
        %mul3A_1047 = arith.constant 1 : i32
        %mul3A_1048 = arith.muli %scan3A_1046, %mul3A_1047 : i32
        %add3A_1049 = arith.constant 0 : i32
        %add3A_1050 = arith.addi %add3A_1049, %mul3A_1048 : i32
        %get3A_1051 = arith.index_cast %add3A_1050 : i32 to index
        %get3A_1052 = arith.constant 0 : index
        %get3A_1053 = tpu.vector_load %arg9[%get3A_1051, %get3A_1052] {strides = array<i32>} : memref<200x128xf32, #tpu.memory_space<vmem>>, vector<1x16xf32>,
        %get3A_1054 = vector.shape_cast %get3A_1053 : vector<1x16xf32> to vector<16xf32>
        %mul3A_1055 = arith.constant 11.3137083 : f32
        %mul3A_1056 = vector.broadcast %mul3A_1055 : f32 to vector<16xf32>
        %mul3A_1057 = arith.mulf %get3A_1054, %mul3A_1056 : vector<16xf32>
        %swap3A_1058 = arith.index_cast %add3A_1050 : i32 to index
        %swap3A_1059 = arith.constant 0 : index
        %swap3A_1060 = tpu.vector_load %arg9[%swap3A_1058, %swap3A_1059] {strides = array<i32>} : memref<200x128xf32, #tpu.memory_space<vmem>>, vector<1x16xf32>,
        %swap3A_1061 = vector.shape_cast %swap3A_1060 : vector<1x16xf32> to vector<16xf32>
        %swap3A_1062 = vector.shape_cast %mul3A_1057 : vector<16xf32> to vector<1x16xf32>
        tpu.vector_store %arg9[%swap3A_1058, %swap3A_1059], %swap3A_1062 {strides = array<i32>} : memref<200x128xf32, #tpu.memory_space<vmem>>, vector<1x16xf32>,
        %get3A_1063 = arith.index_cast %add3A_1050 : i32 to index
        %get3A_1064 = arith.constant 16 : index
        %get3A_1065 = tpu.vector_load %arg9[%get3A_1063, %get3A_1064] {strides = array<i32>} : memref<200x128xf32, #tpu.memory_space<vmem>>, vector<1x16xf32>,
        %get3A_1066 = vector.shape_cast %get3A_1065 : vector<1x16xf32> to vector<16xf32>
        %mul3A_1067 = arith.constant 11.3137083 : f32
        %mul3A_1068 = vector.broadcast %mul3A_1067 : f32 to vector<16xf32>
        %mul3A_1069 = arith.mulf %get3A_1066, %mul3A_1068 : vector<16xf32>
        %swap3A_1070 = arith.index_cast %add3A_1050 : i32 to index
        %swap3A_1071 = arith.constant 16 : index
        %swap3A_1072 = tpu.vector_load %arg9[%swap3A_1070, %swap3A_1071] {strides = array<i32>} : memref<200x128xf32, #tpu.memory_space<vmem>>, vector<1x16xf32>,
        %swap3A_1073 = vector.shape_cast %swap3A_1072 : vector<1x16xf32> to vector<16xf32>
        %swap3A_1074 = vector.shape_cast %mul3A_1069 : vector<16xf32> to vector<1x16xf32>
        tpu.vector_store %arg9[%swap3A_1070, %swap3A_1071], %swap3A_1074 {strides = array<i32>} : memref<200x128xf32, #tpu.memory_space<vmem>>, vector<1x16xf32>,
        %get3A_1075 = arith.index_cast %add3A_1050 : i32 to index
        %get3A_1076 = arith.constant 32 : index
        %get3A_1077 = tpu.vector_load %arg9[%get3A_1075, %get3A_1076] {strides = array<i32>} : memref<200x128xf32, #tpu.memory_space<vmem>>, vector<1x16xf32>,
        %get3A_1078 = vector.shape_cast %get3A_1077 : vector<1x16xf32> to vector<16xf32>
        %mul3A_1079 = arith.constant 11.3137083 : f32
        %mul3A_1080 = vector.broadcast %mul3A_1079 : f32 to vector<16xf32>
        %mul3A_1081 = arith.mulf %get3A_1078, %mul3A_1080 : vector<16xf32>
        %swap3A_1082 = arith.index_cast %add3A_1050 : i32 to index
        %swap3A_1083 = arith.constant 32 : index
        %swap3A_1084 = tpu.vector_load %arg9[%swap3A_1082, %swap3A_1083] {strides = array<i32>} : memref<200x128xf32, #tpu.memory_space<vmem>>, vector<1x16xf32>,
        %swap3A_1085 = vector.shape_cast %swap3A_1084 : vector<1x16xf32> to vector<16xf32>
        %swap3A_1086 = vector.shape_cast %mul3A_1081 : vector<16xf32> to vector<1x16xf32>
        tpu.vector_store %arg9[%swap3A_1082, %swap3A_1083], %swap3A_1086 {strides = array<i32>} : memref<200x128xf32, #tpu.memory_space<vmem>>, vector<1x16xf32>,
        %get3A_1087 = arith.index_cast %add3A_1050 : i32 to index
        %get3A_1088 = arith.constant 48 : index
        %get3A_1089 = tpu.vector_load %arg9[%get3A_1087, %get3A_1088] {strides = array<i32>} : memref<200x128xf32, #tpu.memory_space<vmem>>, vector<1x16xf32>,
        %get3A_1090 = vector.shape_cast %get3A_1089 : vector<1x16xf32> to vector<16xf32>
        %mul3A_1091 = arith.constant 11.3137083 : f32
        %mul3A_1092 = vector.broadcast %mul3A_1091 : f32 to vector<16xf32>
        %mul3A_1093 = arith.mulf %get3A_1090, %mul3A_1092 : vector<16xf32>
        %swap3A_1094 = arith.index_cast %add3A_1050 : i32 to index
        %swap3A_1095 = arith.constant 48 : index
        %swap3A_1096 = tpu.vector_load %arg9[%swap3A_1094, %swap3A_1095] {strides = array<i32>} : memref<200x128xf32, #tpu.memory_space<vmem>>, vector<1x16xf32>,
        %swap3A_1097 = vector.shape_cast %swap3A_1096 : vector<1x16xf32> to vector<16xf32>
        %swap3A_1098 = vector.shape_cast %mul3A_1093 : vector<16xf32> to vector<1x16xf32>
        tpu.vector_store %arg9[%swap3A_1094, %swap3A_1095], %swap3A_1098 {strides = array<i32>} : memref<200x128xf32, #tpu.memory_space<vmem>>, vector<1x16xf32>,
        %get3A_1099 = arith.index_cast %add3A_1050 : i32 to index
        %get3A_1100 = arith.constant 64 : index
        %get3A_1101 = tpu.vector_load %arg9[%get3A_1099, %get3A_1100] {strides = array<i32>} : memref<200x128xf32, #tpu.memory_space<vmem>>, vector<1x16xf32>,
        %get3A_1102 = vector.shape_cast %get3A_1101 : vector<1x16xf32> to vector<16xf32>
        %mul3A_1103 = arith.constant 11.3137083 : f32
        %mul3A_1104 = vector.broadcast %mul3A_1103 : f32 to vector<16xf32>
        %mul3A_1105 = arith.mulf %get3A_1102, %mul3A_1104 : vector<16xf32>
        %swap3A_1106 = arith.index_cast %add3A_1050 : i32 to index
        %swap3A_1107 = arith.constant 64 : index
        %swap3A_1108 = tpu.vector_load %arg9[%swap3A_1106, %swap3A_1107] {strides = array<i32>} : memref<200x128xf32, #tpu.memory_space<vmem>>, vector<1x16xf32>,
        %swap3A_1109 = vector.shape_cast %swap3A_1108 : vector<1x16xf32> to vector<16xf32>
        %swap3A_1110 = vector.shape_cast %mul3A_1105 : vector<16xf32> to vector<1x16xf32>
        tpu.vector_store %arg9[%swap3A_1106, %swap3A_1107], %swap3A_1110 {strides = array<i32>} : memref<200x128xf32, #tpu.memory_space<vmem>>, vector<1x16xf32>,
        %get3A_1111 = arith.index_cast %add3A_1050 : i32 to index
        %get3A_1112 = arith.constant 80 : index
        %get3A_1113 = tpu.vector_load %arg9[%get3A_1111, %get3A_1112] {strides = array<i32>} : memref<200x128xf32, #tpu.memory_space<vmem>>, vector<1x16xf32>,
        %get3A_1114 = vector.shape_cast %get3A_1113 : vector<1x16xf32> to vector<16xf32>
        %mul3A_1115 = arith.constant 11.3137083 : f32
        %mul3A_1116 = vector.broadcast %mul3A_1115 : f32 to vector<16xf32>
        %mul3A_1117 = arith.mulf %get3A_1114, %mul3A_1116 : vector<16xf32>
        %swap3A_1118 = arith.index_cast %add3A_1050 : i32 to index
        %swap3A_1119 = arith.constant 80 : index
        %swap3A_1120 = tpu.vector_load %arg9[%swap3A_1118, %swap3A_1119] {strides = array<i32>} : memref<200x128xf32, #tpu.memory_space<vmem>>, vector<1x16xf32>,
        %swap3A_1121 = vector.shape_cast %swap3A_1120 : vector<1x16xf32> to vector<16xf32>
        %swap3A_1122 = vector.shape_cast %mul3A_1117 : vector<16xf32> to vector<1x16xf32>
        tpu.vector_store %arg9[%swap3A_1118, %swap3A_1119], %swap3A_1122 {strides = array<i32>} : memref<200x128xf32, #tpu.memory_space<vmem>>, vector<1x16xf32>,
        %get3A_1123 = arith.index_cast %add3A_1050 : i32 to index
        %get3A_1124 = arith.constant 96 : index
        %get3A_1125 = tpu.vector_load %arg9[%get3A_1123, %get3A_1124] {strides = array<i32>} : memref<200x128xf32, #tpu.memory_space<vmem>>, vector<1x16xf32>,
        %get3A_1126 = vector.shape_cast %get3A_1125 : vector<1x16xf32> to vector<16xf32>
        %mul3A_1127 = arith.constant 11.3137083 : f32
        %mul3A_1128 = vector.broadcast %mul3A_1127 : f32 to vector<16xf32>
        %mul3A_1129 = arith.mulf %get3A_1126, %mul3A_1128 : vector<16xf32>
        %swap3A_1130 = arith.index_cast %add3A_1050 : i32 to index
        %swap3A_1131 = arith.constant 96 : index
        %swap3A_1132 = tpu.vector_load %arg9[%swap3A_1130, %swap3A_1131] {strides = array<i32>} : memref<200x128xf32, #tpu.memory_space<vmem>>, vector<1x16xf32>,
        %swap3A_1133 = vector.shape_cast %swap3A_1132 : vector<1x16xf32> to vector<16xf32>
        %swap3A_1134 = vector.shape_cast %mul3A_1129 : vector<16xf32> to vector<1x16xf32>
        tpu.vector_store %arg9[%swap3A_1130, %swap3A_1131], %swap3A_1134 {strides = array<i32>} : memref<200x128xf32, #tpu.memory_space<vmem>>, vector<1x16xf32>,
        %get3A_1135 = arith.index_cast %add3A_1050 : i32 to index
        %get3A_1136 = arith.constant 112 : index
        %get3A_1137 = tpu.vector_load %arg9[%get3A_1135, %get3A_1136] {strides = array<i32>} : memref<200x128xf32, #tpu.memory_space<vmem>>, vector<1x16xf32>,
        %get3A_1138 = vector.shape_cast %get3A_1137 : vector<1x16xf32> to vector<16xf32>
        %mul3A_1139 = arith.constant 11.3137083 : f32
        %mul3A_1140 = vector.broadcast %mul3A_1139 : f32 to vector<16xf32>
        %mul3A_1141 = arith.mulf %get3A_1138, %mul3A_1140 : vector<16xf32>
        %swap3A_1142 = arith.index_cast %add3A_1050 : i32 to index
        %swap3A_1143 = arith.constant 112 : index
        %swap3A_1144 = tpu.vector_load %arg9[%swap3A_1142, %swap3A_1143] {strides = array<i32>} : memref<200x128xf32, #tpu.memory_space<vmem>>, vector<1x16xf32>,
        %swap3A_1145 = vector.shape_cast %swap3A_1144 : vector<1x16xf32> to vector<16xf32>
        %swap3A_1146 = vector.shape_cast %mul3A_1141 : vector<16xf32> to vector<1x16xf32>
        tpu.vector_store %arg9[%swap3A_1142, %swap3A_1143], %swap3A_1146 {strides = array<i32>} : memref<200x128xf32, #tpu.memory_space<vmem>>, vector<1x16xf32>,
        %scan3A_1147 = arith.constant 4 : i32
        %scan3A_1148 = arith.addi %scan3A_742, %scan3A_1147 : i32
        %mul3A_1149 = arith.constant 1 : i32
        %mul3A_1150 = arith.muli %scan3A_1148, %mul3A_1149 : i32
        %add3A_1151 = arith.constant 0 : i32
        %add3A_1152 = arith.addi %add3A_1151, %mul3A_1150 : i32
        %get3A_1153 = arith.index_cast %add3A_1152 : i32 to index
        %get3A_1154 = arith.constant 0 : index
        %get3A_1155 = tpu.vector_load %arg9[%get3A_1153, %get3A_1154] {strides = array<i32>} : memref<200x128xf32, #tpu.memory_space<vmem>>, vector<1x16xf32>,
        %get3A_1156 = vector.shape_cast %get3A_1155 : vector<1x16xf32> to vector<16xf32>
        %mul3A_1157 = arith.constant 11.3137083 : f32
        %mul3A_1158 = vector.broadcast %mul3A_1157 : f32 to vector<16xf32>
        %mul3A_1159 = arith.mulf %get3A_1156, %mul3A_1158 : vector<16xf32>
        %swap3A_1160 = arith.index_cast %add3A_1152 : i32 to index
        %swap3A_1161 = arith.constant 0 : index
        %swap3A_1162 = tpu.vector_load %arg9[%swap3A_1160, %swap3A_1161] {strides = array<i32>} : memref<200x128xf32, #tpu.memory_space<vmem>>, vector<1x16xf32>,
        %swap3A_1163 = vector.shape_cast %swap3A_1162 : vector<1x16xf32> to vector<16xf32>
        %swap3A_1164 = vector.shape_cast %mul3A_1159 : vector<16xf32> to vector<1x16xf32>
        tpu.vector_store %arg9[%swap3A_1160, %swap3A_1161], %swap3A_1164 {strides = array<i32>} : memref<200x128xf32, #tpu.memory_space<vmem>>, vector<1x16xf32>,
        %get3A_1165 = arith.index_cast %add3A_1152 : i32 to index
        %get3A_1166 = arith.constant 16 : index
        %get3A_1167 = tpu.vector_load %arg9[%get3A_1165, %get3A_1166] {strides = array<i32>} : memref<200x128xf32, #tpu.memory_space<vmem>>, vector<1x16xf32>,
        %get3A_1168 = vector.shape_cast %get3A_1167 : vector<1x16xf32> to vector<16xf32>
        %mul3A_1169 = arith.constant 11.3137083 : f32
        %mul3A_1170 = vector.broadcast %mul3A_1169 : f32 to vector<16xf32>
        %mul3A_1171 = arith.mulf %get3A_1168, %mul3A_1170 : vector<16xf32>
        %swap3A_1172 = arith.index_cast %add3A_1152 : i32 to index
        %swap3A_1173 = arith.constant 16 : index
        %swap3A_1174 = tpu.vector_load %arg9[%swap3A_1172, %swap3A_1173] {strides = array<i32>} : memref<200x128xf32, #tpu.memory_space<vmem>>, vector<1x16xf32>,
        %swap3A_1175 = vector.shape_cast %swap3A_1174 : vector<1x16xf32> to vector<16xf32>
        %swap3A_1176 = vector.shape_cast %mul3A_1171 : vector<16xf32> to vector<1x16xf32>
        tpu.vector_store %arg9[%swap3A_1172, %swap3A_1173], %swap3A_1176 {strides = array<i32>} : memref<200x128xf32, #tpu.memory_space<vmem>>, vector<1x16xf32>,
        %get3A_1177 = arith.index_cast %add3A_1152 : i32 to index
        %get3A_1178 = arith.constant 32 : index
        %get3A_1179 = tpu.vector_load %arg9[%get3A_1177, %get3A_1178] {strides = array<i32>} : memref<200x128xf32, #tpu.memory_space<vmem>>, vector<1x16xf32>,
        %get3A_1180 = vector.shape_cast %get3A_1179 : vector<1x16xf32> to vector<16xf32>
        %mul3A_1181 = arith.constant 11.3137083 : f32
        %mul3A_1182 = vector.broadcast %mul3A_1181 : f32 to vector<16xf32>
        %mul3A_1183 = arith.mulf %get3A_1180, %mul3A_1182 : vector<16xf32>
        %swap3A_1184 = arith.index_cast %add3A_1152 : i32 to index
        %swap3A_1185 = arith.constant 32 : index
        %swap3A_1186 = tpu.vector_load %arg9[%swap3A_1184, %swap3A_1185] {strides = array<i32>} : memref<200x128xf32, #tpu.memory_space<vmem>>, vector<1x16xf32>,
        %swap3A_1187 = vector.shape_cast %swap3A_1186 : vector<1x16xf32> to vector<16xf32>
        %swap3A_1188 = vector.shape_cast %mul3A_1183 : vector<16xf32> to vector<1x16xf32>
        tpu.vector_store %arg9[%swap3A_1184, %swap3A_1185], %swap3A_1188 {strides = array<i32>} : memref<200x128xf32, #tpu.memory_space<vmem>>, vector<1x16xf32>,
        %get3A_1189 = arith.index_cast %add3A_1152 : i32 to index
        %get3A_1190 = arith.constant 48 : index
        %get3A_1191 = tpu.vector_load %arg9[%get3A_1189, %get3A_1190] {strides = array<i32>} : memref<200x128xf32, #tpu.memory_space<vmem>>, vector<1x16xf32>,
        %get3A_1192 = vector.shape_cast %get3A_1191 : vector<1x16xf32> to vector<16xf32>
        %mul3A_1193 = arith.constant 11.3137083 : f32
        %mul3A_1194 = vector.broadcast %mul3A_1193 : f32 to vector<16xf32>
        %mul3A_1195 = arith.mulf %get3A_1192, %mul3A_1194 : vector<16xf32>
        %swap3A_1196 = arith.index_cast %add3A_1152 : i32 to index
        %swap3A_1197 = arith.constant 48 : index
        %swap3A_1198 = tpu.vector_load %arg9[%swap3A_1196, %swap3A_1197] {strides = array<i32>} : memref<200x128xf32, #tpu.memory_space<vmem>>, vector<1x16xf32>,
        %swap3A_1199 = vector.shape_cast %swap3A_1198 : vector<1x16xf32> to vector<16xf32>
        %swap3A_1200 = vector.shape_cast %mul3A_1195 : vector<16xf32> to vector<1x16xf32>
        tpu.vector_store %arg9[%swap3A_1196, %swap3A_1197], %swap3A_1200 {strides = array<i32>} : memref<200x128xf32, #tpu.memory_space<vmem>>, vector<1x16xf32>,
        %get3A_1201 = arith.index_cast %add3A_1152 : i32 to index
        %get3A_1202 = arith.constant 64 : index
        %get3A_1203 = tpu.vector_load %arg9[%get3A_1201, %get3A_1202] {strides = array<i32>} : memref<200x128xf32, #tpu.memory_space<vmem>>, vector<1x16xf32>,
        %get3A_1204 = vector.shape_cast %get3A_1203 : vector<1x16xf32> to vector<16xf32>
        %mul3A_1205 = arith.constant 11.3137083 : f32
        %mul3A_1206 = vector.broadcast %mul3A_1205 : f32 to vector<16xf32>
        %mul3A_1207 = arith.mulf %get3A_1204, %mul3A_1206 : vector<16xf32>
        %swap3A_1208 = arith.index_cast %add3A_1152 : i32 to index
        %swap3A_1209 = arith.constant 64 : index
        %swap3A_1210 = tpu.vector_load %arg9[%swap3A_1208, %swap3A_1209] {strides = array<i32>} : memref<200x128xf32, #tpu.memory_space<vmem>>, vector<1x16xf32>,
        %swap3A_1211 = vector.shape_cast %swap3A_1210 : vector<1x16xf32> to vector<16xf32>
        %swap3A_1212 = vector.shape_cast %mul3A_1207 : vector<16xf32> to vector<1x16xf32>
        tpu.vector_store %arg9[%swap3A_1208, %swap3A_1209], %swap3A_1212 {strides = array<i32>} : memref<200x128xf32, #tpu.memory_space<vmem>>, vector<1x16xf32>,
        %get3A_1213 = arith.index_cast %add3A_1152 : i32 to index
        %get3A_1214 = arith.constant 80 : index
        %get3A_1215 = tpu.vector_load %arg9[%get3A_1213, %get3A_1214] {strides = array<i32>} : memref<200x128xf32, #tpu.memory_space<vmem>>, vector<1x16xf32>,
        %get3A_1216 = vector.shape_cast %get3A_1215 : vector<1x16xf32> to vector<16xf32>
        %mul3A_1217 = arith.constant 11.3137083 : f32
        %mul3A_1218 = vector.broadcast %mul3A_1217 : f32 to vector<16xf32>
        %mul3A_1219 = arith.mulf %get3A_1216, %mul3A_1218 : vector<16xf32>
        %swap3A_1220 = arith.index_cast %add3A_1152 : i32 to index
        %swap3A_1221 = arith.constant 80 : index
        %swap3A_1222 = tpu.vector_load %arg9[%swap3A_1220, %swap3A_1221] {strides = array<i32>} : memref<200x128xf32, #tpu.memory_space<vmem>>, vector<1x16xf32>,
        %swap3A_1223 = vector.shape_cast %swap3A_1222 : vector<1x16xf32> to vector<16xf32>
        %swap3A_1224 = vector.shape_cast %mul3A_1219 : vector<16xf32> to vector<1x16xf32>
        tpu.vector_store %arg9[%swap3A_1220, %swap3A_1221], %swap3A_1224 {strides = array<i32>} : memref<200x128xf32, #tpu.memory_space<vmem>>, vector<1x16xf32>,
        %get3A_1225 = arith.index_cast %add3A_1152 : i32 to index
        %get3A_1226 = arith.constant 96 : index
        %get3A_1227 = tpu.vector_load %arg9[%get3A_1225, %get3A_1226] {strides = array<i32>} : memref<200x128xf32, #tpu.memory_space<vmem>>, vector<1x16xf32>,
        %get3A_1228 = vector.shape_cast %get3A_1227 : vector<1x16xf32> to vector<16xf32>
        %mul3A_1229 = arith.constant 11.3137083 : f32
        %mul3A_1230 = vector.broadcast %mul3A_1229 : f32 to vector<16xf32>
        %mul3A_1231 = arith.mulf %get3A_1228, %mul3A_1230 : vector<16xf32>
        %swap3A_1232 = arith.index_cast %add3A_1152 : i32 to index
        %swap3A_1233 = arith.constant 96 : index
        %swap3A_1234 = tpu.vector_load %arg9[%swap3A_1232, %swap3A_1233] {strides = array<i32>} : memref<200x128xf32, #tpu.memory_space<vmem>>, vector<1x16xf32>,
        %swap3A_1235 = vector.shape_cast %swap3A_1234 : vector<1x16xf32> to vector<16xf32>
        %swap3A_1236 = vector.shape_cast %mul3A_1231 : vector<16xf32> to vector<1x16xf32>
        tpu.vector_store %arg9[%swap3A_1232, %swap3A_1233], %swap3A_1236 {strides = array<i32>} : memref<200x128xf32, #tpu.memory_space<vmem>>, vector<1x16xf32>,
        %get3A_1237 = arith.index_cast %add3A_1152 : i32 to index
        %get3A_1238 = arith.constant 112 : index
        %get3A_1239 = tpu.vector_load %arg9[%get3A_1237, %get3A_1238] {strides = array<i32>} : memref<200x128xf32, #tpu.memory_space<vmem>>, vector<1x16xf32>,
        %get3A_1240 = vector.shape_cast %get3A_1239 : vector<1x16xf32> to vector<16xf32>
        %mul3A_1241 = arith.constant 11.3137083 : f32
        %mul3A_1242 = vector.broadcast %mul3A_1241 : f32 to vector<16xf32>
        %mul3A_1243 = arith.mulf %get3A_1240, %mul3A_1242 : vector<16xf32>
        %swap3A_1244 = arith.index_cast %add3A_1152 : i32 to index
        %swap3A_1245 = arith.constant 112 : index
        %swap3A_1246 = tpu.vector_load %arg9[%swap3A_1244, %swap3A_1245] {strides = array<i32>} : memref<200x128xf32, #tpu.memory_space<vmem>>, vector<1x16xf32>,
        %swap3A_1247 = vector.shape_cast %swap3A_1246 : vector<1x16xf32> to vector<16xf32>
        %swap3A_1248 = vector.shape_cast %mul3A_1243 : vector<16xf32> to vector<1x16xf32>
        tpu.vector_store %arg9[%swap3A_1244, %swap3A_1245], %swap3A_1248 {strides = array<i32>} : memref<200x128xf32, #tpu.memory_space<vmem>>, vector<1x16xf32>,
        %scan3A_1249 = arith.constant 5 : i32
        %scan3A_1250 = arith.addi %scan3A_742, %scan3A_1249 : i32
        %mul3A_1251 = arith.constant 1 : i32
        %mul3A_1252 = arith.muli %scan3A_1250, %mul3A_1251 : i32
        %add3A_1253 = arith.constant 0 : i32
        %add3A_1254 = arith.addi %add3A_1253, %mul3A_1252 : i32
        %get3A_1255 = arith.index_cast %add3A_1254 : i32 to index
        %get3A_1256 = arith.constant 0 : index
        %get3A_1257 = tpu.vector_load %arg9[%get3A_1255, %get3A_1256] {strides = array<i32>} : memref<200x128xf32, #tpu.memory_space<vmem>>, vector<1x16xf32>,
        %get3A_1258 = vector.shape_cast %get3A_1257 : vector<1x16xf32> to vector<16xf32>
        %mul3A_1259 = arith.constant 11.3137083 : f32
        %mul3A_1260 = vector.broadcast %mul3A_1259 : f32 to vector<16xf32>
        %mul3A_1261 = arith.mulf %get3A_1258, %mul3A_1260 : vector<16xf32>
        %swap3A_1262 = arith.index_cast %add3A_1254 : i32 to index
        %swap3A_1263 = arith.constant 0 : index
        %swap3A_1264 = tpu.vector_load %arg9[%swap3A_1262, %swap3A_1263] {strides = array<i32>} : memref<200x128xf32, #tpu.memory_space<vmem>>, vector<1x16xf32>,
        %swap3A_1265 = vector.shape_cast %swap3A_1264 : vector<1x16xf32> to vector<16xf32>
        %swap3A_1266 = vector.shape_cast %mul3A_1261 : vector<16xf32> to vector<1x16xf32>
        tpu.vector_store %arg9[%swap3A_1262, %swap3A_1263], %swap3A_1266 {strides = array<i32>} : memref<200x128xf32, #tpu.memory_space<vmem>>, vector<1x16xf32>,
        %get3A_1267 = arith.index_cast %add3A_1254 : i32 to index
        %get3A_1268 = arith.constant 16 : index
        %get3A_1269 = tpu.vector_load %arg9[%get3A_1267, %get3A_1268] {strides = array<i32>} : memref<200x128xf32, #tpu.memory_space<vmem>>, vector<1x16xf32>,
        %get3A_1270 = vector.shape_cast %get3A_1269 : vector<1x16xf32> to vector<16xf32>
        %mul3A_1271 = arith.constant 11.3137083 : f32
        %mul3A_1272 = vector.broadcast %mul3A_1271 : f32 to vector<16xf32>
        %mul3A_1273 = arith.mulf %get3A_1270, %mul3A_1272 : vector<16xf32>
        %swap3A_1274 = arith.index_cast %add3A_1254 : i32 to index
        %swap3A_1275 = arith.constant 16 : index
        %swap3A_1276 = tpu.vector_load %arg9[%swap3A_1274, %swap3A_1275] {strides = array<i32>} : memref<200x128xf32, #tpu.memory_space<vmem>>, vector<1x16xf32>,
        %swap3A_1277 = vector.shape_cast %swap3A_1276 : vector<1x16xf32> to vector<16xf32>
        %swap3A_1278 = vector.shape_cast %mul3A_1273 : vector<16xf32> to vector<1x16xf32>
        tpu.vector_store %arg9[%swap3A_1274, %swap3A_1275], %swap3A_1278 {strides = array<i32>} : memref<200x128xf32, #tpu.memory_space<vmem>>, vector<1x16xf32>,
        %get3A_1279 = arith.index_cast %add3A_1254 : i32 to index
        %get3A_1280 = arith.constant 32 : index
        %get3A_1281 = tpu.vector_load %arg9[%get3A_1279, %get3A_1280] {strides = array<i32>} : memref<200x128xf32, #tpu.memory_space<vmem>>, vector<1x16xf32>,
        %get3A_1282 = vector.shape_cast %get3A_1281 : vector<1x16xf32> to vector<16xf32>
        %mul3A_1283 = arith.constant 11.3137083 : f32
        %mul3A_1284 = vector.broadcast %mul3A_1283 : f32 to vector<16xf32>
        %mul3A_1285 = arith.mulf %get3A_1282, %mul3A_1284 : vector<16xf32>
        %swap3A_1286 = arith.index_cast %add3A_1254 : i32 to index
        %swap3A_1287 = arith.constant 32 : index
        %swap3A_1288 = tpu.vector_load %arg9[%swap3A_1286, %swap3A_1287] {strides = array<i32>} : memref<200x128xf32, #tpu.memory_space<vmem>>, vector<1x16xf32>,
        %swap3A_1289 = vector.shape_cast %swap3A_1288 : vector<1x16xf32> to vector<16xf32>
        %swap3A_1290 = vector.shape_cast %mul3A_1285 : vector<16xf32> to vector<1x16xf32>
        tpu.vector_store %arg9[%swap3A_1286, %swap3A_1287], %swap3A_1290 {strides = array<i32>} : memref<200x128xf32, #tpu.memory_space<vmem>>, vector<1x16xf32>,
        %get3A_1291 = arith.index_cast %add3A_1254 : i32 to index
        %get3A_1292 = arith.constant 48 : index
        %get3A_1293 = tpu.vector_load %arg9[%get3A_1291, %get3A_1292] {strides = array<i32>} : memref<200x128xf32, #tpu.memory_space<vmem>>, vector<1x16xf32>,
        %get3A_1294 = vector.shape_cast %get3A_1293 : vector<1x16xf32> to vector<16xf32>
        %mul3A_1295 = arith.constant 11.3137083 : f32
        %mul3A_1296 = vector.broadcast %mul3A_1295 : f32 to vector<16xf32>
        %mul3A_1297 = arith.mulf %get3A_1294, %mul3A_1296 : vector<16xf32>
        %swap3A_1298 = arith.index_cast %add3A_1254 : i32 to index
        %swap3A_1299 = arith.constant 48 : index
        %swap3A_1300 = tpu.vector_load %arg9[%swap3A_1298, %swap3A_1299] {strides = array<i32>} : memref<200x128xf32, #tpu.memory_space<vmem>>, vector<1x16xf32>,
        %swap3A_1301 = vector.shape_cast %swap3A_1300 : vector<1x16xf32> to vector<16xf32>
        %swap3A_1302 = vector.shape_cast %mul3A_1297 : vector<16xf32> to vector<1x16xf32>
        tpu.vector_store %arg9[%swap3A_1298, %swap3A_1299], %swap3A_1302 {strides = array<i32>} : memref<200x128xf32, #tpu.memory_space<vmem>>, vector<1x16xf32>,
        %get3A_1303 = arith.index_cast %add3A_1254 : i32 to index
        %get3A_1304 = arith.constant 64 : index
        %get3A_1305 = tpu.vector_load %arg9[%get3A_1303, %get3A_1304] {strides = array<i32>} : memref<200x128xf32, #tpu.memory_space<vmem>>, vector<1x16xf32>,
        %get3A_1306 = vector.shape_cast %get3A_1305 : vector<1x16xf32> to vector<16xf32>
        %mul3A_1307 = arith.constant 11.3137083 : f32
        %mul3A_1308 = vector.broadcast %mul3A_1307 : f32 to vector<16xf32>
        %mul3A_1309 = arith.mulf %get3A_1306, %mul3A_1308 : vector<16xf32>
        %swap3A_1310 = arith.index_cast %add3A_1254 : i32 to index
        %swap3A_1311 = arith.constant 64 : index
        %swap3A_1312 = tpu.vector_load %arg9[%swap3A_1310, %swap3A_1311] {strides = array<i32>} : memref<200x128xf32, #tpu.memory_space<vmem>>, vector<1x16xf32>,
        %swap3A_1313 = vector.shape_cast %swap3A_1312 : vector<1x16xf32> to vector<16xf32>
        %swap3A_1314 = vector.shape_cast %mul3A_1309 : vector<16xf32> to vector<1x16xf32>
        tpu.vector_store %arg9[%swap3A_1310, %swap3A_1311], %swap3A_1314 {strides = array<i32>} : memref<200x128xf32, #tpu.memory_space<vmem>>, vector<1x16xf32>,
        %get3A_1315 = arith.index_cast %add3A_1254 : i32 to index
        %get3A_1316 = arith.constant 80 : index
        %get3A_1317 = tpu.vector_load %arg9[%get3A_1315, %get3A_1316] {strides = array<i32>} : memref<200x128xf32, #tpu.memory_space<vmem>>, vector<1x16xf32>,
        %get3A_1318 = vector.shape_cast %get3A_1317 : vector<1x16xf32> to vector<16xf32>
        %mul3A_1319 = arith.constant 11.3137083 : f32
        %mul3A_1320 = vector.broadcast %mul3A_1319 : f32 to vector<16xf32>
        %mul3A_1321 = arith.mulf %get3A_1318, %mul3A_1320 : vector<16xf32>
        %swap3A_1322 = arith.index_cast %add3A_1254 : i32 to index
        %swap3A_1323 = arith.constant 80 : index
        %swap3A_1324 = tpu.vector_load %arg9[%swap3A_1322, %swap3A_1323] {strides = array<i32>} : memref<200x128xf32, #tpu.memory_space<vmem>>, vector<1x16xf32>,
        %swap3A_1325 = vector.shape_cast %swap3A_1324 : vector<1x16xf32> to vector<16xf32>
        %swap3A_1326 = vector.shape_cast %mul3A_1321 : vector<16xf32> to vector<1x16xf32>
        tpu.vector_store %arg9[%swap3A_1322, %swap3A_1323], %swap3A_1326 {strides = array<i32>} : memref<200x128xf32, #tpu.memory_space<vmem>>, vector<1x16xf32>,
        %get3A_1327 = arith.index_cast %add3A_1254 : i32 to index
        %get3A_1328 = arith.constant 96 : index
        %get3A_1329 = tpu.vector_load %arg9[%get3A_1327, %get3A_1328] {strides = array<i32>} : memref<200x128xf32, #tpu.memory_space<vmem>>, vector<1x16xf32>,
        %get3A_1330 = vector.shape_cast %get3A_1329 : vector<1x16xf32> to vector<16xf32>
        %mul3A_1331 = arith.constant 11.3137083 : f32
        %mul3A_1332 = vector.broadcast %mul3A_1331 : f32 to vector<16xf32>
        %mul3A_1333 = arith.mulf %get3A_1330, %mul3A_1332 : vector<16xf32>
        %swap3A_1334 = arith.index_cast %add3A_1254 : i32 to index
        %swap3A_1335 = arith.constant 96 : index
        %swap3A_1336 = tpu.vector_load %arg9[%swap3A_1334, %swap3A_1335] {strides = array<i32>} : memref<200x128xf32, #tpu.memory_space<vmem>>, vector<1x16xf32>,
        %swap3A_1337 = vector.shape_cast %swap3A_1336 : vector<1x16xf32> to vector<16xf32>
        %swap3A_1338 = vector.shape_cast %mul3A_1333 : vector<16xf32> to vector<1x16xf32>
        tpu.vector_store %arg9[%swap3A_1334, %swap3A_1335], %swap3A_1338 {strides = array<i32>} : memref<200x128xf32, #tpu.memory_space<vmem>>, vector<1x16xf32>,
        %get3A_1339 = arith.index_cast %add3A_1254 : i32 to index
        %get3A_1340 = arith.constant 112 : index
        %get3A_1341 = tpu.vector_load %arg9[%get3A_1339, %get3A_1340] {strides = array<i32>} : memref<200x128xf32, #tpu.memory_space<vmem>>, vector<1x16xf32>,
        %get3A_1342 = vector.shape_cast %get3A_1341 : vector<1x16xf32> to vector<16xf32>
        %mul3A_1343 = arith.constant 11.3137083 : f32
        %mul3A_1344 = vector.broadcast %mul3A_1343 : f32 to vector<16xf32>
        %mul3A_1345 = arith.mulf %get3A_1342, %mul3A_1344 : vector<16xf32>
        %swap3A_1346 = arith.index_cast %add3A_1254 : i32 to index
        %swap3A_1347 = arith.constant 112 : index
        %swap3A_1348 = tpu.vector_load %arg9[%swap3A_1346, %swap3A_1347] {strides = array<i32>} : memref<200x128xf32, #tpu.memory_space<vmem>>, vector<1x16xf32>,
        %swap3A_1349 = vector.shape_cast %swap3A_1348 : vector<1x16xf32> to vector<16xf32>
        %swap3A_1350 = vector.shape_cast %mul3A_1345 : vector<16xf32> to vector<1x16xf32>
        tpu.vector_store %arg9[%swap3A_1346, %swap3A_1347], %swap3A_1350 {strides = array<i32>} : memref<200x128xf32, #tpu.memory_space<vmem>>, vector<1x16xf32>,
        %scan3A_1351 = arith.constant 6 : i32
        %scan3A_1352 = arith.addi %scan3A_742, %scan3A_1351 : i32
        %mul3A_1353 = arith.constant 1 : i32
        %mul3A_1354 = arith.muli %scan3A_1352, %mul3A_1353 : i32
        %add3A_1355 = arith.constant 0 : i32
        %add3A_1356 = arith.addi %add3A_1355, %mul3A_1354 : i32
        %get3A_1357 = arith.index_cast %add3A_1356 : i32 to index
        %get3A_1358 = arith.constant 0 : index
        %get3A_1359 = tpu.vector_load %arg9[%get3A_1357, %get3A_1358] {strides = array<i32>} : memref<200x128xf32, #tpu.memory_space<vmem>>, vector<1x16xf32>,
        %get3A_1360 = vector.shape_cast %get3A_1359 : vector<1x16xf32> to vector<16xf32>
        %mul3A_1361 = arith.constant 11.3137083 : f32
        %mul3A_1362 = vector.broadcast %mul3A_1361 : f32 to vector<16xf32>
        %mul3A_1363 = arith.mulf %get3A_1360, %mul3A_1362 : vector<16xf32>
        %swap3A_1364 = arith.index_cast %add3A_1356 : i32 to index
        %swap3A_1365 = arith.constant 0 : index
        %swap3A_1366 = tpu.vector_load %arg9[%swap3A_1364, %swap3A_1365] {strides = array<i32>} : memref<200x128xf32, #tpu.memory_space<vmem>>, vector<1x16xf32>,
        %swap3A_1367 = vector.shape_cast %swap3A_1366 : vector<1x16xf32> to vector<16xf32>
        %swap3A_1368 = vector.shape_cast %mul3A_1363 : vector<16xf32> to vector<1x16xf32>
        tpu.vector_store %arg9[%swap3A_1364, %swap3A_1365], %swap3A_1368 {strides = array<i32>} : memref<200x128xf32, #tpu.memory_space<vmem>>, vector<1x16xf32>,
        %get3A_1369 = arith.index_cast %add3A_1356 : i32 to index
        %get3A_1370 = arith.constant 16 : index
        %get3A_1371 = tpu.vector_load %arg9[%get3A_1369, %get3A_1370] {strides = array<i32>} : memref<200x128xf32, #tpu.memory_space<vmem>>, vector<1x16xf32>,
        %get3A_1372 = vector.shape_cast %get3A_1371 : vector<1x16xf32> to vector<16xf32>
        %mul3A_1373 = arith.constant 11.3137083 : f32
        %mul3A_1374 = vector.broadcast %mul3A_1373 : f32 to vector<16xf32>
        %mul3A_1375 = arith.mulf %get3A_1372, %mul3A_1374 : vector<16xf32>
        %swap3A_1376 = arith.index_cast %add3A_1356 : i32 to index
        %swap3A_1377 = arith.constant 16 : index
        %swap3A_1378 = tpu.vector_load %arg9[%swap3A_1376, %swap3A_1377] {strides = array<i32>} : memref<200x128xf32, #tpu.memory_space<vmem>>, vector<1x16xf32>,
        %swap3A_1379 = vector.shape_cast %swap3A_1378 : vector<1x16xf32> to vector<16xf32>
        %swap3A_1380 = vector.shape_cast %mul3A_1375 : vector<16xf32> to vector<1x16xf32>
        tpu.vector_store %arg9[%swap3A_1376, %swap3A_1377], %swap3A_1380 {strides = array<i32>} : memref<200x128xf32, #tpu.memory_space<vmem>>, vector<1x16xf32>,
        %get3A_1381 = arith.index_cast %add3A_1356 : i32 to index
        %get3A_1382 = arith.constant 32 : index
        %get3A_1383 = tpu.vector_load %arg9[%get3A_1381, %get3A_1382] {strides = array<i32>} : memref<200x128xf32, #tpu.memory_space<vmem>>, vector<1x16xf32>,
        %get3A_1384 = vector.shape_cast %get3A_1383 : vector<1x16xf32> to vector<16xf32>
        %mul3A_1385 = arith.constant 11.3137083 : f32
        %mul3A_1386 = vector.broadcast %mul3A_1385 : f32 to vector<16xf32>
        %mul3A_1387 = arith.mulf %get3A_1384, %mul3A_1386 : vector<16xf32>
        %swap3A_1388 = arith.index_cast %add3A_1356 : i32 to index
        %swap3A_1389 = arith.constant 32 : index
        %swap3A_1390 = tpu.vector_load %arg9[%swap3A_1388, %swap3A_1389] {strides = array<i32>} : memref<200x128xf32, #tpu.memory_space<vmem>>, vector<1x16xf32>,
        %swap3A_1391 = vector.shape_cast %swap3A_1390 : vector<1x16xf32> to vector<16xf32>
        %swap3A_1392 = vector.shape_cast %mul3A_1387 : vector<16xf32> to vector<1x16xf32>
        tpu.vector_store %arg9[%swap3A_1388, %swap3A_1389], %swap3A_1392 {strides = array<i32>} : memref<200x128xf32, #tpu.memory_space<vmem>>, vector<1x16xf32>,
        %get3A_1393 = arith.index_cast %add3A_1356 : i32 to index
        %get3A_1394 = arith.constant 48 : index
        %get3A_1395 = tpu.vector_load %arg9[%get3A_1393, %get3A_1394] {strides = array<i32>} : memref<200x128xf32, #tpu.memory_space<vmem>>, vector<1x16xf32>,
        %get3A_1396 = vector.shape_cast %get3A_1395 : vector<1x16xf32> to vector<16xf32>
        %mul3A_1397 = arith.constant 11.3137083 : f32
        %mul3A_1398 = vector.broadcast %mul3A_1397 : f32 to vector<16xf32>
        %mul3A_1399 = arith.mulf %get3A_1396, %mul3A_1398 : vector<16xf32>
        %swap3A_1400 = arith.index_cast %add3A_1356 : i32 to index
        %swap3A_1401 = arith.constant 48 : index
        %swap3A_1402 = tpu.vector_load %arg9[%swap3A_1400, %swap3A_1401] {strides = array<i32>} : memref<200x128xf32, #tpu.memory_space<vmem>>, vector<1x16xf32>,
        %swap3A_1403 = vector.shape_cast %swap3A_1402 : vector<1x16xf32> to vector<16xf32>
        %swap3A_1404 = vector.shape_cast %mul3A_1399 : vector<16xf32> to vector<1x16xf32>
        tpu.vector_store %arg9[%swap3A_1400, %swap3A_1401], %swap3A_1404 {strides = array<i32>} : memref<200x128xf32, #tpu.memory_space<vmem>>, vector<1x16xf32>,
        %get3A_1405 = arith.index_cast %add3A_1356 : i32 to index
        %get3A_1406 = arith.constant 64 : index
        %get3A_1407 = tpu.vector_load %arg9[%get3A_1405, %get3A_1406] {strides = array<i32>} : memref<200x128xf32, #tpu.memory_space<vmem>>, vector<1x16xf32>,
        %get3A_1408 = vector.shape_cast %get3A_1407 : vector<1x16xf32> to vector<16xf32>
        %mul3A_1409 = arith.constant 11.3137083 : f32
        %mul3A_1410 = vector.broadcast %mul3A_1409 : f32 to vector<16xf32>
        %mul3A_1411 = arith.mulf %get3A_1408, %mul3A_1410 : vector<16xf32>
        %swap3A_1412 = arith.index_cast %add3A_1356 : i32 to index
        %swap3A_1413 = arith.constant 64 : index
        %swap3A_1414 = tpu.vector_load %arg9[%swap3A_1412, %swap3A_1413] {strides = array<i32>} : memref<200x128xf32, #tpu.memory_space<vmem>>, vector<1x16xf32>,
        %swap3A_1415 = vector.shape_cast %swap3A_1414 : vector<1x16xf32> to vector<16xf32>
        %swap3A_1416 = vector.shape_cast %mul3A_1411 : vector<16xf32> to vector<1x16xf32>
        tpu.vector_store %arg9[%swap3A_1412, %swap3A_1413], %swap3A_1416 {strides = array<i32>} : memref<200x128xf32, #tpu.memory_space<vmem>>, vector<1x16xf32>,
        %get3A_1417 = arith.index_cast %add3A_1356 : i32 to index
        %get3A_1418 = arith.constant 80 : index
        %get3A_1419 = tpu.vector_load %arg9[%get3A_1417, %get3A_1418] {strides = array<i32>} : memref<200x128xf32, #tpu.memory_space<vmem>>, vector<1x16xf32>,
        %get3A_1420 = vector.shape_cast %get3A_1419 : vector<1x16xf32> to vector<16xf32>
        %mul3A_1421 = arith.constant 11.3137083 : f32
        %mul3A_1422 = vector.broadcast %mul3A_1421 : f32 to vector<16xf32>
        %mul3A_1423 = arith.mulf %get3A_1420, %mul3A_1422 : vector<16xf32>
        %swap3A_1424 = arith.index_cast %add3A_1356 : i32 to index
        %swap3A_1425 = arith.constant 80 : index
        %swap3A_1426 = tpu.vector_load %arg9[%swap3A_1424, %swap3A_1425] {strides = array<i32>} : memref<200x128xf32, #tpu.memory_space<vmem>>, vector<1x16xf32>,
        %swap3A_1427 = vector.shape_cast %swap3A_1426 : vector<1x16xf32> to vector<16xf32>
        %swap3A_1428 = vector.shape_cast %mul3A_1423 : vector<16xf32> to vector<1x16xf32>
        tpu.vector_store %arg9[%swap3A_1424, %swap3A_1425], %swap3A_1428 {strides = array<i32>} : memref<200x128xf32, #tpu.memory_space<vmem>>, vector<1x16xf32>,
        %get3A_1429 = arith.index_cast %add3A_1356 : i32 to index
        %get3A_1430 = arith.constant 96 : index
        %get3A_1431 = tpu.vector_load %arg9[%get3A_1429, %get3A_1430] {strides = array<i32>} : memref<200x128xf32, #tpu.memory_space<vmem>>, vector<1x16xf32>,
        %get3A_1432 = vector.shape_cast %get3A_1431 : vector<1x16xf32> to vector<16xf32>
        %mul3A_1433 = arith.constant 11.3137083 : f32
        %mul3A_1434 = vector.broadcast %mul3A_1433 : f32 to vector<16xf32>
        %mul3A_1435 = arith.mulf %get3A_1432, %mul3A_1434 : vector<16xf32>
        %swap3A_1436 = arith.index_cast %add3A_1356 : i32 to index
        %swap3A_1437 = arith.constant 96 : index
        %swap3A_1438 = tpu.vector_load %arg9[%swap3A_1436, %swap3A_1437] {strides = array<i32>} : memref<200x128xf32, #tpu.memory_space<vmem>>, vector<1x16xf32>,
        %swap3A_1439 = vector.shape_cast %swap3A_1438 : vector<1x16xf32> to vector<16xf32>
        %swap3A_1440 = vector.shape_cast %mul3A_1435 : vector<16xf32> to vector<1x16xf32>
        tpu.vector_store %arg9[%swap3A_1436, %swap3A_1437], %swap3A_1440 {strides = array<i32>} : memref<200x128xf32, #tpu.memory_space<vmem>>, vector<1x16xf32>,
        %get3A_1441 = arith.index_cast %add3A_1356 : i32 to index
        %get3A_1442 = arith.constant 112 : index
        %get3A_1443 = tpu.vector_load %arg9[%get3A_1441, %get3A_1442] {strides = array<i32>} : memref<200x128xf32, #tpu.memory_space<vmem>>, vector<1x16xf32>,
        %get3A_1444 = vector.shape_cast %get3A_1443 : vector<1x16xf32> to vector<16xf32>
        %mul3A_1445 = arith.constant 11.3137083 : f32
        %mul3A_1446 = vector.broadcast %mul3A_1445 : f32 to vector<16xf32>
        %mul3A_1447 = arith.mulf %get3A_1444, %mul3A_1446 : vector<16xf32>
        %swap3A_1448 = arith.index_cast %add3A_1356 : i32 to index
        %swap3A_1449 = arith.constant 112 : index
        %swap3A_1450 = tpu.vector_load %arg9[%swap3A_1448, %swap3A_1449] {strides = array<i32>} : memref<200x128xf32, #tpu.memory_space<vmem>>, vector<1x16xf32>,
        %swap3A_1451 = vector.shape_cast %swap3A_1450 : vector<1x16xf32> to vector<16xf32>
        %swap3A_1452 = vector.shape_cast %mul3A_1447 : vector<16xf32> to vector<1x16xf32>
        tpu.vector_store %arg9[%swap3A_1448, %swap3A_1449], %swap3A_1452 {strides = array<i32>} : memref<200x128xf32, #tpu.memory_space<vmem>>, vector<1x16xf32>,
        %scan3A_1453 = arith.constant 7 : i32
        %scan3A_1454 = arith.addi %scan3A_742, %scan3A_1453 : i32
        %mul3A_1455 = arith.constant 1 : i32
        %mul3A_1456 = arith.muli %scan3A_1454, %mul3A_1455 : i32
        %add3A_1457 = arith.constant 0 : i32
        %add3A_1458 = arith.addi %add3A_1457, %mul3A_1456 : i32
        %get3A_1459 = arith.index_cast %add3A_1458 : i32 to index
        %get3A_1460 = arith.constant 0 : index
        %get3A_1461 = tpu.vector_load %arg9[%get3A_1459, %get3A_1460] {strides = array<i32>} : memref<200x128xf32, #tpu.memory_space<vmem>>, vector<1x16xf32>,
        %get3A_1462 = vector.shape_cast %get3A_1461 : vector<1x16xf32> to vector<16xf32>
        %mul3A_1463 = arith.constant 11.3137083 : f32
        %mul3A_1464 = vector.broadcast %mul3A_1463 : f32 to vector<16xf32>
        %mul3A_1465 = arith.mulf %get3A_1462, %mul3A_1464 : vector<16xf32>
        %swap3A_1466 = arith.index_cast %add3A_1458 : i32 to index
        %swap3A_1467 = arith.constant 0 : index
        %swap3A_1468 = tpu.vector_load %arg9[%swap3A_1466, %swap3A_1467] {strides = array<i32>} : memref<200x128xf32, #tpu.memory_space<vmem>>, vector<1x16xf32>,
        %swap3A_1469 = vector.shape_cast %swap3A_1468 : vector<1x16xf32> to vector<16xf32>
        %swap3A_1470 = vector.shape_cast %mul3A_1465 : vector<16xf32> to vector<1x16xf32>
        tpu.vector_store %arg9[%swap3A_1466, %swap3A_1467], %swap3A_1470 {strides = array<i32>} : memref<200x128xf32, #tpu.memory_space<vmem>>, vector<1x16xf32>,
        %get3A_1471 = arith.index_cast %add3A_1458 : i32 to index
        %get3A_1472 = arith.constant 16 : index
        %get3A_1473 = tpu.vector_load %arg9[%get3A_1471, %get3A_1472] {strides = array<i32>} : memref<200x128xf32, #tpu.memory_space<vmem>>, vector<1x16xf32>,
        %get3A_1474 = vector.shape_cast %get3A_1473 : vector<1x16xf32> to vector<16xf32>
        %mul3A_1475 = arith.constant 11.3137083 : f32
        %mul3A_1476 = vector.broadcast %mul3A_1475 : f32 to vector<16xf32>
        %mul3A_1477 = arith.mulf %get3A_1474, %mul3A_1476 : vector<16xf32>
        %swap3A_1478 = arith.index_cast %add3A_1458 : i32 to index
        %swap3A_1479 = arith.constant 16 : index
        %swap3A_1480 = tpu.vector_load %arg9[%swap3A_1478, %swap3A_1479] {strides = array<i32>} : memref<200x128xf32, #tpu.memory_space<vmem>>, vector<1x16xf32>,
        %swap3A_1481 = vector.shape_cast %swap3A_1480 : vector<1x16xf32> to vector<16xf32>
        %swap3A_1482 = vector.shape_cast %mul3A_1477 : vector<16xf32> to vector<1x16xf32>
        tpu.vector_store %arg9[%swap3A_1478, %swap3A_1479], %swap3A_1482 {strides = array<i32>} : memref<200x128xf32, #tpu.memory_space<vmem>>, vector<1x16xf32>,
        %get3A_1483 = arith.index_cast %add3A_1458 : i32 to index
        %get3A_1484 = arith.constant 32 : index
        %get3A_1485 = tpu.vector_load %arg9[%get3A_1483, %get3A_1484] {strides = array<i32>} : memref<200x128xf32, #tpu.memory_space<vmem>>, vector<1x16xf32>,
        %get3A_1486 = vector.shape_cast %get3A_1485 : vector<1x16xf32> to vector<16xf32>
        %mul3A_1487 = arith.constant 11.3137083 : f32
        %mul3A_1488 = vector.broadcast %mul3A_1487 : f32 to vector<16xf32>
        %mul3A_1489 = arith.mulf %get3A_1486, %mul3A_1488 : vector<16xf32>
        %swap3A_1490 = arith.index_cast %add3A_1458 : i32 to index
        %swap3A_1491 = arith.constant 32 : index
        %swap3A_1492 = tpu.vector_load %arg9[%swap3A_1490, %swap3A_1491] {strides = array<i32>} : memref<200x128xf32, #tpu.memory_space<vmem>>, vector<1x16xf32>,
        %swap3A_1493 = vector.shape_cast %swap3A_1492 : vector<1x16xf32> to vector<16xf32>
        %swap3A_1494 = vector.shape_cast %mul3A_1489 : vector<16xf32> to vector<1x16xf32>
        tpu.vector_store %arg9[%swap3A_1490, %swap3A_1491], %swap3A_1494 {strides = array<i32>} : memref<200x128xf32, #tpu.memory_space<vmem>>, vector<1x16xf32>,
        %get3A_1495 = arith.index_cast %add3A_1458 : i32 to index
        %get3A_1496 = arith.constant 48 : index
        %get3A_1497 = tpu.vector_load %arg9[%get3A_1495, %get3A_1496] {strides = array<i32>} : memref<200x128xf32, #tpu.memory_space<vmem>>, vector<1x16xf32>,
        %get3A_1498 = vector.shape_cast %get3A_1497 : vector<1x16xf32> to vector<16xf32>
        %mul3A_1499 = arith.constant 11.3137083 : f32
        %mul3A_1500 = vector.broadcast %mul3A_1499 : f32 to vector<16xf32>
        %mul3A_1501 = arith.mulf %get3A_1498, %mul3A_1500 : vector<16xf32>
        %swap3A_1502 = arith.index_cast %add3A_1458 : i32 to index
        %swap3A_1503 = arith.constant 48 : index
        %swap3A_1504 = tpu.vector_load %arg9[%swap3A_1502, %swap3A_1503] {strides = array<i32>} : memref<200x128xf32, #tpu.memory_space<vmem>>, vector<1x16xf32>,
        %swap3A_1505 = vector.shape_cast %swap3A_1504 : vector<1x16xf32> to vector<16xf32>
        %swap3A_1506 = vector.shape_cast %mul3A_1501 : vector<16xf32> to vector<1x16xf32>
        tpu.vector_store %arg9[%swap3A_1502, %swap3A_1503], %swap3A_1506 {strides = array<i32>} : memref<200x128xf32, #tpu.memory_space<vmem>>, vector<1x16xf32>,
        %get3A_1507 = arith.index_cast %add3A_1458 : i32 to index
        %get3A_1508 = arith.constant 64 : index
        %get3A_1509 = tpu.vector_load %arg9[%get3A_1507, %get3A_1508] {strides = array<i32>} : memref<200x128xf32, #tpu.memory_space<vmem>>, vector<1x16xf32>,
        %get3A_1510 = vector.shape_cast %get3A_1509 : vector<1x16xf32> to vector<16xf32>
        %mul3A_1511 = arith.constant 11.3137083 : f32
        %mul3A_1512 = vector.broadcast %mul3A_1511 : f32 to vector<16xf32>
        %mul3A_1513 = arith.mulf %get3A_1510, %mul3A_1512 : vector<16xf32>
        %swap3A_1514 = arith.index_cast %add3A_1458 : i32 to index
        %swap3A_1515 = arith.constant 64 : index
        %swap3A_1516 = tpu.vector_load %arg9[%swap3A_1514, %swap3A_1515] {strides = array<i32>} : memref<200x128xf32, #tpu.memory_space<vmem>>, vector<1x16xf32>,
        %swap3A_1517 = vector.shape_cast %swap3A_1516 : vector<1x16xf32> to vector<16xf32>
        %swap3A_1518 = vector.shape_cast %mul3A_1513 : vector<16xf32> to vector<1x16xf32>
        tpu.vector_store %arg9[%swap3A_1514, %swap3A_1515], %swap3A_1518 {strides = array<i32>} : memref<200x128xf32, #tpu.memory_space<vmem>>, vector<1x16xf32>,
        %get3A_1519 = arith.index_cast %add3A_1458 : i32 to index
        %get3A_1520 = arith.constant 80 : index
        %get3A_1521 = tpu.vector_load %arg9[%get3A_1519, %get3A_1520] {strides = array<i32>} : memref<200x128xf32, #tpu.memory_space<vmem>>, vector<1x16xf32>,
        %get3A_1522 = vector.shape_cast %get3A_1521 : vector<1x16xf32> to vector<16xf32>
        %mul3A_1523 = arith.constant 11.3137083 : f32
        %mul3A_1524 = vector.broadcast %mul3A_1523 : f32 to vector<16xf32>
        %mul3A_1525 = arith.mulf %get3A_1522, %mul3A_1524 : vector<16xf32>
        %swap3A_1526 = arith.index_cast %add3A_1458 : i32 to index
        %swap3A_1527 = arith.constant 80 : index
        %swap3A_1528 = tpu.vector_load %arg9[%swap3A_1526, %swap3A_1527] {strides = array<i32>} : memref<200x128xf32, #tpu.memory_space<vmem>>, vector<1x16xf32>,
        %swap3A_1529 = vector.shape_cast %swap3A_1528 : vector<1x16xf32> to vector<16xf32>
        %swap3A_1530 = vector.shape_cast %mul3A_1525 : vector<16xf32> to vector<1x16xf32>
        tpu.vector_store %arg9[%swap3A_1526, %swap3A_1527], %swap3A_1530 {strides = array<i32>} : memref<200x128xf32, #tpu.memory_space<vmem>>, vector<1x16xf32>,
        %get3A_1531 = arith.index_cast %add3A_1458 : i32 to index
        %get3A_1532 = arith.constant 96 : index
        %get3A_1533 = tpu.vector_load %arg9[%get3A_1531, %get3A_1532] {strides = array<i32>} : memref<200x128xf32, #tpu.memory_space<vmem>>, vector<1x16xf32>,
        %get3A_1534 = vector.shape_cast %get3A_1533 : vector<1x16xf32> to vector<16xf32>
        %mul3A_1535 = arith.constant 11.3137083 : f32
        %mul3A_1536 = vector.broadcast %mul3A_1535 : f32 to vector<16xf32>
        %mul3A_1537 = arith.mulf %get3A_1534, %mul3A_1536 : vector<16xf32>
        %swap3A_1538 = arith.index_cast %add3A_1458 : i32 to index
        %swap3A_1539 = arith.constant 96 : index
        %swap3A_1540 = tpu.vector_load %arg9[%swap3A_1538, %swap3A_1539] {strides = array<i32>} : memref<200x128xf32, #tpu.memory_space<vmem>>, vector<1x16xf32>,
        %swap3A_1541 = vector.shape_cast %swap3A_1540 : vector<1x16xf32> to vector<16xf32>
        %swap3A_1542 = vector.shape_cast %mul3A_1537 : vector<16xf32> to vector<1x16xf32>
        tpu.vector_store %arg9[%swap3A_1538, %swap3A_1539], %swap3A_1542 {strides = array<i32>} : memref<200x128xf32, #tpu.memory_space<vmem>>, vector<1x16xf32>,
        %get3A_1543 = arith.index_cast %add3A_1458 : i32 to index
        %get3A_1544 = arith.constant 112 : index
        %get3A_1545 = tpu.vector_load %arg9[%get3A_1543, %get3A_1544] {strides = array<i32>} : memref<200x128xf32, #tpu.memory_space<vmem>>, vector<1x16xf32>,
        %get3A_1546 = vector.shape_cast %get3A_1545 : vector<1x16xf32> to vector<16xf32>
        %mul3A_1547 = arith.constant 11.3137083 : f32
        %mul3A_1548 = vector.broadcast %mul3A_1547 : f32 to vector<16xf32>
        %mul3A_1549 = arith.mulf %get3A_1546, %mul3A_1548 : vector<16xf32>
        %swap3A_1550 = arith.index_cast %add3A_1458 : i32 to index
        %swap3A_1551 = arith.constant 112 : index
        %swap3A_1552 = tpu.vector_load %arg9[%swap3A_1550, %swap3A_1551] {strides = array<i32>} : memref<200x128xf32, #tpu.memory_space<vmem>>, vector<1x16xf32>,
        %swap3A_1553 = vector.shape_cast %swap3A_1552 : vector<1x16xf32> to vector<16xf32>
        %swap3A_1554 = vector.shape_cast %mul3A_1549 : vector<16xf32> to vector<1x16xf32>
        tpu.vector_store %arg9[%swap3A_1550, %swap3A_1551], %swap3A_1554 {strides = array<i32>} : memref<200x128xf32, #tpu.memory_space<vmem>>, vector<1x16xf32>,
      }
      %scan3A_665 = arith.constant 200 : i32
      %mul3A_666 = arith.constant 4 : i32
      %mul3A_667 = arith.muli %add3A_579, %mul3A_666 : i32
      %add3A_668 = arith.addi %mul3A_2, %mul3A_667 : i32
      %add3A_669 = arith.constant 0 : i32
      %add3A_670 = arith.addi %add3A_668, %add3A_669 : i32
      %dma_start3A_671 = arith.constant 0 : i32
      %dma_start3A_672 = arith.constant 0 : i32
      %dma_start3A_673 = tpu.memref_slice %arg9[%dma_start3A_671, %dma_start3A_672] : memref<200x128xf32, #tpu.memory_space<vmem>> -> memref<50x128xf32, #tpu.memory_space<vmem>>
      %dma_start3A_674 = arith.constant 0 : i32
      %dma_start3A_675 = arith.constant 0 : i32
      %dma_start3A_676 = tpu.memref_slice %arg4[%add3A_670, %dma_start3A_674, %dma_start3A_675] : memref<4096x50x128xf32, #tpu.memory_space<hbm>> -> memref<1x50x128xf32, #tpu.memory_space<hbm>>
      %dma_start3A_677 = tpu.memref_squeeze %dma_start3A_676 : memref<1x50x128xf32, #tpu.memory_space<hbm>> -> memref<50x128xf32, #tpu.memory_space<hbm>>
      %dma_start3A_678 = arith.constant 0 : i32
      %dma_start3A_679 = arith.constant 0 : i32
      %dma_start3A_680 = tpu.memref_slice %arg4[%add3A_670, %dma_start3A_678, %dma_start3A_679] : memref<4096x50x128xf32, #tpu.memory_space<hbm>> -> memref<1x50x128xf32, #tpu.memory_space<hbm>>
      %dma_start3A_681 = tpu.memref_squeeze %dma_start3A_680 : memref<1x50x128xf32, #tpu.memory_space<hbm>> -> memref<50x128xf32, #tpu.memory_space<hbm>>
      %dma_start3A_682 = arith.constant 0 : i32
      %dma_start3A_683 = arith.constant 0 : i32
      %dma_start3A_684 = tpu.memref_slice %arg9[%dma_start3A_682, %dma_start3A_683] : memref<200x128xf32, #tpu.memory_space<vmem>> -> memref<50x128xf32, #tpu.memory_space<vmem>>
      tpu.enqueue_dma source(%dma_start3A_684 : memref<50x128xf32, #tpu.memory_space<vmem>>) target(%dma_start3A_681 : memref<50x128xf32, #tpu.memory_space<hbm>>) target_semaphore(%arg11 : memref<!tpu.dma_semaphore, #tpu.memory_space<semaphore_mem>>)
      %mul3A_685 = arith.constant 4 : i32
      %mul3A_686 = arith.muli %add3A_579, %mul3A_685 : i32
      %add3A_687 = arith.addi %mul3A_2, %mul3A_686 : i32
      %add3A_688 = arith.constant 1 : i32
      %add3A_689 = arith.addi %add3A_687, %add3A_688 : i32
      %dma_start3A_690 = arith.constant 50 : i32
      %dma_start3A_691 = arith.constant 0 : i32
      %dma_start3A_692 = tpu.memref_slice %arg9[%dma_start3A_690, %dma_start3A_691] : memref<200x128xf32, #tpu.memory_space<vmem>> -> memref<50x128xf32, #tpu.memory_space<vmem>>
      %dma_start3A_693 = arith.constant 0 : i32
      %dma_start3A_694 = arith.constant 0 : i32
      %dma_start3A_695 = tpu.memref_slice %arg4[%add3A_689, %dma_start3A_693, %dma_start3A_694] : memref<4096x50x128xf32, #tpu.memory_space<hbm>> -> memref<1x50x128xf32, #tpu.memory_space<hbm>>
      %dma_start3A_696 = tpu.memref_squeeze %dma_start3A_695 : memref<1x50x128xf32, #tpu.memory_space<hbm>> -> memref<50x128xf32, #tpu.memory_space<hbm>>
      %dma_start3A_697 = arith.constant 0 : i32
      %dma_start3A_698 = arith.constant 0 : i32
      %dma_start3A_699 = tpu.memref_slice %arg4[%add3A_689, %dma_start3A_697, %dma_start3A_698] : memref<4096x50x128xf32, #tpu.memory_space<hbm>> -> memref<1x50x128xf32, #tpu.memory_space<hbm>>
      %dma_start3A_700 = tpu.memref_squeeze %dma_start3A_699 : memref<1x50x128xf32, #tpu.memory_space<hbm>> -> memref<50x128xf32, #tpu.memory_space<hbm>>
      %dma_start3A_701 = arith.constant 50 : i32
      %dma_start3A_702 = arith.constant 0 : i32
      %dma_start3A_703 = tpu.memref_slice %arg9[%dma_start3A_701, %dma_start3A_702] : memref<200x128xf32, #tpu.memory_space<vmem>> -> memref<50x128xf32, #tpu.memory_space<vmem>>
      tpu.enqueue_dma source(%dma_start3A_703 : memref<50x128xf32, #tpu.memory_space<vmem>>) target(%dma_start3A_700 : memref<50x128xf32, #tpu.memory_space<hbm>>) target_semaphore(%arg11 : memref<!tpu.dma_semaphore, #tpu.memory_space<semaphore_mem>>)
      %mul3A_704 = arith.constant 4 : i32
      %mul3A_705 = arith.muli %add3A_579, %mul3A_704 : i32
      %add3A_706 = arith.addi %mul3A_2, %mul3A_705 : i32
      %add3A_707 = arith.constant 2 : i32
      %add3A_708 = arith.addi %add3A_706, %add3A_707 : i32
      %dma_start3A_709 = arith.constant 100 : i32
      %dma_start3A_710 = arith.constant 0 : i32
      %dma_start3A_711 = tpu.memref_slice %arg9[%dma_start3A_709, %dma_start3A_710] : memref<200x128xf32, #tpu.memory_space<vmem>> -> memref<50x128xf32, #tpu.memory_space<vmem>>
      %dma_start3A_712 = arith.constant 0 : i32
      %dma_start3A_713 = arith.constant 0 : i32
      %dma_start3A_714 = tpu.memref_slice %arg4[%add3A_708, %dma_start3A_712, %dma_start3A_713] : memref<4096x50x128xf32, #tpu.memory_space<hbm>> -> memref<1x50x128xf32, #tpu.memory_space<hbm>>
      %dma_start3A_715 = tpu.memref_squeeze %dma_start3A_714 : memref<1x50x128xf32, #tpu.memory_space<hbm>> -> memref<50x128xf32, #tpu.memory_space<hbm>>
      %dma_start3A_716 = arith.constant 0 : i32
      %dma_start3A_717 = arith.constant 0 : i32
      %dma_start3A_718 = tpu.memref_slice %arg4[%add3A_708, %dma_start3A_716, %dma_start3A_717] : memref<4096x50x128xf32, #tpu.memory_space<hbm>> -> memref<1x50x128xf32, #tpu.memory_space<hbm>>
      %dma_start3A_719 = tpu.memref_squeeze %dma_start3A_718 : memref<1x50x128xf32, #tpu.memory_space<hbm>> -> memref<50x128xf32, #tpu.memory_space<hbm>>
      %dma_start3A_720 = arith.constant 100 : i32
      %dma_start3A_721 = arith.constant 0 : i32
      %dma_start3A_722 = tpu.memref_slice %arg9[%dma_start3A_720, %dma_start3A_721] : memref<200x128xf32, #tpu.memory_space<vmem>> -> memref<50x128xf32, #tpu.memory_space<vmem>>
      tpu.enqueue_dma source(%dma_start3A_722 : memref<50x128xf32, #tpu.memory_space<vmem>>) target(%dma_start3A_719 : memref<50x128xf32, #tpu.memory_space<hbm>>) target_semaphore(%arg11 : memref<!tpu.dma_semaphore, #tpu.memory_space<semaphore_mem>>)
      %mul3A_723 = arith.constant 4 : i32
      %mul3A_724 = arith.muli %add3A_579, %mul3A_723 : i32
      %add3A_725 = arith.addi %mul3A_2, %mul3A_724 : i32
      %add3A_726 = arith.constant 3 : i32
      %add3A_727 = arith.addi %add3A_725, %add3A_726 : i32
      %dma_start3A_728 = arith.constant 150 : i32
      %dma_start3A_729 = arith.constant 0 : i32
      %dma_start3A_730 = tpu.memref_slice %arg9[%dma_start3A_728, %dma_start3A_729] : memref<200x128xf32, #tpu.memory_space<vmem>> -> memref<50x128xf32, #tpu.memory_space<vmem>>
      %dma_start3A_731 = arith.constant 0 : i32
      %dma_start3A_732 = arith.constant 0 : i32
      %dma_start3A_733 = tpu.memref_slice %arg4[%add3A_727, %dma_start3A_731, %dma_start3A_732] : memref<4096x50x128xf32, #tpu.memory_space<hbm>> -> memref<1x50x128xf32, #tpu.memory_space<hbm>>
      %dma_start3A_734 = tpu.memref_squeeze %dma_start3A_733 : memref<1x50x128xf32, #tpu.memory_space<hbm>> -> memref<50x128xf32, #tpu.memory_space<hbm>>
      %dma_start3A_735 = arith.constant 0 : i32
      %dma_start3A_736 = arith.constant 0 : i32
      %dma_start3A_737 = tpu.memref_slice %arg4[%add3A_727, %dma_start3A_735, %dma_start3A_736] : memref<4096x50x128xf32, #tpu.memory_space<hbm>> -> memref<1x50x128xf32, #tpu.memory_space<hbm>>
      %dma_start3A_738 = tpu.memref_squeeze %dma_start3A_737 : memref<1x50x128xf32, #tpu.memory_space<hbm>> -> memref<50x128xf32, #tpu.memory_space<hbm>>
      %dma_start3A_739 = arith.constant 150 : i32
      %dma_start3A_740 = arith.constant 0 : i32
      %dma_start3A_741 = tpu.memref_slice %arg9[%dma_start3A_739, %dma_start3A_740] : memref<200x128xf32, #tpu.memory_space<vmem>> -> memref<50x128xf32, #tpu.memory_space<vmem>>
      tpu.enqueue_dma source(%dma_start3A_741 : memref<50x128xf32, #tpu.memory_space<vmem>>) target(%dma_start3A_738 : memref<50x128xf32, #tpu.memory_space<hbm>>) target_semaphore(%arg11 : memref<!tpu.dma_semaphore, #tpu.memory_space<semaphore_mem>>)
    }
    %scan3A_55 = arith.constant 8 : i32
    %dma_wait3A = arith.constant 0 : i32
    %dma_wait3A_56 = arith.constant 0 : i32
    %dma_wait3A_57 = arith.constant 0 : i32
    %dma_wait3A_58 = tpu.memref_slice %arg6[%dma_wait3A_56, %dma_wait3A_57] : memref<200x128xf32, #tpu.memory_space<vmem>> -> memref<50x128xf32, #tpu.memory_space<vmem>>
    %dma_wait3A_59 = arith.constant 0 : i32
    %dma_wait3A_60 = arith.constant 0 : i32
    %dma_wait3A_61 = tpu.memref_slice %arg4[%dma_wait3A, %dma_wait3A_59, %dma_wait3A_60] : memref<4096x50x128xf32, #tpu.memory_space<hbm>> -> memref<1x50x128xf32, #tpu.memory_space<hbm>>
    %dma_wait3A_62 = tpu.memref_squeeze %dma_wait3A_61 : memref<1x50x128xf32, #tpu.memory_space<hbm>> -> memref<50x128xf32, #tpu.memory_space<hbm>>
    %dma_wait3A_63 = arith.constant 0 : i32
    %dma_wait3A_64 = arith.constant 0 : i32
    %dma_wait3A_65 = tpu.memref_slice %arg4[%dma_wait3A, %dma_wait3A_63, %dma_wait3A_64] : memref<4096x50x128xf32, #tpu.memory_space<hbm>> -> memref<1x50x128xf32, #tpu.memory_space<hbm>>
    %dma_wait3A_66 = tpu.memref_squeeze %dma_wait3A_65 : memref<1x50x128xf32, #tpu.memory_space<hbm>> -> memref<50x128xf32, #tpu.memory_space<hbm>>
    %dma_wait3A_67 = arith.constant 0 : i32
    %dma_wait3A_68 = arith.constant 0 : i32
    %dma_wait3A_69 = tpu.memref_slice %arg6[%dma_wait3A_67, %dma_wait3A_68] : memref<200x128xf32, #tpu.memory_space<vmem>> -> memref<50x128xf32, #tpu.memory_space<vmem>>
    tpu.wait_dma2 semaphore(%arg11 : memref<!tpu.dma_semaphore, #tpu.memory_space<semaphore_mem>>) src(%dma_wait3A_69 : memref<50x128xf32, #tpu.memory_space<vmem>>) dst(%dma_wait3A_66 : memref<50x128xf32, #tpu.memory_space<hbm>>)
    %dma_wait3A_70 = arith.constant 0 : i32
    %dma_wait3A_71 = arith.constant 0 : i32
    %dma_wait3A_72 = arith.constant 0 : i32
    %dma_wait3A_73 = tpu.memref_slice %arg6[%dma_wait3A_71, %dma_wait3A_72] : memref<200x128xf32, #tpu.memory_space<vmem>> -> memref<50x128xf32, #tpu.memory_space<vmem>>
    %dma_wait3A_74 = arith.constant 0 : i32
    %dma_wait3A_75 = arith.constant 0 : i32
    %dma_wait3A_76 = tpu.memref_slice %arg4[%dma_wait3A_70, %dma_wait3A_74, %dma_wait3A_75] : memref<4096x50x128xf32, #tpu.memory_space<hbm>> -> memref<1x50x128xf32, #tpu.memory_space<hbm>>
    %dma_wait3A_77 = tpu.memref_squeeze %dma_wait3A_76 : memref<1x50x128xf32, #tpu.memory_space<hbm>> -> memref<50x128xf32, #tpu.memory_space<hbm>>
    %dma_wait3A_78 = arith.constant 0 : i32
    %dma_wait3A_79 = arith.constant 0 : i32
    %dma_wait3A_80 = tpu.memref_slice %arg4[%dma_wait3A_70, %dma_wait3A_78, %dma_wait3A_79] : memref<4096x50x128xf32, #tpu.memory_space<hbm>> -> memref<1x50x128xf32, #tpu.memory_space<hbm>>
    %dma_wait3A_81 = tpu.memref_squeeze %dma_wait3A_80 : memref<1x50x128xf32, #tpu.memory_space<hbm>> -> memref<50x128xf32, #tpu.memory_space<hbm>>
    %dma_wait3A_82 = arith.constant 0 : i32
    %dma_wait3A_83 = arith.constant 0 : i32
    %dma_wait3A_84 = tpu.memref_slice %arg6[%dma_wait3A_82, %dma_wait3A_83] : memref<200x128xf32, #tpu.memory_space<vmem>> -> memref<50x128xf32, #tpu.memory_space<vmem>>
    tpu.wait_dma2 semaphore(%arg11 : memref<!tpu.dma_semaphore, #tpu.memory_space<semaphore_mem>>) src(%dma_wait3A_84 : memref<50x128xf32, #tpu.memory_space<vmem>>) dst(%dma_wait3A_81 : memref<50x128xf32, #tpu.memory_space<hbm>>)
    %dma_wait3A_85 = arith.constant 0 : i32
    %dma_wait3A_86 = arith.constant 0 : i32
    %dma_wait3A_87 = arith.constant 0 : i32
    %dma_wait3A_88 = tpu.memref_slice %arg6[%dma_wait3A_86, %dma_wait3A_87] : memref<200x128xf32, #tpu.memory_space<vmem>> -> memref<50x128xf32, #tpu.memory_space<vmem>>
    %dma_wait3A_89 = arith.constant 0 : i32
    %dma_wait3A_90 = arith.constant 0 : i32
    %dma_wait3A_91 = tpu.memref_slice %arg4[%dma_wait3A_85, %dma_wait3A_89, %dma_wait3A_90] : memref<4096x50x128xf32, #tpu.memory_space<hbm>> -> memref<1x50x128xf32, #tpu.memory_space<hbm>>
    %dma_wait3A_92 = tpu.memref_squeeze %dma_wait3A_91 : memref<1x50x128xf32, #tpu.memory_space<hbm>> -> memref<50x128xf32, #tpu.memory_space<hbm>>
    %dma_wait3A_93 = arith.constant 0 : i32
    %dma_wait3A_94 = arith.constant 0 : i32
    %dma_wait3A_95 = tpu.memref_slice %arg4[%dma_wait3A_85, %dma_wait3A_93, %dma_wait3A_94] : memref<4096x50x128xf32, #tpu.memory_space<hbm>> -> memref<1x50x128xf32, #tpu.memory_space<hbm>>
    %dma_wait3A_96 = tpu.memref_squeeze %dma_wait3A_95 : memref<1x50x128xf32, #tpu.memory_space<hbm>> -> memref<50x128xf32, #tpu.memory_space<hbm>>
    %dma_wait3A_97 = arith.constant 0 : i32
    %dma_wait3A_98 = arith.constant 0 : i32
    %dma_wait3A_99 = tpu.memref_slice %arg6[%dma_wait3A_97, %dma_wait3A_98] : memref<200x128xf32, #tpu.memory_space<vmem>> -> memref<50x128xf32, #tpu.memory_space<vmem>>
    tpu.wait_dma2 semaphore(%arg11 : memref<!tpu.dma_semaphore, #tpu.memory_space<semaphore_mem>>) src(%dma_wait3A_99 : memref<50x128xf32, #tpu.memory_space<vmem>>) dst(%dma_wait3A_96 : memref<50x128xf32, #tpu.memory_space<hbm>>)
    %dma_wait3A_100 = arith.constant 0 : i32
    %dma_wait3A_101 = arith.constant 0 : i32
    %dma_wait3A_102 = arith.constant 0 : i32
    %dma_wait3A_103 = tpu.memref_slice %arg6[%dma_wait3A_101, %dma_wait3A_102] : memref<200x128xf32, #tpu.memory_space<vmem>> -> memref<50x128xf32, #tpu.memory_space<vmem>>
    %dma_wait3A_104 = arith.constant 0 : i32
    %dma_wait3A_105 = arith.constant 0 : i32
    %dma_wait3A_106 = tpu.memref_slice %arg4[%dma_wait3A_100, %dma_wait3A_104, %dma_wait3A_105] : memref<4096x50x128xf32, #tpu.memory_space<hbm>> -> memref<1x50x128xf32, #tpu.memory_space<hbm>>
    %dma_wait3A_107 = tpu.memref_squeeze %dma_wait3A_106 : memref<1x50x128xf32, #tpu.memory_space<hbm>> -> memref<50x128xf32, #tpu.memory_space<hbm>>
    %dma_wait3A_108 = arith.constant 0 : i32
    %dma_wait3A_109 = arith.constant 0 : i32
    %dma_wait3A_110 = tpu.memref_slice %arg4[%dma_wait3A_100, %dma_wait3A_108, %dma_wait3A_109] : memref<4096x50x128xf32, #tpu.memory_space<hbm>> -> memref<1x50x128xf32, #tpu.memory_space<hbm>>
    %dma_wait3A_111 = tpu.memref_squeeze %dma_wait3A_110 : memref<1x50x128xf32, #tpu.memory_space<hbm>> -> memref<50x128xf32, #tpu.memory_space<hbm>>
    %dma_wait3A_112 = arith.constant 0 : i32
    %dma_wait3A_113 = arith.constant 0 : i32
    %dma_wait3A_114 = tpu.memref_slice %arg6[%dma_wait3A_112, %dma_wait3A_113] : memref<200x128xf32, #tpu.memory_space<vmem>> -> memref<50x128xf32, #tpu.memory_space<vmem>>
    tpu.wait_dma2 semaphore(%arg11 : memref<!tpu.dma_semaphore, #tpu.memory_space<semaphore_mem>>) src(%dma_wait3A_114 : memref<50x128xf32, #tpu.memory_space<vmem>>) dst(%dma_wait3A_111 : memref<50x128xf32, #tpu.memory_space<hbm>>)
    return
  }
}

</mosaic_0001>

<sc_bundles>
// kernel: _emb_call.3.cloned.1.call-start
scs
__scs_entry_jumppad:
0x0: {  	(pc) =	sbr.rel $0x88, $3  }
0x1: {  	(tag) =	ssettag $0x0;
	lr =	simm.s32 $0x1  }
0x2: {  	[smem:$0x3F9F] =	sst lr;
	_ =	strace $0xD0000000  }
0x3: {  	_ = 	snop  }
0x4: {  	_ = 	snop  }
0x5: {  	_ = 	snop  }
0x6: {  	_ = 	snop  }
0x7: {  	_ = 	snop  }
__scs_overlays_trampoline_lowered:
0x8: {  	[smem:$0x3FAE] =	sst s0  }
0x9: {  	[smem:$0x3FAF] =	sst s1  }
0xa: {  	[smem:$0x3FB0] =	sst s2  }
0xb: {  	[smem:$0x3FB1] =	sst s3  }
0xc: {  	[smem:$0x3FB2] =	sst s4  }
0xd: {  	[smem:$0x3FB3] =	sst s5  }
0xe: {  	[smem:$0x3FB4] =	sst s6  }
0xf: {  	[smem:$0x3FB5] =	sst s7  }
0x10: {  	[smem:$0x3FB6] =	sst s8  }
0x11: {  	[smem:$0x3FB7] =	sst s9;
	s0 =	simm.s32 @!p0 $0x0  }
0x12: {  	s1 =	sld [smem:$0x3F9D];
	s0 =	simm.s32 @p0 $0x1  }
0x13: {  	[smem:$0x3FB8] =	sst s0;
	s0 =	simm.s32 @!p1 $0x0  }
0x14: {  	s2 =	sld [smem:$0x3F9C];
	s0 =	simm.s32 @p1 $0x1  }
0x15: {  	[smem:$0x3FB9] =	sst s0;
	s0 =	simm.s32 @!p2 $0x0  }
0x16: {  	s3 =	sld [smem:$0x3FDB];
	s0 =	simm.s32 @p2 $0x1  }
0x17: {  	s4 =	simm.s32 $0x1BF5;
	[smem:$0x3FBB] =	sst s0  }
0x18: {  	s0 =	sld [smem:$0x3F9E];
	_ =	swait.ge [sflag:s4], $0x0  }
0x19: {  	s7 =	sld [smem:$0x3F9F]  }
0x1a: {  	s8 =	sadd.s32 $0xFFFFE003, lr  }
0x1b: {  	s9 =	sadd.s32 $0xFFFFFEF7, lr;
	s5 =	simm.s32 $0xFFFFFFFF;
	p2 =	slt.u32 s8, $0xFFFFF086  }
0x1c: {  	p1 =	slt.u32 s9, $0xF7A;
	s5 =	simm.s32 @!p2 $0x0  }
0x1d: {  	s5 =	simm.s32 @p1 $0x1;
	p0 =	seq.s32 s7, s2  }
0x1e: {  	s7 =	smul.u32 @!p0 $0xF7A, s2;
	p2 =	seq.s32 @!p0 s5, $0x0  }
0x1f: {  	s9 =	smul.u32 $0xF7A, s1;
	s8 =	simm.s32 @!p0 $0x1BF5;
	p2 =	por !p2, p0  }
0x20: {  	[sflag:s8] =	ssyncset.s32 @!p0 $0xFFFFF086;
	s6 =	sadd.s32 @!p0 s3, s7;
	s7 =	simm.s32 @!p0 $0x108  }
0x21: {  	s3 =	sadd.s32 s3, s9;
	s6 =	sadd.s32 @!p0 $0x88, s6;
	s7 =	simm.s32 @p2 $0x1082  }
0x22: {  	[simem:s7], [sflag:s8] =	dma.local @!p0 [hbm:s6], $0xF7A  }
0x23: {  	s9 =	sor.u32 $0xD0000000, s2;
	s6 =	simm.s32 $0x108;
	_ =	swait.ge @!p0 [sflag:s8], $0x0  }
0x24: {  	s3 =	sadd.s32 $0x88, s3;
	s6 =	simm.s32 @!p1 $0x1082;
	[sflag:s4] =	ssyncset.s32 $0xFFFFF086  }
0x25: {  	[simem:s6], [sflag:s4] =	dma.local [hbm:s3], $0xF7A  }
0x26: {  	[smem:$0x3F9F] =	sst s1;
	(tag) =	ssettag s2;
	_ =	strace s9  }
0x27: {  	s1 =	sld [smem:$0x3FAF]  }
0x28: {  	s2 =	sld [smem:$0x3FB0]  }
0x29: {  	s4 =	sld [smem:$0x3FB2]  }
0x2a: {  	p0 =	seq.s32 s5, $0x0;
	s5 =	sld [smem:$0x3FB3]  }
0x2b: {  	s6 =	sld [smem:$0x3FB4]  }
0x2c: {  	s7 =	sld [smem:$0x3FB5]  }
0x2d: {  	s3 =	simm.s32 $0x108;
	s8 =	sld [smem:$0x3FB6]  }
0x2e: {  	s3 =	simm.s32 @!p0 $0x1082;
	s9 =	sld [smem:$0x3FB7]  }
0x2f: {  	lr =	sadd.s32 s0, s3;
	s0 =	sld [smem:$0x3FAE]  }
0x30: {  	s3 =	sld [smem:$0x3FB1]  }
0x31: {  	[smem:$0x3FBA] =	sst s10  }
0x32: {  	s10 =	sld [smem:$0x3FB8];
	_ =	sdelay $0x3  }
0x33: {  	p0 =	seq.s32 s10, $0x1;
	s10 =	sld [smem:$0x3FBA];
	_ =	sdelay $0x3  }
0x34: {  	[smem:$0x3FBA] =	sst s10  }
0x35: {  	s10 =	sld [smem:$0x3FB9];
	_ =	sdelay $0x3  }
0x36: {  	p1 =	seq.s32 s10, $0x1;
	s10 =	sld [smem:$0x3FBA];
	_ =	sdelay $0x3  }
0x37: {  	[smem:$0x3FBA] =	sst s10  }
0x38: {  	s10 =	sld [smem:$0x3FBB]  }
0x39: {  	_ = 	snop;
	(pc) =	sbr.ind lr, $3  }
0x3a: {  	_ = 	snop  }
0x3b: {  	_ = 	snop  }
0x3c: {  	p2 =	seq.s32 s10, $0x1;
	s10 =	sld [smem:$0x3FBA]  }
0x3d: {  	_ =	shalt  }
0x3e: {  	_ =	shalt  }
0x3f: {  	_ =	shalt  }
0x40: {  	_ =	shalt  }
0x41: {  	_ =	shalt  }
0x42: {  	_ =	shalt  }
0x43: {  	_ =	shalt  }
0x44: {  	_ =	shalt  }
0x45: {  	_ =	shalt  }
0x46: {  	_ =	shalt  }
0x47: {  	_ =	shalt  }
0x48: {  	_ =	shalt  }
0x49: {  	_ =	shalt  }
0x4a: {  	_ =	shalt  }
0x4b: {  	_ =	shalt  }
0x4c: {  	_ =	shalt  }
0x4d: {  	_ =	shalt  }
0x4e: {  	_ =	shalt  }
0x4f: {  	_ =	shalt  }
0x50: {  	_ =	shalt  }
0x51: {  	_ =	shalt  }
0x52: {  	_ =	shalt  }
0x53: {  	_ =	shalt  }
0x54: {  	_ =	shalt  }
0x55: {  	_ =	shalt  }
0x56: {  	_ =	shalt  }
0x57: {  	_ =	shalt  }
0x58: {  	_ =	shalt  }
0x59: {  	_ =	shalt  }
0x5a: {  	_ =	shalt  }
0x5b: {  	_ =	shalt  }
0x5c: {  	_ =	shalt  }
0x5d: {  	_ =	shalt  }
0x5e: {  	_ =	shalt  }
0x5f: {  	_ =	shalt  }
0x60: {  	_ =	shalt  }
0x61: {  	_ =	shalt  }
0x62: {  	_ =	shalt  }
0x63: {  	_ =	shalt  }
0x64: {  	_ =	shalt  }
0x65: {  	_ =	shalt  }
0x66: {  	_ =	shalt  }
0x67: {  	_ =	shalt  }
0x68: {  	_ =	shalt  }
0x69: {  	_ =	shalt  }
0x6a: {  	_ =	shalt  }
0x6b: {  	_ =	shalt  }
0x6c: {  	_ =	shalt  }
0x6d: {  	_ =	shalt  }
0x6e: {  	_ =	shalt  }
0x6f: {  	_ =	shalt  }
0x70: {  	_ =	shalt  }
0x71: {  	_ =	shalt  }
0x72: {  	_ =	shalt  }
0x73: {  	_ =	shalt  }
0x74: {  	_ =	shalt  }
0x75: {  	_ =	shalt  }
0x76: {  	_ =	shalt  }
0x77: {  	_ =	shalt  }
0x78: {  	_ =	shalt  }
0x79: {  	_ =	shalt  }
0x7a: {  	_ =	shalt  }
0x7b: {  	_ =	shalt  }
0x7c: {  	_ =	shalt  }
0x7d: {  	_ =	shalt  }
0x7e: {  	_ =	shalt  }
0x7f: {  	_ =	shalt  }
0x80: {  	_ =	shalt  }
0x81: {  	_ =	shalt  }
0x82: {  	_ =	shalt  }
0x83: {  	_ =	shalt  }
0x84: {  	_ =	shalt  }
0x85: {  	_ =	shalt  }
0x86: {  	_ =	shalt  }
0x87: {  	_ =	shalt  }
.Lfunc_end0:
.L_simem_size_0:
called_computation_lowered:
.L_overlay_start_0:
0x88: {  	s2 =	sld [smem:$0x3FD9]  }
0x89: {  	s3 =	sld [smem:$0x3FFE];
	_ =	sdelay $0x1  }
0x8a: {  	s1 =	srdreg.scid  }
0x8b: {  	s0 =	sand.u32 $0x1, s1  }
0x8c: {  	s17 =	sshll.u32 s0, $0xA;
	s2 =	sadd.s32 s3, s2  }
0x8d: {  	s2 =	sadd.s32 s2, s17  }
0x8e: {  	[smem:$0x3FC6] =	sst s2  }
0x8f: {  	_ = 	snop  }
0x90: {  	s2 =	sld [smem:$0x3FC9]  }
0x91: {  	s18 =	sld [smem:$0x3FC8];
	(tm) =	ssettm $0x1  }
0x92: {  	s4 =	sld [smem:$0x3FFB];
	_ =	sdelay $0x3  }
0x93: {  	_ =	strace s4  }
0x94: {  	s4 =	sld [smem:$0x3FFC];
	_ =	sdelay $0x3  }
0x95: {  	_ =	strace s4  }
0x96: {  	s4 =	sld [smem:$0x3FFD];
	_ =	sdelay $0x3  }
0x97: {  	_ =	strace s4  }
0x98: {  	_ =	strace $0x8FFFFFFF  }
0x99: {  	s19 =	sld [smem:$0x3FDB];
	_ =	sdelay $0x1  }
0x9a: {  	s5 =	simm.s32 $_scs_section_size  }
0x9b: {  	s6 =	simm.s32 $_size__tile_overlayer_lowered;
	s7 =	simm.s32 $_tile_overlayer_lowered  }
0x9c: {  	s22 =	simm.s32 $0x1BFF;
	s21 =	sshll.u32 s7, $0x1;
	s4 =	sadd.s32 s5, s19  }
0x9d: {  	s8 =	simm.s32 $0x0;
	s20 =	sshll.u32 s6, $0x1;
	s6 =	sadd.s32 s21, s4  }
0x9e: {  	[timem:s8], [sflag:s22] =	dma.local [hbm:s6], s20  }
0x9f: {  	_ =	swait.ge [sflag:s22], s20  }
0xa0: {  	s5 =	ssub.s32 $0x0, s20;
	[sflag:s22] =	ssyncset.done $0x0  }
0xa1: {  	[sflag:s22] =	ssyncadd.s32 s5;
	_ =	sdelay $0x1  }
0xa2: {  	s23 =	simm.s32 $0x1B8B  }
0xa3: {  	_ =	swait.ge [sflag:s23], $0x1  }
0xa4: {  	[sflag:s23] =	ssyncset.done $0x0  }
0xa5: {  	s25 =	simm.s32 $0x1B8E;
	s24 =	sld [smem:$0x3FFE];
	[sflag:s23] =	ssyncadd.s32 $0xFFFFFFFF  }
0xa6: {  	s26 =	simm.s32 $execute0_lowered;
	[smem:$0x3FD2] =	sst s25  }
0xa7: {  	s6 =	sshll.u32 s26, $0x1;
	_ =	strace $0x80000046;
	[dreg:$0x1] =	wrdreg $0xFFFFFFFF  }
0xa8: {  	s28 =	simm.s32 $_size_execute0_lowered;
	s4 =	sadd.s32 s4, s6;
	[dreg:$0x0] =	wrdreg $0x0  }
0xa9: {  	s6 =	sshll.u32 s28, $0x1;
	[dreg:$0x2] =	wrdreg s4  }
0xaa: {  	[dreg:$0x3] =	wrdreg s6  }
0xab: {  	[dreg:$0x4] =	wrdreg $0xC0  }
0xac: {  	_ =	task [dreg:s8], $0x5FFFF  }
0xad: {  	[dreg:$0x1] =	wrdreg $0xFFFFFFFF  }
0xae: {  	[dreg:$0x0] =	wrdreg $0x60  }
0xaf: {  	[dreg:$0x2] =	wrdreg s2  }
0xb0: {  	[dreg:$0x3] =	wrdreg s18  }
0xb1: {  	[dreg:$0x4] =	wrdreg s24  }
0xb2: {  	[dreg:$0x5] =	wrdreg $0x9  }
0xb3: {  	_ =	task.clear_ibuf [dreg:s8], $0x6FFFF;
	_ =	strace $0x90000046  }
0xb4: {  	s29 =	simm.s32 $0x9;
	_ =	strace $0x80000048  }
0xb5: {  	_ =	swait.ge [sflag:s29], $0x1  }
0xb6: {  	[sflag:s29] =	ssyncadd.s32 $0xFFFFFFFF  }
0xb7: {  	_ =	strace $0x90000048  }
0xb8: {  	_ =	sfence  }
0xb9: {  	s30 =	sld [smem:$0x0];
	_ =	sdelay $0x2  }
0xba: {  	s31 =	sshll.u32 s1, $0xD;
	s1 =	sshrl.u32 s1, $0x2  }
0xbb: {  	s3 =	sand.u32 $0x4000, s31;
	s1 =	sadd.s32 s1, s30  }
0xbc: {  	s0 =	sor.u32 s3, s0;
	s1 =	sshll.u32 s1, $0x11  }
0xbd: {  	s0 =	sor.u32 s1, s0  }
0xbe: {  	s0 =	sadd.s32 $0x8F2B, s0  }
0xbf: {  	[sflag:s0] =	ssyncadd.remote.s32 $0x1  }
0xc0: {  	_ =	sfence.sel $0xFFFF  }
0xc1: {  	[dreg:$0x0] =	wrdreg $0xFFFFFFFF;
	(pc) =	sbr.abs _section_cstart, $3  }
0xc2: {  	[dreg:$0x1] =	wrdreg $0xFFFFFFFF  }
0xc3: {  	_ =	task.clear_ibuf [dreg:s8], $0x2FFFF;
	_ =	strace $0x9FFFFFFF  }
0xc4: {  	(tm) =	ssettm $0x7FFFFFFF  }
0xc5: {  	_ =	shalt  }
tec
execute0_lowered:
.L_overlay_start_1:
0x0: {  	(tag) =	ssettag $0x1  }
0x1: {  	s0 =	rddreg [dreg:$0x0]  }
0x2: {  	s2 =	rddreg [dreg:$0x1];
	s1 =	srdreg.scid  }
0x3: {  	s3 =	stileid.u32;
	s6 =	rddreg [dreg:$0x2];
	s11 =	simm.s32 $0x68  }
0x4: {  	s12 =	simm.s32 $0x1900;
	s13 =	simm.s32 $0x60;
	s16 =	simm.s32 $0x7D00  }
0x5: {  	s20 =	simm.s32 $0xE100;
	s23 =	simm.s32 $0x1;
	s24 =	simm.s32 $0x14500  }
0x6: {  	s29 =	simm.s32 $0x6400;
	s30 =	simm.s32 $0x2;
	s31 =	simm.s32 $0x9600  }
0x7: {  	s14 =	simm.s32 $0xFA00;
	s15 =	simm.s32 $0x11300;
	s17 =	simm.s32 $0x12C00  }
0x8: {  	s18 =	simm.s32 $0x15E00;
	s19 =	simm.s32 $0x17700;
	s21 =	simm.s32 $0x19000  }
0x9: {  	s1 =	sand.u32 $0x1, s1;
	s4 =	sshll.u32 s3, $0x1;
	s3 =	simm.s32 $0x0  }
0xa: {  	s9 =	simm.s32 $0x0;
	s5 =	sor.u32 s1, s4;
	[smem:$0x7FF] =	sst s3  }
0xb: {  	s1 =	ssub.s32 $0x2, s1;
	s4 =	sadd.s32 $0x400, s6;
	s7 =	smul.u32 $0x320, s5  }
0xc: {  	_ =	strace $0x80000047;
	s8 =	sshrl.u32 s1, $0x1;
	s5 =	sshll.u32 s5, $0x7  }
0xd: {  	s1 =	ssub.s32 s1, s8;
	s8 =	sadd.s32 $0xB00, s6;
	s0 =	sadd.s32 s0, s7  }
0xe: {  	s7 =	sadd.s32 $0x780, s6;
	s28 =	smax.u32 s1, $0x1;
	[dreg:$0x4] =	wrdreg s0  }
0xf: {  	s1 =	simm.s32 $0xAF00;
	[dreg:$0x5] =	wrdreg s28;
	s0 =	simm.s32 $0xC800  }
.LBB2_1:
0x10: {  	[dreg:$0x6] =	wrdreg s9  }
0x11: {  	s6 =	rddreg [dreg:$0x4];
	s26 =	simm.s32 $0x3  }
0x12: {  	[tilespmem:s3], [sflag:$0x3] =	stream.linear.gather [hbm4b:s6+s3], $0x1900, $0x38;
	[tilespmem:$0x1A900] =	vst v63  }
0x13: {  	_ =	swait.ge [sflag:s26], $0x1900  }
0x14: {  	[sflag:s26] =	ssyncset.done $0x0  }
0x15: {  	[sflag:s26] =	ssyncadd.s32 $0xFFFFE700  }
0x16: {  	[tilespmem:s12], [sflag:$0x1] =	stream.indirect.gather [hbm4b:s2+s11], $0x80, s3, s11, $0xb8;
	[tilespmem:$0x1A900] =	vst v63  }
0x17: {  	s28 =	simm.s32 $0x4D00  }
0x18: {  	[tilespmem:s28], [sflag:$0x1] =	stream.indirect.gather [hbm4b:s2+s13], $0x80, s11, s13, $0xb8;
	[tilespmem:$0x1A900] =	vst v63  }
0x19: {  	s9 =	simm.s32 $0xC8  }
0x1a: {  	[tilespmem:s16], [sflag:$0x1] =	stream.indirect.gather [hbm4b:s2+s11], $0x80, s9, s11, $0xb8;
	[tilespmem:$0x1A900] =	vst v63  }
0x1b: {  	s10 =	simm.s32 $0x130;
	s22 =	simm.s32 $0xB100  }
0x1c: {  	[tilespmem:s22], [sflag:$0x1] =	stream.indirect.gather [hbm4b:s2+s13], $0x80, s10, s13, $0xb8;
	[tilespmem:$0x1A900] =	vst v63  }
0x1d: {  	s25 =	simm.s32 $0x190  }
0x1e: {  	[tilespmem:s20], [sflag:$0x1] =	stream.indirect.gather [hbm4b:s2+s11], $0x80, s25, s11, $0xb8;
	[tilespmem:$0x1A900] =	vst v63  }
0x1f: {  	s6 =	simm.s32 $0x0;
	s26 =	simm.s32 $0x1F8;
	s28 =	simm.s32 $0x11500  }
0x20: {  	[tilespmem:s28], [sflag:$0x1] =	stream.indirect.gather [hbm4b:s2+s13], $0x80, s26, s13, $0xb8;
	[tilespmem:$0x1A900] =	vst v63  }
.LBB2_2:
0x21: {  	_ =	swait.ge [sflag:s23], $0x3400  }
0x22: {  	[sflag:s23] =	ssyncset.done $0x0  }
0x23: {  	[sflag:s23] =	ssyncadd.s32 $0xFFFFCC00  }
0x24: {  	_ =	swait.ge [sflag:s23], $0x3000  }
0x25: {  	p0 =	seq.s32 s6, $0x0;
	[sflag:s23] =	ssyncset.done $0x0  }
0x26: {  	s10 =	simm.s32 @!p0 $0x2;
	[sflag:s23] =	ssyncadd.s32 $0xFFFFD000  }
0x27: {  	_ =	swait.ge @!p0 [sflag:s10], $0x1900  }
0x28: {  	[sflag:s10] =	ssyncset.done @!p0 $0x0  }
0x29: {  	[sflag:s10] =	ssyncadd.s32 @!p0 $0xFFFFE700  }
0x2a: {  	_ =	swait.ge @!p0 [sflag:s10], $0x1900  }
0x2b: {  	[sflag:s10] =	ssyncset.done @!p0 $0x0  }
0x2c: {  	[sflag:s10] =	ssyncadd.s32 @!p0 $0xFFFFE700  }
0x2d: {  	_ =	swait.ge @!p0 [sflag:s10], $0x1900  }
0x2e: {  	s9 =	sshll.u32 s6, $0x2;
	[sflag:s10] =	ssyncset.done @!p0 $0x0  }
0x2f: {  	s9 =	sor.u32 $0x3, s9;
	[sflag:s10] =	ssyncadd.s32 @!p0 $0xFFFFE700  }
0x30: {  	s22 =	smul.u32 $0x320, s9;
	_ =	swait.ge @!p0 [sflag:s10], $0x1900  }
0x31: {  	[sflag:s10] =	ssyncset.done @!p0 $0x0  }
0x32: {  	s26 =	sshra.s32 s22, $0x2;
	[sflag:s10] =	ssyncadd.s32 @!p0 $0xFFFFE700  }
0x33: {  	[tilespmem:s24], [sflag:$0x1] =	stream.indirect.gather [hbm4b:s2+s11], $0x80, s26, s11, $0xb8;
	[tilespmem:$0x1A900] =	vst v63  }
0x34: {  	s28 =	simm.s32 $0x17900;
	s10 =	sadd.s32 $0x68, s26  }
0x35: {  	[tilespmem:s28], [sflag:$0x1] =	stream.indirect.gather [hbm4b:s2+s13], $0x80, s10, s13, $0xb8;
	[tilespmem:$0x1A900] =	vst v63  }
0x36: {  	s10 =	simm.s32 $0x1B00  }
0x37: {  	v0 =	vld [tilespmem:s10+$0xFFFFFE00]  }
0x38: {  	v1 =	vld [tilespmem:s10+$0xFFFFFE10]  }
0x39: {  	v2 =	vld [tilespmem:s10+$0xFFFFFE20]  }
0x3a: {  	v3 =	vld [tilespmem:s10+$0xFFFFFE30]  }
0x3b: {  	v4 =	vld [tilespmem:s10+$0xFFFFFE40]  }
0x3c: {  	v5 =	vld [tilespmem:s10+$0xFFFFFE50];
	v0 =	vmul.f32 $1.131370830e+01, v0  }
0x3d: {  	v6 =	vld [tilespmem:s10+$0xFFFFFE60];
	v1 =	vmul.f32 $1.131370830e+01, v1  }
0x3e: {  	[tilespmem:s10+$0xFFFFFE00] =	vst v0;
	v0 =	vmul.f32 $1.131370830e+01, v2;
	v2 =	vld [tilespmem:s10+$0xFFFFFE70]  }
0x3f: {  	[tilespmem:s10+$0xFFFFFE10] =	vst v1;
	v1 =	vmul.f32 $1.131370830e+01, v3;
	v3 =	vld [tilespmem:s10+$0xFFFFFE80]  }
0x40: {  	[tilespmem:s10+$0xFFFFFE20] =	vst v0;
	v0 =	vmul.f32 $1.131370830e+01, v4;
	v4 =	vld [tilespmem:s10+$0xFFFFFE90]  }
0x41: {  	[tilespmem:s10+$0xFFFFFE30] =	vst v1;
	v1 =	vmul.f32 $1.131370830e+01, v5;
	v5 =	vld [tilespmem:s10+$0xFFFFFEA0]  }
0x42: {  	[tilespmem:s10+$0xFFFFFE40] =	vst v0;
	v0 =	vmul.f32 $1.131370830e+01, v6;
	v6 =	vld [tilespmem:s10+$0xFFFFFEB0]  }
0x43: {  	[tilespmem:s10+$0xFFFFFE50] =	vst v1;
	v1 =	vmul.f32 $1.131370830e+01, v2;
	v2 =	vld [tilespmem:s10+$0xFFFFFEC0]  }
0x44: {  	[tilespmem:s10+$0xFFFFFE60] =	vst v0;
	v0 =	vmul.f32 $1.131370830e+01, v3;
	v3 =	vld [tilespmem:s10+$0xFFFFFED0]  }
0x45: {  	[tilespmem:s10+$0xFFFFFE70] =	vst v1;
	v1 =	vmul.f32 $1.131370830e+01, v4;
	v4 =	vld [tilespmem:s10+$0xFFFFFEE0]  }
0x46: {  	[tilespmem:s10+$0xFFFFFE80] =	vst v0;
	v0 =	vmul.f32 $1.131370830e+01, v5;
	v5 =	vld [tilespmem:s10+$0xFFFFFEF0]  }
0x47: {  	[tilespmem:s10+$0xFFFFFE90] =	vst v1;
	v1 =	vmul.f32 $1.131370830e+01, v6;
	v6 =	vld [tilespmem:s10+$0xFFFFFF00]  }
0x48: {  	[tilespmem:s10+$0xFFFFFEA0] =	vst v0;
	v0 =	vmul.f32 $1.131370830e+01, v2;
	v2 =	vld [tilespmem:s10+$0xFFFFFF10]  }
0x49: {  	[tilespmem:s10+$0xFFFFFEB0] =	vst v1;
	v1 =	vmul.f32 $1.131370830e+01, v3;
	v3 =	vld [tilespmem:s10+$0xFFFFFF20]  }
0x4a: {  	[tilespmem:s10+$0xFFFFFEC0] =	vst v0;
	v0 =	vmul.f32 $1.131370830e+01, v4;
	v4 =	vld [tilespmem:s10+$0xFFFFFF30]  }
0x4b: {  	[tilespmem:s10+$0xFFFFFED0] =	vst v1;
	v1 =	vmul.f32 $1.131370830e+01, v5;
	v5 =	vld [tilespmem:s10+$0xFFFFFF40]  }
0x4c: {  	[tilespmem:s10+$0xFFFFFEE0] =	vst v0;
	v0 =	vmul.f32 $1.131370830e+01, v6;
	v6 =	vld [tilespmem:s10+$0xFFFFFF50]  }
0x4d: {  	[tilespmem:s10+$0xFFFFFEF0] =	vst v1;
	v1 =	vmul.f32 $1.131370830e+01, v2;
	v2 =	vld [tilespmem:s10+$0xFFFFFF60]  }
0x4e: {  	[tilespmem:s10+$0xFFFFFF00] =	vst v0;
	v0 =	vmul.f32 $1.131370830e+01, v3;
	v3 =	vld [tilespmem:s10+$0xFFFFFF70]  }
0x4f: {  	[tilespmem:s10+$0xFFFFFF10] =	vst v1;
	v1 =	vmul.f32 $1.131370830e+01, v4;
	v4 =	vld [tilespmem:s10+$0xFFFFFF80]  }
0x50: {  	[tilespmem:s10+$0xFFFFFF20] =	vst v0;
	v0 =	vmul.f32 $1.131370830e+01, v5;
	v5 =	vld [tilespmem:s10+$0xFFFFFF90]  }
0x51: {  	[tilespmem:s10+$0xFFFFFF30] =	vst v1;
	v1 =	vmul.f32 $1.131370830e+01, v6;
	v6 =	vld [tilespmem:s10+$0xFFFFFFA0]  }
0x52: {  	[tilespmem:s10+$0xFFFFFF40] =	vst v0;
	v0 =	vmul.f32 $1.131370830e+01, v2;
	v2 =	vld [tilespmem:s10+$0xFFFFFFB0]  }
0x53: {  	[tilespmem:s10+$0xFFFFFF50] =	vst v1;
	v1 =	vmul.f32 $1.131370830e+01, v3;
	v3 =	vld [tilespmem:s10+$0xFFFFFFC0]  }
0x54: {  	[tilespmem:s10+$0xFFFFFF60] =	vst v0;
	v0 =	vmul.f32 $1.131370830e+01, v4;
	v4 =	vld [tilespmem:s10+$0xFFFFFFD0]  }
0x55: {  	[tilespmem:s10+$0xFFFFFF70] =	vst v1;
	v1 =	vmul.f32 $1.131370830e+01, v5;
	v5 =	vld [tilespmem:s10+$0xFFFFFFE0]  }
0x56: {  	[tilespmem:s10+$0xFFFFFF80] =	vst v0;
	v0 =	vmul.f32 $1.131370830e+01, v6;
	v6 =	vld [tilespmem:s10+$0x0]  }
0x57: {  	[tilespmem:s10+$0xFFFFFF90] =	vst v1;
	v1 =	vmul.f32 $1.131370830e+01, v2;
	v2 =	vld [tilespmem:s10+$0x10]  }
0x58: {  	[tilespmem:s10+$0xFFFFFFA0] =	vst v0;
	v0 =	vmul.f32 $1.131370830e+01, v3;
	v3 =	vld [tilespmem:s10+$0x20]  }
0x59: {  	[tilespmem:s10+$0xFFFFFFB0] =	vst v1;
	v1 =	vmul.f32 $1.131370830e+01, v4;
	v4 =	vld [tilespmem:s10+$0x30]  }
0x5a: {  	[tilespmem:s10+$0xFFFFFFC0] =	vst v0;
	v0 =	vmul.f32 $1.131370830e+01, v5;
	v5 =	vld [tilespmem:s10+$0x40]  }
0x5b: {  	[tilespmem:s10+$0xFFFFFFD0] =	vst v1;
	v1 =	vmul.f32 $1.131370830e+01, v6;
	v6 =	vld [tilespmem:s10+$0x50]  }
0x5c: {  	[tilespmem:s10+$0xFFFFFFE0] =	vst v0;
	v0 =	vmul.f32 $1.131370830e+01, v2;
	v2 =	vld [tilespmem:s10+$0x60]  }
0x5d: {  	[tilespmem:s10+$0x0] =	vst v1;
	v1 =	vmul.f32 $1.131370830e+01, v3;
	v3 =	vld [tilespmem:s10+$0x70]  }
0x5e: {  	[tilespmem:s10+$0x10] =	vst v0;
	v0 =	vmul.f32 $1.131370830e+01, v4;
	v4 =	vld [tilespmem:s10+$0x80]  }
0x5f: {  	[tilespmem:s10+$0x20] =	vst v1;
	v1 =	vmul.f32 $1.131370830e+01, v5;
	v5 =	vld [tilespmem:s10+$0x90]  }
0x60: {  	[tilespmem:s10+$0x30] =	vst v0;
	v0 =	vmul.f32 $1.131370830e+01, v6;
	v6 =	vld [tilespmem:s10+$0xA0]  }
0x61: {  	[tilespmem:s10+$0x40] =	vst v1;
	v1 =	vmul.f32 $1.131370830e+01, v2;
	v2 =	vld [tilespmem:s10+$0xB0]  }
0x62: {  	[tilespmem:s10+$0x50] =	vst v0;
	v0 =	vmul.f32 $1.131370830e+01, v3;
	v3 =	vld [tilespmem:s10+$0xC0]  }
0x63: {  	[tilespmem:s10+$0x60] =	vst v1;
	v1 =	vmul.f32 $1.131370830e+01, v4;
	v4 =	vld [tilespmem:s10+$0xD0]  }
0x64: {  	[tilespmem:s10+$0x70] =	vst v0;
	v0 =	vmul.f32 $1.131370830e+01, v5;
	v5 =	vld [tilespmem:s10+$0xE0]  }
0x65: {  	[tilespmem:s10+$0x80] =	vst v1;
	v1 =	vmul.f32 $1.131370830e+01, v6;
	v6 =	vld [tilespmem:s10+$0xF0]  }
0x66: {  	[tilespmem:s10+$0x90] =	vst v0;
	v0 =	vmul.f32 $1.131370830e+01, v2;
	v2 =	vld [tilespmem:s10+$0x100]  }
0x67: {  	[tilespmem:s10+$0xA0] =	vst v1;
	v1 =	vmul.f32 $1.131370830e+01, v3;
	v3 =	vld [tilespmem:s10+$0x110]  }
0x68: {  	[tilespmem:s10+$0xB0] =	vst v0;
	v0 =	vmul.f32 $1.131370830e+01, v4;
	v4 =	vld [tilespmem:s10+$0x120]  }
0x69: {  	[tilespmem:s10+$0xC0] =	vst v1;
	v1 =	vmul.f32 $1.131370830e+01, v5;
	v5 =	vld [tilespmem:s10+$0x130]  }
0x6a: {  	[tilespmem:s10+$0xD0] =	vst v0;
	v0 =	vmul.f32 $1.131370830e+01, v6;
	v6 =	vld [tilespmem:s10+$0x140]  }
0x6b: {  	[tilespmem:s10+$0xE0] =	vst v1;
	v1 =	vmul.f32 $1.131370830e+01, v2;
	v2 =	vld [tilespmem:s10+$0x150]  }
0x6c: {  	[tilespmem:s10+$0xF0] =	vst v0;
	v0 =	vmul.f32 $1.131370830e+01, v3;
	v3 =	vld [tilespmem:s10+$0x160]  }
0x6d: {  	[tilespmem:s10+$0x100] =	vst v1;
	v1 =	vmul.f32 $1.131370830e+01, v4;
	v4 =	vld [tilespmem:s10+$0x170]  }
0x6e: {  	[tilespmem:s10+$0x110] =	vst v0;
	v0 =	vmul.f32 $1.131370830e+01, v5;
	v5 =	vld [tilespmem:s10+$0x180]  }
0x6f: {  	[tilespmem:s10+$0x120] =	vst v1;
	v1 =	vmul.f32 $1.131370830e+01, v6;
	v6 =	vld [tilespmem:s10+$0x190]  }
0x70: {  	v7 =	vld [tilespmem:s10+$0x1A0];
	[tilespmem:s10+$0x130] =	vst v0;
	v0 =	vmul.f32 $1.131370830e+01, v2  }
0x71: {  	v8 =	vld [tilespmem:s10+$0x1B0];
	[tilespmem:s10+$0x140] =	vst v1;
	v1 =	vmul.f32 $1.131370830e+01, v3  }
0x72: {  	[tilespmem:s10+$0x150] =	vst v0;
	v2 =	vmul.f32 $1.131370830e+01, v4;
	v0 =	vld [tilespmem:s10+$0x1C0]  }
0x73: {  	[tilespmem:s10+$0x160] =	vst v1;
	v4 =	vmul.f32 $1.131370830e+01, v5;
	v1 =	vld [tilespmem:s10+$0x1D0]  }
0x74: {  	v3 =	vld [tilespmem:s10+$0x1E0];
	[tilespmem:s10+$0x170] =	vst v2;
	v6 =	vmul.f32 $1.131370830e+01, v6  }
0x75: {  	v5 =	vmul.f32 $1.131370830e+01, v7;
	v2 =	vld [tilespmem:s10+$0x1F0];
	[tilespmem:s10+$0x180] =	vst v4  }
0x76: {  	s25 =	simm.s32 $0x1F00;
	s22 =	simm.s32 $0x0;
	v4 =	vld [tilespmem:s10+$0xFFFFFFF0];
	[tilespmem:s10+$0x190] =	vst v6;
	v6 =	vmul.f32 $1.131370830e+01, v8  }
.LBB2_3:
0x77: {  	v7 =	vld [tilespmem:s25+$0xFFFFFE00];
	[tilespmem:s10+$0x1A0] =	vst v5;
	v0 =	vmul.f32 $1.131370830e+01, v0  }
0x78: {  	v5 =	vld [tilespmem:s25+$0xFFFFFE10];
	[tilespmem:s10+$0x1B0] =	vst v6;
	v1 =	vmul.f32 $1.131370830e+01, v1  }
0x79: {  	v6 =	vld [tilespmem:s25+$0xFFFFFE20];
	[tilespmem:s10+$0x1C0] =	vst v0;
	v0 =	vmul.f32 $1.131370830e+01, v3  }
0x7a: {  	v3 =	vld [tilespmem:s25+$0xFFFFFE30];
	[tilespmem:s10+$0x1D0] =	vst v1;
	v1 =	vmul.f32 $1.131370830e+01, v2  }
0x7b: {  	v2 =	vld [tilespmem:s25+$0xFFFFFE40];
	v4 =	vmul.f32 $1.131370830e+01, v4;
	[tilespmem:s10+$0x1E0] =	vst v0  }
0x7c: {  	v0 =	vmul.f32 $1.131370830e+01, v7;
	v7 =	vld [tilespmem:s25+$0xFFFFFE50];
	[tilespmem:s10+$0x1F0] =	vst v1  }
0x7d: {  	v1 =	vmul.f32 $1.131370830e+01, v5;
	v5 =	vld [tilespmem:s25+$0xFFFFFE60];
	[tilespmem:s10+$0xFFFFFFF0] =	vst v4;
	s10 =	smov.u32 s25  }
0x7e: {  	[tilespmem:s25+$0xFFFFFE00] =	vst v0;
	v0 =	vmul.f32 $1.131370830e+01, v6;
	v4 =	vld [tilespmem:s25+$0xFFFFFE70]  }
0x7f: {  	[tilespmem:s25+$0xFFFFFE10] =	vst v1;
	v1 =	vmul.f32 $1.131370830e+01, v3;
	v3 =	vld [tilespmem:s25+$0xFFFFFE80]  }
0x80: {  	[tilespmem:s25+$0xFFFFFE20] =	vst v0;
	v0 =	vmul.f32 $1.131370830e+01, v2;
	v2 =	vld [tilespmem:s25+$0xFFFFFE90]  }
0x81: {  	[tilespmem:s25+$0xFFFFFE30] =	vst v1;
	v1 =	vmul.f32 $1.131370830e+01, v7;
	v6 =	vld [tilespmem:s25+$0xFFFFFEA0]  }
0x82: {  	[tilespmem:s25+$0xFFFFFE40] =	vst v0;
	v0 =	vmul.f32 $1.131370830e+01, v5;
	v5 =	vld [tilespmem:s25+$0xFFFFFEB0]  }
0x83: {  	[tilespmem:s25+$0xFFFFFE50] =	vst v1;
	v1 =	vmul.f32 $1.131370830e+01, v4;
	v4 =	vld [tilespmem:s25+$0xFFFFFEC0]  }
0x84: {  	[tilespmem:s25+$0xFFFFFE60] =	vst v0;
	v0 =	vmul.f32 $1.131370830e+01, v3;
	v3 =	vld [tilespmem:s25+$0xFFFFFED0]  }
0x85: {  	[tilespmem:s25+$0xFFFFFE70] =	vst v1;
	v1 =	vmul.f32 $1.131370830e+01, v2;
	v2 =	vld [tilespmem:s25+$0xFFFFFEE0]  }
0x86: {  	[tilespmem:s25+$0xFFFFFE80] =	vst v0;
	v0 =	vmul.f32 $1.131370830e+01, v6;
	v6 =	vld [tilespmem:s25+$0xFFFFFEF0]  }
0x87: {  	[tilespmem:s25+$0xFFFFFE90] =	vst v1;
	v1 =	vmul.f32 $1.131370830e+01, v5;
	v5 =	vld [tilespmem:s25+$0xFFFFFF00]  }
0x88: {  	[tilespmem:s25+$0xFFFFFEA0] =	vst v0;
	v0 =	vmul.f32 $1.131370830e+01, v4;
	v4 =	vld [tilespmem:s25+$0xFFFFFF10]  }
0x89: {  	[tilespmem:s25+$0xFFFFFEB0] =	vst v1;
	v1 =	vmul.f32 $1.131370830e+01, v3;
	v3 =	vld [tilespmem:s25+$0xFFFFFF20]  }
0x8a: {  	[tilespmem:s25+$0xFFFFFEC0] =	vst v0;
	v0 =	vmul.f32 $1.131370830e+01, v2;
	v2 =	vld [tilespmem:s25+$0xFFFFFF30]  }
0x8b: {  	[tilespmem:s25+$0xFFFFFED0] =	vst v1;
	v1 =	vmul.f32 $1.131370830e+01, v6;
	v6 =	vld [tilespmem:s25+$0xFFFFFF40]  }
0x8c: {  	[tilespmem:s25+$0xFFFFFEE0] =	vst v0;
	v0 =	vmul.f32 $1.131370830e+01, v5;
	v5 =	vld [tilespmem:s25+$0xFFFFFF50]  }
0x8d: {  	[tilespmem:s25+$0xFFFFFEF0] =	vst v1;
	v1 =	vmul.f32 $1.131370830e+01, v4;
	v4 =	vld [tilespmem:s25+$0xFFFFFF60]  }
0x8e: {  	[tilespmem:s25+$0xFFFFFF00] =	vst v0;
	v0 =	vmul.f32 $1.131370830e+01, v3;
	v3 =	vld [tilespmem:s25+$0xFFFFFF70]  }
0x8f: {  	[tilespmem:s25+$0xFFFFFF10] =	vst v1;
	v1 =	vmul.f32 $1.131370830e+01, v2;
	v2 =	vld [tilespmem:s25+$0xFFFFFF80]  }
0x90: {  	[tilespmem:s25+$0xFFFFFF20] =	vst v0;
	v0 =	vmul.f32 $1.131370830e+01, v6;
	v6 =	vld [tilespmem:s25+$0xFFFFFF90]  }
0x91: {  	[tilespmem:s25+$0xFFFFFF30] =	vst v1;
	v1 =	vmul.f32 $1.131370830e+01, v5;
	v5 =	vld [tilespmem:s25+$0xFFFFFFA0]  }
0x92: {  	[tilespmem:s25+$0xFFFFFF40] =	vst v0;
	v0 =	vmul.f32 $1.131370830e+01, v4;
	v4 =	vld [tilespmem:s25+$0xFFFFFFB0]  }
0x93: {  	[tilespmem:s25+$0xFFFFFF50] =	vst v1;
	v1 =	vmul.f32 $1.131370830e+01, v3;
	v3 =	vld [tilespmem:s25+$0xFFFFFFC0]  }
0x94: {  	[tilespmem:s25+$0xFFFFFF60] =	vst v0;
	v0 =	vmul.f32 $1.131370830e+01, v2;
	v2 =	vld [tilespmem:s25+$0xFFFFFFD0]  }
0x95: {  	[tilespmem:s25+$0xFFFFFF70] =	vst v1;
	v1 =	vmul.f32 $1.131370830e+01, v6;
	v6 =	vld [tilespmem:s25+$0xFFFFFFE0]  }
0x96: {  	[tilespmem:s25+$0xFFFFFF80] =	vst v0;
	v0 =	vmul.f32 $1.131370830e+01, v5;
	v5 =	vld [tilespmem:s25+$0x0]  }
0x97: {  	[tilespmem:s25+$0xFFFFFF90] =	vst v1;
	v1 =	vmul.f32 $1.131370830e+01, v4;
	v4 =	vld [tilespmem:s25+$0x10]  }
0x98: {  	[tilespmem:s25+$0xFFFFFFA0] =	vst v0;
	v0 =	vmul.f32 $1.131370830e+01, v3;
	v3 =	vld [tilespmem:s25+$0x20]  }
0x99: {  	[tilespmem:s25+$0xFFFFFFB0] =	vst v1;
	v1 =	vmul.f32 $1.131370830e+01, v2;
	v2 =	vld [tilespmem:s25+$0x30]  }
0x9a: {  	[tilespmem:s25+$0xFFFFFFC0] =	vst v0;
	v0 =	vmul.f32 $1.131370830e+01, v6;
	v6 =	vld [tilespmem:s25+$0x40]  }
0x9b: {  	[tilespmem:s25+$0xFFFFFFD0] =	vst v1;
	v1 =	vmul.f32 $1.131370830e+01, v5;
	v5 =	vld [tilespmem:s25+$0x50]  }
0x9c: {  	[tilespmem:s25+$0xFFFFFFE0] =	vst v0;
	v0 =	vmul.f32 $1.131370830e+01, v4;
	v4 =	vld [tilespmem:s25+$0x60]  }
0x9d: {  	[tilespmem:s25+$0x0] =	vst v1;
	v1 =	vmul.f32 $1.131370830e+01, v3;
	v3 =	vld [tilespmem:s25+$0x70]  }
0x9e: {  	[tilespmem:s25+$0x10] =	vst v0;
	v0 =	vmul.f32 $1.131370830e+01, v2;
	v2 =	vld [tilespmem:s25+$0x80]  }
0x9f: {  	[tilespmem:s25+$0x20] =	vst v1;
	v1 =	vmul.f32 $1.131370830e+01, v6;
	v6 =	vld [tilespmem:s25+$0x90]  }
0xa0: {  	[tilespmem:s25+$0x30] =	vst v0;
	v0 =	vmul.f32 $1.131370830e+01, v5;
	v5 =	vld [tilespmem:s25+$0xA0]  }
0xa1: {  	[tilespmem:s25+$0x40] =	vst v1;
	v1 =	vmul.f32 $1.131370830e+01, v4;
	v4 =	vld [tilespmem:s25+$0xB0]  }
0xa2: {  	[tilespmem:s25+$0x50] =	vst v0;
	v0 =	vmul.f32 $1.131370830e+01, v3;
	v3 =	vld [tilespmem:s25+$0xC0]  }
0xa3: {  	[tilespmem:s25+$0x60] =	vst v1;
	v1 =	vmul.f32 $1.131370830e+01, v2;
	v2 =	vld [tilespmem:s25+$0xD0]  }
0xa4: {  	[tilespmem:s25+$0x70] =	vst v0;
	v0 =	vmul.f32 $1.131370830e+01, v6;
	v6 =	vld [tilespmem:s25+$0xE0]  }
0xa5: {  	[tilespmem:s25+$0x80] =	vst v1;
	v1 =	vmul.f32 $1.131370830e+01, v5;
	v5 =	vld [tilespmem:s25+$0xF0]  }
0xa6: {  	[tilespmem:s25+$0x90] =	vst v0;
	v0 =	vmul.f32 $1.131370830e+01, v4;
	v4 =	vld [tilespmem:s25+$0x100]  }
0xa7: {  	[tilespmem:s25+$0xA0] =	vst v1;
	v1 =	vmul.f32 $1.131370830e+01, v3;
	v3 =	vld [tilespmem:s25+$0x110]  }
0xa8: {  	[tilespmem:s25+$0xB0] =	vst v0;
	v0 =	vmul.f32 $1.131370830e+01, v2;
	v2 =	vld [tilespmem:s25+$0x120]  }
0xa9: {  	[tilespmem:s25+$0xC0] =	vst v1;
	v1 =	vmul.f32 $1.131370830e+01, v6;
	v6 =	vld [tilespmem:s25+$0x130]  }
0xaa: {  	[tilespmem:s25+$0xD0] =	vst v0;
	v0 =	vmul.f32 $1.131370830e+01, v5;
	v5 =	vld [tilespmem:s25+$0x140]  }
0xab: {  	[tilespmem:s25+$0xE0] =	vst v1;
	v1 =	vmul.f32 $1.131370830e+01, v4;
	v4 =	vld [tilespmem:s25+$0x150]  }
0xac: {  	[tilespmem:s25+$0xF0] =	vst v0;
	v0 =	vmul.f32 $1.131370830e+01, v3;
	v3 =	vld [tilespmem:s25+$0x160]  }
0xad: {  	[tilespmem:s25+$0x100] =	vst v1;
	v1 =	vmul.f32 $1.131370830e+01, v2;
	v2 =	vld [tilespmem:s25+$0x170]  }
0xae: {  	[tilespmem:s25+$0x110] =	vst v0;
	v0 =	vmul.f32 $1.131370830e+01, v6;
	v6 =	vld [tilespmem:s25+$0x180]  }
0xaf: {  	[tilespmem:s25+$0x120] =	vst v1;
	v1 =	vmul.f32 $1.131370830e+01, v5;
	v5 =	vld [tilespmem:s25+$0x190]  }
0xb0: {  	s22 =	sadd.s32 $0x8, s22;
	[tilespmem:s25+$0x130] =	vst v0;
	v0 =	vmul.f32 $1.131370830e+01, v4;
	v4 =	vld [tilespmem:s25+$0x1A0]  }
0xb1: {  	p0 =	slt.u32 s22, $0xC0;
	[tilespmem:s25+$0x140] =	vst v1;
	v1 =	vmul.f32 $1.131370830e+01, v3;
	v7 =	vld [tilespmem:s25+$0x1B0]  }
.Ltmp0:
0xb2: {  	[tilespmem:s25+$0x150] =	vst v0;
	v2 =	vmul.f32 $1.131370830e+01, v2;
	v0 =	vld [tilespmem:s25+$0x1C0];
	(pc) =	sbr.rel @p0 .LBB2_3-.Ltmp0, $4  }
0xb3: {  	[tilespmem:s25+$0x160] =	vst v1;
	v6 =	vmul.f32 $1.131370830e+01, v6;
	v1 =	vld [tilespmem:s25+$0x1D0]  }
0xb4: {  	[tilespmem:s25+$0x170] =	vst v2;
	v8 =	vmul.f32 $1.131370830e+01, v5;
	v3 =	vld [tilespmem:s25+$0x1E0]  }
0xb5: {  	[tilespmem:s25+$0x180] =	vst v6;
	v5 =	vmul.f32 $1.131370830e+01, v4;
	v2 =	vld [tilespmem:s25+$0x1F0]  }
0xb6: {  	s25 =	sadd.s32 $0x400, s25;
	v4 =	vld [tilespmem:s10+$0xFFFFFFF0];
	[tilespmem:s10+$0x190] =	vst v8;
	v6 =	vmul.f32 $1.131370830e+01, v7  }
0xb7: {  	[tilespmem:s10+$0x1A0] =	vst v5;
	v0 =	vmul.f32 $1.131370830e+01, v0  }
0xb8: {  	[tilespmem:s10+$0x1B0] =	vst v6;
	v1 =	vmul.f32 $1.131370830e+01, v1  }
0xb9: {  	s22 =	sshll.u32 s6, $0x4;
	[tilespmem:s10+$0x1C0] =	vst v0;
	v0 =	vmul.f32 $1.131370830e+01, v3  }
0xba: {  	s22 =	sor.u32 s5, s22;
	[tilespmem:s10+$0x1D0] =	vst v1;
	v1 =	vmul.f32 $1.131370830e+01, v2  }
0xbb: {  	s25 =	smul.u32 $0x380, s22;
	v2 =	vmul.f32 $1.131370830e+01, v4;
	[tilespmem:s10+$0x1E0] =	vst v0  }
0xbc: {  	[tilespmem:s10+$0x1F0] =	vst v1  }
0xbd: {  	s26 =	sadd.s32 s4, s25;
	[tilespmem:s10+$0xFFFFFFF0] =	vst v2  }
0xbe: {  	[hbm4b:s26+s3] =	stream.linear.scatter [tilespmem:s12], [sflag:$0x2], $0x1900, $0x38;
	[tilespmem:$0x1A900] =	vst v63  }
0xbf: {  	s10 =	sadd.s32 s25, s7;
	s26 =	simm.s32 $0x3200  }
0xc0: {  	[hbm4b:s10+s3] =	stream.linear.scatter [tilespmem:s26], [sflag:$0x2], $0x1900, $0x38;
	[tilespmem:$0x1A900] =	vst v63  }
0xc1: {  	s10 =	sadd.s32 s25, s8;
	s25 =	smul.u32 $0x1C00, s22;
	s26 =	simm.s32 $0x4B00  }
0xc2: {  	[hbm4b:s10+s3] =	stream.linear.scatter [tilespmem:s26], [sflag:$0x2], $0x1900, $0x38;
	[tilespmem:$0x1A900] =	vst v63  }
0xc3: {  	s26 =	sshrl.u32 s25, $0x3  }
0xc4: {  	s10 =	sadd.s32 s4, s26  }
0xc5: {  	s10 =	sadd.s32 $0xA80, s10  }
0xc6: {  	[hbm4b:s10+s3] =	stream.linear.scatter [tilespmem:s29], [sflag:$0x2], $0x1900, $0x38;
	[tilespmem:$0x1A900] =	vst v63  }
0xc7: {  	_ =	swait.ge [sflag:s23], $0x3400  }
0xc8: {  	[sflag:s23] =	ssyncset.done $0x0  }
0xc9: {  	[sflag:s23] =	ssyncadd.s32 $0xFFFFCC00  }
0xca: {  	_ =	swait.ge [sflag:s23], $0x3000  }
0xcb: {  	[sflag:s23] =	ssyncset.done $0x0  }
0xcc: {  	[sflag:s23] =	ssyncadd.s32 $0xFFFFD000  }
0xcd: {  	_ =	swait.ge [sflag:s30], $0x1900  }
0xce: {  	[sflag:s30] =	ssyncset.done $0x0  }
0xcf: {  	[sflag:s30] =	ssyncadd.s32 $0xFFFFE700  }
0xd0: {  	_ =	swait.ge [sflag:s30], $0x1900  }
0xd1: {  	[sflag:s30] =	ssyncset.done $0x0  }
0xd2: {  	[sflag:s30] =	ssyncadd.s32 $0xFFFFE700  }
0xd3: {  	_ =	swait.ge [sflag:s30], $0x1900  }
0xd4: {  	p0 =	seq.s32 s6, $0x7;
	[sflag:s30] =	ssyncset.done $0x0  }
0xd5: {  	s10 =	smul.u32 @!p0 $0xC80, s6;
	[sflag:s30] =	ssyncadd.s32 $0xFFFFE700  }
0xd6: {  	_ =	swait.ge [sflag:s30], $0x1900  }
0xd7: {  	s28 =	simm.s32 @!p0 $0x1900;
	s10 =	sshra.s32 @!p0 s10, $0x2;
	[sflag:s30] =	ssyncset.done $0x0  }
0xd8: {  	s26 =	simm.s32 @!p0 $0x68;
	s25 =	sadd.s32 @!p0 $0x320, s10;
	[sflag:s30] =	ssyncadd.s32 $0xFFFFE700  }
0xd9: {  	[tilespmem:s28], [sflag:$0x1] =	stream.indirect.gather @!p0 [hbm4b:s2+s26], $0x80, s25, s26, $0xb8;
	[tilespmem:$0x1A900] =	vst v63  }
0xda: {  	s25 =	sadd.s32 @!p0 $0x388, s10;
	s26 =	simm.s32 @!p0 $0x60;
	s28 =	simm.s32 @!p0 $0x4D00  }
0xdb: {  	[tilespmem:s28], [sflag:$0x1] =	stream.indirect.gather @!p0 [hbm4b:s2+s26], $0x80, s25, s26, $0xb8;
	[tilespmem:$0x1A900] =	vst v63  }
0xdc: {  	s25 =	simm.s32 $0x7F00  }
0xdd: {  	v0 =	vld [tilespmem:s25+$0xFFFFFE00]  }
0xde: {  	v1 =	vld [tilespmem:s25+$0xFFFFFE10]  }
0xdf: {  	v2 =	vld [tilespmem:s25+$0xFFFFFE20]  }
0xe0: {  	v3 =	vld [tilespmem:s25+$0xFFFFFE30]  }
0xe1: {  	v4 =	vld [tilespmem:s25+$0xFFFFFE40]  }
0xe2: {  	v5 =	vld [tilespmem:s25+$0xFFFFFE50];
	v0 =	vmul.f32 $1.131370830e+01, v0  }
0xe3: {  	v6 =	vld [tilespmem:s25+$0xFFFFFE60];
	v1 =	vmul.f32 $1.131370830e+01, v1  }
0xe4: {  	[tilespmem:s25+$0xFFFFFE00] =	vst v0;
	v0 =	vmul.f32 $1.131370830e+01, v2;
	v2 =	vld [tilespmem:s25+$0xFFFFFE70]  }
0xe5: {  	[tilespmem:s25+$0xFFFFFE10] =	vst v1;
	v1 =	vmul.f32 $1.131370830e+01, v3;
	v3 =	vld [tilespmem:s25+$0xFFFFFE80]  }
0xe6: {  	[tilespmem:s25+$0xFFFFFE20] =	vst v0;
	v0 =	vmul.f32 $1.131370830e+01, v4;
	v4 =	vld [tilespmem:s25+$0xFFFFFE90]  }
0xe7: {  	[tilespmem:s25+$0xFFFFFE30] =	vst v1;
	v1 =	vmul.f32 $1.131370830e+01, v5;
	v5 =	vld [tilespmem:s25+$0xFFFFFEA0]  }
0xe8: {  	[tilespmem:s25+$0xFFFFFE40] =	vst v0;
	v0 =	vmul.f32 $1.131370830e+01, v6;
	v6 =	vld [tilespmem:s25+$0xFFFFFEB0]  }
0xe9: {  	[tilespmem:s25+$0xFFFFFE50] =	vst v1;
	v1 =	vmul.f32 $1.131370830e+01, v2;
	v2 =	vld [tilespmem:s25+$0xFFFFFEC0]  }
0xea: {  	[tilespmem:s25+$0xFFFFFE60] =	vst v0;
	v0 =	vmul.f32 $1.131370830e+01, v3;
	v3 =	vld [tilespmem:s25+$0xFFFFFED0]  }
0xeb: {  	[tilespmem:s25+$0xFFFFFE70] =	vst v1;
	v1 =	vmul.f32 $1.131370830e+01, v4;
	v4 =	vld [tilespmem:s25+$0xFFFFFEE0]  }
0xec: {  	[tilespmem:s25+$0xFFFFFE80] =	vst v0;
	v0 =	vmul.f32 $1.131370830e+01, v5;
	v5 =	vld [tilespmem:s25+$0xFFFFFEF0]  }
0xed: {  	[tilespmem:s25+$0xFFFFFE90] =	vst v1;
	v1 =	vmul.f32 $1.131370830e+01, v6;
	v6 =	vld [tilespmem:s25+$0xFFFFFF00]  }
0xee: {  	[tilespmem:s25+$0xFFFFFEA0] =	vst v0;
	v0 =	vmul.f32 $1.131370830e+01, v2;
	v2 =	vld [tilespmem:s25+$0xFFFFFF10]  }
0xef: {  	[tilespmem:s25+$0xFFFFFEB0] =	vst v1;
	v1 =	vmul.f32 $1.131370830e+01, v3;
	v3 =	vld [tilespmem:s25+$0xFFFFFF20]  }
0xf0: {  	[tilespmem:s25+$0xFFFFFEC0] =	vst v0;
	v0 =	vmul.f32 $1.131370830e+01, v4;
	v4 =	vld [tilespmem:s25+$0xFFFFFF30]  }
0xf1: {  	[tilespmem:s25+$0xFFFFFED0] =	vst v1;
	v1 =	vmul.f32 $1.131370830e+01, v5;
	v5 =	vld [tilespmem:s25+$0xFFFFFF40]  }
0xf2: {  	[tilespmem:s25+$0xFFFFFEE0] =	vst v0;
	v0 =	vmul.f32 $1.131370830e+01, v6;
	v6 =	vld [tilespmem:s25+$0xFFFFFF50]  }
0xf3: {  	[tilespmem:s25+$0xFFFFFEF0] =	vst v1;
	v1 =	vmul.f32 $1.131370830e+01, v2;
	v2 =	vld [tilespmem:s25+$0xFFFFFF60]  }
0xf4: {  	[tilespmem:s25+$0xFFFFFF00] =	vst v0;
	v0 =	vmul.f32 $1.131370830e+01, v3;
	v3 =	vld [tilespmem:s25+$0xFFFFFF70]  }
0xf5: {  	[tilespmem:s25+$0xFFFFFF10] =	vst v1;
	v1 =	vmul.f32 $1.131370830e+01, v4;
	v4 =	vld [tilespmem:s25+$0xFFFFFF80]  }
0xf6: {  	[tilespmem:s25+$0xFFFFFF20] =	vst v0;
	v0 =	vmul.f32 $1.131370830e+01, v5;
	v5 =	vld [tilespmem:s25+$0xFFFFFF90]  }
0xf7: {  	[tilespmem:s25+$0xFFFFFF30] =	vst v1;
	v1 =	vmul.f32 $1.131370830e+01, v6;
	v6 =	vld [tilespmem:s25+$0xFFFFFFA0]  }
0xf8: {  	[tilespmem:s25+$0xFFFFFF40] =	vst v0;
	v0 =	vmul.f32 $1.131370830e+01, v2;
	v2 =	vld [tilespmem:s25+$0xFFFFFFB0]  }
0xf9: {  	[tilespmem:s25+$0xFFFFFF50] =	vst v1;
	v1 =	vmul.f32 $1.131370830e+01, v3;
	v3 =	vld [tilespmem:s25+$0xFFFFFFC0]  }
0xfa: {  	[tilespmem:s25+$0xFFFFFF60] =	vst v0;
	v0 =	vmul.f32 $1.131370830e+01, v4;
	v4 =	vld [tilespmem:s25+$0xFFFFFFD0]  }
0xfb: {  	[tilespmem:s25+$0xFFFFFF70] =	vst v1;
	v1 =	vmul.f32 $1.131370830e+01, v5;
	v5 =	vld [tilespmem:s25+$0xFFFFFFE0]  }
0xfc: {  	[tilespmem:s25+$0xFFFFFF80] =	vst v0;
	v0 =	vmul.f32 $1.131370830e+01, v6;
	v6 =	vld [tilespmem:s25+$0x0]  }
0xfd: {  	[tilespmem:s25+$0xFFFFFF90] =	vst v1;
	v1 =	vmul.f32 $1.131370830e+01, v2;
	v2 =	vld [tilespmem:s25+$0x10]  }
0xfe: {  	[tilespmem:s25+$0xFFFFFFA0] =	vst v0;
	v0 =	vmul.f32 $1.131370830e+01, v3;
	v3 =	vld [tilespmem:s25+$0x20]  }
0xff: {  	[tilespmem:s25+$0xFFFFFFB0] =	vst v1;
	v1 =	vmul.f32 $1.131370830e+01, v4;
	v4 =	vld [tilespmem:s25+$0x30]  }
0x100: {  	[tilespmem:s25+$0xFFFFFFC0] =	vst v0;
	v0 =	vmul.f32 $1.131370830e+01, v5;
	v5 =	vld [tilespmem:s25+$0x40]  }
0x101: {  	[tilespmem:s25+$0xFFFFFFD0] =	vst v1;
	v1 =	vmul.f32 $1.131370830e+01, v6;
	v6 =	vld [tilespmem:s25+$0x50]  }
0x102: {  	[tilespmem:s25+$0xFFFFFFE0] =	vst v0;
	v0 =	vmul.f32 $1.131370830e+01, v2;
	v2 =	vld [tilespmem:s25+$0x60]  }
0x103: {  	[tilespmem:s25+$0x0] =	vst v1;
	v1 =	vmul.f32 $1.131370830e+01, v3;
	v3 =	vld [tilespmem:s25+$0x70]  }
0x104: {  	[tilespmem:s25+$0x10] =	vst v0;
	v0 =	vmul.f32 $1.131370830e+01, v4;
	v4 =	vld [tilespmem:s25+$0x80]  }
0x105: {  	[tilespmem:s25+$0x20] =	vst v1;
	v1 =	vmul.f32 $1.131370830e+01, v5;
	v5 =	vld [tilespmem:s25+$0x90]  }
0x106: {  	[tilespmem:s25+$0x30] =	vst v0;
	v0 =	vmul.f32 $1.131370830e+01, v6;
	v6 =	vld [tilespmem:s25+$0xA0]  }
0x107: {  	[tilespmem:s25+$0x40] =	vst v1;
	v1 =	vmul.f32 $1.131370830e+01, v2;
	v2 =	vld [tilespmem:s25+$0xB0]  }
0x108: {  	[tilespmem:s25+$0x50] =	vst v0;
	v0 =	vmul.f32 $1.131370830e+01, v3;
	v3 =	vld [tilespmem:s25+$0xC0]  }
0x109: {  	[tilespmem:s25+$0x60] =	vst v1;
	v1 =	vmul.f32 $1.131370830e+01, v4;
	v4 =	vld [tilespmem:s25+$0xD0]  }
0x10a: {  	[tilespmem:s25+$0x70] =	vst v0;
	v0 =	vmul.f32 $1.131370830e+01, v5;
	v5 =	vld [tilespmem:s25+$0xE0]  }
0x10b: {  	[tilespmem:s25+$0x80] =	vst v1;
	v1 =	vmul.f32 $1.131370830e+01, v6;
	v6 =	vld [tilespmem:s25+$0xF0]  }
0x10c: {  	[tilespmem:s25+$0x90] =	vst v0;
	v0 =	vmul.f32 $1.131370830e+01, v2;
	v2 =	vld [tilespmem:s25+$0x100]  }
0x10d: {  	[tilespmem:s25+$0xA0] =	vst v1;
	v1 =	vmul.f32 $1.131370830e+01, v3;
	v3 =	vld [tilespmem:s25+$0x110]  }
0x10e: {  	[tilespmem:s25+$0xB0] =	vst v0;
	v0 =	vmul.f32 $1.131370830e+01, v4;
	v4 =	vld [tilespmem:s25+$0x120]  }
0x10f: {  	[tilespmem:s25+$0xC0] =	vst v1;
	v1 =	vmul.f32 $1.131370830e+01, v5;
	v5 =	vld [tilespmem:s25+$0x130]  }
0x110: {  	[tilespmem:s25+$0xD0] =	vst v0;
	v0 =	vmul.f32 $1.131370830e+01, v6;
	v6 =	vld [tilespmem:s25+$0x140]  }
0x111: {  	[tilespmem:s25+$0xE0] =	vst v1;
	v1 =	vmul.f32 $1.131370830e+01, v2;
	v2 =	vld [tilespmem:s25+$0x150]  }
0x112: {  	[tilespmem:s25+$0xF0] =	vst v0;
	v0 =	vmul.f32 $1.131370830e+01, v3;
	v3 =	vld [tilespmem:s25+$0x160]  }
0x113: {  	[tilespmem:s25+$0x100] =	vst v1;
	v1 =	vmul.f32 $1.131370830e+01, v4;
	v4 =	vld [tilespmem:s25+$0x170]  }
0x114: {  	[tilespmem:s25+$0x110] =	vst v0;
	v0 =	vmul.f32 $1.131370830e+01, v5;
	v5 =	vld [tilespmem:s25+$0x180]  }
0x115: {  	[tilespmem:s25+$0x120] =	vst v1;
	v1 =	vmul.f32 $1.131370830e+01, v6;
	v6 =	vld [tilespmem:s25+$0x190]  }
0x116: {  	v7 =	vld [tilespmem:s25+$0x1A0];
	[tilespmem:s25+$0x130] =	vst v0;
	v0 =	vmul.f32 $1.131370830e+01, v2  }
0x117: {  	v8 =	vld [tilespmem:s25+$0x1B0];
	[tilespmem:s25+$0x140] =	vst v1;
	v1 =	vmul.f32 $1.131370830e+01, v3  }
0x118: {  	[tilespmem:s25+$0x150] =	vst v0;
	v2 =	vmul.f32 $1.131370830e+01, v4;
	v0 =	vld [tilespmem:s25+$0x1C0]  }
0x119: {  	[tilespmem:s25+$0x160] =	vst v1;
	v3 =	vmul.f32 $1.131370830e+01, v5;
	v1 =	vld [tilespmem:s25+$0x1D0]  }
0x11a: {  	[tilespmem:s25+$0x170] =	vst v2;
	v6 =	vmul.f32 $1.131370830e+01, v6;
	v2 =	vld [tilespmem:s25+$0x1E0]  }
0x11b: {  	v5 =	vmul.f32 $1.131370830e+01, v7;
	[tilespmem:s25+$0x180] =	vst v3;
	v3 =	vld [tilespmem:s25+$0x1F0]  }
0x11c: {  	s26 =	simm.s32 $0x0;
	s28 =	simm.s32 $0x8300;
	v4 =	vld [tilespmem:s25+$0xFFFFFFF0];
	[tilespmem:s25+$0x190] =	vst v6;
	v6 =	vmul.f32 $1.131370830e+01, v8  }
.LBB2_5:
0x11d: {  	v7 =	vld [tilespmem:s28+$0xFFFFFE00];
	[tilespmem:s25+$0x1A0] =	vst v5;
	v0 =	vmul.f32 $1.131370830e+01, v0  }
0x11e: {  	v5 =	vld [tilespmem:s28+$0xFFFFFE10];
	[tilespmem:s25+$0x1B0] =	vst v6;
	v1 =	vmul.f32 $1.131370830e+01, v1  }
0x11f: {  	v6 =	vld [tilespmem:s28+$0xFFFFFE20];
	[tilespmem:s25+$0x1C0] =	vst v0;
	v0 =	vmul.f32 $1.131370830e+01, v2  }
0x120: {  	v2 =	vld [tilespmem:s28+$0xFFFFFE30];
	[tilespmem:s25+$0x1D0] =	vst v1;
	v1 =	vmul.f32 $1.131370830e+01, v3  }
0x121: {  	v3 =	vld [tilespmem:s28+$0xFFFFFE40];
	v4 =	vmul.f32 $1.131370830e+01, v4;
	[tilespmem:s25+$0x1E0] =	vst v0  }
0x122: {  	v0 =	vmul.f32 $1.131370830e+01, v7;
	v7 =	vld [tilespmem:s28+$0xFFFFFE50];
	[tilespmem:s25+$0x1F0] =	vst v1  }
0x123: {  	v1 =	vmul.f32 $1.131370830e+01, v5;
	v5 =	vld [tilespmem:s28+$0xFFFFFE60];
	[tilespmem:s25+$0xFFFFFFF0] =	vst v4;
	s25 =	smov.u32 s28  }
0x124: {  	[tilespmem:s28+$0xFFFFFE00] =	vst v0;
	v0 =	vmul.f32 $1.131370830e+01, v6;
	v4 =	vld [tilespmem:s28+$0xFFFFFE70]  }
0x125: {  	[tilespmem:s28+$0xFFFFFE10] =	vst v1;
	v1 =	vmul.f32 $1.131370830e+01, v2;
	v2 =	vld [tilespmem:s28+$0xFFFFFE80]  }
0x126: {  	[tilespmem:s28+$0xFFFFFE20] =	vst v0;
	v0 =	vmul.f32 $1.131370830e+01, v3;
	v3 =	vld [tilespmem:s28+$0xFFFFFE90]  }
0x127: {  	[tilespmem:s28+$0xFFFFFE30] =	vst v1;
	v1 =	vmul.f32 $1.131370830e+01, v7;
	v6 =	vld [tilespmem:s28+$0xFFFFFEA0]  }
0x128: {  	[tilespmem:s28+$0xFFFFFE40] =	vst v0;
	v0 =	vmul.f32 $1.131370830e+01, v5;
	v5 =	vld [tilespmem:s28+$0xFFFFFEB0]  }
0x129: {  	[tilespmem:s28+$0xFFFFFE50] =	vst v1;
	v1 =	vmul.f32 $1.131370830e+01, v4;
	v4 =	vld [tilespmem:s28+$0xFFFFFEC0]  }
0x12a: {  	[tilespmem:s28+$0xFFFFFE60] =	vst v0;
	v0 =	vmul.f32 $1.131370830e+01, v2;
	v2 =	vld [tilespmem:s28+$0xFFFFFED0]  }
0x12b: {  	[tilespmem:s28+$0xFFFFFE70] =	vst v1;
	v1 =	vmul.f32 $1.131370830e+01, v3;
	v3 =	vld [tilespmem:s28+$0xFFFFFEE0]  }
0x12c: {  	[tilespmem:s28+$0xFFFFFE80] =	vst v0;
	v0 =	vmul.f32 $1.131370830e+01, v6;
	v6 =	vld [tilespmem:s28+$0xFFFFFEF0]  }
0x12d: {  	[tilespmem:s28+$0xFFFFFE90] =	vst v1;
	v1 =	vmul.f32 $1.131370830e+01, v5;
	v5 =	vld [tilespmem:s28+$0xFFFFFF00]  }
0x12e: {  	[tilespmem:s28+$0xFFFFFEA0] =	vst v0;
	v0 =	vmul.f32 $1.131370830e+01, v4;
	v4 =	vld [tilespmem:s28+$0xFFFFFF10]  }
0x12f: {  	[tilespmem:s28+$0xFFFFFEB0] =	vst v1;
	v1 =	vmul.f32 $1.131370830e+01, v2;
	v2 =	vld [tilespmem:s28+$0xFFFFFF20]  }
0x130: {  	[tilespmem:s28+$0xFFFFFEC0] =	vst v0;
	v0 =	vmul.f32 $1.131370830e+01, v3;
	v3 =	vld [tilespmem:s28+$0xFFFFFF30]  }
0x131: {  	[tilespmem:s28+$0xFFFFFED0] =	vst v1;
	v1 =	vmul.f32 $1.131370830e+01, v6;
	v6 =	vld [tilespmem:s28+$0xFFFFFF40]  }
0x132: {  	[tilespmem:s28+$0xFFFFFEE0] =	vst v0;
	v0 =	vmul.f32 $1.131370830e+01, v5;
	v5 =	vld [tilespmem:s28+$0xFFFFFF50]  }
0x133: {  	[tilespmem:s28+$0xFFFFFEF0] =	vst v1;
	v1 =	vmul.f32 $1.131370830e+01, v4;
	v4 =	vld [tilespmem:s28+$0xFFFFFF60]  }
0x134: {  	[tilespmem:s28+$0xFFFFFF00] =	vst v0;
	v0 =	vmul.f32 $1.131370830e+01, v2;
	v2 =	vld [tilespmem:s28+$0xFFFFFF70]  }
0x135: {  	[tilespmem:s28+$0xFFFFFF10] =	vst v1;
	v1 =	vmul.f32 $1.131370830e+01, v3;
	v3 =	vld [tilespmem:s28+$0xFFFFFF80]  }
0x136: {  	[tilespmem:s28+$0xFFFFFF20] =	vst v0;
	v0 =	vmul.f32 $1.131370830e+01, v6;
	v6 =	vld [tilespmem:s28+$0xFFFFFF90]  }
0x137: {  	[tilespmem:s28+$0xFFFFFF30] =	vst v1;
	v1 =	vmul.f32 $1.131370830e+01, v5;
	v5 =	vld [tilespmem:s28+$0xFFFFFFA0]  }
0x138: {  	[tilespmem:s28+$0xFFFFFF40] =	vst v0;
	v0 =	vmul.f32 $1.131370830e+01, v4;
	v4 =	vld [tilespmem:s28+$0xFFFFFFB0]  }
0x139: {  	[tilespmem:s28+$0xFFFFFF50] =	vst v1;
	v1 =	vmul.f32 $1.131370830e+01, v2;
	v2 =	vld [tilespmem:s28+$0xFFFFFFC0]  }
0x13a: {  	[tilespmem:s28+$0xFFFFFF60] =	vst v0;
	v0 =	vmul.f32 $1.131370830e+01, v3;
	v3 =	vld [tilespmem:s28+$0xFFFFFFD0]  }
0x13b: {  	[tilespmem:s28+$0xFFFFFF70] =	vst v1;
	v1 =	vmul.f32 $1.131370830e+01, v6;
	v6 =	vld [tilespmem:s28+$0xFFFFFFE0]  }
0x13c: {  	[tilespmem:s28+$0xFFFFFF80] =	vst v0;
	v0 =	vmul.f32 $1.131370830e+01, v5;
	v5 =	vld [tilespmem:s28+$0x0]  }
0x13d: {  	[tilespmem:s28+$0xFFFFFF90] =	vst v1;
	v1 =	vmul.f32 $1.131370830e+01, v4;
	v4 =	vld [tilespmem:s28+$0x10]  }
0x13e: {  	[tilespmem:s28+$0xFFFFFFA0] =	vst v0;
	v0 =	vmul.f32 $1.131370830e+01, v2;
	v2 =	vld [tilespmem:s28+$0x20]  }
0x13f: {  	[tilespmem:s28+$0xFFFFFFB0] =	vst v1;
	v1 =	vmul.f32 $1.131370830e+01, v3;
	v3 =	vld [tilespmem:s28+$0x30]  }
0x140: {  	[tilespmem:s28+$0xFFFFFFC0] =	vst v0;
	v0 =	vmul.f32 $1.131370830e+01, v6;
	v6 =	vld [tilespmem:s28+$0x40]  }
0x141: {  	[tilespmem:s28+$0xFFFFFFD0] =	vst v1;
	v1 =	vmul.f32 $1.131370830e+01, v5;
	v5 =	vld [tilespmem:s28+$0x50]  }
0x142: {  	[tilespmem:s28+$0xFFFFFFE0] =	vst v0;
	v0 =	vmul.f32 $1.131370830e+01, v4;
	v4 =	vld [tilespmem:s28+$0x60]  }
0x143: {  	[tilespmem:s28+$0x0] =	vst v1;
	v1 =	vmul.f32 $1.131370830e+01, v2;
	v2 =	vld [tilespmem:s28+$0x70]  }
0x144: {  	[tilespmem:s28+$0x10] =	vst v0;
	v0 =	vmul.f32 $1.131370830e+01, v3;
	v3 =	vld [tilespmem:s28+$0x80]  }
0x145: {  	[tilespmem:s28+$0x20] =	vst v1;
	v1 =	vmul.f32 $1.131370830e+01, v6;
	v6 =	vld [tilespmem:s28+$0x90]  }
0x146: {  	[tilespmem:s28+$0x30] =	vst v0;
	v0 =	vmul.f32 $1.131370830e+01, v5;
	v5 =	vld [tilespmem:s28+$0xA0]  }
0x147: {  	[tilespmem:s28+$0x40] =	vst v1;
	v1 =	vmul.f32 $1.131370830e+01, v4;
	v4 =	vld [tilespmem:s28+$0xB0]  }
0x148: {  	[tilespmem:s28+$0x50] =	vst v0;
	v0 =	vmul.f32 $1.131370830e+01, v2;
	v2 =	vld [tilespmem:s28+$0xC0]  }
0x149: {  	[tilespmem:s28+$0x60] =	vst v1;
	v1 =	vmul.f32 $1.131370830e+01, v3;
	v3 =	vld [tilespmem:s28+$0xD0]  }
0x14a: {  	[tilespmem:s28+$0x70] =	vst v0;
	v0 =	vmul.f32 $1.131370830e+01, v6;
	v6 =	vld [tilespmem:s28+$0xE0]  }
0x14b: {  	[tilespmem:s28+$0x80] =	vst v1;
	v1 =	vmul.f32 $1.131370830e+01, v5;
	v5 =	vld [tilespmem:s28+$0xF0]  }
0x14c: {  	[tilespmem:s28+$0x90] =	vst v0;
	v0 =	vmul.f32 $1.131370830e+01, v4;
	v4 =	vld [tilespmem:s28+$0x100]  }
0x14d: {  	[tilespmem:s28+$0xA0] =	vst v1;
	v1 =	vmul.f32 $1.131370830e+01, v2;
	v2 =	vld [tilespmem:s28+$0x110]  }
0x14e: {  	[tilespmem:s28+$0xB0] =	vst v0;
	v0 =	vmul.f32 $1.131370830e+01, v3;
	v3 =	vld [tilespmem:s28+$0x120]  }
0x14f: {  	[tilespmem:s28+$0xC0] =	vst v1;
	v1 =	vmul.f32 $1.131370830e+01, v6;
	v6 =	vld [tilespmem:s28+$0x130]  }
0x150: {  	[tilespmem:s28+$0xD0] =	vst v0;
	v0 =	vmul.f32 $1.131370830e+01, v5;
	v5 =	vld [tilespmem:s28+$0x140]  }
0x151: {  	[tilespmem:s28+$0xE0] =	vst v1;
	v1 =	vmul.f32 $1.131370830e+01, v4;
	v4 =	vld [tilespmem:s28+$0x150]  }
0x152: {  	[tilespmem:s28+$0xF0] =	vst v0;
	v0 =	vmul.f32 $1.131370830e+01, v2;
	v2 =	vld [tilespmem:s28+$0x160]  }
0x153: {  	[tilespmem:s28+$0x100] =	vst v1;
	v1 =	vmul.f32 $1.131370830e+01, v3;
	v3 =	vld [tilespmem:s28+$0x170]  }
0x154: {  	[tilespmem:s28+$0x110] =	vst v0;
	v0 =	vmul.f32 $1.131370830e+01, v6;
	v6 =	vld [tilespmem:s28+$0x180]  }
0x155: {  	[tilespmem:s28+$0x120] =	vst v1;
	v1 =	vmul.f32 $1.131370830e+01, v5;
	v5 =	vld [tilespmem:s28+$0x190]  }
0x156: {  	s26 =	sadd.s32 $0x8, s26;
	[tilespmem:s28+$0x130] =	vst v0;
	v0 =	vmul.f32 $1.131370830e+01, v4;
	v4 =	vld [tilespmem:s28+$0x1A0]  }
0x157: {  	p1 =	slt.u32 s26, $0xC0;
	[tilespmem:s28+$0x140] =	vst v1;
	v1 =	vmul.f32 $1.131370830e+01, v2;
	v7 =	vld [tilespmem:s28+$0x1B0]  }
.Ltmp1:
0x158: {  	[tilespmem:s28+$0x150] =	vst v0;
	v2 =	vmul.f32 $1.131370830e+01, v3;
	v0 =	vld [tilespmem:s28+$0x1C0];
	(pc) =	sbr.rel @p1 .LBB2_5-.Ltmp1, $4  }
0x159: {  	[tilespmem:s28+$0x160] =	vst v1;
	v3 =	vmul.f32 $1.131370830e+01, v6;
	v1 =	vld [tilespmem:s28+$0x1D0]  }
0x15a: {  	[tilespmem:s28+$0x170] =	vst v2;
	v6 =	vmul.f32 $1.131370830e+01, v5;
	v2 =	vld [tilespmem:s28+$0x1E0]  }
0x15b: {  	[tilespmem:s28+$0x180] =	vst v3;
	v5 =	vmul.f32 $1.131370830e+01, v4;
	v3 =	vld [tilespmem:s28+$0x1F0]  }
0x15c: {  	s28 =	sadd.s32 $0x400, s28;
	v4 =	vld [tilespmem:s25+$0xFFFFFFF0];
	[tilespmem:s25+$0x190] =	vst v6;
	v6 =	vmul.f32 $1.131370830e+01, v7  }
0x15d: {  	[tilespmem:s25+$0x1A0] =	vst v5;
	v0 =	vmul.f32 $1.131370830e+01, v0  }
0x15e: {  	[tilespmem:s25+$0x1B0] =	vst v6;
	v1 =	vmul.f32 $1.131370830e+01, v1  }
0x15f: {  	s26 =	sor.u32 $0x4, s22;
	[tilespmem:s25+$0x1C0] =	vst v0;
	v0 =	vmul.f32 $1.131370830e+01, v2  }
0x160: {  	s28 =	smul.u32 $0x380, s26;
	[tilespmem:s25+$0x1D0] =	vst v1;
	v1 =	vmul.f32 $1.131370830e+01, v3  }
0x161: {  	s26 =	smul.u32 $0x1C00, s26;
	v2 =	vmul.f32 $1.131370830e+01, v4;
	[tilespmem:s25+$0x1E0] =	vst v0  }
0x162: {  	[tilespmem:s25+$0x1F0] =	vst v1  }
0x163: {  	s26 =	sshrl.u32 s26, $0x3;
	[tilespmem:s25+$0xFFFFFFF0] =	vst v2;
	s25 =	sadd.s32 s4, s28  }
0x164: {  	[hbm4b:s25+s3] =	stream.linear.scatter [tilespmem:s16], [sflag:$0x2], $0x1900, $0x38;
	[tilespmem:$0x1A900] =	vst v63  }
0x165: {  	s25 =	sadd.s32 s4, s26  }
0x166: {  	s26 =	sadd.s32 $0x380, s25  }
0x167: {  	[hbm4b:s26+s3] =	stream.linear.scatter [tilespmem:s31], [sflag:$0x2], $0x1900, $0x38;
	[tilespmem:$0x1A900] =	vst v63  }
0x168: {  	s26 =	sadd.s32 $0x700, s25  }
0x169: {  	[hbm4b:s26+s3] =	stream.linear.scatter [tilespmem:s1], [sflag:$0x2], $0x1900, $0x38;
	[tilespmem:$0x1A900] =	vst v63  }
0x16a: {  	s25 =	sadd.s32 $0xA80, s25  }
0x16b: {  	[hbm4b:s25+s3] =	stream.linear.scatter [tilespmem:s0], [sflag:$0x2], $0x1900, $0x38;
	[tilespmem:$0x1A900] =	vst v63  }
0x16c: {  	_ =	swait.ge [sflag:s23], $0x3400  }
0x16d: {  	[sflag:s23] =	ssyncset.done $0x0  }
0x16e: {  	[sflag:s23] =	ssyncadd.s32 $0xFFFFCC00  }
0x16f: {  	_ =	swait.ge [sflag:s23], $0x3000  }
0x170: {  	[sflag:s23] =	ssyncset.done $0x0  }
0x171: {  	[sflag:s23] =	ssyncadd.s32 $0xFFFFD000  }
0x172: {  	_ =	swait.ge [sflag:s30], $0x1900  }
0x173: {  	[sflag:s30] =	ssyncset.done $0x0  }
0x174: {  	[sflag:s30] =	ssyncadd.s32 $0xFFFFE700  }
0x175: {  	_ =	swait.ge [sflag:s30], $0x1900  }
0x176: {  	[sflag:s30] =	ssyncset.done $0x0  }
0x177: {  	[sflag:s30] =	ssyncadd.s32 $0xFFFFE700  }
0x178: {  	_ =	swait.ge [sflag:s30], $0x1900  }
0x179: {  	[sflag:s30] =	ssyncset.done $0x0  }
0x17a: {  	[sflag:s30] =	ssyncadd.s32 $0xFFFFE700  }
0x17b: {  	_ =	swait.ge [sflag:s30], $0x1900  }
0x17c: {  	s28 =	simm.s32 @!p0 $0x7D00;
	[sflag:s30] =	ssyncset.done $0x0  }
0x17d: {  	s26 =	simm.s32 @!p0 $0x68;
	s25 =	sadd.s32 @!p0 $0x3E8, s10;
	[sflag:s30] =	ssyncadd.s32 $0xFFFFE700  }
0x17e: {  	[tilespmem:s28], [sflag:$0x1] =	stream.indirect.gather @!p0 [hbm4b:s2+s26], $0x80, s25, s26, $0xb8;
	[tilespmem:$0x1A900] =	vst v63  }
0x17f: {  	s25 =	sadd.s32 @!p0 $0x450, s10;
	s26 =	simm.s32 @!p0 $0x60;
	s28 =	simm.s32 @!p0 $0xB100  }
0x180: {  	[tilespmem:s28], [sflag:$0x1] =	stream.indirect.gather @!p0 [hbm4b:s2+s26], $0x80, s25, s26, $0xb8;
	[tilespmem:$0x1A900] =	vst v63  }
0x181: {  	s25 =	simm.s32 $0xE300  }
0x182: {  	v0 =	vld [tilespmem:s25+$0xFFFFFE00]  }
0x183: {  	v1 =	vld [tilespmem:s25+$0xFFFFFE10]  }
0x184: {  	v2 =	vld [tilespmem:s25+$0xFFFFFE20]  }
0x185: {  	v3 =	vld [tilespmem:s25+$0xFFFFFE30]  }
0x186: {  	v4 =	vld [tilespmem:s25+$0xFFFFFE40]  }
0x187: {  	v5 =	vld [tilespmem:s25+$0xFFFFFE50];
	v0 =	vmul.f32 $1.131370830e+01, v0  }
0x188: {  	v6 =	vld [tilespmem:s25+$0xFFFFFE60];
	v1 =	vmul.f32 $1.131370830e+01, v1  }
0x189: {  	[tilespmem:s25+$0xFFFFFE00] =	vst v0;
	v0 =	vmul.f32 $1.131370830e+01, v2;
	v2 =	vld [tilespmem:s25+$0xFFFFFE70]  }
0x18a: {  	[tilespmem:s25+$0xFFFFFE10] =	vst v1;
	v1 =	vmul.f32 $1.131370830e+01, v3;
	v3 =	vld [tilespmem:s25+$0xFFFFFE80]  }
0x18b: {  	[tilespmem:s25+$0xFFFFFE20] =	vst v0;
	v0 =	vmul.f32 $1.131370830e+01, v4;
	v4 =	vld [tilespmem:s25+$0xFFFFFE90]  }
0x18c: {  	[tilespmem:s25+$0xFFFFFE30] =	vst v1;
	v1 =	vmul.f32 $1.131370830e+01, v5;
	v5 =	vld [tilespmem:s25+$0xFFFFFEA0]  }
0x18d: {  	[tilespmem:s25+$0xFFFFFE40] =	vst v0;
	v0 =	vmul.f32 $1.131370830e+01, v6;
	v6 =	vld [tilespmem:s25+$0xFFFFFEB0]  }
0x18e: {  	[tilespmem:s25+$0xFFFFFE50] =	vst v1;
	v1 =	vmul.f32 $1.131370830e+01, v2;
	v2 =	vld [tilespmem:s25+$0xFFFFFEC0]  }
0x18f: {  	[tilespmem:s25+$0xFFFFFE60] =	vst v0;
	v0 =	vmul.f32 $1.131370830e+01, v3;
	v3 =	vld [tilespmem:s25+$0xFFFFFED0]  }
0x190: {  	[tilespmem:s25+$0xFFFFFE70] =	vst v1;
	v1 =	vmul.f32 $1.131370830e+01, v4;
	v4 =	vld [tilespmem:s25+$0xFFFFFEE0]  }
0x191: {  	[tilespmem:s25+$0xFFFFFE80] =	vst v0;
	v0 =	vmul.f32 $1.131370830e+01, v5;
	v5 =	vld [tilespmem:s25+$0xFFFFFEF0]  }
0x192: {  	[tilespmem:s25+$0xFFFFFE90] =	vst v1;
	v1 =	vmul.f32 $1.131370830e+01, v6;
	v6 =	vld [tilespmem:s25+$0xFFFFFF00]  }
0x193: {  	[tilespmem:s25+$0xFFFFFEA0] =	vst v0;
	v0 =	vmul.f32 $1.131370830e+01, v2;
	v2 =	vld [tilespmem:s25+$0xFFFFFF10]  }
0x194: {  	[tilespmem:s25+$0xFFFFFEB0] =	vst v1;
	v1 =	vmul.f32 $1.131370830e+01, v3;
	v3 =	vld [tilespmem:s25+$0xFFFFFF20]  }
0x195: {  	[tilespmem:s25+$0xFFFFFEC0] =	vst v0;
	v0 =	vmul.f32 $1.131370830e+01, v4;
	v4 =	vld [tilespmem:s25+$0xFFFFFF30]  }
0x196: {  	[tilespmem:s25+$0xFFFFFED0] =	vst v1;
	v1 =	vmul.f32 $1.131370830e+01, v5;
	v5 =	vld [tilespmem:s25+$0xFFFFFF40]  }
0x197: {  	[tilespmem:s25+$0xFFFFFEE0] =	vst v0;
	v0 =	vmul.f32 $1.131370830e+01, v6;
	v6 =	vld [tilespmem:s25+$0xFFFFFF50]  }
0x198: {  	[tilespmem:s25+$0xFFFFFEF0] =	vst v1;
	v1 =	vmul.f32 $1.131370830e+01, v2;
	v2 =	vld [tilespmem:s25+$0xFFFFFF60]  }
0x199: {  	[tilespmem:s25+$0xFFFFFF00] =	vst v0;
	v0 =	vmul.f32 $1.131370830e+01, v3;
	v3 =	vld [tilespmem:s25+$0xFFFFFF70]  }
0x19a: {  	[tilespmem:s25+$0xFFFFFF10] =	vst v1;
	v1 =	vmul.f32 $1.131370830e+01, v4;
	v4 =	vld [tilespmem:s25+$0xFFFFFF80]  }
0x19b: {  	[tilespmem:s25+$0xFFFFFF20] =	vst v0;
	v0 =	vmul.f32 $1.131370830e+01, v5;
	v5 =	vld [tilespmem:s25+$0xFFFFFF90]  }
0x19c: {  	[tilespmem:s25+$0xFFFFFF30] =	vst v1;
	v1 =	vmul.f32 $1.131370830e+01, v6;
	v6 =	vld [tilespmem:s25+$0xFFFFFFA0]  }
0x19d: {  	[tilespmem:s25+$0xFFFFFF40] =	vst v0;
	v0 =	vmul.f32 $1.131370830e+01, v2;
	v2 =	vld [tilespmem:s25+$0xFFFFFFB0]  }
0x19e: {  	[tilespmem:s25+$0xFFFFFF50] =	vst v1;
	v1 =	vmul.f32 $1.131370830e+01, v3;
	v3 =	vld [tilespmem:s25+$0xFFFFFFC0]  }
0x19f: {  	[tilespmem:s25+$0xFFFFFF60] =	vst v0;
	v0 =	vmul.f32 $1.131370830e+01, v4;
	v4 =	vld [tilespmem:s25+$0xFFFFFFD0]  }
0x1a0: {  	[tilespmem:s25+$0xFFFFFF70] =	vst v1;
	v1 =	vmul.f32 $1.131370830e+01, v5;
	v5 =	vld [tilespmem:s25+$0xFFFFFFE0]  }
0x1a1: {  	[tilespmem:s25+$0xFFFFFF80] =	vst v0;
	v0 =	vmul.f32 $1.131370830e+01, v6;
	v6 =	vld [tilespmem:s25+$0x0]  }
0x1a2: {  	[tilespmem:s25+$0xFFFFFF90] =	vst v1;
	v1 =	vmul.f32 $1.131370830e+01, v2;
	v2 =	vld [tilespmem:s25+$0x10]  }
0x1a3: {  	[tilespmem:s25+$0xFFFFFFA0] =	vst v0;
	v0 =	vmul.f32 $1.131370830e+01, v3;
	v3 =	vld [tilespmem:s25+$0x20]  }
0x1a4: {  	[tilespmem:s25+$0xFFFFFFB0] =	vst v1;
	v1 =	vmul.f32 $1.131370830e+01, v4;
	v4 =	vld [tilespmem:s25+$0x30]  }
0x1a5: {  	[tilespmem:s25+$0xFFFFFFC0] =	vst v0;
	v0 =	vmul.f32 $1.131370830e+01, v5;
	v5 =	vld [tilespmem:s25+$0x40]  }
0x1a6: {  	[tilespmem:s25+$0xFFFFFFD0] =	vst v1;
	v1 =	vmul.f32 $1.131370830e+01, v6;
	v6 =	vld [tilespmem:s25+$0x50]  }
0x1a7: {  	[tilespmem:s25+$0xFFFFFFE0] =	vst v0;
	v0 =	vmul.f32 $1.131370830e+01, v2;
	v2 =	vld [tilespmem:s25+$0x60]  }
0x1a8: {  	[tilespmem:s25+$0x0] =	vst v1;
	v1 =	vmul.f32 $1.131370830e+01, v3;
	v3 =	vld [tilespmem:s25+$0x70]  }
0x1a9: {  	[tilespmem:s25+$0x10] =	vst v0;
	v0 =	vmul.f32 $1.131370830e+01, v4;
	v4 =	vld [tilespmem:s25+$0x80]  }
0x1aa: {  	[tilespmem:s25+$0x20] =	vst v1;
	v1 =	vmul.f32 $1.131370830e+01, v5;
	v5 =	vld [tilespmem:s25+$0x90]  }
0x1ab: {  	[tilespmem:s25+$0x30] =	vst v0;
	v0 =	vmul.f32 $1.131370830e+01, v6;
	v6 =	vld [tilespmem:s25+$0xA0]  }
0x1ac: {  	[tilespmem:s25+$0x40] =	vst v1;
	v1 =	vmul.f32 $1.131370830e+01, v2;
	v2 =	vld [tilespmem:s25+$0xB0]  }
0x1ad: {  	[tilespmem:s25+$0x50] =	vst v0;
	v0 =	vmul.f32 $1.131370830e+01, v3;
	v3 =	vld [tilespmem:s25+$0xC0]  }
0x1ae: {  	[tilespmem:s25+$0x60] =	vst v1;
	v1 =	vmul.f32 $1.131370830e+01, v4;
	v4 =	vld [tilespmem:s25+$0xD0]  }
0x1af: {  	[tilespmem:s25+$0x70] =	vst v0;
	v0 =	vmul.f32 $1.131370830e+01, v5;
	v5 =	vld [tilespmem:s25+$0xE0]  }
0x1b0: {  	[tilespmem:s25+$0x80] =	vst v1;
	v1 =	vmul.f32 $1.131370830e+01, v6;
	v6 =	vld [tilespmem:s25+$0xF0]  }
0x1b1: {  	[tilespmem:s25+$0x90] =	vst v0;
	v0 =	vmul.f32 $1.131370830e+01, v2;
	v2 =	vld [tilespmem:s25+$0x100]  }
0x1b2: {  	[tilespmem:s25+$0xA0] =	vst v1;
	v1 =	vmul.f32 $1.131370830e+01, v3;
	v3 =	vld [tilespmem:s25+$0x110]  }
0x1b3: {  	[tilespmem:s25+$0xB0] =	vst v0;
	v0 =	vmul.f32 $1.131370830e+01, v4;
	v4 =	vld [tilespmem:s25+$0x120]  }
0x1b4: {  	[tilespmem:s25+$0xC0] =	vst v1;
	v1 =	vmul.f32 $1.131370830e+01, v5;
	v5 =	vld [tilespmem:s25+$0x130]  }
0x1b5: {  	[tilespmem:s25+$0xD0] =	vst v0;
	v0 =	vmul.f32 $1.131370830e+01, v6;
	v6 =	vld [tilespmem:s25+$0x140]  }
0x1b6: {  	[tilespmem:s25+$0xE0] =	vst v1;
	v1 =	vmul.f32 $1.131370830e+01, v2;
	v2 =	vld [tilespmem:s25+$0x150]  }
0x1b7: {  	[tilespmem:s25+$0xF0] =	vst v0;
	v0 =	vmul.f32 $1.131370830e+01, v3;
	v3 =	vld [tilespmem:s25+$0x160]  }
0x1b8: {  	[tilespmem:s25+$0x100] =	vst v1;
	v1 =	vmul.f32 $1.131370830e+01, v4;
	v4 =	vld [tilespmem:s25+$0x170]  }
0x1b9: {  	[tilespmem:s25+$0x110] =	vst v0;
	v0 =	vmul.f32 $1.131370830e+01, v5;
	v5 =	vld [tilespmem:s25+$0x180]  }
0x1ba: {  	[tilespmem:s25+$0x120] =	vst v1;
	v1 =	vmul.f32 $1.131370830e+01, v6;
	v6 =	vld [tilespmem:s25+$0x190]  }
0x1bb: {  	v7 =	vld [tilespmem:s25+$0x1A0];
	[tilespmem:s25+$0x130] =	vst v0;
	v0 =	vmul.f32 $1.131370830e+01, v2  }
0x1bc: {  	v8 =	vld [tilespmem:s25+$0x1B0];
	[tilespmem:s25+$0x140] =	vst v1;
	v1 =	vmul.f32 $1.131370830e+01, v3  }
0x1bd: {  	[tilespmem:s25+$0x150] =	vst v0;
	v2 =	vmul.f32 $1.131370830e+01, v4;
	v0 =	vld [tilespmem:s25+$0x1C0]  }
0x1be: {  	[tilespmem:s25+$0x160] =	vst v1;
	v3 =	vmul.f32 $1.131370830e+01, v5;
	v1 =	vld [tilespmem:s25+$0x1D0]  }
0x1bf: {  	[tilespmem:s25+$0x170] =	vst v2;
	v6 =	vmul.f32 $1.131370830e+01, v6;
	v2 =	vld [tilespmem:s25+$0x1E0]  }
0x1c0: {  	v5 =	vmul.f32 $1.131370830e+01, v7;
	[tilespmem:s25+$0x180] =	vst v3;
	v3 =	vld [tilespmem:s25+$0x1F0]  }
0x1c1: {  	s26 =	simm.s32 $0x0;
	s28 =	simm.s32 $0xE700;
	v4 =	vld [tilespmem:s25+$0xFFFFFFF0];
	[tilespmem:s25+$0x190] =	vst v6;
	v6 =	vmul.f32 $1.131370830e+01, v8  }
.LBB2_7:
0x1c2: {  	v7 =	vld [tilespmem:s28+$0xFFFFFE00];
	[tilespmem:s25+$0x1A0] =	vst v5;
	v0 =	vmul.f32 $1.131370830e+01, v0  }
0x1c3: {  	v5 =	vld [tilespmem:s28+$0xFFFFFE10];
	[tilespmem:s25+$0x1B0] =	vst v6;
	v1 =	vmul.f32 $1.131370830e+01, v1  }
0x1c4: {  	v6 =	vld [tilespmem:s28+$0xFFFFFE20];
	[tilespmem:s25+$0x1C0] =	vst v0;
	v0 =	vmul.f32 $1.131370830e+01, v2  }
0x1c5: {  	v2 =	vld [tilespmem:s28+$0xFFFFFE30];
	[tilespmem:s25+$0x1D0] =	vst v1;
	v1 =	vmul.f32 $1.131370830e+01, v3  }
0x1c6: {  	v3 =	vld [tilespmem:s28+$0xFFFFFE40];
	v4 =	vmul.f32 $1.131370830e+01, v4;
	[tilespmem:s25+$0x1E0] =	vst v0  }
0x1c7: {  	v0 =	vmul.f32 $1.131370830e+01, v7;
	v7 =	vld [tilespmem:s28+$0xFFFFFE50];
	[tilespmem:s25+$0x1F0] =	vst v1  }
0x1c8: {  	v1 =	vmul.f32 $1.131370830e+01, v5;
	v5 =	vld [tilespmem:s28+$0xFFFFFE60];
	[tilespmem:s25+$0xFFFFFFF0] =	vst v4;
	s25 =	smov.u32 s28  }
0x1c9: {  	[tilespmem:s28+$0xFFFFFE00] =	vst v0;
	v0 =	vmul.f32 $1.131370830e+01, v6;
	v4 =	vld [tilespmem:s28+$0xFFFFFE70]  }
0x1ca: {  	[tilespmem:s28+$0xFFFFFE10] =	vst v1;
	v1 =	vmul.f32 $1.131370830e+01, v2;
	v2 =	vld [tilespmem:s28+$0xFFFFFE80]  }
0x1cb: {  	[tilespmem:s28+$0xFFFFFE20] =	vst v0;
	v0 =	vmul.f32 $1.131370830e+01, v3;
	v3 =	vld [tilespmem:s28+$0xFFFFFE90]  }
0x1cc: {  	[tilespmem:s28+$0xFFFFFE30] =	vst v1;
	v1 =	vmul.f32 $1.131370830e+01, v7;
	v6 =	vld [tilespmem:s28+$0xFFFFFEA0]  }
0x1cd: {  	[tilespmem:s28+$0xFFFFFE40] =	vst v0;
	v0 =	vmul.f32 $1.131370830e+01, v5;
	v5 =	vld [tilespmem:s28+$0xFFFFFEB0]  }
0x1ce: {  	[tilespmem:s28+$0xFFFFFE50] =	vst v1;
	v1 =	vmul.f32 $1.131370830e+01, v4;
	v4 =	vld [tilespmem:s28+$0xFFFFFEC0]  }
0x1cf: {  	[tilespmem:s28+$0xFFFFFE60] =	vst v0;
	v0 =	vmul.f32 $1.131370830e+01, v2;
	v2 =	vld [tilespmem:s28+$0xFFFFFED0]  }
0x1d0: {  	[tilespmem:s28+$0xFFFFFE70] =	vst v1;
	v1 =	vmul.f32 $1.131370830e+01, v3;
	v3 =	vld [tilespmem:s28+$0xFFFFFEE0]  }
0x1d1: {  	[tilespmem:s28+$0xFFFFFE80] =	vst v0;
	v0 =	vmul.f32 $1.131370830e+01, v6;
	v6 =	vld [tilespmem:s28+$0xFFFFFEF0]  }
0x1d2: {  	[tilespmem:s28+$0xFFFFFE90] =	vst v1;
	v1 =	vmul.f32 $1.131370830e+01, v5;
	v5 =	vld [tilespmem:s28+$0xFFFFFF00]  }
0x1d3: {  	[tilespmem:s28+$0xFFFFFEA0] =	vst v0;
	v0 =	vmul.f32 $1.131370830e+01, v4;
	v4 =	vld [tilespmem:s28+$0xFFFFFF10]  }
0x1d4: {  	[tilespmem:s28+$0xFFFFFEB0] =	vst v1;
	v1 =	vmul.f32 $1.131370830e+01, v2;
	v2 =	vld [tilespmem:s28+$0xFFFFFF20]  }
0x1d5: {  	[tilespmem:s28+$0xFFFFFEC0] =	vst v0;
	v0 =	vmul.f32 $1.131370830e+01, v3;
	v3 =	vld [tilespmem:s28+$0xFFFFFF30]  }
0x1d6: {  	[tilespmem:s28+$0xFFFFFED0] =	vst v1;
	v1 =	vmul.f32 $1.131370830e+01, v6;
	v6 =	vld [tilespmem:s28+$0xFFFFFF40]  }
0x1d7: {  	[tilespmem:s28+$0xFFFFFEE0] =	vst v0;
	v0 =	vmul.f32 $1.131370830e+01, v5;
	v5 =	vld [tilespmem:s28+$0xFFFFFF50]  }
0x1d8: {  	[tilespmem:s28+$0xFFFFFEF0] =	vst v1;
	v1 =	vmul.f32 $1.131370830e+01, v4;
	v4 =	vld [tilespmem:s28+$0xFFFFFF60]  }
0x1d9: {  	[tilespmem:s28+$0xFFFFFF00] =	vst v0;
	v0 =	vmul.f32 $1.131370830e+01, v2;
	v2 =	vld [tilespmem:s28+$0xFFFFFF70]  }
0x1da: {  	[tilespmem:s28+$0xFFFFFF10] =	vst v1;
	v1 =	vmul.f32 $1.131370830e+01, v3;
	v3 =	vld [tilespmem:s28+$0xFFFFFF80]  }
0x1db: {  	[tilespmem:s28+$0xFFFFFF20] =	vst v0;
	v0 =	vmul.f32 $1.131370830e+01, v6;
	v6 =	vld [tilespmem:s28+$0xFFFFFF90]  }
0x1dc: {  	[tilespmem:s28+$0xFFFFFF30] =	vst v1;
	v1 =	vmul.f32 $1.131370830e+01, v5;
	v5 =	vld [tilespmem:s28+$0xFFFFFFA0]  }
0x1dd: {  	[tilespmem:s28+$0xFFFFFF40] =	vst v0;
	v0 =	vmul.f32 $1.131370830e+01, v4;
	v4 =	vld [tilespmem:s28+$0xFFFFFFB0]  }
0x1de: {  	[tilespmem:s28+$0xFFFFFF50] =	vst v1;
	v1 =	vmul.f32 $1.131370830e+01, v2;
	v2 =	vld [tilespmem:s28+$0xFFFFFFC0]  }
0x1df: {  	[tilespmem:s28+$0xFFFFFF60] =	vst v0;
	v0 =	vmul.f32 $1.131370830e+01, v3;
	v3 =	vld [tilespmem:s28+$0xFFFFFFD0]  }
0x1e0: {  	[tilespmem:s28+$0xFFFFFF70] =	vst v1;
	v1 =	vmul.f32 $1.131370830e+01, v6;
	v6 =	vld [tilespmem:s28+$0xFFFFFFE0]  }
0x1e1: {  	[tilespmem:s28+$0xFFFFFF80] =	vst v0;
	v0 =	vmul.f32 $1.131370830e+01, v5;
	v5 =	vld [tilespmem:s28+$0x0]  }
0x1e2: {  	[tilespmem:s28+$0xFFFFFF90] =	vst v1;
	v1 =	vmul.f32 $1.131370830e+01, v4;
	v4 =	vld [tilespmem:s28+$0x10]  }
0x1e3: {  	[tilespmem:s28+$0xFFFFFFA0] =	vst v0;
	v0 =	vmul.f32 $1.131370830e+01, v2;
	v2 =	vld [tilespmem:s28+$0x20]  }
0x1e4: {  	[tilespmem:s28+$0xFFFFFFB0] =	vst v1;
	v1 =	vmul.f32 $1.131370830e+01, v3;
	v3 =	vld [tilespmem:s28+$0x30]  }
0x1e5: {  	[tilespmem:s28+$0xFFFFFFC0] =	vst v0;
	v0 =	vmul.f32 $1.131370830e+01, v6;
	v6 =	vld [tilespmem:s28+$0x40]  }
0x1e6: {  	[tilespmem:s28+$0xFFFFFFD0] =	vst v1;
	v1 =	vmul.f32 $1.131370830e+01, v5;
	v5 =	vld [tilespmem:s28+$0x50]  }
0x1e7: {  	[tilespmem:s28+$0xFFFFFFE0] =	vst v0;
	v0 =	vmul.f32 $1.131370830e+01, v4;
	v4 =	vld [tilespmem:s28+$0x60]  }
0x1e8: {  	[tilespmem:s28+$0x0] =	vst v1;
	v1 =	vmul.f32 $1.131370830e+01, v2;
	v2 =	vld [tilespmem:s28+$0x70]  }
0x1e9: {  	[tilespmem:s28+$0x10] =	vst v0;
	v0 =	vmul.f32 $1.131370830e+01, v3;
	v3 =	vld [tilespmem:s28+$0x80]  }
0x1ea: {  	[tilespmem:s28+$0x20] =	vst v1;
	v1 =	vmul.f32 $1.131370830e+01, v6;
	v6 =	vld [tilespmem:s28+$0x90]  }
0x1eb: {  	[tilespmem:s28+$0x30] =	vst v0;
	v0 =	vmul.f32 $1.131370830e+01, v5;
	v5 =	vld [tilespmem:s28+$0xA0]  }
0x1ec: {  	[tilespmem:s28+$0x40] =	vst v1;
	v1 =	vmul.f32 $1.131370830e+01, v4;
	v4 =	vld [tilespmem:s28+$0xB0]  }
0x1ed: {  	[tilespmem:s28+$0x50] =	vst v0;
	v0 =	vmul.f32 $1.131370830e+01, v2;
	v2 =	vld [tilespmem:s28+$0xC0]  }
0x1ee: {  	[tilespmem:s28+$0x60] =	vst v1;
	v1 =	vmul.f32 $1.131370830e+01, v3;
	v3 =	vld [tilespmem:s28+$0xD0]  }
0x1ef: {  	[tilespmem:s28+$0x70] =	vst v0;
	v0 =	vmul.f32 $1.131370830e+01, v6;
	v6 =	vld [tilespmem:s28+$0xE0]  }
0x1f0: {  	[tilespmem:s28+$0x80] =	vst v1;
	v1 =	vmul.f32 $1.131370830e+01, v5;
	v5 =	vld [tilespmem:s28+$0xF0]  }
0x1f1: {  	[tilespmem:s28+$0x90] =	vst v0;
	v0 =	vmul.f32 $1.131370830e+01, v4;
	v4 =	vld [tilespmem:s28+$0x100]  }
0x1f2: {  	[tilespmem:s28+$0xA0] =	vst v1;
	v1 =	vmul.f32 $1.131370830e+01, v2;
	v2 =	vld [tilespmem:s28+$0x110]  }
0x1f3: {  	[tilespmem:s28+$0xB0] =	vst v0;
	v0 =	vmul.f32 $1.131370830e+01, v3;
	v3 =	vld [tilespmem:s28+$0x120]  }
0x1f4: {  	[tilespmem:s28+$0xC0] =	vst v1;
	v1 =	vmul.f32 $1.131370830e+01, v6;
	v6 =	vld [tilespmem:s28+$0x130]  }
0x1f5: {  	[tilespmem:s28+$0xD0] =	vst v0;
	v0 =	vmul.f32 $1.131370830e+01, v5;
	v5 =	vld [tilespmem:s28+$0x140]  }
0x1f6: {  	[tilespmem:s28+$0xE0] =	vst v1;
	v1 =	vmul.f32 $1.131370830e+01, v4;
	v4 =	vld [tilespmem:s28+$0x150]  }
0x1f7: {  	[tilespmem:s28+$0xF0] =	vst v0;
	v0 =	vmul.f32 $1.131370830e+01, v2;
	v2 =	vld [tilespmem:s28+$0x160]  }
0x1f8: {  	[tilespmem:s28+$0x100] =	vst v1;
	v1 =	vmul.f32 $1.131370830e+01, v3;
	v3 =	vld [tilespmem:s28+$0x170]  }
0x1f9: {  	[tilespmem:s28+$0x110] =	vst v0;
	v0 =	vmul.f32 $1.131370830e+01, v6;
	v6 =	vld [tilespmem:s28+$0x180]  }
0x1fa: {  	[tilespmem:s28+$0x120] =	vst v1;
	v1 =	vmul.f32 $1.131370830e+01, v5;
	v5 =	vld [tilespmem:s28+$0x190]  }
0x1fb: {  	s26 =	sadd.s32 $0x8, s26;
	[tilespmem:s28+$0x130] =	vst v0;
	v0 =	vmul.f32 $1.131370830e+01, v4;
	v4 =	vld [tilespmem:s28+$0x1A0]  }
0x1fc: {  	p1 =	slt.u32 s26, $0xC0;
	[tilespmem:s28+$0x140] =	vst v1;
	v1 =	vmul.f32 $1.131370830e+01, v2;
	v7 =	vld [tilespmem:s28+$0x1B0]  }
.Ltmp2:
0x1fd: {  	[tilespmem:s28+$0x150] =	vst v0;
	v2 =	vmul.f32 $1.131370830e+01, v3;
	v0 =	vld [tilespmem:s28+$0x1C0];
	(pc) =	sbr.rel @p1 .LBB2_7-.Ltmp2, $4  }
0x1fe: {  	[tilespmem:s28+$0x160] =	vst v1;
	v3 =	vmul.f32 $1.131370830e+01, v6;
	v1 =	vld [tilespmem:s28+$0x1D0]  }
0x1ff: {  	[tilespmem:s28+$0x170] =	vst v2;
	v6 =	vmul.f32 $1.131370830e+01, v5;
	v2 =	vld [tilespmem:s28+$0x1E0]  }
0x200: {  	[tilespmem:s28+$0x180] =	vst v3;
	v5 =	vmul.f32 $1.131370830e+01, v4;
	v3 =	vld [tilespmem:s28+$0x1F0]  }
0x201: {  	s28 =	sadd.s32 $0x400, s28;
	v4 =	vld [tilespmem:s25+$0xFFFFFFF0];
	[tilespmem:s25+$0x190] =	vst v6;
	v6 =	vmul.f32 $1.131370830e+01, v7  }
0x202: {  	[tilespmem:s25+$0x1A0] =	vst v5;
	v0 =	vmul.f32 $1.131370830e+01, v0  }
0x203: {  	[tilespmem:s25+$0x1B0] =	vst v6;
	v1 =	vmul.f32 $1.131370830e+01, v1  }
0x204: {  	s22 =	sor.u32 $0x8, s22;
	[tilespmem:s25+$0x1C0] =	vst v0;
	v0 =	vmul.f32 $1.131370830e+01, v2  }
0x205: {  	s26 =	smul.u32 $0x380, s22;
	[tilespmem:s25+$0x1D0] =	vst v1;
	v1 =	vmul.f32 $1.131370830e+01, v3  }
0x206: {  	s22 =	smul.u32 $0x1C00, s22;
	v2 =	vmul.f32 $1.131370830e+01, v4;
	[tilespmem:s25+$0x1E0] =	vst v0  }
0x207: {  	[tilespmem:s25+$0x1F0] =	vst v1  }
0x208: {  	s28 =	sadd.s32 s4, s26;
	s22 =	sshrl.u32 s22, $0x3;
	[tilespmem:s25+$0xFFFFFFF0] =	vst v2  }
0x209: {  	[hbm4b:s28+s3] =	stream.linear.scatter [tilespmem:s20], [sflag:$0x2], $0x1900, $0x38;
	[tilespmem:$0x1A900] =	vst v63  }
0x20a: {  	s26 =	sadd.s32 s26, s7;
	s22 =	sadd.s32 s4, s22  }
0x20b: {  	[hbm4b:s26+s3] =	stream.linear.scatter [tilespmem:s14], [sflag:$0x2], $0x1900, $0x38;
	[tilespmem:$0x1A900] =	vst v63  }
0x20c: {  	s28 =	sadd.s32 $0x700, s22  }
0x20d: {  	[hbm4b:s28+s3] =	stream.linear.scatter [tilespmem:s15], [sflag:$0x2], $0x1900, $0x38;
	[tilespmem:$0x1A900] =	vst v63  }
0x20e: {  	s22 =	sadd.s32 $0xA80, s22  }
0x20f: {  	[hbm4b:s22+s3] =	stream.linear.scatter [tilespmem:s17], [sflag:$0x2], $0x1900, $0x38;
	[tilespmem:$0x1A900] =	vst v63  }
0x210: {  	_ =	swait.ge [sflag:s23], $0x3400  }
0x211: {  	[sflag:s23] =	ssyncset.done $0x0  }
0x212: {  	[sflag:s23] =	ssyncadd.s32 $0xFFFFCC00  }
0x213: {  	_ =	swait.ge [sflag:s23], $0x3000  }
0x214: {  	[sflag:s23] =	ssyncset.done $0x0  }
0x215: {  	[sflag:s23] =	ssyncadd.s32 $0xFFFFD000  }
0x216: {  	_ =	swait.ge [sflag:s30], $0x1900  }
0x217: {  	[sflag:s30] =	ssyncset.done $0x0  }
0x218: {  	[sflag:s30] =	ssyncadd.s32 $0xFFFFE700  }
0x219: {  	_ =	swait.ge [sflag:s30], $0x1900  }
0x21a: {  	[sflag:s30] =	ssyncset.done $0x0  }
0x21b: {  	[sflag:s30] =	ssyncadd.s32 $0xFFFFE700  }
0x21c: {  	_ =	swait.ge [sflag:s30], $0x1900  }
0x21d: {  	[sflag:s30] =	ssyncset.done $0x0  }
0x21e: {  	[sflag:s30] =	ssyncadd.s32 $0xFFFFE700  }
0x21f: {  	_ =	swait.ge [sflag:s30], $0x1900  }
0x220: {  	s25 =	simm.s32 @!p0 $0x68;
	[sflag:s30] =	ssyncset.done $0x0  }
0x221: {  	s26 =	simm.s32 @!p0 $0xE100;
	s22 =	sadd.s32 @!p0 $0x4B0, s10;
	[sflag:s30] =	ssyncadd.s32 $0xFFFFE700  }
0x222: {  	[tilespmem:s26], [sflag:$0x1] =	stream.indirect.gather @!p0 [hbm4b:s2+s25], $0x80, s22, s25, $0xb8;
	[tilespmem:$0x1A900] =	vst v63  }
0x223: {  	s10 =	sadd.s32 @!p0 $0x518, s10;
	s22 =	simm.s32 @!p0 $0x60;
	s25 =	simm.s32 @!p0 $0x11500  }
0x224: {  	[tilespmem:s25], [sflag:$0x1] =	stream.indirect.gather @!p0 [hbm4b:s2+s22], $0x80, s10, s22, $0xb8;
	[tilespmem:$0x1A900] =	vst v63  }
0x225: {  	s10 =	simm.s32 $0x14700  }
0x226: {  	v0 =	vld [tilespmem:s10+$0xFFFFFE00]  }
0x227: {  	v1 =	vld [tilespmem:s10+$0xFFFFFE10]  }
0x228: {  	v2 =	vld [tilespmem:s10+$0xFFFFFE20]  }
0x229: {  	v3 =	vld [tilespmem:s10+$0xFFFFFE30]  }
0x22a: {  	v4 =	vld [tilespmem:s10+$0xFFFFFE40]  }
0x22b: {  	v5 =	vld [tilespmem:s10+$0xFFFFFE50];
	v0 =	vmul.f32 $1.131370830e+01, v0  }
0x22c: {  	v6 =	vld [tilespmem:s10+$0xFFFFFE60];
	v1 =	vmul.f32 $1.131370830e+01, v1  }
0x22d: {  	[tilespmem:s10+$0xFFFFFE00] =	vst v0;
	v0 =	vmul.f32 $1.131370830e+01, v2;
	v2 =	vld [tilespmem:s10+$0xFFFFFE70]  }
0x22e: {  	[tilespmem:s10+$0xFFFFFE10] =	vst v1;
	v1 =	vmul.f32 $1.131370830e+01, v3;
	v3 =	vld [tilespmem:s10+$0xFFFFFE80]  }
0x22f: {  	[tilespmem:s10+$0xFFFFFE20] =	vst v0;
	v0 =	vmul.f32 $1.131370830e+01, v4;
	v4 =	vld [tilespmem:s10+$0xFFFFFE90]  }
0x230: {  	[tilespmem:s10+$0xFFFFFE30] =	vst v1;
	v1 =	vmul.f32 $1.131370830e+01, v5;
	v5 =	vld [tilespmem:s10+$0xFFFFFEA0]  }
0x231: {  	[tilespmem:s10+$0xFFFFFE40] =	vst v0;
	v0 =	vmul.f32 $1.131370830e+01, v6;
	v6 =	vld [tilespmem:s10+$0xFFFFFEB0]  }
0x232: {  	[tilespmem:s10+$0xFFFFFE50] =	vst v1;
	v1 =	vmul.f32 $1.131370830e+01, v2;
	v2 =	vld [tilespmem:s10+$0xFFFFFEC0]  }
0x233: {  	[tilespmem:s10+$0xFFFFFE60] =	vst v0;
	v0 =	vmul.f32 $1.131370830e+01, v3;
	v3 =	vld [tilespmem:s10+$0xFFFFFED0]  }
0x234: {  	[tilespmem:s10+$0xFFFFFE70] =	vst v1;
	v1 =	vmul.f32 $1.131370830e+01, v4;
	v4 =	vld [tilespmem:s10+$0xFFFFFEE0]  }
0x235: {  	[tilespmem:s10+$0xFFFFFE80] =	vst v0;
	v0 =	vmul.f32 $1.131370830e+01, v5;
	v5 =	vld [tilespmem:s10+$0xFFFFFEF0]  }
0x236: {  	[tilespmem:s10+$0xFFFFFE90] =	vst v1;
	v1 =	vmul.f32 $1.131370830e+01, v6;
	v6 =	vld [tilespmem:s10+$0xFFFFFF00]  }
0x237: {  	[tilespmem:s10+$0xFFFFFEA0] =	vst v0;
	v0 =	vmul.f32 $1.131370830e+01, v2;
	v2 =	vld [tilespmem:s10+$0xFFFFFF10]  }
0x238: {  	[tilespmem:s10+$0xFFFFFEB0] =	vst v1;
	v1 =	vmul.f32 $1.131370830e+01, v3;
	v3 =	vld [tilespmem:s10+$0xFFFFFF20]  }
0x239: {  	[tilespmem:s10+$0xFFFFFEC0] =	vst v0;
	v0 =	vmul.f32 $1.131370830e+01, v4;
	v4 =	vld [tilespmem:s10+$0xFFFFFF30]  }
0x23a: {  	[tilespmem:s10+$0xFFFFFED0] =	vst v1;
	v1 =	vmul.f32 $1.131370830e+01, v5;
	v5 =	vld [tilespmem:s10+$0xFFFFFF40]  }
0x23b: {  	[tilespmem:s10+$0xFFFFFEE0] =	vst v0;
	v0 =	vmul.f32 $1.131370830e+01, v6;
	v6 =	vld [tilespmem:s10+$0xFFFFFF50]  }
0x23c: {  	[tilespmem:s10+$0xFFFFFEF0] =	vst v1;
	v1 =	vmul.f32 $1.131370830e+01, v2;
	v2 =	vld [tilespmem:s10+$0xFFFFFF60]  }
0x23d: {  	[tilespmem:s10+$0xFFFFFF00] =	vst v0;
	v0 =	vmul.f32 $1.131370830e+01, v3;
	v3 =	vld [tilespmem:s10+$0xFFFFFF70]  }
0x23e: {  	[tilespmem:s10+$0xFFFFFF10] =	vst v1;
	v1 =	vmul.f32 $1.131370830e+01, v4;
	v4 =	vld [tilespmem:s10+$0xFFFFFF80]  }
0x23f: {  	[tilespmem:s10+$0xFFFFFF20] =	vst v0;
	v0 =	vmul.f32 $1.131370830e+01, v5;
	v5 =	vld [tilespmem:s10+$0xFFFFFF90]  }
0x240: {  	[tilespmem:s10+$0xFFFFFF30] =	vst v1;
	v1 =	vmul.f32 $1.131370830e+01, v6;
	v6 =	vld [tilespmem:s10+$0xFFFFFFA0]  }
0x241: {  	[tilespmem:s10+$0xFFFFFF40] =	vst v0;
	v0 =	vmul.f32 $1.131370830e+01, v2;
	v2 =	vld [tilespmem:s10+$0xFFFFFFB0]  }
0x242: {  	[tilespmem:s10+$0xFFFFFF50] =	vst v1;
	v1 =	vmul.f32 $1.131370830e+01, v3;
	v3 =	vld [tilespmem:s10+$0xFFFFFFC0]  }
0x243: {  	[tilespmem:s10+$0xFFFFFF60] =	vst v0;
	v0 =	vmul.f32 $1.131370830e+01, v4;
	v4 =	vld [tilespmem:s10+$0xFFFFFFD0]  }
0x244: {  	[tilespmem:s10+$0xFFFFFF70] =	vst v1;
	v1 =	vmul.f32 $1.131370830e+01, v5;
	v5 =	vld [tilespmem:s10+$0xFFFFFFE0]  }
0x245: {  	[tilespmem:s10+$0xFFFFFF80] =	vst v0;
	v0 =	vmul.f32 $1.131370830e+01, v6;
	v6 =	vld [tilespmem:s10+$0x0]  }
0x246: {  	[tilespmem:s10+$0xFFFFFF90] =	vst v1;
	v1 =	vmul.f32 $1.131370830e+01, v2;
	v2 =	vld [tilespmem:s10+$0x10]  }
0x247: {  	[tilespmem:s10+$0xFFFFFFA0] =	vst v0;
	v0 =	vmul.f32 $1.131370830e+01, v3;
	v3 =	vld [tilespmem:s10+$0x20]  }
0x248: {  	[tilespmem:s10+$0xFFFFFFB0] =	vst v1;
	v1 =	vmul.f32 $1.131370830e+01, v4;
	v4 =	vld [tilespmem:s10+$0x30]  }
0x249: {  	[tilespmem:s10+$0xFFFFFFC0] =	vst v0;
	v0 =	vmul.f32 $1.131370830e+01, v5;
	v5 =	vld [tilespmem:s10+$0x40]  }
0x24a: {  	[tilespmem:s10+$0xFFFFFFD0] =	vst v1;
	v1 =	vmul.f32 $1.131370830e+01, v6;
	v6 =	vld [tilespmem:s10+$0x50]  }
0x24b: {  	[tilespmem:s10+$0xFFFFFFE0] =	vst v0;
	v0 =	vmul.f32 $1.131370830e+01, v2;
	v2 =	vld [tilespmem:s10+$0x60]  }
0x24c: {  	[tilespmem:s10+$0x0] =	vst v1;
	v1 =	vmul.f32 $1.131370830e+01, v3;
	v3 =	vld [tilespmem:s10+$0x70]  }
0x24d: {  	[tilespmem:s10+$0x10] =	vst v0;
	v0 =	vmul.f32 $1.131370830e+01, v4;
	v4 =	vld [tilespmem:s10+$0x80]  }
0x24e: {  	[tilespmem:s10+$0x20] =	vst v1;
	v1 =	vmul.f32 $1.131370830e+01, v5;
	v5 =	vld [tilespmem:s10+$0x90]  }
0x24f: {  	[tilespmem:s10+$0x30] =	vst v0;
	v0 =	vmul.f32 $1.131370830e+01, v6;
	v6 =	vld [tilespmem:s10+$0xA0]  }
0x250: {  	[tilespmem:s10+$0x40] =	vst v1;
	v1 =	vmul.f32 $1.131370830e+01, v2;
	v2 =	vld [tilespmem:s10+$0xB0]  }
0x251: {  	[tilespmem:s10+$0x50] =	vst v0;
	v0 =	vmul.f32 $1.131370830e+01, v3;
	v3 =	vld [tilespmem:s10+$0xC0]  }
0x252: {  	[tilespmem:s10+$0x60] =	vst v1;
	v1 =	vmul.f32 $1.131370830e+01, v4;
	v4 =	vld [tilespmem:s10+$0xD0]  }
0x253: {  	[tilespmem:s10+$0x70] =	vst v0;
	v0 =	vmul.f32 $1.131370830e+01, v5;
	v5 =	vld [tilespmem:s10+$0xE0]  }
0x254: {  	[tilespmem:s10+$0x80] =	vst v1;
	v1 =	vmul.f32 $1.131370830e+01, v6;
	v6 =	vld [tilespmem:s10+$0xF0]  }
0x255: {  	[tilespmem:s10+$0x90] =	vst v0;
	v0 =	vmul.f32 $1.131370830e+01, v2;
	v2 =	vld [tilespmem:s10+$0x100]  }
0x256: {  	[tilespmem:s10+$0xA0] =	vst v1;
	v1 =	vmul.f32 $1.131370830e+01, v3;
	v3 =	vld [tilespmem:s10+$0x110]  }
0x257: {  	[tilespmem:s10+$0xB0] =	vst v0;
	v0 =	vmul.f32 $1.131370830e+01, v4;
	v4 =	vld [tilespmem:s10+$0x120]  }
0x258: {  	[tilespmem:s10+$0xC0] =	vst v1;
	v1 =	vmul.f32 $1.131370830e+01, v5;
	v5 =	vld [tilespmem:s10+$0x130]  }
0x259: {  	[tilespmem:s10+$0xD0] =	vst v0;
	v0 =	vmul.f32 $1.131370830e+01, v6;
	v6 =	vld [tilespmem:s10+$0x140]  }
0x25a: {  	[tilespmem:s10+$0xE0] =	vst v1;
	v1 =	vmul.f32 $1.131370830e+01, v2;
	v2 =	vld [tilespmem:s10+$0x150]  }
0x25b: {  	[tilespmem:s10+$0xF0] =	vst v0;
	v0 =	vmul.f32 $1.131370830e+01, v3;
	v3 =	vld [tilespmem:s10+$0x160]  }
0x25c: {  	[tilespmem:s10+$0x100] =	vst v1;
	v1 =	vmul.f32 $1.131370830e+01, v4;
	v4 =	vld [tilespmem:s10+$0x170]  }
0x25d: {  	[tilespmem:s10+$0x110] =	vst v0;
	v0 =	vmul.f32 $1.131370830e+01, v5;
	v5 =	vld [tilespmem:s10+$0x180]  }
0x25e: {  	[tilespmem:s10+$0x120] =	vst v1;
	v1 =	vmul.f32 $1.131370830e+01, v6;
	v6 =	vld [tilespmem:s10+$0x190]  }
0x25f: {  	v7 =	vld [tilespmem:s10+$0x1A0];
	[tilespmem:s10+$0x130] =	vst v0;
	v0 =	vmul.f32 $1.131370830e+01, v2  }
0x260: {  	v8 =	vld [tilespmem:s10+$0x1B0];
	[tilespmem:s10+$0x140] =	vst v1;
	v1 =	vmul.f32 $1.131370830e+01, v3  }
0x261: {  	[tilespmem:s10+$0x150] =	vst v0;
	v2 =	vmul.f32 $1.131370830e+01, v4;
	v0 =	vld [tilespmem:s10+$0x1C0]  }
0x262: {  	[tilespmem:s10+$0x160] =	vst v1;
	v4 =	vmul.f32 $1.131370830e+01, v5;
	v1 =	vld [tilespmem:s10+$0x1D0]  }
0x263: {  	v3 =	vld [tilespmem:s10+$0x1E0];
	[tilespmem:s10+$0x170] =	vst v2;
	v6 =	vmul.f32 $1.131370830e+01, v6  }
0x264: {  	v5 =	vmul.f32 $1.131370830e+01, v7;
	v2 =	vld [tilespmem:s10+$0x1F0];
	[tilespmem:s10+$0x180] =	vst v4  }
0x265: {  	s22 =	simm.s32 $0x0;
	s25 =	simm.s32 $0x14B00;
	v4 =	vld [tilespmem:s10+$0xFFFFFFF0];
	[tilespmem:s10+$0x190] =	vst v6;
	v6 =	vmul.f32 $1.131370830e+01, v8  }
.LBB2_9:
0x266: {  	v7 =	vld [tilespmem:s25+$0xFFFFFE00];
	[tilespmem:s10+$0x1A0] =	vst v5;
	v0 =	vmul.f32 $1.131370830e+01, v0  }
0x267: {  	v5 =	vld [tilespmem:s25+$0xFFFFFE10];
	[tilespmem:s10+$0x1B0] =	vst v6;
	v1 =	vmul.f32 $1.131370830e+01, v1  }
0x268: {  	v6 =	vld [tilespmem:s25+$0xFFFFFE20];
	[tilespmem:s10+$0x1C0] =	vst v0;
	v0 =	vmul.f32 $1.131370830e+01, v3  }
0x269: {  	v3 =	vld [tilespmem:s25+$0xFFFFFE30];
	[tilespmem:s10+$0x1D0] =	vst v1;
	v1 =	vmul.f32 $1.131370830e+01, v2  }
0x26a: {  	v2 =	vld [tilespmem:s25+$0xFFFFFE40];
	v4 =	vmul.f32 $1.131370830e+01, v4;
	[tilespmem:s10+$0x1E0] =	vst v0  }
0x26b: {  	v0 =	vmul.f32 $1.131370830e+01, v7;
	v7 =	vld [tilespmem:s25+$0xFFFFFE50];
	[tilespmem:s10+$0x1F0] =	vst v1  }
0x26c: {  	v1 =	vmul.f32 $1.131370830e+01, v5;
	v5 =	vld [tilespmem:s25+$0xFFFFFE60];
	[tilespmem:s10+$0xFFFFFFF0] =	vst v4;
	s10 =	smov.u32 s25  }
0x26d: {  	[tilespmem:s25+$0xFFFFFE00] =	vst v0;
	v0 =	vmul.f32 $1.131370830e+01, v6;
	v4 =	vld [tilespmem:s25+$0xFFFFFE70]  }
0x26e: {  	[tilespmem:s25+$0xFFFFFE10] =	vst v1;
	v1 =	vmul.f32 $1.131370830e+01, v3;
	v3 =	vld [tilespmem:s25+$0xFFFFFE80]  }
0x26f: {  	[tilespmem:s25+$0xFFFFFE20] =	vst v0;
	v0 =	vmul.f32 $1.131370830e+01, v2;
	v2 =	vld [tilespmem:s25+$0xFFFFFE90]  }
0x270: {  	[tilespmem:s25+$0xFFFFFE30] =	vst v1;
	v1 =	vmul.f32 $1.131370830e+01, v7;
	v6 =	vld [tilespmem:s25+$0xFFFFFEA0]  }
0x271: {  	[tilespmem:s25+$0xFFFFFE40] =	vst v0;
	v0 =	vmul.f32 $1.131370830e+01, v5;
	v5 =	vld [tilespmem:s25+$0xFFFFFEB0]  }
0x272: {  	[tilespmem:s25+$0xFFFFFE50] =	vst v1;
	v1 =	vmul.f32 $1.131370830e+01, v4;
	v4 =	vld [tilespmem:s25+$0xFFFFFEC0]  }
0x273: {  	[tilespmem:s25+$0xFFFFFE60] =	vst v0;
	v0 =	vmul.f32 $1.131370830e+01, v3;
	v3 =	vld [tilespmem:s25+$0xFFFFFED0]  }
0x274: {  	[tilespmem:s25+$0xFFFFFE70] =	vst v1;
	v1 =	vmul.f32 $1.131370830e+01, v2;
	v2 =	vld [tilespmem:s25+$0xFFFFFEE0]  }
0x275: {  	[tilespmem:s25+$0xFFFFFE80] =	vst v0;
	v0 =	vmul.f32 $1.131370830e+01, v6;
	v6 =	vld [tilespmem:s25+$0xFFFFFEF0]  }
0x276: {  	[tilespmem:s25+$0xFFFFFE90] =	vst v1;
	v1 =	vmul.f32 $1.131370830e+01, v5;
	v5 =	vld [tilespmem:s25+$0xFFFFFF00]  }
0x277: {  	[tilespmem:s25+$0xFFFFFEA0] =	vst v0;
	v0 =	vmul.f32 $1.131370830e+01, v4;
	v4 =	vld [tilespmem:s25+$0xFFFFFF10]  }
0x278: {  	[tilespmem:s25+$0xFFFFFEB0] =	vst v1;
	v1 =	vmul.f32 $1.131370830e+01, v3;
	v3 =	vld [tilespmem:s25+$0xFFFFFF20]  }
0x279: {  	[tilespmem:s25+$0xFFFFFEC0] =	vst v0;
	v0 =	vmul.f32 $1.131370830e+01, v2;
	v2 =	vld [tilespmem:s25+$0xFFFFFF30]  }
0x27a: {  	[tilespmem:s25+$0xFFFFFED0] =	vst v1;
	v1 =	vmul.f32 $1.131370830e+01, v6;
	v6 =	vld [tilespmem:s25+$0xFFFFFF40]  }
0x27b: {  	[tilespmem:s25+$0xFFFFFEE0] =	vst v0;
	v0 =	vmul.f32 $1.131370830e+01, v5;
	v5 =	vld [tilespmem:s25+$0xFFFFFF50]  }
0x27c: {  	[tilespmem:s25+$0xFFFFFEF0] =	vst v1;
	v1 =	vmul.f32 $1.131370830e+01, v4;
	v4 =	vld [tilespmem:s25+$0xFFFFFF60]  }
0x27d: {  	[tilespmem:s25+$0xFFFFFF00] =	vst v0;
	v0 =	vmul.f32 $1.131370830e+01, v3;
	v3 =	vld [tilespmem:s25+$0xFFFFFF70]  }
0x27e: {  	[tilespmem:s25+$0xFFFFFF10] =	vst v1;
	v1 =	vmul.f32 $1.131370830e+01, v2;
	v2 =	vld [tilespmem:s25+$0xFFFFFF80]  }
0x27f: {  	[tilespmem:s25+$0xFFFFFF20] =	vst v0;
	v0 =	vmul.f32 $1.131370830e+01, v6;
	v6 =	vld [tilespmem:s25+$0xFFFFFF90]  }
0x280: {  	[tilespmem:s25+$0xFFFFFF30] =	vst v1;
	v1 =	vmul.f32 $1.131370830e+01, v5;
	v5 =	vld [tilespmem:s25+$0xFFFFFFA0]  }
0x281: {  	[tilespmem:s25+$0xFFFFFF40] =	vst v0;
	v0 =	vmul.f32 $1.131370830e+01, v4;
	v4 =	vld [tilespmem:s25+$0xFFFFFFB0]  }
0x282: {  	[tilespmem:s25+$0xFFFFFF50] =	vst v1;
	v1 =	vmul.f32 $1.131370830e+01, v3;
	v3 =	vld [tilespmem:s25+$0xFFFFFFC0]  }
0x283: {  	[tilespmem:s25+$0xFFFFFF60] =	vst v0;
	v0 =	vmul.f32 $1.131370830e+01, v2;
	v2 =	vld [tilespmem:s25+$0xFFFFFFD0]  }
0x284: {  	[tilespmem:s25+$0xFFFFFF70] =	vst v1;
	v1 =	vmul.f32 $1.131370830e+01, v6;
	v6 =	vld [tilespmem:s25+$0xFFFFFFE0]  }
0x285: {  	[tilespmem:s25+$0xFFFFFF80] =	vst v0;
	v0 =	vmul.f32 $1.131370830e+01, v5;
	v5 =	vld [tilespmem:s25+$0x0]  }
0x286: {  	[tilespmem:s25+$0xFFFFFF90] =	vst v1;
	v1 =	vmul.f32 $1.131370830e+01, v4;
	v4 =	vld [tilespmem:s25+$0x10]  }
0x287: {  	[tilespmem:s25+$0xFFFFFFA0] =	vst v0;
	v0 =	vmul.f32 $1.131370830e+01, v3;
	v3 =	vld [tilespmem:s25+$0x20]  }
0x288: {  	[tilespmem:s25+$0xFFFFFFB0] =	vst v1;
	v1 =	vmul.f32 $1.131370830e+01, v2;
	v2 =	vld [tilespmem:s25+$0x30]  }
0x289: {  	[tilespmem:s25+$0xFFFFFFC0] =	vst v0;
	v0 =	vmul.f32 $1.131370830e+01, v6;
	v6 =	vld [tilespmem:s25+$0x40]  }
0x28a: {  	[tilespmem:s25+$0xFFFFFFD0] =	vst v1;
	v1 =	vmul.f32 $1.131370830e+01, v5;
	v5 =	vld [tilespmem:s25+$0x50]  }
0x28b: {  	[tilespmem:s25+$0xFFFFFFE0] =	vst v0;
	v0 =	vmul.f32 $1.131370830e+01, v4;
	v4 =	vld [tilespmem:s25+$0x60]  }
0x28c: {  	[tilespmem:s25+$0x0] =	vst v1;
	v1 =	vmul.f32 $1.131370830e+01, v3;
	v3 =	vld [tilespmem:s25+$0x70]  }
0x28d: {  	[tilespmem:s25+$0x10] =	vst v0;
	v0 =	vmul.f32 $1.131370830e+01, v2;
	v2 =	vld [tilespmem:s25+$0x80]  }
0x28e: {  	[tilespmem:s25+$0x20] =	vst v1;
	v1 =	vmul.f32 $1.131370830e+01, v6;
	v6 =	vld [tilespmem:s25+$0x90]  }
0x28f: {  	[tilespmem:s25+$0x30] =	vst v0;
	v0 =	vmul.f32 $1.131370830e+01, v5;
	v5 =	vld [tilespmem:s25+$0xA0]  }
0x290: {  	[tilespmem:s25+$0x40] =	vst v1;
	v1 =	vmul.f32 $1.131370830e+01, v4;
	v4 =	vld [tilespmem:s25+$0xB0]  }
0x291: {  	[tilespmem:s25+$0x50] =	vst v0;
	v0 =	vmul.f32 $1.131370830e+01, v3;
	v3 =	vld [tilespmem:s25+$0xC0]  }
0x292: {  	[tilespmem:s25+$0x60] =	vst v1;
	v1 =	vmul.f32 $1.131370830e+01, v2;
	v2 =	vld [tilespmem:s25+$0xD0]  }
0x293: {  	[tilespmem:s25+$0x70] =	vst v0;
	v0 =	vmul.f32 $1.131370830e+01, v6;
	v6 =	vld [tilespmem:s25+$0xE0]  }
0x294: {  	[tilespmem:s25+$0x80] =	vst v1;
	v1 =	vmul.f32 $1.131370830e+01, v5;
	v5 =	vld [tilespmem:s25+$0xF0]  }
0x295: {  	[tilespmem:s25+$0x90] =	vst v0;
	v0 =	vmul.f32 $1.131370830e+01, v4;
	v4 =	vld [tilespmem:s25+$0x100]  }
0x296: {  	[tilespmem:s25+$0xA0] =	vst v1;
	v1 =	vmul.f32 $1.131370830e+01, v3;
	v3 =	vld [tilespmem:s25+$0x110]  }
0x297: {  	[tilespmem:s25+$0xB0] =	vst v0;
	v0 =	vmul.f32 $1.131370830e+01, v2;
	v2 =	vld [tilespmem:s25+$0x120]  }
0x298: {  	[tilespmem:s25+$0xC0] =	vst v1;
	v1 =	vmul.f32 $1.131370830e+01, v6;
	v6 =	vld [tilespmem:s25+$0x130]  }
0x299: {  	[tilespmem:s25+$0xD0] =	vst v0;
	v0 =	vmul.f32 $1.131370830e+01, v5;
	v5 =	vld [tilespmem:s25+$0x140]  }
0x29a: {  	[tilespmem:s25+$0xE0] =	vst v1;
	v1 =	vmul.f32 $1.131370830e+01, v4;
	v4 =	vld [tilespmem:s25+$0x150]  }
0x29b: {  	[tilespmem:s25+$0xF0] =	vst v0;
	v0 =	vmul.f32 $1.131370830e+01, v3;
	v3 =	vld [tilespmem:s25+$0x160]  }
0x29c: {  	[tilespmem:s25+$0x100] =	vst v1;
	v1 =	vmul.f32 $1.131370830e+01, v2;
	v2 =	vld [tilespmem:s25+$0x170]  }
0x29d: {  	[tilespmem:s25+$0x110] =	vst v0;
	v0 =	vmul.f32 $1.131370830e+01, v6;
	v6 =	vld [tilespmem:s25+$0x180]  }
0x29e: {  	[tilespmem:s25+$0x120] =	vst v1;
	v1 =	vmul.f32 $1.131370830e+01, v5;
	v5 =	vld [tilespmem:s25+$0x190]  }
0x29f: {  	s22 =	sadd.s32 $0x8, s22;
	[tilespmem:s25+$0x130] =	vst v0;
	v0 =	vmul.f32 $1.131370830e+01, v4;
	v4 =	vld [tilespmem:s25+$0x1A0]  }
0x2a0: {  	p0 =	slt.u32 s22, $0xC0;
	[tilespmem:s25+$0x140] =	vst v1;
	v1 =	vmul.f32 $1.131370830e+01, v3;
	v7 =	vld [tilespmem:s25+$0x1B0]  }
.Ltmp3:
0x2a1: {  	[tilespmem:s25+$0x150] =	vst v0;
	v2 =	vmul.f32 $1.131370830e+01, v2;
	v0 =	vld [tilespmem:s25+$0x1C0];
	(pc) =	sbr.rel @p0 .LBB2_9-.Ltmp3, $4  }
0x2a2: {  	[tilespmem:s25+$0x160] =	vst v1;
	v6 =	vmul.f32 $1.131370830e+01, v6;
	v1 =	vld [tilespmem:s25+$0x1D0]  }
0x2a3: {  	[tilespmem:s25+$0x170] =	vst v2;
	v8 =	vmul.f32 $1.131370830e+01, v5;
	v3 =	vld [tilespmem:s25+$0x1E0]  }
0x2a4: {  	[tilespmem:s25+$0x180] =	vst v6;
	v5 =	vmul.f32 $1.131370830e+01, v4;
	v2 =	vld [tilespmem:s25+$0x1F0]  }
0x2a5: {  	s25 =	sadd.s32 $0x400, s25;
	v4 =	vld [tilespmem:s10+$0xFFFFFFF0];
	[tilespmem:s10+$0x190] =	vst v8;
	v6 =	vmul.f32 $1.131370830e+01, v7  }
0x2a6: {  	[tilespmem:s10+$0x1A0] =	vst v5;
	v0 =	vmul.f32 $1.131370830e+01, v0;
	s9 =	sshll.u32 s9, $0x2  }
0x2a7: {  	[tilespmem:s10+$0x1B0] =	vst v6;
	v1 =	vmul.f32 $1.131370830e+01, v1;
	s9 =	sadd.s32 s5, s9  }
0x2a8: {  	[tilespmem:s10+$0x1C0] =	vst v0;
	v61 =	vmul.f32 $1.131370830e+01, v3;
	s22 =	smul.u32 $0x380, s9  }
0x2a9: {  	s9 =	smul.u32 $0x1C00, s9;
	[tilespmem:s10+$0x1D0] =	vst v1;
	v62 =	vmul.f32 $1.131370830e+01, v2  }
0x2aa: {  	v63 =	vmul.f32 $1.131370830e+01, v4;
	[tilespmem:s10+$0x1E0] =	vst v61  }
0x2ab: {  	s9 =	sshrl.u32 s9, $0x3;
	[tilespmem:s10+$0x1F0] =	vst v62  }
0x2ac: {  	s6 =	sadd.s32 $0x1, s6;
	s25 =	sadd.s32 s4, s22;
	s9 =	sadd.s32 s4, s9;
	[tilespmem:s10+$0xFFFFFFF0] =	vst v63  }
0x2ad: {  	[hbm4b:s25+s3] =	stream.linear.scatter [tilespmem:s24], [sflag:$0x2], $0x1900, $0x38;
	[tilespmem:$0x1A900] =	vst v63  }
0x2ae: {  	p0 =	sne.s32 s6, $0x8;
	s26 =	sadd.s32 $0x380, s9  }
0x2af: {  	[hbm4b:s26+s3] =	stream.linear.scatter [tilespmem:s18], [sflag:$0x2], $0x1900, $0x38;
	[tilespmem:$0x1A900] =	vst v63  }
.Ltmp4:
0x2b0: {  	_ = 	snop;
	(pc) =	sbr.rel @p0 .LBB2_2-.Ltmp4, $4  }
0x2b1: {  	s28 =	sadd.s32 $0x700, s9  }
0x2b2: {  	[hbm4b:s28+s3] =	stream.linear.scatter [tilespmem:s19], [sflag:$0x2], $0x1900, $0x38;
	[tilespmem:$0x1A900] =	vst v63  }
0x2b3: {  	s9 =	sadd.s32 $0xA80, s9  }
0x2b4: {  	[hbm4b:s9+s3] =	stream.linear.scatter [tilespmem:s21], [sflag:$0x2], $0x1900, $0x38;
	[tilespmem:$0x1A900] =	vst v63  }
0x2b5: {  	_ =	swait.ge [sflag:s30], $0x1900  }
0x2b6: {  	[sflag:s30] =	ssyncset.done $0x0  }
0x2b7: {  	[sflag:s30] =	ssyncadd.s32 $0xFFFFE700  }
0x2b8: {  	_ =	swait.ge [sflag:s30], $0x1900  }
0x2b9: {  	[sflag:s30] =	ssyncset.done $0x0  }
0x2ba: {  	[sflag:s30] =	ssyncadd.s32 $0xFFFFE700  }
0x2bb: {  	_ =	swait.ge [sflag:s30], $0x1900  }
0x2bc: {  	[sflag:s30] =	ssyncset.done $0x0  }
0x2bd: {  	[sflag:s30] =	ssyncadd.s32 $0xFFFFE700  }
0x2be: {  	_ =	swait.ge [sflag:s30], $0x1900  }
0x2bf: {  	s9 =	rddreg [dreg:$0x6]  }
0x2c0: {  	s6 =	rddreg [dreg:$0x5];
	s9 =	sadd.s32 $0x1, s9  }
0x2c1: {  	p0 =	sne.s32 s9, s6  }
.Ltmp5:
0x2c2: {  	_ = 	snop;
	(pc) =	sbr.rel @p0 .LBB2_1-.Ltmp5, $3  }
0x2c3: {  	_ =	sdelay $0x1  }
0x2c4: {  	[sflag:s30] =	ssyncset.done $0x0  }
0x2c5: {  	[sflag:s30] =	ssyncadd.s32 $0xFFFFE700  }
0x2c6: {  	_ =	sfence.sel $0x180000  }
0x2c7: {  	[bflag:$0x0] =	sbarrier.arrive $0xFFFF  }
0x2c8: {  	_ =	strace $0x90000047  }
0x2c9: {  	s0 =	stileid.u32;
	[bflag:$0x2] =	sbarrier.arrive $0xFFFF  }
0x2ca: {  	p0 =	sne.s32 s0, $0x0;
	s0 =	rddreg [dreg:$0x3]  }
0x2cb: {  	s0 =	sadd.s32 @!p0 $0x100000, s0  }
0x2cc: {  	[sflag:s0] =	ssyncadd.tile.s32 @!p0 $0x1;
	_ =	shalt  }
.Lfunc_end2:
_tile_overlayer_lowered:
.L_overlay_start_2:
0x2cd: {  	(tag) =	ssettag $0x2  }
0x2ce: {  	s0 =	rddreg [dreg:$0x0];
	s2 =	stileid.u32  }
0x2cf: {  	s1 =	rddreg [dreg:$0x1];
	p0 =	sne.s32 s2, $0x0  }
0x2d0: {  	s3 =	rddreg [dreg:$0x2];
	[bflag:$0x3] =	sbarrier.arrive $0xFFFF;
	s2 =	simm.s32 @!p0 $0x1C03  }
0x2d1: {  	[timem:s3], [sflag:s2] =	dma.local @!p0 [hbm:s0], s1  }
0x2d2: {  	s0 =	simm.s32 @!p0 $0x3  }
0x2d3: {  	_ =	swait.ge @!p0 [sflag:s0], s1  }
0x2d4: {  	s1 =	ssub.s32 @!p0 $0x0, s1;
	[sflag:s0] =	ssyncset.done @!p0 $0x0  }
0x2d5: {  	[sflag:s0] =	ssyncadd.s32 @!p0 s1  }
0x2d6: {  	[bflag:$0x3] =	sbarrier.arrive $0xFFFF  }
0x2d7: {  	_ =	shalt  }

</sc_bundles>
